<compile_context>
chip_gen: v7x
topology: tpu7x:2x2x1
jax: 0.10.2.dev20260603
libtpu: 0.0.44.dev20260713+nightly
codegen_flags: <defaults>
</compile_context>

<pallas_src>
import functools

import jax
import jax.numpy as jnp
from jax import lax
from jax.experimental import pallas as pl
from jax.experimental.pallas import tpu as pltpu
from jax.experimental.pallas import tpu_sc as plsc

NC = 2
NS = 16
NW = NC * NS
CH = 128


def _make_spmm(n, d, nch):
    rpt = -(-(n // NS) // 8) * 8
    rlast = n - (NS - 1) * rpt
    assert rlast > 0 and rlast % 8 == 0
    nreg = d // 16
    mesh = plsc.VectorSubcoreMesh(core_axis_name="c", subcore_axis_name="s",
                                  num_cores=NC)

    @functools.partial(
        pl.kernel,
        mesh=mesh,
        compiler_params=pltpu.CompilerParams(
            use_tc_tiling_on_sc=(d % 128 == 0)),
        out_type=jax.ShapeDtypeStruct((NC, n, d), jnp.float32),
        scratch_types=[
            pltpu.VMEM((nch, CH), jnp.int32),
            pltpu.VMEM((nch, CH), jnp.int32),
            pltpu.VMEM((nch * CH,), jnp.float32),
            pltpu.VMEM((CH, d), jnp.float32),
            pltpu.VMEM_SHARED((n, d), jnp.float32),
            pltpu.SemaphoreType.DMA,
        ],
    )
    def spmm(feat, srcw, dstw, ww, zeros, out, src_v, dst_v, w_v, rows_v,
             acc, sem):
        cid = lax.axis_index("c")
        sid = lax.axis_index("s")
        wid = cid * NS + sid
        base = pl.multiple_of(sid * rpt, 8)

        @pl.when(sid < NS - 1)
        def _():
            pltpu.sync_copy(zeros.at[pl.ds(base, rpt)],
                            acc.at[pl.ds(base, rpt)])

        @pl.when(sid == NS - 1)
        def _():
            pltpu.sync_copy(zeros.at[pl.ds((NS - 1) * rpt, rlast)],
                            acc.at[pl.ds((NS - 1) * rpt, rlast)])

        pltpu.sync_copy(srcw.at[wid], src_v)
        pltpu.sync_copy(dstw.at[wid], dst_v)
        pltpu.sync_copy(ww.at[wid], w_v)
        plsc.subcore_barrier()

        def chunk_body(j, carry):
            pltpu.async_copy(feat.at[src_v.at[j]], rows_v, sem).wait()

            def grp_body(eg, c2):
                wrow = w_v[pl.ds(pl.multiple_of(j * CH + eg * 16, 16), 16)]
                for el in range(16):
                    lane = jnp.full((16,), el, jnp.int32)
                    wv = wrow.at[lane].get(mode="promise_in_bounds")
                    e = eg * 16 + el
                    for k in range(nreg):
                        sl = pl.ds(k * 16, 16)
                        rows_v[e, sl] = rows_v[e, sl] * wv
                return c2

            lax.fori_loop(0, CH // 16, grp_body, 0)
            pltpu.sync_copy(rows_v, acc.at[dst_v.at[j]], add=True)
            return carry

        lax.fori_loop(0, nch, chunk_body, 0)
        plsc.subcore_barrier()

        @pl.when(sid < NS - 1)
        def _():
            pltpu.sync_copy(acc.at[pl.ds(base, rpt)],
                            out.at[cid, pl.ds(base, rpt)])

        @pl.when(sid == NS - 1)
        def _():
            pltpu.sync_copy(acc.at[pl.ds((NS - 1) * rpt, rlast)],
                            out.at[cid, pl.ds((NS - 1) * rpt, rlast)])

    return spmm


def _mm1_body(x_ref, w_ref, b_ref, o_ref):
    o_ref[...] = (jnp.dot(x_ref[...], w_ref[...],
                          preferred_element_type=jnp.float32) + b_ref[...])


def _mm2_body(p_ref, q_ref, w_ref, b_ref, o_ref):
    h = p_ref[...] + q_ref[0] + q_ref[1]
    h = jnp.maximum(h, 0.0)
    o_ref[...] = (jnp.dot(h, w_ref[...],
                          preferred_element_type=jnp.float32) + b_ref[...])


def _make_out_body(nclass):
    def body(g_ref, r_ref, o_ref):
        z = g_ref[...] + r_ref[0] + r_ref[1]
        col = lax.broadcasted_iota(jnp.int32, z.shape, 1)
        z = jnp.where(col < nclass, z, -1e30)
        m = jnp.max(z, axis=1, keepdims=True)
        s = jnp.sum(jnp.exp(z - m), axis=1, keepdims=True)
        o_ref[...] = (z - m - jnp.log(s))[:, :nclass]
    return body


def kernel(x, edge_index, edge_weight, W1, b1, W2, b2):
    n, f = x.shape
    e = edge_weight.shape[0]
    nhid = W1.shape[1]
    nclass = W2.shape[1]
    dpad = ((nclass + 15) // 16) * 16

    nch = -(-e // (NW * CH))
    ep = NW * nch * CH
    pad = ep - e

    src = jnp.concatenate([edge_index[0], jnp.zeros((pad,), jnp.int32)])
    dst = jnp.concatenate([edge_index[1], jnp.zeros((pad,), jnp.int32)])
    ew = jnp.concatenate([edge_weight, jnp.zeros((pad,), jnp.float32)])
    src = src.reshape(NW, nch, CH)
    dst = dst.reshape(NW, nch, CH)
    ew = ew.reshape(NW, nch * CH)
    zeros_h = jnp.zeros((n, nhid), jnp.float32)
    zeros_c = jnp.zeros((n, dpad), jnp.float32)

    W2p = jnp.pad(W2, ((0, 0), (0, dpad - nclass)))
    b1r = b1.reshape(1, nhid)
    b2r = jnp.pad(b2, (0, dpad - nclass)).reshape(1, dpad)

    rows = 1000
    grid = (n // rows,)

    p = pl.pallas_call(
        _mm1_body,
        grid=grid,
        in_specs=[
            pl.BlockSpec((rows, f), lambda i: (i, 0)),
            pl.BlockSpec((f, nhid), lambda i: (0, 0)),
            pl.BlockSpec((1, nhid), lambda i: (0, 0)),
        ],
        out_specs=pl.BlockSpec((rows, nhid), lambda i: (i, 0)),
        out_shape=jax.ShapeDtypeStruct((n, nhid), jnp.float32),
    )(x, W1, b1r)

    q = _make_spmm(n, nhid, nch)(p, src, dst, ew, zeros_h)

    g = pl.pallas_call(
        _mm2_body,
        grid=grid,
        in_specs=[
            pl.BlockSpec((rows, nhid), lambda i: (i, 0)),
            pl.BlockSpec((NC, rows, nhid), lambda i: (0, i, 0)),
            pl.BlockSpec((nhid, dpad), lambda i: (0, 0)),
            pl.BlockSpec((1, dpad), lambda i: (0, 0)),
        ],
        out_specs=pl.BlockSpec((rows, dpad), lambda i: (i, 0)),
        out_shape=jax.ShapeDtypeStruct((n, dpad), jnp.float32),
    )(p, q, W2p, b2r)

    r = _make_spmm(n, dpad, nch)(g, src, dst, ew, zeros_c)

    out = pl.pallas_call(
        _make_out_body(nclass),
        grid=grid,
        in_specs=[
            pl.BlockSpec((rows, dpad), lambda i: (i, 0)),
            pl.BlockSpec((NC, rows, dpad), lambda i: (0, i, 0)),
        ],
        out_specs=pl.BlockSpec((rows, nclass), lambda i: (i, 0)),
        out_shape=jax.ShapeDtypeStruct((n, nclass), jnp.float32),
    )(g, r)
    return out

# --- scband reference (transcript-rebuilt; emitter-appended) ---
"""Pipeline reference for scband-cheby-57458072485949 (READ-ONLY COPY).

The authoritative reference and input builder live on the scoring server;
editing this copy changes nothing except your own understanding.
"""

import jax, jax.numpy as jnp
import numpy as np

N = 10000
E = 320000
NFEAT = 128
NHID = 128
NCLASS = 40


def setup_inputs(seed: int = 0) -> dict:
    key = jax.random.key(seed)
    ks = jax.random.split(key, 8)
    x = jax.random.normal(ks[0], (N, NFEAT), dtype=jnp.float32)
    edge_index = jax.random.randint(ks[1], (2, E), 0, N, dtype=jnp.int32)
    edge_weight = jax.random.uniform(ks[2], (E,), dtype=jnp.float32)
    # Parameters: Cheby with nlayers=2, each ChebConvolution has K=2 but
    # single_param=True so only lins[0] weight is used per layer.
    stdv1 = 1.0 / np.sqrt(NFEAT)
    W1 = jax.random.uniform(ks[3], (NFEAT, NHID), dtype=jnp.float32, minval=-stdv1, maxval=stdv1)
    b1 = jnp.zeros((NHID,), dtype=jnp.float32)  # zeros() init for ChebConvolution bias
    stdv2 = 1.0 / np.sqrt(NHID)
    W2 = jax.random.uniform(ks[4], (NHID, NCLASS), dtype=jnp.float32, minval=-stdv2, maxval=stdv2)
    b2 = jnp.zeros((NCLASS,), dtype=jnp.float32)
    return {"x": x, "edge_index": edge_index, "edge_weight": edge_weight,
            "W1": W1, "b1": b1, "W2": W2, "b2": b2}


def _spmm(edge_index, edge_weight, h):
    # torch.spmm(adj, h): out[dst] += adj[dst, src] * h[src]
    src = edge_index[0]
    dst = edge_index[1]
    msg = edge_weight[:, None] * jnp.take(h, src, axis=0)
    return jax.ops.segment_sum(msg, dst, num_segments=N)


def _cheb_layer(h, edge_index, edge_weight, W, b):
    # K=2, single_param=True: output = lin0(Tx_0) + lin0(Tx_1) + bias
    Tx_0 = h
    Tx_1 = _spmm(edge_index, edge_weight, h)
    out = Tx_0 @ W + Tx_1 @ W
    return out + b


def reference(x, edge_index, edge_weight, W1, b1, W2, b2):
    h = _cheb_layer(x, edge_index, edge_weight, W1, b1)
    h = jax.nn.relu(h)  # with_relu=True; dropout inactive in eval mode
    out = _cheb_layer(h, edge_index, edge_weight, W2, b2)
    return jax.nn.log_softmax(out, axis=1)  # multi_label is falsy -> log_softmax

if __name__ == "__main__":
    import jax
    _d = setup_inputs()
    print(jax.jit(kernel)(*tuple(_d.values())))

</pallas_src>

<mosaic_0001>
#map = affine_map<(d0, d1) -> (0, 0)>
#map1 = affine_map<(d0, d1) -> (0, 0, 0)>
module attributes {stable_mosaic.version = 14 : i64} {
  func.func @spmm(%arg0: i32, %arg1: i32, %arg2: memref<10000x128xf32, #tpu.memory_space<hbm>>, %arg3: memref<32x79x128xi32, #tpu.memory_space<hbm>>, %arg4: memref<32x79x128xi32, #tpu.memory_space<hbm>>, %arg5: memref<32x10112xf32, #tpu.memory_space<hbm>>, %arg6: memref<10000x128xf32, #tpu.memory_space<hbm>>, %arg7: memref<2x10000x128xf32, #tpu.memory_space<hbm>>, %arg8: memref<79x128xi32, #tpu.memory_space<vmem>>, %arg9: memref<79x128xi32, #tpu.memory_space<vmem>>, %arg10: memref<10112xf32, #tpu.memory_space<vmem>>, %arg11: memref<128x128xf32, #tpu.memory_space<vmem>>, %arg12: memref<10000x128xf32, #tpu.memory_space<vmem_shared>>, %arg13: memref<!tpu.dma_semaphore, #tpu.memory_space<semaphore_mem>>) attributes {dimension_semantics = [#tpu.dimension_semantics<core_parallel>, #tpu.dimension_semantics<subcore_parallel>], iteration_bounds = array<i64: 2, 16>, scalar_prefetch = 0 : i64, scratch_operands = 6 : i64, tpu.core_type = #tpu.core_type<sc_vector_subcore>, window_params = [{transform_indices = #map}, {transform_indices = #map1}, {transform_indices = #map1}, {transform_indices = #map}, {transform_indices = #map}, {transform_indices = #map1}]} {
    %mul3A = arith.constant 16 : i32
    %mul3A_0 = arith.muli %arg0, %mul3A : i32
    %add3A = arith.addi %mul3A_0, %arg1 : i32
    %mul3A_1 = arith.constant 632 : i32
    %mul3A_2 = arith.muli %arg1, %mul3A_1 : i32
    %multiple_of3A = tpu.assume_multiple %mul3A_2, 8 : i32
    %lt3A = arith.constant 15 : i32
    %lt3A_3 = arith.cmpi slt, %arg1, %lt3A : i32
    %convert_element_type3A = arith.extui %lt3A_3 : i1 to i32
    %cond3A = arith.constant 0 : i32
    %cond3A_4 = arith.cmpi ne, %convert_element_type3A, %cond3A : i32
    scf.if %cond3A_4 {
      "tpu.region"() ({
        %run_scoped3A = tpu.sem_alloc : memref<!tpu.dma_semaphore, #tpu.memory_space<semaphore_mem>>
        %dma_start3A = arith.constant 0 : i32
        %dma_start3A_25 = tpu.memref_slice %arg12[%multiple_of3A, %dma_start3A] : memref<10000x128xf32, #tpu.memory_space<vmem_shared>> -> memref<632x128xf32, #tpu.memory_space<vmem_shared>>
        %dma_start3A_26 = arith.constant 0 : i32
        %dma_start3A_27 = tpu.memref_slice %arg6[%multiple_of3A, %dma_start3A_26] : memref<10000x128xf32, #tpu.memory_space<hbm>> -> memref<632x128xf32, #tpu.memory_space<hbm>>
        tpu.enqueue_dma source(%dma_start3A_27 : memref<632x128xf32, #tpu.memory_space<hbm>>) target(%dma_start3A_25 : memref<632x128xf32, #tpu.memory_space<vmem_shared>>) target_semaphore(%run_scoped3A : memref<!tpu.dma_semaphore, #tpu.memory_space<semaphore_mem>>)
        %dma_wait3A = arith.constant 0 : i32
        %dma_wait3A_28 = tpu.memref_slice %arg12[%multiple_of3A, %dma_wait3A] : memref<10000x128xf32, #tpu.memory_space<vmem_shared>> -> memref<632x128xf32, #tpu.memory_space<vmem_shared>>
        %dma_wait3A_29 = arith.constant 0 : i32
        %dma_wait3A_30 = tpu.memref_slice %arg6[%multiple_of3A, %dma_wait3A_29] : memref<10000x128xf32, #tpu.memory_space<hbm>> -> memref<632x128xf32, #tpu.memory_space<hbm>>
        tpu.wait_dma2 semaphore(%run_scoped3A : memref<!tpu.dma_semaphore, #tpu.memory_space<semaphore_mem>>) src(%dma_wait3A_30 : memref<632x128xf32, #tpu.memory_space<hbm>>) dst(%dma_wait3A_28 : memref<632x128xf32, #tpu.memory_space<vmem_shared>>)
        tpu.yield
      }) : () -> ()
    } else {
    }
    %eq3A = arith.constant 15 : i32
    %eq3A_5 = arith.cmpi eq, %arg1, %eq3A : i32
    %convert_element_type3A_6 = arith.extui %eq3A_5 : i1 to i32
    %cond3A_7 = arith.constant 0 : i32
    %cond3A_8 = arith.cmpi ne, %convert_element_type3A_6, %cond3A_7 : i32
    scf.if %cond3A_8 {
      "tpu.region"() ({
        %run_scoped3A = tpu.sem_alloc : memref<!tpu.dma_semaphore, #tpu.memory_space<semaphore_mem>>
        %dma_start3A = arith.constant 9480 : i32
        %dma_start3A_25 = arith.constant 0 : i32
        %dma_start3A_26 = tpu.memref_slice %arg12[%dma_start3A, %dma_start3A_25] : memref<10000x128xf32, #tpu.memory_space<vmem_shared>> -> memref<520x128xf32, #tpu.memory_space<vmem_shared>>
        %dma_start3A_27 = arith.constant 9480 : i32
        %dma_start3A_28 = arith.constant 0 : i32
        %dma_start3A_29 = tpu.memref_slice %arg6[%dma_start3A_27, %dma_start3A_28] : memref<10000x128xf32, #tpu.memory_space<hbm>> -> memref<520x128xf32, #tpu.memory_space<hbm>>
        tpu.enqueue_dma source(%dma_start3A_29 : memref<520x128xf32, #tpu.memory_space<hbm>>) target(%dma_start3A_26 : memref<520x128xf32, #tpu.memory_space<vmem_shared>>) target_semaphore(%run_scoped3A : memref<!tpu.dma_semaphore, #tpu.memory_space<semaphore_mem>>)
        %dma_wait3A = arith.constant 9480 : i32
        %dma_wait3A_30 = arith.constant 0 : i32
        %dma_wait3A_31 = tpu.memref_slice %arg12[%dma_wait3A, %dma_wait3A_30] : memref<10000x128xf32, #tpu.memory_space<vmem_shared>> -> memref<520x128xf32, #tpu.memory_space<vmem_shared>>
        %dma_wait3A_32 = arith.constant 9480 : i32
        %dma_wait3A_33 = arith.constant 0 : i32
        %dma_wait3A_34 = tpu.memref_slice %arg6[%dma_wait3A_32, %dma_wait3A_33] : memref<10000x128xf32, #tpu.memory_space<hbm>> -> memref<520x128xf32, #tpu.memory_space<hbm>>
        tpu.wait_dma2 semaphore(%run_scoped3A : memref<!tpu.dma_semaphore, #tpu.memory_space<semaphore_mem>>) src(%dma_wait3A_34 : memref<520x128xf32, #tpu.memory_space<hbm>>) dst(%dma_wait3A_31 : memref<520x128xf32, #tpu.memory_space<vmem_shared>>)
        tpu.yield
      }) : () -> ()
    } else {
    }
    "tpu.region"() ({
      %run_scoped3A = tpu.sem_alloc : memref<!tpu.dma_semaphore, #tpu.memory_space<semaphore_mem>>
      %dma_start3A = arith.constant 0 : i32
      %dma_start3A_25 = arith.constant 0 : i32
      %dma_start3A_26 = tpu.memref_slice %arg3[%add3A, %dma_start3A, %dma_start3A_25] : memref<32x79x128xi32, #tpu.memory_space<hbm>> -> memref<1x79x128xi32, #tpu.memory_space<hbm>>
      %dma_start3A_27 = tpu.memref_squeeze %dma_start3A_26 : memref<1x79x128xi32, #tpu.memory_space<hbm>> -> memref<79x128xi32, #tpu.memory_space<hbm>>
      %dma_start3A_28 = arith.constant 0 : i32
      %dma_start3A_29 = arith.constant 0 : i32
      %dma_start3A_30 = tpu.memref_slice %arg3[%add3A, %dma_start3A_28, %dma_start3A_29] : memref<32x79x128xi32, #tpu.memory_space<hbm>> -> memref<1x79x128xi32, #tpu.memory_space<hbm>>
      %dma_start3A_31 = tpu.memref_squeeze %dma_start3A_30 : memref<1x79x128xi32, #tpu.memory_space<hbm>> -> memref<79x128xi32, #tpu.memory_space<hbm>>
      tpu.enqueue_dma source(%dma_start3A_31 : memref<79x128xi32, #tpu.memory_space<hbm>>) target(%arg8 : memref<79x128xi32, #tpu.memory_space<vmem>>) target_semaphore(%run_scoped3A : memref<!tpu.dma_semaphore, #tpu.memory_space<semaphore_mem>>)
      %dma_wait3A = arith.constant 0 : i32
      %dma_wait3A_32 = arith.constant 0 : i32
      %dma_wait3A_33 = tpu.memref_slice %arg3[%add3A, %dma_wait3A, %dma_wait3A_32] : memref<32x79x128xi32, #tpu.memory_space<hbm>> -> memref<1x79x128xi32, #tpu.memory_space<hbm>>
      %dma_wait3A_34 = tpu.memref_squeeze %dma_wait3A_33 : memref<1x79x128xi32, #tpu.memory_space<hbm>> -> memref<79x128xi32, #tpu.memory_space<hbm>>
      %dma_wait3A_35 = arith.constant 0 : i32
      %dma_wait3A_36 = arith.constant 0 : i32
      %dma_wait3A_37 = tpu.memref_slice %arg3[%add3A, %dma_wait3A_35, %dma_wait3A_36] : memref<32x79x128xi32, #tpu.memory_space<hbm>> -> memref<1x79x128xi32, #tpu.memory_space<hbm>>
      %dma_wait3A_38 = tpu.memref_squeeze %dma_wait3A_37 : memref<1x79x128xi32, #tpu.memory_space<hbm>> -> memref<79x128xi32, #tpu.memory_space<hbm>>
      tpu.wait_dma2 semaphore(%run_scoped3A : memref<!tpu.dma_semaphore, #tpu.memory_space<semaphore_mem>>) src(%dma_wait3A_38 : memref<79x128xi32, #tpu.memory_space<hbm>>) dst(%arg8 : memref<79x128xi32, #tpu.memory_space<vmem>>)
      tpu.yield
    }) : () -> ()
    "tpu.region"() ({
      %run_scoped3A = tpu.sem_alloc : memref<!tpu.dma_semaphore, #tpu.memory_space<semaphore_mem>>
      %dma_start3A = arith.constant 0 : i32
      %dma_start3A_25 = arith.constant 0 : i32
      %dma_start3A_26 = tpu.memref_slice %arg4[%add3A, %dma_start3A, %dma_start3A_25] : memref<32x79x128xi32, #tpu.memory_space<hbm>> -> memref<1x79x128xi32, #tpu.memory_space<hbm>>
      %dma_start3A_27 = tpu.memref_squeeze %dma_start3A_26 : memref<1x79x128xi32, #tpu.memory_space<hbm>> -> memref<79x128xi32, #tpu.memory_space<hbm>>
      %dma_start3A_28 = arith.constant 0 : i32
      %dma_start3A_29 = arith.constant 0 : i32
      %dma_start3A_30 = tpu.memref_slice %arg4[%add3A, %dma_start3A_28, %dma_start3A_29] : memref<32x79x128xi32, #tpu.memory_space<hbm>> -> memref<1x79x128xi32, #tpu.memory_space<hbm>>
      %dma_start3A_31 = tpu.memref_squeeze %dma_start3A_30 : memref<1x79x128xi32, #tpu.memory_space<hbm>> -> memref<79x128xi32, #tpu.memory_space<hbm>>
      tpu.enqueue_dma source(%dma_start3A_31 : memref<79x128xi32, #tpu.memory_space<hbm>>) target(%arg9 : memref<79x128xi32, #tpu.memory_space<vmem>>) target_semaphore(%run_scoped3A : memref<!tpu.dma_semaphore, #tpu.memory_space<semaphore_mem>>)
      %dma_wait3A = arith.constant 0 : i32
      %dma_wait3A_32 = arith.constant 0 : i32
      %dma_wait3A_33 = tpu.memref_slice %arg4[%add3A, %dma_wait3A, %dma_wait3A_32] : memref<32x79x128xi32, #tpu.memory_space<hbm>> -> memref<1x79x128xi32, #tpu.memory_space<hbm>>
      %dma_wait3A_34 = tpu.memref_squeeze %dma_wait3A_33 : memref<1x79x128xi32, #tpu.memory_space<hbm>> -> memref<79x128xi32, #tpu.memory_space<hbm>>
      %dma_wait3A_35 = arith.constant 0 : i32
      %dma_wait3A_36 = arith.constant 0 : i32
      %dma_wait3A_37 = tpu.memref_slice %arg4[%add3A, %dma_wait3A_35, %dma_wait3A_36] : memref<32x79x128xi32, #tpu.memory_space<hbm>> -> memref<1x79x128xi32, #tpu.memory_space<hbm>>
      %dma_wait3A_38 = tpu.memref_squeeze %dma_wait3A_37 : memref<1x79x128xi32, #tpu.memory_space<hbm>> -> memref<79x128xi32, #tpu.memory_space<hbm>>
      tpu.wait_dma2 semaphore(%run_scoped3A : memref<!tpu.dma_semaphore, #tpu.memory_space<semaphore_mem>>) src(%dma_wait3A_38 : memref<79x128xi32, #tpu.memory_space<hbm>>) dst(%arg9 : memref<79x128xi32, #tpu.memory_space<vmem>>)
      tpu.yield
    }) : () -> ()
    "tpu.region"() ({
      %run_scoped3A = tpu.sem_alloc : memref<!tpu.dma_semaphore, #tpu.memory_space<semaphore_mem>>
      %dma_start3A = arith.constant 0 : i32
      %dma_start3A_25 = tpu.memref_slice %arg5[%add3A, %dma_start3A] : memref<32x10112xf32, #tpu.memory_space<hbm>> -> memref<1x10112xf32, #tpu.memory_space<hbm>>
      %dma_start3A_26 = tpu.memref_squeeze %dma_start3A_25 : memref<1x10112xf32, #tpu.memory_space<hbm>> -> memref<10112xf32, #tpu.memory_space<hbm>>
      %dma_start3A_27 = arith.constant 0 : i32
      %dma_start3A_28 = tpu.memref_slice %arg5[%add3A, %dma_start3A_27] : memref<32x10112xf32, #tpu.memory_space<hbm>> -> memref<1x10112xf32, #tpu.memory_space<hbm>>
      %dma_start3A_29 = tpu.memref_squeeze %dma_start3A_28 : memref<1x10112xf32, #tpu.memory_space<hbm>> -> memref<10112xf32, #tpu.memory_space<hbm>>
      tpu.enqueue_dma source(%dma_start3A_29 : memref<10112xf32, #tpu.memory_space<hbm>>) target(%arg10 : memref<10112xf32, #tpu.memory_space<vmem>>) target_semaphore(%run_scoped3A : memref<!tpu.dma_semaphore, #tpu.memory_space<semaphore_mem>>)
      %dma_wait3A = arith.constant 0 : i32
      %dma_wait3A_30 = tpu.memref_slice %arg5[%add3A, %dma_wait3A] : memref<32x10112xf32, #tpu.memory_space<hbm>> -> memref<1x10112xf32, #tpu.memory_space<hbm>>
      %dma_wait3A_31 = tpu.memref_squeeze %dma_wait3A_30 : memref<1x10112xf32, #tpu.memory_space<hbm>> -> memref<10112xf32, #tpu.memory_space<hbm>>
      %dma_wait3A_32 = arith.constant 0 : i32
      %dma_wait3A_33 = tpu.memref_slice %arg5[%add3A, %dma_wait3A_32] : memref<32x10112xf32, #tpu.memory_space<hbm>> -> memref<1x10112xf32, #tpu.memory_space<hbm>>
      %dma_wait3A_34 = tpu.memref_squeeze %dma_wait3A_33 : memref<1x10112xf32, #tpu.memory_space<hbm>> -> memref<10112xf32, #tpu.memory_space<hbm>>
      tpu.wait_dma2 semaphore(%run_scoped3A : memref<!tpu.dma_semaphore, #tpu.memory_space<semaphore_mem>>) src(%dma_wait3A_34 : memref<10112xf32, #tpu.memory_space<hbm>>) dst(%arg10 : memref<10112xf32, #tpu.memory_space<vmem>>)
      tpu.yield
    }) : () -> ()
    %barrier3A = arith.constant 0 : index
    tpu.barrier barrier_id(%barrier3A)
    %scan3A = arith.constant 0 : i32
    %scan3A_9 = arith.constant 0 : i32
    %scan3A_10 = arith.constant 79 : i32
    %scan3A_11 = arith.addi %scan3A_9, %scan3A_10 : i32
    %scan3A_12 = arith.constant 1 : i32
    scf.for %scan3A_25 = %scan3A_9 to %scan3A_11 step %scan3A_12  : i32 {
      %dma_start3A = arith.constant 0 : i32
      %dma_start3A_26 = tpu.memref_slice %arg8[%scan3A_25, %dma_start3A] : memref<79x128xi32, #tpu.memory_space<vmem>> -> memref<1x128xi32, #tpu.memory_space<vmem>>
      %dma_start3A_27 = tpu.memref_squeeze %dma_start3A_26 : memref<1x128xi32, #tpu.memory_space<vmem>> -> memref<128xi32, #tpu.memory_space<vmem>>
      %dma_start3A_28 = arith.constant 0 : i32
      %dma_start3A_29 = arith.constant 0 : i32
      %dma_start3A_30 = tpu.memref_slice %arg2[%dma_start3A_28, %dma_start3A_29] : memref<10000x128xf32, #tpu.memory_space<hbm>> -> memref<10000x128xf32, #tpu.memory_space<hbm>>
      tpu.enqueue_indirect_dma source(%dma_start3A_30 : memref<10000x128xf32, #tpu.memory_space<hbm>>) target(%arg11 : memref<128x128xf32, #tpu.memory_space<vmem>>) offsets(%dma_start3A_27 : memref<128xi32, #tpu.memory_space<vmem>>) semaphore(%arg13 : memref<!tpu.dma_semaphore, #tpu.memory_space<semaphore_mem>>)
      %dma_wait3A = arith.constant 0 : i32
      %dma_wait3A_31 = tpu.memref_slice %arg8[%scan3A_25, %dma_wait3A] : memref<79x128xi32, #tpu.memory_space<vmem>> -> memref<1x128xi32, #tpu.memory_space<vmem>>
      %dma_wait3A_32 = tpu.memref_squeeze %dma_wait3A_31 : memref<1x128xi32, #tpu.memory_space<vmem>> -> memref<128xi32, #tpu.memory_space<vmem>>
      %dma_wait3A_33 = arith.constant 0 : i32
      %dma_wait3A_34 = arith.constant 0 : i32
      %dma_wait3A_35 = tpu.memref_slice %arg2[%dma_wait3A_33, %dma_wait3A_34] : memref<10000x128xf32, #tpu.memory_space<hbm>> -> memref<10000x128xf32, #tpu.memory_space<hbm>>
      tpu.wait_indirect_dma semaphore(%arg13 : memref<!tpu.dma_semaphore, #tpu.memory_space<semaphore_mem>>) src(%dma_wait3A_35 : memref<10000x128xf32, #tpu.memory_space<hbm>>) dst(%arg11 : memref<128x128xf32, #tpu.memory_space<vmem>>)
      %scan3A_36 = arith.constant 0 : i32
      %scan3A_37 = arith.constant 0 : i32
      %scan3A_38 = arith.constant 8 : i32
      %scan3A_39 = arith.addi %scan3A_37, %scan3A_38 : i32
      %scan3A_40 = arith.constant 1 : i32
      scf.for %scan3A_42 = %scan3A_37 to %scan3A_39 step %scan3A_40  : i32 {
        %mul3A_43 = arith.constant 128 : i32
        %mul3A_44 = arith.muli %scan3A_25, %mul3A_43 : i32
        %mul3A_45 = arith.constant 16 : i32
        %mul3A_46 = arith.muli %scan3A_42, %mul3A_45 : i32
        %add3A_47 = arith.addi %mul3A_44, %mul3A_46 : i32
        %multiple_of3A_48 = tpu.assume_multiple %add3A_47, 16 : i32
        %get3A = arith.index_cast %multiple_of3A_48 : i32 to index
        %get3A_49 = tpu.vector_load %arg10[%get3A] {strides = array<i32>} : memref<10112xf32, #tpu.memory_space<vmem>>, vector<16xf32>,
        %get3A_50 = vector.shape_cast %get3A_49 : vector<16xf32> to vector<16xf32>
        %broadcast_in_dim3A = arith.constant 0 : i32
        %broadcast_in_dim3A_51 = vector.broadcast %broadcast_in_dim3A : i32 to vector<16xi32>
        %lt3A_52 = arith.constant 0 : i32
        %lt3A_53 = vector.broadcast %lt3A_52 : i32 to vector<16xi32>
        %lt3A_54 = arith.cmpi slt, %broadcast_in_dim3A_51, %lt3A_53 : vector<16xi32>
        %add3A_55 = arith.constant 16 : i32
        %add3A_56 = vector.broadcast %add3A_55 : i32 to vector<16xi32>
        %add3A_57 = arith.addi %broadcast_in_dim3A_51, %add3A_56 : vector<16xi32>
        %select_n3A = arith.select %lt3A_54, %add3A_57, %broadcast_in_dim3A_51 : vector<16xi1>, vector<16xi32>
        %broadcast_in_dim3A_58 = vector.shape_cast %select_n3A : vector<16xi32> to vector<16x1xi32>
        %gather3A = vector.shape_cast %broadcast_in_dim3A_58 : vector<16x1xi32> to vector<16xi32>
        %gather3A_59 = tpu.dynamic_gather %get3A_50[%gather3A] in [0] : vector<16xf32>, vector<16xi32> -> vector<16xf32>
        %mul3A_60 = arith.constant 16 : i32
        %mul3A_61 = arith.muli %scan3A_42, %mul3A_60 : i32
        %add3A_62 = arith.constant 0 : i32
        %add3A_63 = arith.addi %mul3A_61, %add3A_62 : i32
        %get3A_64 = arith.index_cast %add3A_63 : i32 to index
        %get3A_65 = arith.constant 0 : index
        %get3A_66 = tpu.vector_load %arg11[%get3A_64, %get3A_65] {strides = array<i32>} : memref<128x128xf32, #tpu.memory_space<vmem>>, vector<1x16xf32>,
        %get3A_67 = vector.shape_cast %get3A_66 : vector<1x16xf32> to vector<16xf32>
        %mul3A_68 = arith.mulf %get3A_67, %gather3A_59 : vector<16xf32>
        %swap3A = arith.index_cast %add3A_63 : i32 to index
        %swap3A_69 = arith.constant 0 : index
        %swap3A_70 = tpu.vector_load %arg11[%swap3A, %swap3A_69] {strides = array<i32>} : memref<128x128xf32, #tpu.memory_space<vmem>>, vector<1x16xf32>,
        %swap3A_71 = vector.shape_cast %swap3A_70 : vector<1x16xf32> to vector<16xf32>
        %swap3A_72 = vector.shape_cast %mul3A_68 : vector<16xf32> to vector<1x16xf32>
        tpu.vector_store %arg11[%swap3A, %swap3A_69], %swap3A_72 {strides = array<i32>} : memref<128x128xf32, #tpu.memory_space<vmem>>, vector<1x16xf32>,
        %get3A_73 = arith.index_cast %add3A_63 : i32 to index
        %get3A_74 = arith.constant 16 : index
        %get3A_75 = tpu.vector_load %arg11[%get3A_73, %get3A_74] {strides = array<i32>} : memref<128x128xf32, #tpu.memory_space<vmem>>, vector<1x16xf32>,
        %get3A_76 = vector.shape_cast %get3A_75 : vector<1x16xf32> to vector<16xf32>
        %mul3A_77 = arith.mulf %get3A_76, %gather3A_59 : vector<16xf32>
        %swap3A_78 = arith.index_cast %add3A_63 : i32 to index
        %swap3A_79 = arith.constant 16 : index
        %swap3A_80 = tpu.vector_load %arg11[%swap3A_78, %swap3A_79] {strides = array<i32>} : memref<128x128xf32, #tpu.memory_space<vmem>>, vector<1x16xf32>,
        %swap3A_81 = vector.shape_cast %swap3A_80 : vector<1x16xf32> to vector<16xf32>
        %swap3A_82 = vector.shape_cast %mul3A_77 : vector<16xf32> to vector<1x16xf32>
        tpu.vector_store %arg11[%swap3A_78, %swap3A_79], %swap3A_82 {strides = array<i32>} : memref<128x128xf32, #tpu.memory_space<vmem>>, vector<1x16xf32>,
        %get3A_83 = arith.index_cast %add3A_63 : i32 to index
        %get3A_84 = arith.constant 32 : index
        %get3A_85 = tpu.vector_load %arg11[%get3A_83, %get3A_84] {strides = array<i32>} : memref<128x128xf32, #tpu.memory_space<vmem>>, vector<1x16xf32>,
        %get3A_86 = vector.shape_cast %get3A_85 : vector<1x16xf32> to vector<16xf32>
        %mul3A_87 = arith.mulf %get3A_86, %gather3A_59 : vector<16xf32>
        %swap3A_88 = arith.index_cast %add3A_63 : i32 to index
        %swap3A_89 = arith.constant 32 : index
        %swap3A_90 = tpu.vector_load %arg11[%swap3A_88, %swap3A_89] {strides = array<i32>} : memref<128x128xf32, #tpu.memory_space<vmem>>, vector<1x16xf32>,
        %swap3A_91 = vector.shape_cast %swap3A_90 : vector<1x16xf32> to vector<16xf32>
        %swap3A_92 = vector.shape_cast %mul3A_87 : vector<16xf32> to vector<1x16xf32>
        tpu.vector_store %arg11[%swap3A_88, %swap3A_89], %swap3A_92 {strides = array<i32>} : memref<128x128xf32, #tpu.memory_space<vmem>>, vector<1x16xf32>,
        %get3A_93 = arith.index_cast %add3A_63 : i32 to index
        %get3A_94 = arith.constant 48 : index
        %get3A_95 = tpu.vector_load %arg11[%get3A_93, %get3A_94] {strides = array<i32>} : memref<128x128xf32, #tpu.memory_space<vmem>>, vector<1x16xf32>,
        %get3A_96 = vector.shape_cast %get3A_95 : vector<1x16xf32> to vector<16xf32>
        %mul3A_97 = arith.mulf %get3A_96, %gather3A_59 : vector<16xf32>
        %swap3A_98 = arith.index_cast %add3A_63 : i32 to index
        %swap3A_99 = arith.constant 48 : index
        %swap3A_100 = tpu.vector_load %arg11[%swap3A_98, %swap3A_99] {strides = array<i32>} : memref<128x128xf32, #tpu.memory_space<vmem>>, vector<1x16xf32>,
        %swap3A_101 = vector.shape_cast %swap3A_100 : vector<1x16xf32> to vector<16xf32>
        %swap3A_102 = vector.shape_cast %mul3A_97 : vector<16xf32> to vector<1x16xf32>
        tpu.vector_store %arg11[%swap3A_98, %swap3A_99], %swap3A_102 {strides = array<i32>} : memref<128x128xf32, #tpu.memory_space<vmem>>, vector<1x16xf32>,
        %get3A_103 = arith.index_cast %add3A_63 : i32 to index
        %get3A_104 = arith.constant 64 : index
        %get3A_105 = tpu.vector_load %arg11[%get3A_103, %get3A_104] {strides = array<i32>} : memref<128x128xf32, #tpu.memory_space<vmem>>, vector<1x16xf32>,
        %get3A_106 = vector.shape_cast %get3A_105 : vector<1x16xf32> to vector<16xf32>
        %mul3A_107 = arith.mulf %get3A_106, %gather3A_59 : vector<16xf32>
        %swap3A_108 = arith.index_cast %add3A_63 : i32 to index
        %swap3A_109 = arith.constant 64 : index
        %swap3A_110 = tpu.vector_load %arg11[%swap3A_108, %swap3A_109] {strides = array<i32>} : memref<128x128xf32, #tpu.memory_space<vmem>>, vector<1x16xf32>,
        %swap3A_111 = vector.shape_cast %swap3A_110 : vector<1x16xf32> to vector<16xf32>
        %swap3A_112 = vector.shape_cast %mul3A_107 : vector<16xf32> to vector<1x16xf32>
        tpu.vector_store %arg11[%swap3A_108, %swap3A_109], %swap3A_112 {strides = array<i32>} : memref<128x128xf32, #tpu.memory_space<vmem>>, vector<1x16xf32>,
        %get3A_113 = arith.index_cast %add3A_63 : i32 to index
        %get3A_114 = arith.constant 80 : index
        %get3A_115 = tpu.vector_load %arg11[%get3A_113, %get3A_114] {strides = array<i32>} : memref<128x128xf32, #tpu.memory_space<vmem>>, vector<1x16xf32>,
        %get3A_116 = vector.shape_cast %get3A_115 : vector<1x16xf32> to vector<16xf32>
        %mul3A_117 = arith.mulf %get3A_116, %gather3A_59 : vector<16xf32>
        %swap3A_118 = arith.index_cast %add3A_63 : i32 to index
        %swap3A_119 = arith.constant 80 : index
        %swap3A_120 = tpu.vector_load %arg11[%swap3A_118, %swap3A_119] {strides = array<i32>} : memref<128x128xf32, #tpu.memory_space<vmem>>, vector<1x16xf32>,
        %swap3A_121 = vector.shape_cast %swap3A_120 : vector<1x16xf32> to vector<16xf32>
        %swap3A_122 = vector.shape_cast %mul3A_117 : vector<16xf32> to vector<1x16xf32>
        tpu.vector_store %arg11[%swap3A_118, %swap3A_119], %swap3A_122 {strides = array<i32>} : memref<128x128xf32, #tpu.memory_space<vmem>>, vector<1x16xf32>,
        %get3A_123 = arith.index_cast %add3A_63 : i32 to index
        %get3A_124 = arith.constant 96 : index
        %get3A_125 = tpu.vector_load %arg11[%get3A_123, %get3A_124] {strides = array<i32>} : memref<128x128xf32, #tpu.memory_space<vmem>>, vector<1x16xf32>,
        %get3A_126 = vector.shape_cast %get3A_125 : vector<1x16xf32> to vector<16xf32>
        %mul3A_127 = arith.mulf %get3A_126, %gather3A_59 : vector<16xf32>
        %swap3A_128 = arith.index_cast %add3A_63 : i32 to index
        %swap3A_129 = arith.constant 96 : index
        %swap3A_130 = tpu.vector_load %arg11[%swap3A_128, %swap3A_129] {strides = array<i32>} : memref<128x128xf32, #tpu.memory_space<vmem>>, vector<1x16xf32>,
        %swap3A_131 = vector.shape_cast %swap3A_130 : vector<1x16xf32> to vector<16xf32>
        %swap3A_132 = vector.shape_cast %mul3A_127 : vector<16xf32> to vector<1x16xf32>
        tpu.vector_store %arg11[%swap3A_128, %swap3A_129], %swap3A_132 {strides = array<i32>} : memref<128x128xf32, #tpu.memory_space<vmem>>, vector<1x16xf32>,
        %get3A_133 = arith.index_cast %add3A_63 : i32 to index
        %get3A_134 = arith.constant 112 : index
        %get3A_135 = tpu.vector_load %arg11[%get3A_133, %get3A_134] {strides = array<i32>} : memref<128x128xf32, #tpu.memory_space<vmem>>, vector<1x16xf32>,
        %get3A_136 = vector.shape_cast %get3A_135 : vector<1x16xf32> to vector<16xf32>
        %mul3A_137 = arith.mulf %get3A_136, %gather3A_59 : vector<16xf32>
        %swap3A_138 = arith.index_cast %add3A_63 : i32 to index
        %swap3A_139 = arith.constant 112 : index
        %swap3A_140 = tpu.vector_load %arg11[%swap3A_138, %swap3A_139] {strides = array<i32>} : memref<128x128xf32, #tpu.memory_space<vmem>>, vector<1x16xf32>,
        %swap3A_141 = vector.shape_cast %swap3A_140 : vector<1x16xf32> to vector<16xf32>
        %swap3A_142 = vector.shape_cast %mul3A_137 : vector<16xf32> to vector<1x16xf32>
        tpu.vector_store %arg11[%swap3A_138, %swap3A_139], %swap3A_142 {strides = array<i32>} : memref<128x128xf32, #tpu.memory_space<vmem>>, vector<1x16xf32>,
        %broadcast_in_dim3A_143 = arith.constant 1 : i32
        %broadcast_in_dim3A_144 = vector.broadcast %broadcast_in_dim3A_143 : i32 to vector<16xi32>
        %lt3A_145 = arith.constant 0 : i32
        %lt3A_146 = vector.broadcast %lt3A_145 : i32 to vector<16xi32>
        %lt3A_147 = arith.cmpi slt, %broadcast_in_dim3A_144, %lt3A_146 : vector<16xi32>
        %add3A_148 = arith.constant 16 : i32
        %add3A_149 = vector.broadcast %add3A_148 : i32 to vector<16xi32>
        %add3A_150 = arith.addi %broadcast_in_dim3A_144, %add3A_149 : vector<16xi32>
        %select_n3A_151 = arith.select %lt3A_147, %add3A_150, %broadcast_in_dim3A_144 : vector<16xi1>, vector<16xi32>
        %broadcast_in_dim3A_152 = vector.shape_cast %select_n3A_151 : vector<16xi32> to vector<16x1xi32>
        %gather3A_153 = vector.shape_cast %broadcast_in_dim3A_152 : vector<16x1xi32> to vector<16xi32>
        %gather3A_154 = tpu.dynamic_gather %get3A_50[%gather3A_153] in [0] : vector<16xf32>, vector<16xi32> -> vector<16xf32>
        %mul3A_155 = arith.constant 16 : i32
        %mul3A_156 = arith.muli %scan3A_42, %mul3A_155 : i32
        %add3A_157 = arith.constant 1 : i32
        %add3A_158 = arith.addi %mul3A_156, %add3A_157 : i32
        %get3A_159 = arith.index_cast %add3A_158 : i32 to index
        %get3A_160 = arith.constant 0 : index
        %get3A_161 = tpu.vector_load %arg11[%get3A_159, %get3A_160] {strides = array<i32>} : memref<128x128xf32, #tpu.memory_space<vmem>>, vector<1x16xf32>,
        %get3A_162 = vector.shape_cast %get3A_161 : vector<1x16xf32> to vector<16xf32>
        %mul3A_163 = arith.mulf %get3A_162, %gather3A_154 : vector<16xf32>
        %swap3A_164 = arith.index_cast %add3A_158 : i32 to index
        %swap3A_165 = arith.constant 0 : index
        %swap3A_166 = tpu.vector_load %arg11[%swap3A_164, %swap3A_165] {strides = array<i32>} : memref<128x128xf32, #tpu.memory_space<vmem>>, vector<1x16xf32>,
        %swap3A_167 = vector.shape_cast %swap3A_166 : vector<1x16xf32> to vector<16xf32>
        %swap3A_168 = vector.shape_cast %mul3A_163 : vector<16xf32> to vector<1x16xf32>
        tpu.vector_store %arg11[%swap3A_164, %swap3A_165], %swap3A_168 {strides = array<i32>} : memref<128x128xf32, #tpu.memory_space<vmem>>, vector<1x16xf32>,
        %get3A_169 = arith.index_cast %add3A_158 : i32 to index
        %get3A_170 = arith.constant 16 : index
        %get3A_171 = tpu.vector_load %arg11[%get3A_169, %get3A_170] {strides = array<i32>} : memref<128x128xf32, #tpu.memory_space<vmem>>, vector<1x16xf32>,
        %get3A_172 = vector.shape_cast %get3A_171 : vector<1x16xf32> to vector<16xf32>
        %mul3A_173 = arith.mulf %get3A_172, %gather3A_154 : vector<16xf32>
        %swap3A_174 = arith.index_cast %add3A_158 : i32 to index
        %swap3A_175 = arith.constant 16 : index
        %swap3A_176 = tpu.vector_load %arg11[%swap3A_174, %swap3A_175] {strides = array<i32>} : memref<128x128xf32, #tpu.memory_space<vmem>>, vector<1x16xf32>,
        %swap3A_177 = vector.shape_cast %swap3A_176 : vector<1x16xf32> to vector<16xf32>
        %swap3A_178 = vector.shape_cast %mul3A_173 : vector<16xf32> to vector<1x16xf32>
        tpu.vector_store %arg11[%swap3A_174, %swap3A_175], %swap3A_178 {strides = array<i32>} : memref<128x128xf32, #tpu.memory_space<vmem>>, vector<1x16xf32>,
        %get3A_179 = arith.index_cast %add3A_158 : i32 to index
        %get3A_180 = arith.constant 32 : index
        %get3A_181 = tpu.vector_load %arg11[%get3A_179, %get3A_180] {strides = array<i32>} : memref<128x128xf32, #tpu.memory_space<vmem>>, vector<1x16xf32>,
        %get3A_182 = vector.shape_cast %get3A_181 : vector<1x16xf32> to vector<16xf32>
        %mul3A_183 = arith.mulf %get3A_182, %gather3A_154 : vector<16xf32>
        %swap3A_184 = arith.index_cast %add3A_158 : i32 to index
        %swap3A_185 = arith.constant 32 : index
        %swap3A_186 = tpu.vector_load %arg11[%swap3A_184, %swap3A_185] {strides = array<i32>} : memref<128x128xf32, #tpu.memory_space<vmem>>, vector<1x16xf32>,
        %swap3A_187 = vector.shape_cast %swap3A_186 : vector<1x16xf32> to vector<16xf32>
        %swap3A_188 = vector.shape_cast %mul3A_183 : vector<16xf32> to vector<1x16xf32>
        tpu.vector_store %arg11[%swap3A_184, %swap3A_185], %swap3A_188 {strides = array<i32>} : memref<128x128xf32, #tpu.memory_space<vmem>>, vector<1x16xf32>,
        %get3A_189 = arith.index_cast %add3A_158 : i32 to index
        %get3A_190 = arith.constant 48 : index
        %get3A_191 = tpu.vector_load %arg11[%get3A_189, %get3A_190] {strides = array<i32>} : memref<128x128xf32, #tpu.memory_space<vmem>>, vector<1x16xf32>,
        %get3A_192 = vector.shape_cast %get3A_191 : vector<1x16xf32> to vector<16xf32>
        %mul3A_193 = arith.mulf %get3A_192, %gather3A_154 : vector<16xf32>
        %swap3A_194 = arith.index_cast %add3A_158 : i32 to index
        %swap3A_195 = arith.constant 48 : index
        %swap3A_196 = tpu.vector_load %arg11[%swap3A_194, %swap3A_195] {strides = array<i32>} : memref<128x128xf32, #tpu.memory_space<vmem>>, vector<1x16xf32>,
        %swap3A_197 = vector.shape_cast %swap3A_196 : vector<1x16xf32> to vector<16xf32>
        %swap3A_198 = vector.shape_cast %mul3A_193 : vector<16xf32> to vector<1x16xf32>
        tpu.vector_store %arg11[%swap3A_194, %swap3A_195], %swap3A_198 {strides = array<i32>} : memref<128x128xf32, #tpu.memory_space<vmem>>, vector<1x16xf32>,
        %get3A_199 = arith.index_cast %add3A_158 : i32 to index
        %get3A_200 = arith.constant 64 : index
        %get3A_201 = tpu.vector_load %arg11[%get3A_199, %get3A_200] {strides = array<i32>} : memref<128x128xf32, #tpu.memory_space<vmem>>, vector<1x16xf32>,
        %get3A_202 = vector.shape_cast %get3A_201 : vector<1x16xf32> to vector<16xf32>
        %mul3A_203 = arith.mulf %get3A_202, %gather3A_154 : vector<16xf32>
        %swap3A_204 = arith.index_cast %add3A_158 : i32 to index
        %swap3A_205 = arith.constant 64 : index
        %swap3A_206 = tpu.vector_load %arg11[%swap3A_204, %swap3A_205] {strides = array<i32>} : memref<128x128xf32, #tpu.memory_space<vmem>>, vector<1x16xf32>,
        %swap3A_207 = vector.shape_cast %swap3A_206 : vector<1x16xf32> to vector<16xf32>
        %swap3A_208 = vector.shape_cast %mul3A_203 : vector<16xf32> to vector<1x16xf32>
        tpu.vector_store %arg11[%swap3A_204, %swap3A_205], %swap3A_208 {strides = array<i32>} : memref<128x128xf32, #tpu.memory_space<vmem>>, vector<1x16xf32>,
        %get3A_209 = arith.index_cast %add3A_158 : i32 to index
        %get3A_210 = arith.constant 80 : index
        %get3A_211 = tpu.vector_load %arg11[%get3A_209, %get3A_210] {strides = array<i32>} : memref<128x128xf32, #tpu.memory_space<vmem>>, vector<1x16xf32>,
        %get3A_212 = vector.shape_cast %get3A_211 : vector<1x16xf32> to vector<16xf32>
        %mul3A_213 = arith.mulf %get3A_212, %gather3A_154 : vector<16xf32>
        %swap3A_214 = arith.index_cast %add3A_158 : i32 to index
        %swap3A_215 = arith.constant 80 : index
        %swap3A_216 = tpu.vector_load %arg11[%swap3A_214, %swap3A_215] {strides = array<i32>} : memref<128x128xf32, #tpu.memory_space<vmem>>, vector<1x16xf32>,
        %swap3A_217 = vector.shape_cast %swap3A_216 : vector<1x16xf32> to vector<16xf32>
        %swap3A_218 = vector.shape_cast %mul3A_213 : vector<16xf32> to vector<1x16xf32>
        tpu.vector_store %arg11[%swap3A_214, %swap3A_215], %swap3A_218 {strides = array<i32>} : memref<128x128xf32, #tpu.memory_space<vmem>>, vector<1x16xf32>,
        %get3A_219 = arith.index_cast %add3A_158 : i32 to index
        %get3A_220 = arith.constant 96 : index
        %get3A_221 = tpu.vector_load %arg11[%get3A_219, %get3A_220] {strides = array<i32>} : memref<128x128xf32, #tpu.memory_space<vmem>>, vector<1x16xf32>,
        %get3A_222 = vector.shape_cast %get3A_221 : vector<1x16xf32> to vector<16xf32>
        %mul3A_223 = arith.mulf %get3A_222, %gather3A_154 : vector<16xf32>
        %swap3A_224 = arith.index_cast %add3A_158 : i32 to index
        %swap3A_225 = arith.constant 96 : index
        %swap3A_226 = tpu.vector_load %arg11[%swap3A_224, %swap3A_225] {strides = array<i32>} : memref<128x128xf32, #tpu.memory_space<vmem>>, vector<1x16xf32>,
        %swap3A_227 = vector.shape_cast %swap3A_226 : vector<1x16xf32> to vector<16xf32>
        %swap3A_228 = vector.shape_cast %mul3A_223 : vector<16xf32> to vector<1x16xf32>
        tpu.vector_store %arg11[%swap3A_224, %swap3A_225], %swap3A_228 {strides = array<i32>} : memref<128x128xf32, #tpu.memory_space<vmem>>, vector<1x16xf32>,
        %get3A_229 = arith.index_cast %add3A_158 : i32 to index
        %get3A_230 = arith.constant 112 : index
        %get3A_231 = tpu.vector_load %arg11[%get3A_229, %get3A_230] {strides = array<i32>} : memref<128x128xf32, #tpu.memory_space<vmem>>, vector<1x16xf32>,
        %get3A_232 = vector.shape_cast %get3A_231 : vector<1x16xf32> to vector<16xf32>
        %mul3A_233 = arith.mulf %get3A_232, %gather3A_154 : vector<16xf32>
        %swap3A_234 = arith.index_cast %add3A_158 : i32 to index
        %swap3A_235 = arith.constant 112 : index
        %swap3A_236 = tpu.vector_load %arg11[%swap3A_234, %swap3A_235] {strides = array<i32>} : memref<128x128xf32, #tpu.memory_space<vmem>>, vector<1x16xf32>,
        %swap3A_237 = vector.shape_cast %swap3A_236 : vector<1x16xf32> to vector<16xf32>
        %swap3A_238 = vector.shape_cast %mul3A_233 : vector<16xf32> to vector<1x16xf32>
        tpu.vector_store %arg11[%swap3A_234, %swap3A_235], %swap3A_238 {strides = array<i32>} : memref<128x128xf32, #tpu.memory_space<vmem>>, vector<1x16xf32>,
        %broadcast_in_dim3A_239 = arith.constant 2 : i32
        %broadcast_in_dim3A_240 = vector.broadcast %broadcast_in_dim3A_239 : i32 to vector<16xi32>
        %lt3A_241 = arith.constant 0 : i32
        %lt3A_242 = vector.broadcast %lt3A_241 : i32 to vector<16xi32>
        %lt3A_243 = arith.cmpi slt, %broadcast_in_dim3A_240, %lt3A_242 : vector<16xi32>
        %add3A_244 = arith.constant 16 : i32
        %add3A_245 = vector.broadcast %add3A_244 : i32 to vector<16xi32>
        %add3A_246 = arith.addi %broadcast_in_dim3A_240, %add3A_245 : vector<16xi32>
        %select_n3A_247 = arith.select %lt3A_243, %add3A_246, %broadcast_in_dim3A_240 : vector<16xi1>, vector<16xi32>
        %broadcast_in_dim3A_248 = vector.shape_cast %select_n3A_247 : vector<16xi32> to vector<16x1xi32>
        %gather3A_249 = vector.shape_cast %broadcast_in_dim3A_248 : vector<16x1xi32> to vector<16xi32>
        %gather3A_250 = tpu.dynamic_gather %get3A_50[%gather3A_249] in [0] : vector<16xf32>, vector<16xi32> -> vector<16xf32>
        %mul3A_251 = arith.constant 16 : i32
        %mul3A_252 = arith.muli %scan3A_42, %mul3A_251 : i32
        %add3A_253 = arith.constant 2 : i32
        %add3A_254 = arith.addi %mul3A_252, %add3A_253 : i32
        %get3A_255 = arith.index_cast %add3A_254 : i32 to index
        %get3A_256 = arith.constant 0 : index
        %get3A_257 = tpu.vector_load %arg11[%get3A_255, %get3A_256] {strides = array<i32>} : memref<128x128xf32, #tpu.memory_space<vmem>>, vector<1x16xf32>,
        %get3A_258 = vector.shape_cast %get3A_257 : vector<1x16xf32> to vector<16xf32>
        %mul3A_259 = arith.mulf %get3A_258, %gather3A_250 : vector<16xf32>
        %swap3A_260 = arith.index_cast %add3A_254 : i32 to index
        %swap3A_261 = arith.constant 0 : index
        %swap3A_262 = tpu.vector_load %arg11[%swap3A_260, %swap3A_261] {strides = array<i32>} : memref<128x128xf32, #tpu.memory_space<vmem>>, vector<1x16xf32>,
        %swap3A_263 = vector.shape_cast %swap3A_262 : vector<1x16xf32> to vector<16xf32>
        %swap3A_264 = vector.shape_cast %mul3A_259 : vector<16xf32> to vector<1x16xf32>
        tpu.vector_store %arg11[%swap3A_260, %swap3A_261], %swap3A_264 {strides = array<i32>} : memref<128x128xf32, #tpu.memory_space<vmem>>, vector<1x16xf32>,
        %get3A_265 = arith.index_cast %add3A_254 : i32 to index
        %get3A_266 = arith.constant 16 : index
        %get3A_267 = tpu.vector_load %arg11[%get3A_265, %get3A_266] {strides = array<i32>} : memref<128x128xf32, #tpu.memory_space<vmem>>, vector<1x16xf32>,
        %get3A_268 = vector.shape_cast %get3A_267 : vector<1x16xf32> to vector<16xf32>
        %mul3A_269 = arith.mulf %get3A_268, %gather3A_250 : vector<16xf32>
        %swap3A_270 = arith.index_cast %add3A_254 : i32 to index
        %swap3A_271 = arith.constant 16 : index
        %swap3A_272 = tpu.vector_load %arg11[%swap3A_270, %swap3A_271] {strides = array<i32>} : memref<128x128xf32, #tpu.memory_space<vmem>>, vector<1x16xf32>,
        %swap3A_273 = vector.shape_cast %swap3A_272 : vector<1x16xf32> to vector<16xf32>
        %swap3A_274 = vector.shape_cast %mul3A_269 : vector<16xf32> to vector<1x16xf32>
        tpu.vector_store %arg11[%swap3A_270, %swap3A_271], %swap3A_274 {strides = array<i32>} : memref<128x128xf32, #tpu.memory_space<vmem>>, vector<1x16xf32>,
        %get3A_275 = arith.index_cast %add3A_254 : i32 to index
        %get3A_276 = arith.constant 32 : index
        %get3A_277 = tpu.vector_load %arg11[%get3A_275, %get3A_276] {strides = array<i32>} : memref<128x128xf32, #tpu.memory_space<vmem>>, vector<1x16xf32>,
        %get3A_278 = vector.shape_cast %get3A_277 : vector<1x16xf32> to vector<16xf32>
        %mul3A_279 = arith.mulf %get3A_278, %gather3A_250 : vector<16xf32>
        %swap3A_280 = arith.index_cast %add3A_254 : i32 to index
        %swap3A_281 = arith.constant 32 : index
        %swap3A_282 = tpu.vector_load %arg11[%swap3A_280, %swap3A_281] {strides = array<i32>} : memref<128x128xf32, #tpu.memory_space<vmem>>, vector<1x16xf32>,
        %swap3A_283 = vector.shape_cast %swap3A_282 : vector<1x16xf32> to vector<16xf32>
        %swap3A_284 = vector.shape_cast %mul3A_279 : vector<16xf32> to vector<1x16xf32>
        tpu.vector_store %arg11[%swap3A_280, %swap3A_281], %swap3A_284 {strides = array<i32>} : memref<128x128xf32, #tpu.memory_space<vmem>>, vector<1x16xf32>,
        %get3A_285 = arith.index_cast %add3A_254 : i32 to index
        %get3A_286 = arith.constant 48 : index
        %get3A_287 = tpu.vector_load %arg11[%get3A_285, %get3A_286] {strides = array<i32>} : memref<128x128xf32, #tpu.memory_space<vmem>>, vector<1x16xf32>,
        %get3A_288 = vector.shape_cast %get3A_287 : vector<1x16xf32> to vector<16xf32>
        %mul3A_289 = arith.mulf %get3A_288, %gather3A_250 : vector<16xf32>
        %swap3A_290 = arith.index_cast %add3A_254 : i32 to index
        %swap3A_291 = arith.constant 48 : index
        %swap3A_292 = tpu.vector_load %arg11[%swap3A_290, %swap3A_291] {strides = array<i32>} : memref<128x128xf32, #tpu.memory_space<vmem>>, vector<1x16xf32>,
        %swap3A_293 = vector.shape_cast %swap3A_292 : vector<1x16xf32> to vector<16xf32>
        %swap3A_294 = vector.shape_cast %mul3A_289 : vector<16xf32> to vector<1x16xf32>
        tpu.vector_store %arg11[%swap3A_290, %swap3A_291], %swap3A_294 {strides = array<i32>} : memref<128x128xf32, #tpu.memory_space<vmem>>, vector<1x16xf32>,
        %get3A_295 = arith.index_cast %add3A_254 : i32 to index
        %get3A_296 = arith.constant 64 : index
        %get3A_297 = tpu.vector_load %arg11[%get3A_295, %get3A_296] {strides = array<i32>} : memref<128x128xf32, #tpu.memory_space<vmem>>, vector<1x16xf32>,
        %get3A_298 = vector.shape_cast %get3A_297 : vector<1x16xf32> to vector<16xf32>
        %mul3A_299 = arith.mulf %get3A_298, %gather3A_250 : vector<16xf32>
        %swap3A_300 = arith.index_cast %add3A_254 : i32 to index
        %swap3A_301 = arith.constant 64 : index
        %swap3A_302 = tpu.vector_load %arg11[%swap3A_300, %swap3A_301] {strides = array<i32>} : memref<128x128xf32, #tpu.memory_space<vmem>>, vector<1x16xf32>,
        %swap3A_303 = vector.shape_cast %swap3A_302 : vector<1x16xf32> to vector<16xf32>
        %swap3A_304 = vector.shape_cast %mul3A_299 : vector<16xf32> to vector<1x16xf32>
        tpu.vector_store %arg11[%swap3A_300, %swap3A_301], %swap3A_304 {strides = array<i32>} : memref<128x128xf32, #tpu.memory_space<vmem>>, vector<1x16xf32>,
        %get3A_305 = arith.index_cast %add3A_254 : i32 to index
        %get3A_306 = arith.constant 80 : index
        %get3A_307 = tpu.vector_load %arg11[%get3A_305, %get3A_306] {strides = array<i32>} : memref<128x128xf32, #tpu.memory_space<vmem>>, vector<1x16xf32>,
        %get3A_308 = vector.shape_cast %get3A_307 : vector<1x16xf32> to vector<16xf32>
        %mul3A_309 = arith.mulf %get3A_308, %gather3A_250 : vector<16xf32>
        %swap3A_310 = arith.index_cast %add3A_254 : i32 to index
        %swap3A_311 = arith.constant 80 : index
        %swap3A_312 = tpu.vector_load %arg11[%swap3A_310, %swap3A_311] {strides = array<i32>} : memref<128x128xf32, #tpu.memory_space<vmem>>, vector<1x16xf32>,
        %swap3A_313 = vector.shape_cast %swap3A_312 : vector<1x16xf32> to vector<16xf32>
        %swap3A_314 = vector.shape_cast %mul3A_309 : vector<16xf32> to vector<1x16xf32>
        tpu.vector_store %arg11[%swap3A_310, %swap3A_311], %swap3A_314 {strides = array<i32>} : memref<128x128xf32, #tpu.memory_space<vmem>>, vector<1x16xf32>,
        %get3A_315 = arith.index_cast %add3A_254 : i32 to index
        %get3A_316 = arith.constant 96 : index
        %get3A_317 = tpu.vector_load %arg11[%get3A_315, %get3A_316] {strides = array<i32>} : memref<128x128xf32, #tpu.memory_space<vmem>>, vector<1x16xf32>,
        %get3A_318 = vector.shape_cast %get3A_317 : vector<1x16xf32> to vector<16xf32>
        %mul3A_319 = arith.mulf %get3A_318, %gather3A_250 : vector<16xf32>
        %swap3A_320 = arith.index_cast %add3A_254 : i32 to index
        %swap3A_321 = arith.constant 96 : index
        %swap3A_322 = tpu.vector_load %arg11[%swap3A_320, %swap3A_321] {strides = array<i32>} : memref<128x128xf32, #tpu.memory_space<vmem>>, vector<1x16xf32>,
        %swap3A_323 = vector.shape_cast %swap3A_322 : vector<1x16xf32> to vector<16xf32>
        %swap3A_324 = vector.shape_cast %mul3A_319 : vector<16xf32> to vector<1x16xf32>
        tpu.vector_store %arg11[%swap3A_320, %swap3A_321], %swap3A_324 {strides = array<i32>} : memref<128x128xf32, #tpu.memory_space<vmem>>, vector<1x16xf32>,
        %get3A_325 = arith.index_cast %add3A_254 : i32 to index
        %get3A_326 = arith.constant 112 : index
        %get3A_327 = tpu.vector_load %arg11[%get3A_325, %get3A_326] {strides = array<i32>} : memref<128x128xf32, #tpu.memory_space<vmem>>, vector<1x16xf32>,
        %get3A_328 = vector.shape_cast %get3A_327 : vector<1x16xf32> to vector<16xf32>
        %mul3A_329 = arith.mulf %get3A_328, %gather3A_250 : vector<16xf32>
        %swap3A_330 = arith.index_cast %add3A_254 : i32 to index
        %swap3A_331 = arith.constant 112 : index
        %swap3A_332 = tpu.vector_load %arg11[%swap3A_330, %swap3A_331] {strides = array<i32>} : memref<128x128xf32, #tpu.memory_space<vmem>>, vector<1x16xf32>,
        %swap3A_333 = vector.shape_cast %swap3A_332 : vector<1x16xf32> to vector<16xf32>
        %swap3A_334 = vector.shape_cast %mul3A_329 : vector<16xf32> to vector<1x16xf32>
        tpu.vector_store %arg11[%swap3A_330, %swap3A_331], %swap3A_334 {strides = array<i32>} : memref<128x128xf32, #tpu.memory_space<vmem>>, vector<1x16xf32>,
        %broadcast_in_dim3A_335 = arith.constant 3 : i32
        %broadcast_in_dim3A_336 = vector.broadcast %broadcast_in_dim3A_335 : i32 to vector<16xi32>
        %lt3A_337 = arith.constant 0 : i32
        %lt3A_338 = vector.broadcast %lt3A_337 : i32 to vector<16xi32>
        %lt3A_339 = arith.cmpi slt, %broadcast_in_dim3A_336, %lt3A_338 : vector<16xi32>
        %add3A_340 = arith.constant 16 : i32
        %add3A_341 = vector.broadcast %add3A_340 : i32 to vector<16xi32>
        %add3A_342 = arith.addi %broadcast_in_dim3A_336, %add3A_341 : vector<16xi32>
        %select_n3A_343 = arith.select %lt3A_339, %add3A_342, %broadcast_in_dim3A_336 : vector<16xi1>, vector<16xi32>
        %broadcast_in_dim3A_344 = vector.shape_cast %select_n3A_343 : vector<16xi32> to vector<16x1xi32>
        %gather3A_345 = vector.shape_cast %broadcast_in_dim3A_344 : vector<16x1xi32> to vector<16xi32>
        %gather3A_346 = tpu.dynamic_gather %get3A_50[%gather3A_345] in [0] : vector<16xf32>, vector<16xi32> -> vector<16xf32>
        %mul3A_347 = arith.constant 16 : i32
        %mul3A_348 = arith.muli %scan3A_42, %mul3A_347 : i32
        %add3A_349 = arith.constant 3 : i32
        %add3A_350 = arith.addi %mul3A_348, %add3A_349 : i32
        %get3A_351 = arith.index_cast %add3A_350 : i32 to index
        %get3A_352 = arith.constant 0 : index
        %get3A_353 = tpu.vector_load %arg11[%get3A_351, %get3A_352] {strides = array<i32>} : memref<128x128xf32, #tpu.memory_space<vmem>>, vector<1x16xf32>,
        %get3A_354 = vector.shape_cast %get3A_353 : vector<1x16xf32> to vector<16xf32>
        %mul3A_355 = arith.mulf %get3A_354, %gather3A_346 : vector<16xf32>
        %swap3A_356 = arith.index_cast %add3A_350 : i32 to index
        %swap3A_357 = arith.constant 0 : index
        %swap3A_358 = tpu.vector_load %arg11[%swap3A_356, %swap3A_357] {strides = array<i32>} : memref<128x128xf32, #tpu.memory_space<vmem>>, vector<1x16xf32>,
        %swap3A_359 = vector.shape_cast %swap3A_358 : vector<1x16xf32> to vector<16xf32>
        %swap3A_360 = vector.shape_cast %mul3A_355 : vector<16xf32> to vector<1x16xf32>
        tpu.vector_store %arg11[%swap3A_356, %swap3A_357], %swap3A_360 {strides = array<i32>} : memref<128x128xf32, #tpu.memory_space<vmem>>, vector<1x16xf32>,
        %get3A_361 = arith.index_cast %add3A_350 : i32 to index
        %get3A_362 = arith.constant 16 : index
        %get3A_363 = tpu.vector_load %arg11[%get3A_361, %get3A_362] {strides = array<i32>} : memref<128x128xf32, #tpu.memory_space<vmem>>, vector<1x16xf32>,
        %get3A_364 = vector.shape_cast %get3A_363 : vector<1x16xf32> to vector<16xf32>
        %mul3A_365 = arith.mulf %get3A_364, %gather3A_346 : vector<16xf32>
        %swap3A_366 = arith.index_cast %add3A_350 : i32 to index
        %swap3A_367 = arith.constant 16 : index
        %swap3A_368 = tpu.vector_load %arg11[%swap3A_366, %swap3A_367] {strides = array<i32>} : memref<128x128xf32, #tpu.memory_space<vmem>>, vector<1x16xf32>,
        %swap3A_369 = vector.shape_cast %swap3A_368 : vector<1x16xf32> to vector<16xf32>
        %swap3A_370 = vector.shape_cast %mul3A_365 : vector<16xf32> to vector<1x16xf32>
        tpu.vector_store %arg11[%swap3A_366, %swap3A_367], %swap3A_370 {strides = array<i32>} : memref<128x128xf32, #tpu.memory_space<vmem>>, vector<1x16xf32>,
        %get3A_371 = arith.index_cast %add3A_350 : i32 to index
        %get3A_372 = arith.constant 32 : index
        %get3A_373 = tpu.vector_load %arg11[%get3A_371, %get3A_372] {strides = array<i32>} : memref<128x128xf32, #tpu.memory_space<vmem>>, vector<1x16xf32>,
        %get3A_374 = vector.shape_cast %get3A_373 : vector<1x16xf32> to vector<16xf32>
        %mul3A_375 = arith.mulf %get3A_374, %gather3A_346 : vector<16xf32>
        %swap3A_376 = arith.index_cast %add3A_350 : i32 to index
        %swap3A_377 = arith.constant 32 : index
        %swap3A_378 = tpu.vector_load %arg11[%swap3A_376, %swap3A_377] {strides = array<i32>} : memref<128x128xf32, #tpu.memory_space<vmem>>, vector<1x16xf32>,
        %swap3A_379 = vector.shape_cast %swap3A_378 : vector<1x16xf32> to vector<16xf32>
        %swap3A_380 = vector.shape_cast %mul3A_375 : vector<16xf32> to vector<1x16xf32>
        tpu.vector_store %arg11[%swap3A_376, %swap3A_377], %swap3A_380 {strides = array<i32>} : memref<128x128xf32, #tpu.memory_space<vmem>>, vector<1x16xf32>,
        %get3A_381 = arith.index_cast %add3A_350 : i32 to index
        %get3A_382 = arith.constant 48 : index
        %get3A_383 = tpu.vector_load %arg11[%get3A_381, %get3A_382] {strides = array<i32>} : memref<128x128xf32, #tpu.memory_space<vmem>>, vector<1x16xf32>,
        %get3A_384 = vector.shape_cast %get3A_383 : vector<1x16xf32> to vector<16xf32>
        %mul3A_385 = arith.mulf %get3A_384, %gather3A_346 : vector<16xf32>
        %swap3A_386 = arith.index_cast %add3A_350 : i32 to index
        %swap3A_387 = arith.constant 48 : index
        %swap3A_388 = tpu.vector_load %arg11[%swap3A_386, %swap3A_387] {strides = array<i32>} : memref<128x128xf32, #tpu.memory_space<vmem>>, vector<1x16xf32>,
        %swap3A_389 = vector.shape_cast %swap3A_388 : vector<1x16xf32> to vector<16xf32>
        %swap3A_390 = vector.shape_cast %mul3A_385 : vector<16xf32> to vector<1x16xf32>
        tpu.vector_store %arg11[%swap3A_386, %swap3A_387], %swap3A_390 {strides = array<i32>} : memref<128x128xf32, #tpu.memory_space<vmem>>, vector<1x16xf32>,
        %get3A_391 = arith.index_cast %add3A_350 : i32 to index
        %get3A_392 = arith.constant 64 : index
        %get3A_393 = tpu.vector_load %arg11[%get3A_391, %get3A_392] {strides = array<i32>} : memref<128x128xf32, #tpu.memory_space<vmem>>, vector<1x16xf32>,
        %get3A_394 = vector.shape_cast %get3A_393 : vector<1x16xf32> to vector<16xf32>
        %mul3A_395 = arith.mulf %get3A_394, %gather3A_346 : vector<16xf32>
        %swap3A_396 = arith.index_cast %add3A_350 : i32 to index
        %swap3A_397 = arith.constant 64 : index
        %swap3A_398 = tpu.vector_load %arg11[%swap3A_396, %swap3A_397] {strides = array<i32>} : memref<128x128xf32, #tpu.memory_space<vmem>>, vector<1x16xf32>,
        %swap3A_399 = vector.shape_cast %swap3A_398 : vector<1x16xf32> to vector<16xf32>
        %swap3A_400 = vector.shape_cast %mul3A_395 : vector<16xf32> to vector<1x16xf32>
        tpu.vector_store %arg11[%swap3A_396, %swap3A_397], %swap3A_400 {strides = array<i32>} : memref<128x128xf32, #tpu.memory_space<vmem>>, vector<1x16xf32>,
        %get3A_401 = arith.index_cast %add3A_350 : i32 to index
        %get3A_402 = arith.constant 80 : index
        %get3A_403 = tpu.vector_load %arg11[%get3A_401, %get3A_402] {strides = array<i32>} : memref<128x128xf32, #tpu.memory_space<vmem>>, vector<1x16xf32>,
        %get3A_404 = vector.shape_cast %get3A_403 : vector<1x16xf32> to vector<16xf32>
        %mul3A_405 = arith.mulf %get3A_404, %gather3A_346 : vector<16xf32>
        %swap3A_406 = arith.index_cast %add3A_350 : i32 to index
        %swap3A_407 = arith.constant 80 : index
        %swap3A_408 = tpu.vector_load %arg11[%swap3A_406, %swap3A_407] {strides = array<i32>} : memref<128x128xf32, #tpu.memory_space<vmem>>, vector<1x16xf32>,
        %swap3A_409 = vector.shape_cast %swap3A_408 : vector<1x16xf32> to vector<16xf32>
        %swap3A_410 = vector.shape_cast %mul3A_405 : vector<16xf32> to vector<1x16xf32>
        tpu.vector_store %arg11[%swap3A_406, %swap3A_407], %swap3A_410 {strides = array<i32>} : memref<128x128xf32, #tpu.memory_space<vmem>>, vector<1x16xf32>,
        %get3A_411 = arith.index_cast %add3A_350 : i32 to index
        %get3A_412 = arith.constant 96 : index
        %get3A_413 = tpu.vector_load %arg11[%get3A_411, %get3A_412] {strides = array<i32>} : memref<128x128xf32, #tpu.memory_space<vmem>>, vector<1x16xf32>,
        %get3A_414 = vector.shape_cast %get3A_413 : vector<1x16xf32> to vector<16xf32>
        %mul3A_415 = arith.mulf %get3A_414, %gather3A_346 : vector<16xf32>
        %swap3A_416 = arith.index_cast %add3A_350 : i32 to index
        %swap3A_417 = arith.constant 96 : index
        %swap3A_418 = tpu.vector_load %arg11[%swap3A_416, %swap3A_417] {strides = array<i32>} : memref<128x128xf32, #tpu.memory_space<vmem>>, vector<1x16xf32>,
        %swap3A_419 = vector.shape_cast %swap3A_418 : vector<1x16xf32> to vector<16xf32>
        %swap3A_420 = vector.shape_cast %mul3A_415 : vector<16xf32> to vector<1x16xf32>
        tpu.vector_store %arg11[%swap3A_416, %swap3A_417], %swap3A_420 {strides = array<i32>} : memref<128x128xf32, #tpu.memory_space<vmem>>, vector<1x16xf32>,
        %get3A_421 = arith.index_cast %add3A_350 : i32 to index
        %get3A_422 = arith.constant 112 : index
        %get3A_423 = tpu.vector_load %arg11[%get3A_421, %get3A_422] {strides = array<i32>} : memref<128x128xf32, #tpu.memory_space<vmem>>, vector<1x16xf32>,
        %get3A_424 = vector.shape_cast %get3A_423 : vector<1x16xf32> to vector<16xf32>
        %mul3A_425 = arith.mulf %get3A_424, %gather3A_346 : vector<16xf32>
        %swap3A_426 = arith.index_cast %add3A_350 : i32 to index
        %swap3A_427 = arith.constant 112 : index
        %swap3A_428 = tpu.vector_load %arg11[%swap3A_426, %swap3A_427] {strides = array<i32>} : memref<128x128xf32, #tpu.memory_space<vmem>>, vector<1x16xf32>,
        %swap3A_429 = vector.shape_cast %swap3A_428 : vector<1x16xf32> to vector<16xf32>
        %swap3A_430 = vector.shape_cast %mul3A_425 : vector<16xf32> to vector<1x16xf32>
        tpu.vector_store %arg11[%swap3A_426, %swap3A_427], %swap3A_430 {strides = array<i32>} : memref<128x128xf32, #tpu.memory_space<vmem>>, vector<1x16xf32>,
        %broadcast_in_dim3A_431 = arith.constant 4 : i32
        %broadcast_in_dim3A_432 = vector.broadcast %broadcast_in_dim3A_431 : i32 to vector<16xi32>
        %lt3A_433 = arith.constant 0 : i32
        %lt3A_434 = vector.broadcast %lt3A_433 : i32 to vector<16xi32>
        %lt3A_435 = arith.cmpi slt, %broadcast_in_dim3A_432, %lt3A_434 : vector<16xi32>
        %add3A_436 = arith.constant 16 : i32
        %add3A_437 = vector.broadcast %add3A_436 : i32 to vector<16xi32>
        %add3A_438 = arith.addi %broadcast_in_dim3A_432, %add3A_437 : vector<16xi32>
        %select_n3A_439 = arith.select %lt3A_435, %add3A_438, %broadcast_in_dim3A_432 : vector<16xi1>, vector<16xi32>
        %broadcast_in_dim3A_440 = vector.shape_cast %select_n3A_439 : vector<16xi32> to vector<16x1xi32>
        %gather3A_441 = vector.shape_cast %broadcast_in_dim3A_440 : vector<16x1xi32> to vector<16xi32>
        %gather3A_442 = tpu.dynamic_gather %get3A_50[%gather3A_441] in [0] : vector<16xf32>, vector<16xi32> -> vector<16xf32>
        %mul3A_443 = arith.constant 16 : i32
        %mul3A_444 = arith.muli %scan3A_42, %mul3A_443 : i32
        %add3A_445 = arith.constant 4 : i32
        %add3A_446 = arith.addi %mul3A_444, %add3A_445 : i32
        %get3A_447 = arith.index_cast %add3A_446 : i32 to index
        %get3A_448 = arith.constant 0 : index
        %get3A_449 = tpu.vector_load %arg11[%get3A_447, %get3A_448] {strides = array<i32>} : memref<128x128xf32, #tpu.memory_space<vmem>>, vector<1x16xf32>,
        %get3A_450 = vector.shape_cast %get3A_449 : vector<1x16xf32> to vector<16xf32>
        %mul3A_451 = arith.mulf %get3A_450, %gather3A_442 : vector<16xf32>
        %swap3A_452 = arith.index_cast %add3A_446 : i32 to index
        %swap3A_453 = arith.constant 0 : index
        %swap3A_454 = tpu.vector_load %arg11[%swap3A_452, %swap3A_453] {strides = array<i32>} : memref<128x128xf32, #tpu.memory_space<vmem>>, vector<1x16xf32>,
        %swap3A_455 = vector.shape_cast %swap3A_454 : vector<1x16xf32> to vector<16xf32>
        %swap3A_456 = vector.shape_cast %mul3A_451 : vector<16xf32> to vector<1x16xf32>
        tpu.vector_store %arg11[%swap3A_452, %swap3A_453], %swap3A_456 {strides = array<i32>} : memref<128x128xf32, #tpu.memory_space<vmem>>, vector<1x16xf32>,
        %get3A_457 = arith.index_cast %add3A_446 : i32 to index
        %get3A_458 = arith.constant 16 : index
        %get3A_459 = tpu.vector_load %arg11[%get3A_457, %get3A_458] {strides = array<i32>} : memref<128x128xf32, #tpu.memory_space<vmem>>, vector<1x16xf32>,
        %get3A_460 = vector.shape_cast %get3A_459 : vector<1x16xf32> to vector<16xf32>
        %mul3A_461 = arith.mulf %get3A_460, %gather3A_442 : vector<16xf32>
        %swap3A_462 = arith.index_cast %add3A_446 : i32 to index
        %swap3A_463 = arith.constant 16 : index
        %swap3A_464 = tpu.vector_load %arg11[%swap3A_462, %swap3A_463] {strides = array<i32>} : memref<128x128xf32, #tpu.memory_space<vmem>>, vector<1x16xf32>,
        %swap3A_465 = vector.shape_cast %swap3A_464 : vector<1x16xf32> to vector<16xf32>
        %swap3A_466 = vector.shape_cast %mul3A_461 : vector<16xf32> to vector<1x16xf32>
        tpu.vector_store %arg11[%swap3A_462, %swap3A_463], %swap3A_466 {strides = array<i32>} : memref<128x128xf32, #tpu.memory_space<vmem>>, vector<1x16xf32>,
        %get3A_467 = arith.index_cast %add3A_446 : i32 to index
        %get3A_468 = arith.constant 32 : index
        %get3A_469 = tpu.vector_load %arg11[%get3A_467, %get3A_468] {strides = array<i32>} : memref<128x128xf32, #tpu.memory_space<vmem>>, vector<1x16xf32>,
        %get3A_470 = vector.shape_cast %get3A_469 : vector<1x16xf32> to vector<16xf32>
        %mul3A_471 = arith.mulf %get3A_470, %gather3A_442 : vector<16xf32>
        %swap3A_472 = arith.index_cast %add3A_446 : i32 to index
        %swap3A_473 = arith.constant 32 : index
        %swap3A_474 = tpu.vector_load %arg11[%swap3A_472, %swap3A_473] {strides = array<i32>} : memref<128x128xf32, #tpu.memory_space<vmem>>, vector<1x16xf32>,
        %swap3A_475 = vector.shape_cast %swap3A_474 : vector<1x16xf32> to vector<16xf32>
        %swap3A_476 = vector.shape_cast %mul3A_471 : vector<16xf32> to vector<1x16xf32>
        tpu.vector_store %arg11[%swap3A_472, %swap3A_473], %swap3A_476 {strides = array<i32>} : memref<128x128xf32, #tpu.memory_space<vmem>>, vector<1x16xf32>,
        %get3A_477 = arith.index_cast %add3A_446 : i32 to index
        %get3A_478 = arith.constant 48 : index
        %get3A_479 = tpu.vector_load %arg11[%get3A_477, %get3A_478] {strides = array<i32>} : memref<128x128xf32, #tpu.memory_space<vmem>>, vector<1x16xf32>,
        %get3A_480 = vector.shape_cast %get3A_479 : vector<1x16xf32> to vector<16xf32>
        %mul3A_481 = arith.mulf %get3A_480, %gather3A_442 : vector<16xf32>
        %swap3A_482 = arith.index_cast %add3A_446 : i32 to index
        %swap3A_483 = arith.constant 48 : index
        %swap3A_484 = tpu.vector_load %arg11[%swap3A_482, %swap3A_483] {strides = array<i32>} : memref<128x128xf32, #tpu.memory_space<vmem>>, vector<1x16xf32>,
        %swap3A_485 = vector.shape_cast %swap3A_484 : vector<1x16xf32> to vector<16xf32>
        %swap3A_486 = vector.shape_cast %mul3A_481 : vector<16xf32> to vector<1x16xf32>
        tpu.vector_store %arg11[%swap3A_482, %swap3A_483], %swap3A_486 {strides = array<i32>} : memref<128x128xf32, #tpu.memory_space<vmem>>, vector<1x16xf32>,
        %get3A_487 = arith.index_cast %add3A_446 : i32 to index
        %get3A_488 = arith.constant 64 : index
        %get3A_489 = tpu.vector_load %arg11[%get3A_487, %get3A_488] {strides = array<i32>} : memref<128x128xf32, #tpu.memory_space<vmem>>, vector<1x16xf32>,
        %get3A_490 = vector.shape_cast %get3A_489 : vector<1x16xf32> to vector<16xf32>
        %mul3A_491 = arith.mulf %get3A_490, %gather3A_442 : vector<16xf32>
        %swap3A_492 = arith.index_cast %add3A_446 : i32 to index
        %swap3A_493 = arith.constant 64 : index
        %swap3A_494 = tpu.vector_load %arg11[%swap3A_492, %swap3A_493] {strides = array<i32>} : memref<128x128xf32, #tpu.memory_space<vmem>>, vector<1x16xf32>,
        %swap3A_495 = vector.shape_cast %swap3A_494 : vector<1x16xf32> to vector<16xf32>
        %swap3A_496 = vector.shape_cast %mul3A_491 : vector<16xf32> to vector<1x16xf32>
        tpu.vector_store %arg11[%swap3A_492, %swap3A_493], %swap3A_496 {strides = array<i32>} : memref<128x128xf32, #tpu.memory_space<vmem>>, vector<1x16xf32>,
        %get3A_497 = arith.index_cast %add3A_446 : i32 to index
        %get3A_498 = arith.constant 80 : index
        %get3A_499 = tpu.vector_load %arg11[%get3A_497, %get3A_498] {strides = array<i32>} : memref<128x128xf32, #tpu.memory_space<vmem>>, vector<1x16xf32>,
        %get3A_500 = vector.shape_cast %get3A_499 : vector<1x16xf32> to vector<16xf32>
        %mul3A_501 = arith.mulf %get3A_500, %gather3A_442 : vector<16xf32>
        %swap3A_502 = arith.index_cast %add3A_446 : i32 to index
        %swap3A_503 = arith.constant 80 : index
        %swap3A_504 = tpu.vector_load %arg11[%swap3A_502, %swap3A_503] {strides = array<i32>} : memref<128x128xf32, #tpu.memory_space<vmem>>, vector<1x16xf32>,
        %swap3A_505 = vector.shape_cast %swap3A_504 : vector<1x16xf32> to vector<16xf32>
        %swap3A_506 = vector.shape_cast %mul3A_501 : vector<16xf32> to vector<1x16xf32>
        tpu.vector_store %arg11[%swap3A_502, %swap3A_503], %swap3A_506 {strides = array<i32>} : memref<128x128xf32, #tpu.memory_space<vmem>>, vector<1x16xf32>,
        %get3A_507 = arith.index_cast %add3A_446 : i32 to index
        %get3A_508 = arith.constant 96 : index
        %get3A_509 = tpu.vector_load %arg11[%get3A_507, %get3A_508] {strides = array<i32>} : memref<128x128xf32, #tpu.memory_space<vmem>>, vector<1x16xf32>,
        %get3A_510 = vector.shape_cast %get3A_509 : vector<1x16xf32> to vector<16xf32>
        %mul3A_511 = arith.mulf %get3A_510, %gather3A_442 : vector<16xf32>
        %swap3A_512 = arith.index_cast %add3A_446 : i32 to index
        %swap3A_513 = arith.constant 96 : index
        %swap3A_514 = tpu.vector_load %arg11[%swap3A_512, %swap3A_513] {strides = array<i32>} : memref<128x128xf32, #tpu.memory_space<vmem>>, vector<1x16xf32>,
        %swap3A_515 = vector.shape_cast %swap3A_514 : vector<1x16xf32> to vector<16xf32>
        %swap3A_516 = vector.shape_cast %mul3A_511 : vector<16xf32> to vector<1x16xf32>
        tpu.vector_store %arg11[%swap3A_512, %swap3A_513], %swap3A_516 {strides = array<i32>} : memref<128x128xf32, #tpu.memory_space<vmem>>, vector<1x16xf32>,
        %get3A_517 = arith.index_cast %add3A_446 : i32 to index
        %get3A_518 = arith.constant 112 : index
        %get3A_519 = tpu.vector_load %arg11[%get3A_517, %get3A_518] {strides = array<i32>} : memref<128x128xf32, #tpu.memory_space<vmem>>, vector<1x16xf32>,
        %get3A_520 = vector.shape_cast %get3A_519 : vector<1x16xf32> to vector<16xf32>
        %mul3A_521 = arith.mulf %get3A_520, %gather3A_442 : vector<16xf32>
        %swap3A_522 = arith.index_cast %add3A_446 : i32 to index
        %swap3A_523 = arith.constant 112 : index
        %swap3A_524 = tpu.vector_load %arg11[%swap3A_522, %swap3A_523] {strides = array<i32>} : memref<128x128xf32, #tpu.memory_space<vmem>>, vector<1x16xf32>,
        %swap3A_525 = vector.shape_cast %swap3A_524 : vector<1x16xf32> to vector<16xf32>
        %swap3A_526 = vector.shape_cast %mul3A_521 : vector<16xf32> to vector<1x16xf32>
        tpu.vector_store %arg11[%swap3A_522, %swap3A_523], %swap3A_526 {strides = array<i32>} : memref<128x128xf32, #tpu.memory_space<vmem>>, vector<1x16xf32>,
        %broadcast_in_dim3A_527 = arith.constant 5 : i32
        %broadcast_in_dim3A_528 = vector.broadcast %broadcast_in_dim3A_527 : i32 to vector<16xi32>
        %lt3A_529 = arith.constant 0 : i32
        %lt3A_530 = vector.broadcast %lt3A_529 : i32 to vector<16xi32>
        %lt3A_531 = arith.cmpi slt, %broadcast_in_dim3A_528, %lt3A_530 : vector<16xi32>
        %add3A_532 = arith.constant 16 : i32
        %add3A_533 = vector.broadcast %add3A_532 : i32 to vector<16xi32>
        %add3A_534 = arith.addi %broadcast_in_dim3A_528, %add3A_533 : vector<16xi32>
        %select_n3A_535 = arith.select %lt3A_531, %add3A_534, %broadcast_in_dim3A_528 : vector<16xi1>, vector<16xi32>
        %broadcast_in_dim3A_536 = vector.shape_cast %select_n3A_535 : vector<16xi32> to vector<16x1xi32>
        %gather3A_537 = vector.shape_cast %broadcast_in_dim3A_536 : vector<16x1xi32> to vector<16xi32>
        %gather3A_538 = tpu.dynamic_gather %get3A_50[%gather3A_537] in [0] : vector<16xf32>, vector<16xi32> -> vector<16xf32>
        %mul3A_539 = arith.constant 16 : i32
        %mul3A_540 = arith.muli %scan3A_42, %mul3A_539 : i32
        %add3A_541 = arith.constant 5 : i32
        %add3A_542 = arith.addi %mul3A_540, %add3A_541 : i32
        %get3A_543 = arith.index_cast %add3A_542 : i32 to index
        %get3A_544 = arith.constant 0 : index
        %get3A_545 = tpu.vector_load %arg11[%get3A_543, %get3A_544] {strides = array<i32>} : memref<128x128xf32, #tpu.memory_space<vmem>>, vector<1x16xf32>,
        %get3A_546 = vector.shape_cast %get3A_545 : vector<1x16xf32> to vector<16xf32>
        %mul3A_547 = arith.mulf %get3A_546, %gather3A_538 : vector<16xf32>
        %swap3A_548 = arith.index_cast %add3A_542 : i32 to index
        %swap3A_549 = arith.constant 0 : index
        %swap3A_550 = tpu.vector_load %arg11[%swap3A_548, %swap3A_549] {strides = array<i32>} : memref<128x128xf32, #tpu.memory_space<vmem>>, vector<1x16xf32>,
        %swap3A_551 = vector.shape_cast %swap3A_550 : vector<1x16xf32> to vector<16xf32>
        %swap3A_552 = vector.shape_cast %mul3A_547 : vector<16xf32> to vector<1x16xf32>
        tpu.vector_store %arg11[%swap3A_548, %swap3A_549], %swap3A_552 {strides = array<i32>} : memref<128x128xf32, #tpu.memory_space<vmem>>, vector<1x16xf32>,
        %get3A_553 = arith.index_cast %add3A_542 : i32 to index
        %get3A_554 = arith.constant 16 : index
        %get3A_555 = tpu.vector_load %arg11[%get3A_553, %get3A_554] {strides = array<i32>} : memref<128x128xf32, #tpu.memory_space<vmem>>, vector<1x16xf32>,
        %get3A_556 = vector.shape_cast %get3A_555 : vector<1x16xf32> to vector<16xf32>
        %mul3A_557 = arith.mulf %get3A_556, %gather3A_538 : vector<16xf32>
        %swap3A_558 = arith.index_cast %add3A_542 : i32 to index
        %swap3A_559 = arith.constant 16 : index
        %swap3A_560 = tpu.vector_load %arg11[%swap3A_558, %swap3A_559] {strides = array<i32>} : memref<128x128xf32, #tpu.memory_space<vmem>>, vector<1x16xf32>,
        %swap3A_561 = vector.shape_cast %swap3A_560 : vector<1x16xf32> to vector<16xf32>
        %swap3A_562 = vector.shape_cast %mul3A_557 : vector<16xf32> to vector<1x16xf32>
        tpu.vector_store %arg11[%swap3A_558, %swap3A_559], %swap3A_562 {strides = array<i32>} : memref<128x128xf32, #tpu.memory_space<vmem>>, vector<1x16xf32>,
        %get3A_563 = arith.index_cast %add3A_542 : i32 to index
        %get3A_564 = arith.constant 32 : index
        %get3A_565 = tpu.vector_load %arg11[%get3A_563, %get3A_564] {strides = array<i32>} : memref<128x128xf32, #tpu.memory_space<vmem>>, vector<1x16xf32>,
        %get3A_566 = vector.shape_cast %get3A_565 : vector<1x16xf32> to vector<16xf32>
        %mul3A_567 = arith.mulf %get3A_566, %gather3A_538 : vector<16xf32>
        %swap3A_568 = arith.index_cast %add3A_542 : i32 to index
        %swap3A_569 = arith.constant 32 : index
        %swap3A_570 = tpu.vector_load %arg11[%swap3A_568, %swap3A_569] {strides = array<i32>} : memref<128x128xf32, #tpu.memory_space<vmem>>, vector<1x16xf32>,
        %swap3A_571 = vector.shape_cast %swap3A_570 : vector<1x16xf32> to vector<16xf32>
        %swap3A_572 = vector.shape_cast %mul3A_567 : vector<16xf32> to vector<1x16xf32>
        tpu.vector_store %arg11[%swap3A_568, %swap3A_569], %swap3A_572 {strides = array<i32>} : memref<128x128xf32, #tpu.memory_space<vmem>>, vector<1x16xf32>,
        %get3A_573 = arith.index_cast %add3A_542 : i32 to index
        %get3A_574 = arith.constant 48 : index
        %get3A_575 = tpu.vector_load %arg11[%get3A_573, %get3A_574] {strides = array<i32>} : memref<128x128xf32, #tpu.memory_space<vmem>>, vector<1x16xf32>,
        %get3A_576 = vector.shape_cast %get3A_575 : vector<1x16xf32> to vector<16xf32>
        %mul3A_577 = arith.mulf %get3A_576, %gather3A_538 : vector<16xf32>
        %swap3A_578 = arith.index_cast %add3A_542 : i32 to index
        %swap3A_579 = arith.constant 48 : index
        %swap3A_580 = tpu.vector_load %arg11[%swap3A_578, %swap3A_579] {strides = array<i32>} : memref<128x128xf32, #tpu.memory_space<vmem>>, vector<1x16xf32>,
        %swap3A_581 = vector.shape_cast %swap3A_580 : vector<1x16xf32> to vector<16xf32>
        %swap3A_582 = vector.shape_cast %mul3A_577 : vector<16xf32> to vector<1x16xf32>
        tpu.vector_store %arg11[%swap3A_578, %swap3A_579], %swap3A_582 {strides = array<i32>} : memref<128x128xf32, #tpu.memory_space<vmem>>, vector<1x16xf32>,
        %get3A_583 = arith.index_cast %add3A_542 : i32 to index
        %get3A_584 = arith.constant 64 : index
        %get3A_585 = tpu.vector_load %arg11[%get3A_583, %get3A_584] {strides = array<i32>} : memref<128x128xf32, #tpu.memory_space<vmem>>, vector<1x16xf32>,
        %get3A_586 = vector.shape_cast %get3A_585 : vector<1x16xf32> to vector<16xf32>
        %mul3A_587 = arith.mulf %get3A_586, %gather3A_538 : vector<16xf32>
        %swap3A_588 = arith.index_cast %add3A_542 : i32 to index
        %swap3A_589 = arith.constant 64 : index
        %swap3A_590 = tpu.vector_load %arg11[%swap3A_588, %swap3A_589] {strides = array<i32>} : memref<128x128xf32, #tpu.memory_space<vmem>>, vector<1x16xf32>,
        %swap3A_591 = vector.shape_cast %swap3A_590 : vector<1x16xf32> to vector<16xf32>
        %swap3A_592 = vector.shape_cast %mul3A_587 : vector<16xf32> to vector<1x16xf32>
        tpu.vector_store %arg11[%swap3A_588, %swap3A_589], %swap3A_592 {strides = array<i32>} : memref<128x128xf32, #tpu.memory_space<vmem>>, vector<1x16xf32>,
        %get3A_593 = arith.index_cast %add3A_542 : i32 to index
        %get3A_594 = arith.constant 80 : index
        %get3A_595 = tpu.vector_load %arg11[%get3A_593, %get3A_594] {strides = array<i32>} : memref<128x128xf32, #tpu.memory_space<vmem>>, vector<1x16xf32>,
        %get3A_596 = vector.shape_cast %get3A_595 : vector<1x16xf32> to vector<16xf32>
        %mul3A_597 = arith.mulf %get3A_596, %gather3A_538 : vector<16xf32>
        %swap3A_598 = arith.index_cast %add3A_542 : i32 to index
        %swap3A_599 = arith.constant 80 : index
        %swap3A_600 = tpu.vector_load %arg11[%swap3A_598, %swap3A_599] {strides = array<i32>} : memref<128x128xf32, #tpu.memory_space<vmem>>, vector<1x16xf32>,
        %swap3A_601 = vector.shape_cast %swap3A_600 : vector<1x16xf32> to vector<16xf32>
        %swap3A_602 = vector.shape_cast %mul3A_597 : vector<16xf32> to vector<1x16xf32>
        tpu.vector_store %arg11[%swap3A_598, %swap3A_599], %swap3A_602 {strides = array<i32>} : memref<128x128xf32, #tpu.memory_space<vmem>>, vector<1x16xf32>,
        %get3A_603 = arith.index_cast %add3A_542 : i32 to index
        %get3A_604 = arith.constant 96 : index
        %get3A_605 = tpu.vector_load %arg11[%get3A_603, %get3A_604] {strides = array<i32>} : memref<128x128xf32, #tpu.memory_space<vmem>>, vector<1x16xf32>,
        %get3A_606 = vector.shape_cast %get3A_605 : vector<1x16xf32> to vector<16xf32>
        %mul3A_607 = arith.mulf %get3A_606, %gather3A_538 : vector<16xf32>
        %swap3A_608 = arith.index_cast %add3A_542 : i32 to index
        %swap3A_609 = arith.constant 96 : index
        %swap3A_610 = tpu.vector_load %arg11[%swap3A_608, %swap3A_609] {strides = array<i32>} : memref<128x128xf32, #tpu.memory_space<vmem>>, vector<1x16xf32>,
        %swap3A_611 = vector.shape_cast %swap3A_610 : vector<1x16xf32> to vector<16xf32>
        %swap3A_612 = vector.shape_cast %mul3A_607 : vector<16xf32> to vector<1x16xf32>
        tpu.vector_store %arg11[%swap3A_608, %swap3A_609], %swap3A_612 {strides = array<i32>} : memref<128x128xf32, #tpu.memory_space<vmem>>, vector<1x16xf32>,
        %get3A_613 = arith.index_cast %add3A_542 : i32 to index
        %get3A_614 = arith.constant 112 : index
        %get3A_615 = tpu.vector_load %arg11[%get3A_613, %get3A_614] {strides = array<i32>} : memref<128x128xf32, #tpu.memory_space<vmem>>, vector<1x16xf32>,
        %get3A_616 = vector.shape_cast %get3A_615 : vector<1x16xf32> to vector<16xf32>
        %mul3A_617 = arith.mulf %get3A_616, %gather3A_538 : vector<16xf32>
        %swap3A_618 = arith.index_cast %add3A_542 : i32 to index
        %swap3A_619 = arith.constant 112 : index
        %swap3A_620 = tpu.vector_load %arg11[%swap3A_618, %swap3A_619] {strides = array<i32>} : memref<128x128xf32, #tpu.memory_space<vmem>>, vector<1x16xf32>,
        %swap3A_621 = vector.shape_cast %swap3A_620 : vector<1x16xf32> to vector<16xf32>
        %swap3A_622 = vector.shape_cast %mul3A_617 : vector<16xf32> to vector<1x16xf32>
        tpu.vector_store %arg11[%swap3A_618, %swap3A_619], %swap3A_622 {strides = array<i32>} : memref<128x128xf32, #tpu.memory_space<vmem>>, vector<1x16xf32>,
        %broadcast_in_dim3A_623 = arith.constant 6 : i32
        %broadcast_in_dim3A_624 = vector.broadcast %broadcast_in_dim3A_623 : i32 to vector<16xi32>
        %lt3A_625 = arith.constant 0 : i32
        %lt3A_626 = vector.broadcast %lt3A_625 : i32 to vector<16xi32>
        %lt3A_627 = arith.cmpi slt, %broadcast_in_dim3A_624, %lt3A_626 : vector<16xi32>
        %add3A_628 = arith.constant 16 : i32
        %add3A_629 = vector.broadcast %add3A_628 : i32 to vector<16xi32>
        %add3A_630 = arith.addi %broadcast_in_dim3A_624, %add3A_629 : vector<16xi32>
        %select_n3A_631 = arith.select %lt3A_627, %add3A_630, %broadcast_in_dim3A_624 : vector<16xi1>, vector<16xi32>
        %broadcast_in_dim3A_632 = vector.shape_cast %select_n3A_631 : vector<16xi32> to vector<16x1xi32>
        %gather3A_633 = vector.shape_cast %broadcast_in_dim3A_632 : vector<16x1xi32> to vector<16xi32>
        %gather3A_634 = tpu.dynamic_gather %get3A_50[%gather3A_633] in [0] : vector<16xf32>, vector<16xi32> -> vector<16xf32>
        %mul3A_635 = arith.constant 16 : i32
        %mul3A_636 = arith.muli %scan3A_42, %mul3A_635 : i32
        %add3A_637 = arith.constant 6 : i32
        %add3A_638 = arith.addi %mul3A_636, %add3A_637 : i32
        %get3A_639 = arith.index_cast %add3A_638 : i32 to index
        %get3A_640 = arith.constant 0 : index
        %get3A_641 = tpu.vector_load %arg11[%get3A_639, %get3A_640] {strides = array<i32>} : memref<128x128xf32, #tpu.memory_space<vmem>>, vector<1x16xf32>,
        %get3A_642 = vector.shape_cast %get3A_641 : vector<1x16xf32> to vector<16xf32>
        %mul3A_643 = arith.mulf %get3A_642, %gather3A_634 : vector<16xf32>
        %swap3A_644 = arith.index_cast %add3A_638 : i32 to index
        %swap3A_645 = arith.constant 0 : index
        %swap3A_646 = tpu.vector_load %arg11[%swap3A_644, %swap3A_645] {strides = array<i32>} : memref<128x128xf32, #tpu.memory_space<vmem>>, vector<1x16xf32>,
        %swap3A_647 = vector.shape_cast %swap3A_646 : vector<1x16xf32> to vector<16xf32>
        %swap3A_648 = vector.shape_cast %mul3A_643 : vector<16xf32> to vector<1x16xf32>
        tpu.vector_store %arg11[%swap3A_644, %swap3A_645], %swap3A_648 {strides = array<i32>} : memref<128x128xf32, #tpu.memory_space<vmem>>, vector<1x16xf32>,
        %get3A_649 = arith.index_cast %add3A_638 : i32 to index
        %get3A_650 = arith.constant 16 : index
        %get3A_651 = tpu.vector_load %arg11[%get3A_649, %get3A_650] {strides = array<i32>} : memref<128x128xf32, #tpu.memory_space<vmem>>, vector<1x16xf32>,
        %get3A_652 = vector.shape_cast %get3A_651 : vector<1x16xf32> to vector<16xf32>
        %mul3A_653 = arith.mulf %get3A_652, %gather3A_634 : vector<16xf32>
        %swap3A_654 = arith.index_cast %add3A_638 : i32 to index
        %swap3A_655 = arith.constant 16 : index
        %swap3A_656 = tpu.vector_load %arg11[%swap3A_654, %swap3A_655] {strides = array<i32>} : memref<128x128xf32, #tpu.memory_space<vmem>>, vector<1x16xf32>,
        %swap3A_657 = vector.shape_cast %swap3A_656 : vector<1x16xf32> to vector<16xf32>
        %swap3A_658 = vector.shape_cast %mul3A_653 : vector<16xf32> to vector<1x16xf32>
        tpu.vector_store %arg11[%swap3A_654, %swap3A_655], %swap3A_658 {strides = array<i32>} : memref<128x128xf32, #tpu.memory_space<vmem>>, vector<1x16xf32>,
        %get3A_659 = arith.index_cast %add3A_638 : i32 to index
        %get3A_660 = arith.constant 32 : index
        %get3A_661 = tpu.vector_load %arg11[%get3A_659, %get3A_660] {strides = array<i32>} : memref<128x128xf32, #tpu.memory_space<vmem>>, vector<1x16xf32>,
        %get3A_662 = vector.shape_cast %get3A_661 : vector<1x16xf32> to vector<16xf32>
        %mul3A_663 = arith.mulf %get3A_662, %gather3A_634 : vector<16xf32>
        %swap3A_664 = arith.index_cast %add3A_638 : i32 to index
        %swap3A_665 = arith.constant 32 : index
        %swap3A_666 = tpu.vector_load %arg11[%swap3A_664, %swap3A_665] {strides = array<i32>} : memref<128x128xf32, #tpu.memory_space<vmem>>, vector<1x16xf32>,
        %swap3A_667 = vector.shape_cast %swap3A_666 : vector<1x16xf32> to vector<16xf32>
        %swap3A_668 = vector.shape_cast %mul3A_663 : vector<16xf32> to vector<1x16xf32>
        tpu.vector_store %arg11[%swap3A_664, %swap3A_665], %swap3A_668 {strides = array<i32>} : memref<128x128xf32, #tpu.memory_space<vmem>>, vector<1x16xf32>,
        %get3A_669 = arith.index_cast %add3A_638 : i32 to index
        %get3A_670 = arith.constant 48 : index
        %get3A_671 = tpu.vector_load %arg11[%get3A_669, %get3A_670] {strides = array<i32>} : memref<128x128xf32, #tpu.memory_space<vmem>>, vector<1x16xf32>,
        %get3A_672 = vector.shape_cast %get3A_671 : vector<1x16xf32> to vector<16xf32>
        %mul3A_673 = arith.mulf %get3A_672, %gather3A_634 : vector<16xf32>
        %swap3A_674 = arith.index_cast %add3A_638 : i32 to index
        %swap3A_675 = arith.constant 48 : index
        %swap3A_676 = tpu.vector_load %arg11[%swap3A_674, %swap3A_675] {strides = array<i32>} : memref<128x128xf32, #tpu.memory_space<vmem>>, vector<1x16xf32>,
        %swap3A_677 = vector.shape_cast %swap3A_676 : vector<1x16xf32> to vector<16xf32>
        %swap3A_678 = vector.shape_cast %mul3A_673 : vector<16xf32> to vector<1x16xf32>
        tpu.vector_store %arg11[%swap3A_674, %swap3A_675], %swap3A_678 {strides = array<i32>} : memref<128x128xf32, #tpu.memory_space<vmem>>, vector<1x16xf32>,
        %get3A_679 = arith.index_cast %add3A_638 : i32 to index
        %get3A_680 = arith.constant 64 : index
        %get3A_681 = tpu.vector_load %arg11[%get3A_679, %get3A_680] {strides = array<i32>} : memref<128x128xf32, #tpu.memory_space<vmem>>, vector<1x16xf32>,
        %get3A_682 = vector.shape_cast %get3A_681 : vector<1x16xf32> to vector<16xf32>
        %mul3A_683 = arith.mulf %get3A_682, %gather3A_634 : vector<16xf32>
        %swap3A_684 = arith.index_cast %add3A_638 : i32 to index
        %swap3A_685 = arith.constant 64 : index
        %swap3A_686 = tpu.vector_load %arg11[%swap3A_684, %swap3A_685] {strides = array<i32>} : memref<128x128xf32, #tpu.memory_space<vmem>>, vector<1x16xf32>,
        %swap3A_687 = vector.shape_cast %swap3A_686 : vector<1x16xf32> to vector<16xf32>
        %swap3A_688 = vector.shape_cast %mul3A_683 : vector<16xf32> to vector<1x16xf32>
        tpu.vector_store %arg11[%swap3A_684, %swap3A_685], %swap3A_688 {strides = array<i32>} : memref<128x128xf32, #tpu.memory_space<vmem>>, vector<1x16xf32>,
        %get3A_689 = arith.index_cast %add3A_638 : i32 to index
        %get3A_690 = arith.constant 80 : index
        %get3A_691 = tpu.vector_load %arg11[%get3A_689, %get3A_690] {strides = array<i32>} : memref<128x128xf32, #tpu.memory_space<vmem>>, vector<1x16xf32>,
        %get3A_692 = vector.shape_cast %get3A_691 : vector<1x16xf32> to vector<16xf32>
        %mul3A_693 = arith.mulf %get3A_692, %gather3A_634 : vector<16xf32>
        %swap3A_694 = arith.index_cast %add3A_638 : i32 to index
        %swap3A_695 = arith.constant 80 : index
        %swap3A_696 = tpu.vector_load %arg11[%swap3A_694, %swap3A_695] {strides = array<i32>} : memref<128x128xf32, #tpu.memory_space<vmem>>, vector<1x16xf32>,
        %swap3A_697 = vector.shape_cast %swap3A_696 : vector<1x16xf32> to vector<16xf32>
        %swap3A_698 = vector.shape_cast %mul3A_693 : vector<16xf32> to vector<1x16xf32>
        tpu.vector_store %arg11[%swap3A_694, %swap3A_695], %swap3A_698 {strides = array<i32>} : memref<128x128xf32, #tpu.memory_space<vmem>>, vector<1x16xf32>,
        %get3A_699 = arith.index_cast %add3A_638 : i32 to index
        %get3A_700 = arith.constant 96 : index
        %get3A_701 = tpu.vector_load %arg11[%get3A_699, %get3A_700] {strides = array<i32>} : memref<128x128xf32, #tpu.memory_space<vmem>>, vector<1x16xf32>,
        %get3A_702 = vector.shape_cast %get3A_701 : vector<1x16xf32> to vector<16xf32>
        %mul3A_703 = arith.mulf %get3A_702, %gather3A_634 : vector<16xf32>
        %swap3A_704 = arith.index_cast %add3A_638 : i32 to index
        %swap3A_705 = arith.constant 96 : index
        %swap3A_706 = tpu.vector_load %arg11[%swap3A_704, %swap3A_705] {strides = array<i32>} : memref<128x128xf32, #tpu.memory_space<vmem>>, vector<1x16xf32>,
        %swap3A_707 = vector.shape_cast %swap3A_706 : vector<1x16xf32> to vector<16xf32>
        %swap3A_708 = vector.shape_cast %mul3A_703 : vector<16xf32> to vector<1x16xf32>
        tpu.vector_store %arg11[%swap3A_704, %swap3A_705], %swap3A_708 {strides = array<i32>} : memref<128x128xf32, #tpu.memory_space<vmem>>, vector<1x16xf32>,
        %get3A_709 = arith.index_cast %add3A_638 : i32 to index
        %get3A_710 = arith.constant 112 : index
        %get3A_711 = tpu.vector_load %arg11[%get3A_709, %get3A_710] {strides = array<i32>} : memref<128x128xf32, #tpu.memory_space<vmem>>, vector<1x16xf32>,
        %get3A_712 = vector.shape_cast %get3A_711 : vector<1x16xf32> to vector<16xf32>
        %mul3A_713 = arith.mulf %get3A_712, %gather3A_634 : vector<16xf32>
        %swap3A_714 = arith.index_cast %add3A_638 : i32 to index
        %swap3A_715 = arith.constant 112 : index
        %swap3A_716 = tpu.vector_load %arg11[%swap3A_714, %swap3A_715] {strides = array<i32>} : memref<128x128xf32, #tpu.memory_space<vmem>>, vector<1x16xf32>,
        %swap3A_717 = vector.shape_cast %swap3A_716 : vector<1x16xf32> to vector<16xf32>
        %swap3A_718 = vector.shape_cast %mul3A_713 : vector<16xf32> to vector<1x16xf32>
        tpu.vector_store %arg11[%swap3A_714, %swap3A_715], %swap3A_718 {strides = array<i32>} : memref<128x128xf32, #tpu.memory_space<vmem>>, vector<1x16xf32>,
        %broadcast_in_dim3A_719 = arith.constant 7 : i32
        %broadcast_in_dim3A_720 = vector.broadcast %broadcast_in_dim3A_719 : i32 to vector<16xi32>
        %lt3A_721 = arith.constant 0 : i32
        %lt3A_722 = vector.broadcast %lt3A_721 : i32 to vector<16xi32>
        %lt3A_723 = arith.cmpi slt, %broadcast_in_dim3A_720, %lt3A_722 : vector<16xi32>
        %add3A_724 = arith.constant 16 : i32
        %add3A_725 = vector.broadcast %add3A_724 : i32 to vector<16xi32>
        %add3A_726 = arith.addi %broadcast_in_dim3A_720, %add3A_725 : vector<16xi32>
        %select_n3A_727 = arith.select %lt3A_723, %add3A_726, %broadcast_in_dim3A_720 : vector<16xi1>, vector<16xi32>
        %broadcast_in_dim3A_728 = vector.shape_cast %select_n3A_727 : vector<16xi32> to vector<16x1xi32>
        %gather3A_729 = vector.shape_cast %broadcast_in_dim3A_728 : vector<16x1xi32> to vector<16xi32>
        %gather3A_730 = tpu.dynamic_gather %get3A_50[%gather3A_729] in [0] : vector<16xf32>, vector<16xi32> -> vector<16xf32>
        %mul3A_731 = arith.constant 16 : i32
        %mul3A_732 = arith.muli %scan3A_42, %mul3A_731 : i32
        %add3A_733 = arith.constant 7 : i32
        %add3A_734 = arith.addi %mul3A_732, %add3A_733 : i32
        %get3A_735 = arith.index_cast %add3A_734 : i32 to index
        %get3A_736 = arith.constant 0 : index
        %get3A_737 = tpu.vector_load %arg11[%get3A_735, %get3A_736] {strides = array<i32>} : memref<128x128xf32, #tpu.memory_space<vmem>>, vector<1x16xf32>,
        %get3A_738 = vector.shape_cast %get3A_737 : vector<1x16xf32> to vector<16xf32>
        %mul3A_739 = arith.mulf %get3A_738, %gather3A_730 : vector<16xf32>
        %swap3A_740 = arith.index_cast %add3A_734 : i32 to index
        %swap3A_741 = arith.constant 0 : index
        %swap3A_742 = tpu.vector_load %arg11[%swap3A_740, %swap3A_741] {strides = array<i32>} : memref<128x128xf32, #tpu.memory_space<vmem>>, vector<1x16xf32>,
        %swap3A_743 = vector.shape_cast %swap3A_742 : vector<1x16xf32> to vector<16xf32>
        %swap3A_744 = vector.shape_cast %mul3A_739 : vector<16xf32> to vector<1x16xf32>
        tpu.vector_store %arg11[%swap3A_740, %swap3A_741], %swap3A_744 {strides = array<i32>} : memref<128x128xf32, #tpu.memory_space<vmem>>, vector<1x16xf32>,
        %get3A_745 = arith.index_cast %add3A_734 : i32 to index
        %get3A_746 = arith.constant 16 : index
        %get3A_747 = tpu.vector_load %arg11[%get3A_745, %get3A_746] {strides = array<i32>} : memref<128x128xf32, #tpu.memory_space<vmem>>, vector<1x16xf32>,
        %get3A_748 = vector.shape_cast %get3A_747 : vector<1x16xf32> to vector<16xf32>
        %mul3A_749 = arith.mulf %get3A_748, %gather3A_730 : vector<16xf32>
        %swap3A_750 = arith.index_cast %add3A_734 : i32 to index
        %swap3A_751 = arith.constant 16 : index
        %swap3A_752 = tpu.vector_load %arg11[%swap3A_750, %swap3A_751] {strides = array<i32>} : memref<128x128xf32, #tpu.memory_space<vmem>>, vector<1x16xf32>,
        %swap3A_753 = vector.shape_cast %swap3A_752 : vector<1x16xf32> to vector<16xf32>
        %swap3A_754 = vector.shape_cast %mul3A_749 : vector<16xf32> to vector<1x16xf32>
        tpu.vector_store %arg11[%swap3A_750, %swap3A_751], %swap3A_754 {strides = array<i32>} : memref<128x128xf32, #tpu.memory_space<vmem>>, vector<1x16xf32>,
        %get3A_755 = arith.index_cast %add3A_734 : i32 to index
        %get3A_756 = arith.constant 32 : index
        %get3A_757 = tpu.vector_load %arg11[%get3A_755, %get3A_756] {strides = array<i32>} : memref<128x128xf32, #tpu.memory_space<vmem>>, vector<1x16xf32>,
        %get3A_758 = vector.shape_cast %get3A_757 : vector<1x16xf32> to vector<16xf32>
        %mul3A_759 = arith.mulf %get3A_758, %gather3A_730 : vector<16xf32>
        %swap3A_760 = arith.index_cast %add3A_734 : i32 to index
        %swap3A_761 = arith.constant 32 : index
        %swap3A_762 = tpu.vector_load %arg11[%swap3A_760, %swap3A_761] {strides = array<i32>} : memref<128x128xf32, #tpu.memory_space<vmem>>, vector<1x16xf32>,
        %swap3A_763 = vector.shape_cast %swap3A_762 : vector<1x16xf32> to vector<16xf32>
        %swap3A_764 = vector.shape_cast %mul3A_759 : vector<16xf32> to vector<1x16xf32>
        tpu.vector_store %arg11[%swap3A_760, %swap3A_761], %swap3A_764 {strides = array<i32>} : memref<128x128xf32, #tpu.memory_space<vmem>>, vector<1x16xf32>,
        %get3A_765 = arith.index_cast %add3A_734 : i32 to index
        %get3A_766 = arith.constant 48 : index
        %get3A_767 = tpu.vector_load %arg11[%get3A_765, %get3A_766] {strides = array<i32>} : memref<128x128xf32, #tpu.memory_space<vmem>>, vector<1x16xf32>,
        %get3A_768 = vector.shape_cast %get3A_767 : vector<1x16xf32> to vector<16xf32>
        %mul3A_769 = arith.mulf %get3A_768, %gather3A_730 : vector<16xf32>
        %swap3A_770 = arith.index_cast %add3A_734 : i32 to index
        %swap3A_771 = arith.constant 48 : index
        %swap3A_772 = tpu.vector_load %arg11[%swap3A_770, %swap3A_771] {strides = array<i32>} : memref<128x128xf32, #tpu.memory_space<vmem>>, vector<1x16xf32>,
        %swap3A_773 = vector.shape_cast %swap3A_772 : vector<1x16xf32> to vector<16xf32>
        %swap3A_774 = vector.shape_cast %mul3A_769 : vector<16xf32> to vector<1x16xf32>
        tpu.vector_store %arg11[%swap3A_770, %swap3A_771], %swap3A_774 {strides = array<i32>} : memref<128x128xf32, #tpu.memory_space<vmem>>, vector<1x16xf32>,
        %get3A_775 = arith.index_cast %add3A_734 : i32 to index
        %get3A_776 = arith.constant 64 : index
        %get3A_777 = tpu.vector_load %arg11[%get3A_775, %get3A_776] {strides = array<i32>} : memref<128x128xf32, #tpu.memory_space<vmem>>, vector<1x16xf32>,
        %get3A_778 = vector.shape_cast %get3A_777 : vector<1x16xf32> to vector<16xf32>
        %mul3A_779 = arith.mulf %get3A_778, %gather3A_730 : vector<16xf32>
        %swap3A_780 = arith.index_cast %add3A_734 : i32 to index
        %swap3A_781 = arith.constant 64 : index
        %swap3A_782 = tpu.vector_load %arg11[%swap3A_780, %swap3A_781] {strides = array<i32>} : memref<128x128xf32, #tpu.memory_space<vmem>>, vector<1x16xf32>,
        %swap3A_783 = vector.shape_cast %swap3A_782 : vector<1x16xf32> to vector<16xf32>
        %swap3A_784 = vector.shape_cast %mul3A_779 : vector<16xf32> to vector<1x16xf32>
        tpu.vector_store %arg11[%swap3A_780, %swap3A_781], %swap3A_784 {strides = array<i32>} : memref<128x128xf32, #tpu.memory_space<vmem>>, vector<1x16xf32>,
        %get3A_785 = arith.index_cast %add3A_734 : i32 to index
        %get3A_786 = arith.constant 80 : index
        %get3A_787 = tpu.vector_load %arg11[%get3A_785, %get3A_786] {strides = array<i32>} : memref<128x128xf32, #tpu.memory_space<vmem>>, vector<1x16xf32>,
        %get3A_788 = vector.shape_cast %get3A_787 : vector<1x16xf32> to vector<16xf32>
        %mul3A_789 = arith.mulf %get3A_788, %gather3A_730 : vector<16xf32>
        %swap3A_790 = arith.index_cast %add3A_734 : i32 to index
        %swap3A_791 = arith.constant 80 : index
        %swap3A_792 = tpu.vector_load %arg11[%swap3A_790, %swap3A_791] {strides = array<i32>} : memref<128x128xf32, #tpu.memory_space<vmem>>, vector<1x16xf32>,
        %swap3A_793 = vector.shape_cast %swap3A_792 : vector<1x16xf32> to vector<16xf32>
        %swap3A_794 = vector.shape_cast %mul3A_789 : vector<16xf32> to vector<1x16xf32>
        tpu.vector_store %arg11[%swap3A_790, %swap3A_791], %swap3A_794 {strides = array<i32>} : memref<128x128xf32, #tpu.memory_space<vmem>>, vector<1x16xf32>,
        %get3A_795 = arith.index_cast %add3A_734 : i32 to index
        %get3A_796 = arith.constant 96 : index
        %get3A_797 = tpu.vector_load %arg11[%get3A_795, %get3A_796] {strides = array<i32>} : memref<128x128xf32, #tpu.memory_space<vmem>>, vector<1x16xf32>,
        %get3A_798 = vector.shape_cast %get3A_797 : vector<1x16xf32> to vector<16xf32>
        %mul3A_799 = arith.mulf %get3A_798, %gather3A_730 : vector<16xf32>
        %swap3A_800 = arith.index_cast %add3A_734 : i32 to index
        %swap3A_801 = arith.constant 96 : index
        %swap3A_802 = tpu.vector_load %arg11[%swap3A_800, %swap3A_801] {strides = array<i32>} : memref<128x128xf32, #tpu.memory_space<vmem>>, vector<1x16xf32>,
        %swap3A_803 = vector.shape_cast %swap3A_802 : vector<1x16xf32> to vector<16xf32>
        %swap3A_804 = vector.shape_cast %mul3A_799 : vector<16xf32> to vector<1x16xf32>
        tpu.vector_store %arg11[%swap3A_800, %swap3A_801], %swap3A_804 {strides = array<i32>} : memref<128x128xf32, #tpu.memory_space<vmem>>, vector<1x16xf32>,
        %get3A_805 = arith.index_cast %add3A_734 : i32 to index
        %get3A_806 = arith.constant 112 : index
        %get3A_807 = tpu.vector_load %arg11[%get3A_805, %get3A_806] {strides = array<i32>} : memref<128x128xf32, #tpu.memory_space<vmem>>, vector<1x16xf32>,
        %get3A_808 = vector.shape_cast %get3A_807 : vector<1x16xf32> to vector<16xf32>
        %mul3A_809 = arith.mulf %get3A_808, %gather3A_730 : vector<16xf32>
        %swap3A_810 = arith.index_cast %add3A_734 : i32 to index
        %swap3A_811 = arith.constant 112 : index
        %swap3A_812 = tpu.vector_load %arg11[%swap3A_810, %swap3A_811] {strides = array<i32>} : memref<128x128xf32, #tpu.memory_space<vmem>>, vector<1x16xf32>,
        %swap3A_813 = vector.shape_cast %swap3A_812 : vector<1x16xf32> to vector<16xf32>
        %swap3A_814 = vector.shape_cast %mul3A_809 : vector<16xf32> to vector<1x16xf32>
        tpu.vector_store %arg11[%swap3A_810, %swap3A_811], %swap3A_814 {strides = array<i32>} : memref<128x128xf32, #tpu.memory_space<vmem>>, vector<1x16xf32>,
        %broadcast_in_dim3A_815 = arith.constant 8 : i32
        %broadcast_in_dim3A_816 = vector.broadcast %broadcast_in_dim3A_815 : i32 to vector<16xi32>
        %lt3A_817 = arith.constant 0 : i32
        %lt3A_818 = vector.broadcast %lt3A_817 : i32 to vector<16xi32>
        %lt3A_819 = arith.cmpi slt, %broadcast_in_dim3A_816, %lt3A_818 : vector<16xi32>
        %add3A_820 = arith.constant 16 : i32
        %add3A_821 = vector.broadcast %add3A_820 : i32 to vector<16xi32>
        %add3A_822 = arith.addi %broadcast_in_dim3A_816, %add3A_821 : vector<16xi32>
        %select_n3A_823 = arith.select %lt3A_819, %add3A_822, %broadcast_in_dim3A_816 : vector<16xi1>, vector<16xi32>
        %broadcast_in_dim3A_824 = vector.shape_cast %select_n3A_823 : vector<16xi32> to vector<16x1xi32>
        %gather3A_825 = vector.shape_cast %broadcast_in_dim3A_824 : vector<16x1xi32> to vector<16xi32>
        %gather3A_826 = tpu.dynamic_gather %get3A_50[%gather3A_825] in [0] : vector<16xf32>, vector<16xi32> -> vector<16xf32>
        %mul3A_827 = arith.constant 16 : i32
        %mul3A_828 = arith.muli %scan3A_42, %mul3A_827 : i32
        %add3A_829 = arith.constant 8 : i32
        %add3A_830 = arith.addi %mul3A_828, %add3A_829 : i32
        %get3A_831 = arith.index_cast %add3A_830 : i32 to index
        %get3A_832 = arith.constant 0 : index
        %get3A_833 = tpu.vector_load %arg11[%get3A_831, %get3A_832] {strides = array<i32>} : memref<128x128xf32, #tpu.memory_space<vmem>>, vector<1x16xf32>,
        %get3A_834 = vector.shape_cast %get3A_833 : vector<1x16xf32> to vector<16xf32>
        %mul3A_835 = arith.mulf %get3A_834, %gather3A_826 : vector<16xf32>
        %swap3A_836 = arith.index_cast %add3A_830 : i32 to index
        %swap3A_837 = arith.constant 0 : index
        %swap3A_838 = tpu.vector_load %arg11[%swap3A_836, %swap3A_837] {strides = array<i32>} : memref<128x128xf32, #tpu.memory_space<vmem>>, vector<1x16xf32>,
        %swap3A_839 = vector.shape_cast %swap3A_838 : vector<1x16xf32> to vector<16xf32>
        %swap3A_840 = vector.shape_cast %mul3A_835 : vector<16xf32> to vector<1x16xf32>
        tpu.vector_store %arg11[%swap3A_836, %swap3A_837], %swap3A_840 {strides = array<i32>} : memref<128x128xf32, #tpu.memory_space<vmem>>, vector<1x16xf32>,
        %get3A_841 = arith.index_cast %add3A_830 : i32 to index
        %get3A_842 = arith.constant 16 : index
        %get3A_843 = tpu.vector_load %arg11[%get3A_841, %get3A_842] {strides = array<i32>} : memref<128x128xf32, #tpu.memory_space<vmem>>, vector<1x16xf32>,
        %get3A_844 = vector.shape_cast %get3A_843 : vector<1x16xf32> to vector<16xf32>
        %mul3A_845 = arith.mulf %get3A_844, %gather3A_826 : vector<16xf32>
        %swap3A_846 = arith.index_cast %add3A_830 : i32 to index
        %swap3A_847 = arith.constant 16 : index
        %swap3A_848 = tpu.vector_load %arg11[%swap3A_846, %swap3A_847] {strides = array<i32>} : memref<128x128xf32, #tpu.memory_space<vmem>>, vector<1x16xf32>,
        %swap3A_849 = vector.shape_cast %swap3A_848 : vector<1x16xf32> to vector<16xf32>
        %swap3A_850 = vector.shape_cast %mul3A_845 : vector<16xf32> to vector<1x16xf32>
        tpu.vector_store %arg11[%swap3A_846, %swap3A_847], %swap3A_850 {strides = array<i32>} : memref<128x128xf32, #tpu.memory_space<vmem>>, vector<1x16xf32>,
        %get3A_851 = arith.index_cast %add3A_830 : i32 to index
        %get3A_852 = arith.constant 32 : index
        %get3A_853 = tpu.vector_load %arg11[%get3A_851, %get3A_852] {strides = array<i32>} : memref<128x128xf32, #tpu.memory_space<vmem>>, vector<1x16xf32>,
        %get3A_854 = vector.shape_cast %get3A_853 : vector<1x16xf32> to vector<16xf32>
        %mul3A_855 = arith.mulf %get3A_854, %gather3A_826 : vector<16xf32>
        %swap3A_856 = arith.index_cast %add3A_830 : i32 to index
        %swap3A_857 = arith.constant 32 : index
        %swap3A_858 = tpu.vector_load %arg11[%swap3A_856, %swap3A_857] {strides = array<i32>} : memref<128x128xf32, #tpu.memory_space<vmem>>, vector<1x16xf32>,
        %swap3A_859 = vector.shape_cast %swap3A_858 : vector<1x16xf32> to vector<16xf32>
        %swap3A_860 = vector.shape_cast %mul3A_855 : vector<16xf32> to vector<1x16xf32>
        tpu.vector_store %arg11[%swap3A_856, %swap3A_857], %swap3A_860 {strides = array<i32>} : memref<128x128xf32, #tpu.memory_space<vmem>>, vector<1x16xf32>,
        %get3A_861 = arith.index_cast %add3A_830 : i32 to index
        %get3A_862 = arith.constant 48 : index
        %get3A_863 = tpu.vector_load %arg11[%get3A_861, %get3A_862] {strides = array<i32>} : memref<128x128xf32, #tpu.memory_space<vmem>>, vector<1x16xf32>,
        %get3A_864 = vector.shape_cast %get3A_863 : vector<1x16xf32> to vector<16xf32>
        %mul3A_865 = arith.mulf %get3A_864, %gather3A_826 : vector<16xf32>
        %swap3A_866 = arith.index_cast %add3A_830 : i32 to index
        %swap3A_867 = arith.constant 48 : index
        %swap3A_868 = tpu.vector_load %arg11[%swap3A_866, %swap3A_867] {strides = array<i32>} : memref<128x128xf32, #tpu.memory_space<vmem>>, vector<1x16xf32>,
        %swap3A_869 = vector.shape_cast %swap3A_868 : vector<1x16xf32> to vector<16xf32>
        %swap3A_870 = vector.shape_cast %mul3A_865 : vector<16xf32> to vector<1x16xf32>
        tpu.vector_store %arg11[%swap3A_866, %swap3A_867], %swap3A_870 {strides = array<i32>} : memref<128x128xf32, #tpu.memory_space<vmem>>, vector<1x16xf32>,
        %get3A_871 = arith.index_cast %add3A_830 : i32 to index
        %get3A_872 = arith.constant 64 : index
        %get3A_873 = tpu.vector_load %arg11[%get3A_871, %get3A_872] {strides = array<i32>} : memref<128x128xf32, #tpu.memory_space<vmem>>, vector<1x16xf32>,
        %get3A_874 = vector.shape_cast %get3A_873 : vector<1x16xf32> to vector<16xf32>
        %mul3A_875 = arith.mulf %get3A_874, %gather3A_826 : vector<16xf32>
        %swap3A_876 = arith.index_cast %add3A_830 : i32 to index
        %swap3A_877 = arith.constant 64 : index
        %swap3A_878 = tpu.vector_load %arg11[%swap3A_876, %swap3A_877] {strides = array<i32>} : memref<128x128xf32, #tpu.memory_space<vmem>>, vector<1x16xf32>,
        %swap3A_879 = vector.shape_cast %swap3A_878 : vector<1x16xf32> to vector<16xf32>
        %swap3A_880 = vector.shape_cast %mul3A_875 : vector<16xf32> to vector<1x16xf32>
        tpu.vector_store %arg11[%swap3A_876, %swap3A_877], %swap3A_880 {strides = array<i32>} : memref<128x128xf32, #tpu.memory_space<vmem>>, vector<1x16xf32>,
        %get3A_881 = arith.index_cast %add3A_830 : i32 to index
        %get3A_882 = arith.constant 80 : index
        %get3A_883 = tpu.vector_load %arg11[%get3A_881, %get3A_882] {strides = array<i32>} : memref<128x128xf32, #tpu.memory_space<vmem>>, vector<1x16xf32>,
        %get3A_884 = vector.shape_cast %get3A_883 : vector<1x16xf32> to vector<16xf32>
        %mul3A_885 = arith.mulf %get3A_884, %gather3A_826 : vector<16xf32>
        %swap3A_886 = arith.index_cast %add3A_830 : i32 to index
        %swap3A_887 = arith.constant 80 : index
        %swap3A_888 = tpu.vector_load %arg11[%swap3A_886, %swap3A_887] {strides = array<i32>} : memref<128x128xf32, #tpu.memory_space<vmem>>, vector<1x16xf32>,
        %swap3A_889 = vector.shape_cast %swap3A_888 : vector<1x16xf32> to vector<16xf32>
        %swap3A_890 = vector.shape_cast %mul3A_885 : vector<16xf32> to vector<1x16xf32>
        tpu.vector_store %arg11[%swap3A_886, %swap3A_887], %swap3A_890 {strides = array<i32>} : memref<128x128xf32, #tpu.memory_space<vmem>>, vector<1x16xf32>,
        %get3A_891 = arith.index_cast %add3A_830 : i32 to index
        %get3A_892 = arith.constant 96 : index
        %get3A_893 = tpu.vector_load %arg11[%get3A_891, %get3A_892] {strides = array<i32>} : memref<128x128xf32, #tpu.memory_space<vmem>>, vector<1x16xf32>,
        %get3A_894 = vector.shape_cast %get3A_893 : vector<1x16xf32> to vector<16xf32>
        %mul3A_895 = arith.mulf %get3A_894, %gather3A_826 : vector<16xf32>
        %swap3A_896 = arith.index_cast %add3A_830 : i32 to index
        %swap3A_897 = arith.constant 96 : index
        %swap3A_898 = tpu.vector_load %arg11[%swap3A_896, %swap3A_897] {strides = array<i32>} : memref<128x128xf32, #tpu.memory_space<vmem>>, vector<1x16xf32>,
        %swap3A_899 = vector.shape_cast %swap3A_898 : vector<1x16xf32> to vector<16xf32>
        %swap3A_900 = vector.shape_cast %mul3A_895 : vector<16xf32> to vector<1x16xf32>
        tpu.vector_store %arg11[%swap3A_896, %swap3A_897], %swap3A_900 {strides = array<i32>} : memref<128x128xf32, #tpu.memory_space<vmem>>, vector<1x16xf32>,
        %get3A_901 = arith.index_cast %add3A_830 : i32 to index
        %get3A_902 = arith.constant 112 : index
        %get3A_903 = tpu.vector_load %arg11[%get3A_901, %get3A_902] {strides = array<i32>} : memref<128x128xf32, #tpu.memory_space<vmem>>, vector<1x16xf32>,
        %get3A_904 = vector.shape_cast %get3A_903 : vector<1x16xf32> to vector<16xf32>
        %mul3A_905 = arith.mulf %get3A_904, %gather3A_826 : vector<16xf32>
        %swap3A_906 = arith.index_cast %add3A_830 : i32 to index
        %swap3A_907 = arith.constant 112 : index
        %swap3A_908 = tpu.vector_load %arg11[%swap3A_906, %swap3A_907] {strides = array<i32>} : memref<128x128xf32, #tpu.memory_space<vmem>>, vector<1x16xf32>,
        %swap3A_909 = vector.shape_cast %swap3A_908 : vector<1x16xf32> to vector<16xf32>
        %swap3A_910 = vector.shape_cast %mul3A_905 : vector<16xf32> to vector<1x16xf32>
        tpu.vector_store %arg11[%swap3A_906, %swap3A_907], %swap3A_910 {strides = array<i32>} : memref<128x128xf32, #tpu.memory_space<vmem>>, vector<1x16xf32>,
        %broadcast_in_dim3A_911 = arith.constant 9 : i32
        %broadcast_in_dim3A_912 = vector.broadcast %broadcast_in_dim3A_911 : i32 to vector<16xi32>
        %lt3A_913 = arith.constant 0 : i32
        %lt3A_914 = vector.broadcast %lt3A_913 : i32 to vector<16xi32>
        %lt3A_915 = arith.cmpi slt, %broadcast_in_dim3A_912, %lt3A_914 : vector<16xi32>
        %add3A_916 = arith.constant 16 : i32
        %add3A_917 = vector.broadcast %add3A_916 : i32 to vector<16xi32>
        %add3A_918 = arith.addi %broadcast_in_dim3A_912, %add3A_917 : vector<16xi32>
        %select_n3A_919 = arith.select %lt3A_915, %add3A_918, %broadcast_in_dim3A_912 : vector<16xi1>, vector<16xi32>
        %broadcast_in_dim3A_920 = vector.shape_cast %select_n3A_919 : vector<16xi32> to vector<16x1xi32>
        %gather3A_921 = vector.shape_cast %broadcast_in_dim3A_920 : vector<16x1xi32> to vector<16xi32>
        %gather3A_922 = tpu.dynamic_gather %get3A_50[%gather3A_921] in [0] : vector<16xf32>, vector<16xi32> -> vector<16xf32>
        %mul3A_923 = arith.constant 16 : i32
        %mul3A_924 = arith.muli %scan3A_42, %mul3A_923 : i32
        %add3A_925 = arith.constant 9 : i32
        %add3A_926 = arith.addi %mul3A_924, %add3A_925 : i32
        %get3A_927 = arith.index_cast %add3A_926 : i32 to index
        %get3A_928 = arith.constant 0 : index
        %get3A_929 = tpu.vector_load %arg11[%get3A_927, %get3A_928] {strides = array<i32>} : memref<128x128xf32, #tpu.memory_space<vmem>>, vector<1x16xf32>,
        %get3A_930 = vector.shape_cast %get3A_929 : vector<1x16xf32> to vector<16xf32>
        %mul3A_931 = arith.mulf %get3A_930, %gather3A_922 : vector<16xf32>
        %swap3A_932 = arith.index_cast %add3A_926 : i32 to index
        %swap3A_933 = arith.constant 0 : index
        %swap3A_934 = tpu.vector_load %arg11[%swap3A_932, %swap3A_933] {strides = array<i32>} : memref<128x128xf32, #tpu.memory_space<vmem>>, vector<1x16xf32>,
        %swap3A_935 = vector.shape_cast %swap3A_934 : vector<1x16xf32> to vector<16xf32>
        %swap3A_936 = vector.shape_cast %mul3A_931 : vector<16xf32> to vector<1x16xf32>
        tpu.vector_store %arg11[%swap3A_932, %swap3A_933], %swap3A_936 {strides = array<i32>} : memref<128x128xf32, #tpu.memory_space<vmem>>, vector<1x16xf32>,
        %get3A_937 = arith.index_cast %add3A_926 : i32 to index
        %get3A_938 = arith.constant 16 : index
        %get3A_939 = tpu.vector_load %arg11[%get3A_937, %get3A_938] {strides = array<i32>} : memref<128x128xf32, #tpu.memory_space<vmem>>, vector<1x16xf32>,
        %get3A_940 = vector.shape_cast %get3A_939 : vector<1x16xf32> to vector<16xf32>
        %mul3A_941 = arith.mulf %get3A_940, %gather3A_922 : vector<16xf32>
        %swap3A_942 = arith.index_cast %add3A_926 : i32 to index
        %swap3A_943 = arith.constant 16 : index
        %swap3A_944 = tpu.vector_load %arg11[%swap3A_942, %swap3A_943] {strides = array<i32>} : memref<128x128xf32, #tpu.memory_space<vmem>>, vector<1x16xf32>,
        %swap3A_945 = vector.shape_cast %swap3A_944 : vector<1x16xf32> to vector<16xf32>
        %swap3A_946 = vector.shape_cast %mul3A_941 : vector<16xf32> to vector<1x16xf32>
        tpu.vector_store %arg11[%swap3A_942, %swap3A_943], %swap3A_946 {strides = array<i32>} : memref<128x128xf32, #tpu.memory_space<vmem>>, vector<1x16xf32>,
        %get3A_947 = arith.index_cast %add3A_926 : i32 to index
        %get3A_948 = arith.constant 32 : index
        %get3A_949 = tpu.vector_load %arg11[%get3A_947, %get3A_948] {strides = array<i32>} : memref<128x128xf32, #tpu.memory_space<vmem>>, vector<1x16xf32>,
        %get3A_950 = vector.shape_cast %get3A_949 : vector<1x16xf32> to vector<16xf32>
        %mul3A_951 = arith.mulf %get3A_950, %gather3A_922 : vector<16xf32>
        %swap3A_952 = arith.index_cast %add3A_926 : i32 to index
        %swap3A_953 = arith.constant 32 : index
        %swap3A_954 = tpu.vector_load %arg11[%swap3A_952, %swap3A_953] {strides = array<i32>} : memref<128x128xf32, #tpu.memory_space<vmem>>, vector<1x16xf32>,
        %swap3A_955 = vector.shape_cast %swap3A_954 : vector<1x16xf32> to vector<16xf32>
        %swap3A_956 = vector.shape_cast %mul3A_951 : vector<16xf32> to vector<1x16xf32>
        tpu.vector_store %arg11[%swap3A_952, %swap3A_953], %swap3A_956 {strides = array<i32>} : memref<128x128xf32, #tpu.memory_space<vmem>>, vector<1x16xf32>,
        %get3A_957 = arith.index_cast %add3A_926 : i32 to index
        %get3A_958 = arith.constant 48 : index
        %get3A_959 = tpu.vector_load %arg11[%get3A_957, %get3A_958] {strides = array<i32>} : memref<128x128xf32, #tpu.memory_space<vmem>>, vector<1x16xf32>,
        %get3A_960 = vector.shape_cast %get3A_959 : vector<1x16xf32> to vector<16xf32>
        %mul3A_961 = arith.mulf %get3A_960, %gather3A_922 : vector<16xf32>
        %swap3A_962 = arith.index_cast %add3A_926 : i32 to index
        %swap3A_963 = arith.constant 48 : index
        %swap3A_964 = tpu.vector_load %arg11[%swap3A_962, %swap3A_963] {strides = array<i32>} : memref<128x128xf32, #tpu.memory_space<vmem>>, vector<1x16xf32>,
        %swap3A_965 = vector.shape_cast %swap3A_964 : vector<1x16xf32> to vector<16xf32>
        %swap3A_966 = vector.shape_cast %mul3A_961 : vector<16xf32> to vector<1x16xf32>
        tpu.vector_store %arg11[%swap3A_962, %swap3A_963], %swap3A_966 {strides = array<i32>} : memref<128x128xf32, #tpu.memory_space<vmem>>, vector<1x16xf32>,
        %get3A_967 = arith.index_cast %add3A_926 : i32 to index
        %get3A_968 = arith.constant 64 : index
        %get3A_969 = tpu.vector_load %arg11[%get3A_967, %get3A_968] {strides = array<i32>} : memref<128x128xf32, #tpu.memory_space<vmem>>, vector<1x16xf32>,
        %get3A_970 = vector.shape_cast %get3A_969 : vector<1x16xf32> to vector<16xf32>
        %mul3A_971 = arith.mulf %get3A_970, %gather3A_922 : vector<16xf32>
        %swap3A_972 = arith.index_cast %add3A_926 : i32 to index
        %swap3A_973 = arith.constant 64 : index
        %swap3A_974 = tpu.vector_load %arg11[%swap3A_972, %swap3A_973] {strides = array<i32>} : memref<128x128xf32, #tpu.memory_space<vmem>>, vector<1x16xf32>,
        %swap3A_975 = vector.shape_cast %swap3A_974 : vector<1x16xf32> to vector<16xf32>
        %swap3A_976 = vector.shape_cast %mul3A_971 : vector<16xf32> to vector<1x16xf32>
        tpu.vector_store %arg11[%swap3A_972, %swap3A_973], %swap3A_976 {strides = array<i32>} : memref<128x128xf32, #tpu.memory_space<vmem>>, vector<1x16xf32>,
        %get3A_977 = arith.index_cast %add3A_926 : i32 to index
        %get3A_978 = arith.constant 80 : index
        %get3A_979 = tpu.vector_load %arg11[%get3A_977, %get3A_978] {strides = array<i32>} : memref<128x128xf32, #tpu.memory_space<vmem>>, vector<1x16xf32>,
        %get3A_980 = vector.shape_cast %get3A_979 : vector<1x16xf32> to vector<16xf32>
        %mul3A_981 = arith.mulf %get3A_980, %gather3A_922 : vector<16xf32>
        %swap3A_982 = arith.index_cast %add3A_926 : i32 to index
        %swap3A_983 = arith.constant 80 : index
        %swap3A_984 = tpu.vector_load %arg11[%swap3A_982, %swap3A_983] {strides = array<i32>} : memref<128x128xf32, #tpu.memory_space<vmem>>, vector<1x16xf32>,
        %swap3A_985 = vector.shape_cast %swap3A_984 : vector<1x16xf32> to vector<16xf32>
        %swap3A_986 = vector.shape_cast %mul3A_981 : vector<16xf32> to vector<1x16xf32>
        tpu.vector_store %arg11[%swap3A_982, %swap3A_983], %swap3A_986 {strides = array<i32>} : memref<128x128xf32, #tpu.memory_space<vmem>>, vector<1x16xf32>,
        %get3A_987 = arith.index_cast %add3A_926 : i32 to index
        %get3A_988 = arith.constant 96 : index
        %get3A_989 = tpu.vector_load %arg11[%get3A_987, %get3A_988] {strides = array<i32>} : memref<128x128xf32, #tpu.memory_space<vmem>>, vector<1x16xf32>,
        %get3A_990 = vector.shape_cast %get3A_989 : vector<1x16xf32> to vector<16xf32>
        %mul3A_991 = arith.mulf %get3A_990, %gather3A_922 : vector<16xf32>
        %swap3A_992 = arith.index_cast %add3A_926 : i32 to index
        %swap3A_993 = arith.constant 96 : index
        %swap3A_994 = tpu.vector_load %arg11[%swap3A_992, %swap3A_993] {strides = array<i32>} : memref<128x128xf32, #tpu.memory_space<vmem>>, vector<1x16xf32>,
        %swap3A_995 = vector.shape_cast %swap3A_994 : vector<1x16xf32> to vector<16xf32>
        %swap3A_996 = vector.shape_cast %mul3A_991 : vector<16xf32> to vector<1x16xf32>
        tpu.vector_store %arg11[%swap3A_992, %swap3A_993], %swap3A_996 {strides = array<i32>} : memref<128x128xf32, #tpu.memory_space<vmem>>, vector<1x16xf32>,
        %get3A_997 = arith.index_cast %add3A_926 : i32 to index
        %get3A_998 = arith.constant 112 : index
        %get3A_999 = tpu.vector_load %arg11[%get3A_997, %get3A_998] {strides = array<i32>} : memref<128x128xf32, #tpu.memory_space<vmem>>, vector<1x16xf32>,
        %get3A_1000 = vector.shape_cast %get3A_999 : vector<1x16xf32> to vector<16xf32>
        %mul3A_1001 = arith.mulf %get3A_1000, %gather3A_922 : vector<16xf32>
        %swap3A_1002 = arith.index_cast %add3A_926 : i32 to index
        %swap3A_1003 = arith.constant 112 : index
        %swap3A_1004 = tpu.vector_load %arg11[%swap3A_1002, %swap3A_1003] {strides = array<i32>} : memref<128x128xf32, #tpu.memory_space<vmem>>, vector<1x16xf32>,
        %swap3A_1005 = vector.shape_cast %swap3A_1004 : vector<1x16xf32> to vector<16xf32>
        %swap3A_1006 = vector.shape_cast %mul3A_1001 : vector<16xf32> to vector<1x16xf32>
        tpu.vector_store %arg11[%swap3A_1002, %swap3A_1003], %swap3A_1006 {strides = array<i32>} : memref<128x128xf32, #tpu.memory_space<vmem>>, vector<1x16xf32>,
        %broadcast_in_dim3A_1007 = arith.constant 10 : i32
        %broadcast_in_dim3A_1008 = vector.broadcast %broadcast_in_dim3A_1007 : i32 to vector<16xi32>
        %lt3A_1009 = arith.constant 0 : i32
        %lt3A_1010 = vector.broadcast %lt3A_1009 : i32 to vector<16xi32>
        %lt3A_1011 = arith.cmpi slt, %broadcast_in_dim3A_1008, %lt3A_1010 : vector<16xi32>
        %add3A_1012 = arith.constant 16 : i32
        %add3A_1013 = vector.broadcast %add3A_1012 : i32 to vector<16xi32>
        %add3A_1014 = arith.addi %broadcast_in_dim3A_1008, %add3A_1013 : vector<16xi32>
        %select_n3A_1015 = arith.select %lt3A_1011, %add3A_1014, %broadcast_in_dim3A_1008 : vector<16xi1>, vector<16xi32>
        %broadcast_in_dim3A_1016 = vector.shape_cast %select_n3A_1015 : vector<16xi32> to vector<16x1xi32>
        %gather3A_1017 = vector.shape_cast %broadcast_in_dim3A_1016 : vector<16x1xi32> to vector<16xi32>
        %gather3A_1018 = tpu.dynamic_gather %get3A_50[%gather3A_1017] in [0] : vector<16xf32>, vector<16xi32> -> vector<16xf32>
        %mul3A_1019 = arith.constant 16 : i32
        %mul3A_1020 = arith.muli %scan3A_42, %mul3A_1019 : i32
        %add3A_1021 = arith.constant 10 : i32
        %add3A_1022 = arith.addi %mul3A_1020, %add3A_1021 : i32
        %get3A_1023 = arith.index_cast %add3A_1022 : i32 to index
        %get3A_1024 = arith.constant 0 : index
        %get3A_1025 = tpu.vector_load %arg11[%get3A_1023, %get3A_1024] {strides = array<i32>} : memref<128x128xf32, #tpu.memory_space<vmem>>, vector<1x16xf32>,
        %get3A_1026 = vector.shape_cast %get3A_1025 : vector<1x16xf32> to vector<16xf32>
        %mul3A_1027 = arith.mulf %get3A_1026, %gather3A_1018 : vector<16xf32>
        %swap3A_1028 = arith.index_cast %add3A_1022 : i32 to index
        %swap3A_1029 = arith.constant 0 : index
        %swap3A_1030 = tpu.vector_load %arg11[%swap3A_1028, %swap3A_1029] {strides = array<i32>} : memref<128x128xf32, #tpu.memory_space<vmem>>, vector<1x16xf32>,
        %swap3A_1031 = vector.shape_cast %swap3A_1030 : vector<1x16xf32> to vector<16xf32>
        %swap3A_1032 = vector.shape_cast %mul3A_1027 : vector<16xf32> to vector<1x16xf32>
        tpu.vector_store %arg11[%swap3A_1028, %swap3A_1029], %swap3A_1032 {strides = array<i32>} : memref<128x128xf32, #tpu.memory_space<vmem>>, vector<1x16xf32>,
        %get3A_1033 = arith.index_cast %add3A_1022 : i32 to index
        %get3A_1034 = arith.constant 16 : index
        %get3A_1035 = tpu.vector_load %arg11[%get3A_1033, %get3A_1034] {strides = array<i32>} : memref<128x128xf32, #tpu.memory_space<vmem>>, vector<1x16xf32>,
        %get3A_1036 = vector.shape_cast %get3A_1035 : vector<1x16xf32> to vector<16xf32>
        %mul3A_1037 = arith.mulf %get3A_1036, %gather3A_1018 : vector<16xf32>
        %swap3A_1038 = arith.index_cast %add3A_1022 : i32 to index
        %swap3A_1039 = arith.constant 16 : index
        %swap3A_1040 = tpu.vector_load %arg11[%swap3A_1038, %swap3A_1039] {strides = array<i32>} : memref<128x128xf32, #tpu.memory_space<vmem>>, vector<1x16xf32>,
        %swap3A_1041 = vector.shape_cast %swap3A_1040 : vector<1x16xf32> to vector<16xf32>
        %swap3A_1042 = vector.shape_cast %mul3A_1037 : vector<16xf32> to vector<1x16xf32>
        tpu.vector_store %arg11[%swap3A_1038, %swap3A_1039], %swap3A_1042 {strides = array<i32>} : memref<128x128xf32, #tpu.memory_space<vmem>>, vector<1x16xf32>,
        %get3A_1043 = arith.index_cast %add3A_1022 : i32 to index
        %get3A_1044 = arith.constant 32 : index
        %get3A_1045 = tpu.vector_load %arg11[%get3A_1043, %get3A_1044] {strides = array<i32>} : memref<128x128xf32, #tpu.memory_space<vmem>>, vector<1x16xf32>,
        %get3A_1046 = vector.shape_cast %get3A_1045 : vector<1x16xf32> to vector<16xf32>
        %mul3A_1047 = arith.mulf %get3A_1046, %gather3A_1018 : vector<16xf32>
        %swap3A_1048 = arith.index_cast %add3A_1022 : i32 to index
        %swap3A_1049 = arith.constant 32 : index
        %swap3A_1050 = tpu.vector_load %arg11[%swap3A_1048, %swap3A_1049] {strides = array<i32>} : memref<128x128xf32, #tpu.memory_space<vmem>>, vector<1x16xf32>,
        %swap3A_1051 = vector.shape_cast %swap3A_1050 : vector<1x16xf32> to vector<16xf32>
        %swap3A_1052 = vector.shape_cast %mul3A_1047 : vector<16xf32> to vector<1x16xf32>
        tpu.vector_store %arg11[%swap3A_1048, %swap3A_1049], %swap3A_1052 {strides = array<i32>} : memref<128x128xf32, #tpu.memory_space<vmem>>, vector<1x16xf32>,
        %get3A_1053 = arith.index_cast %add3A_1022 : i32 to index
        %get3A_1054 = arith.constant 48 : index
        %get3A_1055 = tpu.vector_load %arg11[%get3A_1053, %get3A_1054] {strides = array<i32>} : memref<128x128xf32, #tpu.memory_space<vmem>>, vector<1x16xf32>,
        %get3A_1056 = vector.shape_cast %get3A_1055 : vector<1x16xf32> to vector<16xf32>
        %mul3A_1057 = arith.mulf %get3A_1056, %gather3A_1018 : vector<16xf32>
        %swap3A_1058 = arith.index_cast %add3A_1022 : i32 to index
        %swap3A_1059 = arith.constant 48 : index
        %swap3A_1060 = tpu.vector_load %arg11[%swap3A_1058, %swap3A_1059] {strides = array<i32>} : memref<128x128xf32, #tpu.memory_space<vmem>>, vector<1x16xf32>,
        %swap3A_1061 = vector.shape_cast %swap3A_1060 : vector<1x16xf32> to vector<16xf32>
        %swap3A_1062 = vector.shape_cast %mul3A_1057 : vector<16xf32> to vector<1x16xf32>
        tpu.vector_store %arg11[%swap3A_1058, %swap3A_1059], %swap3A_1062 {strides = array<i32>} : memref<128x128xf32, #tpu.memory_space<vmem>>, vector<1x16xf32>,
        %get3A_1063 = arith.index_cast %add3A_1022 : i32 to index
        %get3A_1064 = arith.constant 64 : index
        %get3A_1065 = tpu.vector_load %arg11[%get3A_1063, %get3A_1064] {strides = array<i32>} : memref<128x128xf32, #tpu.memory_space<vmem>>, vector<1x16xf32>,
        %get3A_1066 = vector.shape_cast %get3A_1065 : vector<1x16xf32> to vector<16xf32>
        %mul3A_1067 = arith.mulf %get3A_1066, %gather3A_1018 : vector<16xf32>
        %swap3A_1068 = arith.index_cast %add3A_1022 : i32 to index
        %swap3A_1069 = arith.constant 64 : index
        %swap3A_1070 = tpu.vector_load %arg11[%swap3A_1068, %swap3A_1069] {strides = array<i32>} : memref<128x128xf32, #tpu.memory_space<vmem>>, vector<1x16xf32>,
        %swap3A_1071 = vector.shape_cast %swap3A_1070 : vector<1x16xf32> to vector<16xf32>
        %swap3A_1072 = vector.shape_cast %mul3A_1067 : vector<16xf32> to vector<1x16xf32>
        tpu.vector_store %arg11[%swap3A_1068, %swap3A_1069], %swap3A_1072 {strides = array<i32>} : memref<128x128xf32, #tpu.memory_space<vmem>>, vector<1x16xf32>,
        %get3A_1073 = arith.index_cast %add3A_1022 : i32 to index
        %get3A_1074 = arith.constant 80 : index
        %get3A_1075 = tpu.vector_load %arg11[%get3A_1073, %get3A_1074] {strides = array<i32>} : memref<128x128xf32, #tpu.memory_space<vmem>>, vector<1x16xf32>,
        %get3A_1076 = vector.shape_cast %get3A_1075 : vector<1x16xf32> to vector<16xf32>
        %mul3A_1077 = arith.mulf %get3A_1076, %gather3A_1018 : vector<16xf32>
        %swap3A_1078 = arith.index_cast %add3A_1022 : i32 to index
        %swap3A_1079 = arith.constant 80 : index
        %swap3A_1080 = tpu.vector_load %arg11[%swap3A_1078, %swap3A_1079] {strides = array<i32>} : memref<128x128xf32, #tpu.memory_space<vmem>>, vector<1x16xf32>,
        %swap3A_1081 = vector.shape_cast %swap3A_1080 : vector<1x16xf32> to vector<16xf32>
        %swap3A_1082 = vector.shape_cast %mul3A_1077 : vector<16xf32> to vector<1x16xf32>
        tpu.vector_store %arg11[%swap3A_1078, %swap3A_1079], %swap3A_1082 {strides = array<i32>} : memref<128x128xf32, #tpu.memory_space<vmem>>, vector<1x16xf32>,
        %get3A_1083 = arith.index_cast %add3A_1022 : i32 to index
        %get3A_1084 = arith.constant 96 : index
        %get3A_1085 = tpu.vector_load %arg11[%get3A_1083, %get3A_1084] {strides = array<i32>} : memref<128x128xf32, #tpu.memory_space<vmem>>, vector<1x16xf32>,
        %get3A_1086 = vector.shape_cast %get3A_1085 : vector<1x16xf32> to vector<16xf32>
        %mul3A_1087 = arith.mulf %get3A_1086, %gather3A_1018 : vector<16xf32>
        %swap3A_1088 = arith.index_cast %add3A_1022 : i32 to index
        %swap3A_1089 = arith.constant 96 : index
        %swap3A_1090 = tpu.vector_load %arg11[%swap3A_1088, %swap3A_1089] {strides = array<i32>} : memref<128x128xf32, #tpu.memory_space<vmem>>, vector<1x16xf32>,
        %swap3A_1091 = vector.shape_cast %swap3A_1090 : vector<1x16xf32> to vector<16xf32>
        %swap3A_1092 = vector.shape_cast %mul3A_1087 : vector<16xf32> to vector<1x16xf32>
        tpu.vector_store %arg11[%swap3A_1088, %swap3A_1089], %swap3A_1092 {strides = array<i32>} : memref<128x128xf32, #tpu.memory_space<vmem>>, vector<1x16xf32>,
        %get3A_1093 = arith.index_cast %add3A_1022 : i32 to index
        %get3A_1094 = arith.constant 112 : index
        %get3A_1095 = tpu.vector_load %arg11[%get3A_1093, %get3A_1094] {strides = array<i32>} : memref<128x128xf32, #tpu.memory_space<vmem>>, vector<1x16xf32>,
        %get3A_1096 = vector.shape_cast %get3A_1095 : vector<1x16xf32> to vector<16xf32>
        %mul3A_1097 = arith.mulf %get3A_1096, %gather3A_1018 : vector<16xf32>
        %swap3A_1098 = arith.index_cast %add3A_1022 : i32 to index
        %swap3A_1099 = arith.constant 112 : index
        %swap3A_1100 = tpu.vector_load %arg11[%swap3A_1098, %swap3A_1099] {strides = array<i32>} : memref<128x128xf32, #tpu.memory_space<vmem>>, vector<1x16xf32>,
        %swap3A_1101 = vector.shape_cast %swap3A_1100 : vector<1x16xf32> to vector<16xf32>
        %swap3A_1102 = vector.shape_cast %mul3A_1097 : vector<16xf32> to vector<1x16xf32>
        tpu.vector_store %arg11[%swap3A_1098, %swap3A_1099], %swap3A_1102 {strides = array<i32>} : memref<128x128xf32, #tpu.memory_space<vmem>>, vector<1x16xf32>,
        %broadcast_in_dim3A_1103 = arith.constant 11 : i32
        %broadcast_in_dim3A_1104 = vector.broadcast %broadcast_in_dim3A_1103 : i32 to vector<16xi32>
        %lt3A_1105 = arith.constant 0 : i32
        %lt3A_1106 = vector.broadcast %lt3A_1105 : i32 to vector<16xi32>
        %lt3A_1107 = arith.cmpi slt, %broadcast_in_dim3A_1104, %lt3A_1106 : vector<16xi32>
        %add3A_1108 = arith.constant 16 : i32
        %add3A_1109 = vector.broadcast %add3A_1108 : i32 to vector<16xi32>
        %add3A_1110 = arith.addi %broadcast_in_dim3A_1104, %add3A_1109 : vector<16xi32>
        %select_n3A_1111 = arith.select %lt3A_1107, %add3A_1110, %broadcast_in_dim3A_1104 : vector<16xi1>, vector<16xi32>
        %broadcast_in_dim3A_1112 = vector.shape_cast %select_n3A_1111 : vector<16xi32> to vector<16x1xi32>
        %gather3A_1113 = vector.shape_cast %broadcast_in_dim3A_1112 : vector<16x1xi32> to vector<16xi32>
        %gather3A_1114 = tpu.dynamic_gather %get3A_50[%gather3A_1113] in [0] : vector<16xf32>, vector<16xi32> -> vector<16xf32>
        %mul3A_1115 = arith.constant 16 : i32
        %mul3A_1116 = arith.muli %scan3A_42, %mul3A_1115 : i32
        %add3A_1117 = arith.constant 11 : i32
        %add3A_1118 = arith.addi %mul3A_1116, %add3A_1117 : i32
        %get3A_1119 = arith.index_cast %add3A_1118 : i32 to index
        %get3A_1120 = arith.constant 0 : index
        %get3A_1121 = tpu.vector_load %arg11[%get3A_1119, %get3A_1120] {strides = array<i32>} : memref<128x128xf32, #tpu.memory_space<vmem>>, vector<1x16xf32>,
        %get3A_1122 = vector.shape_cast %get3A_1121 : vector<1x16xf32> to vector<16xf32>
        %mul3A_1123 = arith.mulf %get3A_1122, %gather3A_1114 : vector<16xf32>
        %swap3A_1124 = arith.index_cast %add3A_1118 : i32 to index
        %swap3A_1125 = arith.constant 0 : index
        %swap3A_1126 = tpu.vector_load %arg11[%swap3A_1124, %swap3A_1125] {strides = array<i32>} : memref<128x128xf32, #tpu.memory_space<vmem>>, vector<1x16xf32>,
        %swap3A_1127 = vector.shape_cast %swap3A_1126 : vector<1x16xf32> to vector<16xf32>
        %swap3A_1128 = vector.shape_cast %mul3A_1123 : vector<16xf32> to vector<1x16xf32>
        tpu.vector_store %arg11[%swap3A_1124, %swap3A_1125], %swap3A_1128 {strides = array<i32>} : memref<128x128xf32, #tpu.memory_space<vmem>>, vector<1x16xf32>,
        %get3A_1129 = arith.index_cast %add3A_1118 : i32 to index
        %get3A_1130 = arith.constant 16 : index
        %get3A_1131 = tpu.vector_load %arg11[%get3A_1129, %get3A_1130] {strides = array<i32>} : memref<128x128xf32, #tpu.memory_space<vmem>>, vector<1x16xf32>,
        %get3A_1132 = vector.shape_cast %get3A_1131 : vector<1x16xf32> to vector<16xf32>
        %mul3A_1133 = arith.mulf %get3A_1132, %gather3A_1114 : vector<16xf32>
        %swap3A_1134 = arith.index_cast %add3A_1118 : i32 to index
        %swap3A_1135 = arith.constant 16 : index
        %swap3A_1136 = tpu.vector_load %arg11[%swap3A_1134, %swap3A_1135] {strides = array<i32>} : memref<128x128xf32, #tpu.memory_space<vmem>>, vector<1x16xf32>,
        %swap3A_1137 = vector.shape_cast %swap3A_1136 : vector<1x16xf32> to vector<16xf32>
        %swap3A_1138 = vector.shape_cast %mul3A_1133 : vector<16xf32> to vector<1x16xf32>
        tpu.vector_store %arg11[%swap3A_1134, %swap3A_1135], %swap3A_1138 {strides = array<i32>} : memref<128x128xf32, #tpu.memory_space<vmem>>, vector<1x16xf32>,
        %get3A_1139 = arith.index_cast %add3A_1118 : i32 to index
        %get3A_1140 = arith.constant 32 : index
        %get3A_1141 = tpu.vector_load %arg11[%get3A_1139, %get3A_1140] {strides = array<i32>} : memref<128x128xf32, #tpu.memory_space<vmem>>, vector<1x16xf32>,
        %get3A_1142 = vector.shape_cast %get3A_1141 : vector<1x16xf32> to vector<16xf32>
        %mul3A_1143 = arith.mulf %get3A_1142, %gather3A_1114 : vector<16xf32>
        %swap3A_1144 = arith.index_cast %add3A_1118 : i32 to index
        %swap3A_1145 = arith.constant 32 : index
        %swap3A_1146 = tpu.vector_load %arg11[%swap3A_1144, %swap3A_1145] {strides = array<i32>} : memref<128x128xf32, #tpu.memory_space<vmem>>, vector<1x16xf32>,
        %swap3A_1147 = vector.shape_cast %swap3A_1146 : vector<1x16xf32> to vector<16xf32>
        %swap3A_1148 = vector.shape_cast %mul3A_1143 : vector<16xf32> to vector<1x16xf32>
        tpu.vector_store %arg11[%swap3A_1144, %swap3A_1145], %swap3A_1148 {strides = array<i32>} : memref<128x128xf32, #tpu.memory_space<vmem>>, vector<1x16xf32>,
        %get3A_1149 = arith.index_cast %add3A_1118 : i32 to index
        %get3A_1150 = arith.constant 48 : index
        %get3A_1151 = tpu.vector_load %arg11[%get3A_1149, %get3A_1150] {strides = array<i32>} : memref<128x128xf32, #tpu.memory_space<vmem>>, vector<1x16xf32>,
        %get3A_1152 = vector.shape_cast %get3A_1151 : vector<1x16xf32> to vector<16xf32>
        %mul3A_1153 = arith.mulf %get3A_1152, %gather3A_1114 : vector<16xf32>
        %swap3A_1154 = arith.index_cast %add3A_1118 : i32 to index
        %swap3A_1155 = arith.constant 48 : index
        %swap3A_1156 = tpu.vector_load %arg11[%swap3A_1154, %swap3A_1155] {strides = array<i32>} : memref<128x128xf32, #tpu.memory_space<vmem>>, vector<1x16xf32>,
        %swap3A_1157 = vector.shape_cast %swap3A_1156 : vector<1x16xf32> to vector<16xf32>
        %swap3A_1158 = vector.shape_cast %mul3A_1153 : vector<16xf32> to vector<1x16xf32>
        tpu.vector_store %arg11[%swap3A_1154, %swap3A_1155], %swap3A_1158 {strides = array<i32>} : memref<128x128xf32, #tpu.memory_space<vmem>>, vector<1x16xf32>,
        %get3A_1159 = arith.index_cast %add3A_1118 : i32 to index
        %get3A_1160 = arith.constant 64 : index
        %get3A_1161 = tpu.vector_load %arg11[%get3A_1159, %get3A_1160] {strides = array<i32>} : memref<128x128xf32, #tpu.memory_space<vmem>>, vector<1x16xf32>,
        %get3A_1162 = vector.shape_cast %get3A_1161 : vector<1x16xf32> to vector<16xf32>
        %mul3A_1163 = arith.mulf %get3A_1162, %gather3A_1114 : vector<16xf32>
        %swap3A_1164 = arith.index_cast %add3A_1118 : i32 to index
        %swap3A_1165 = arith.constant 64 : index
        %swap3A_1166 = tpu.vector_load %arg11[%swap3A_1164, %swap3A_1165] {strides = array<i32>} : memref<128x128xf32, #tpu.memory_space<vmem>>, vector<1x16xf32>,
        %swap3A_1167 = vector.shape_cast %swap3A_1166 : vector<1x16xf32> to vector<16xf32>
        %swap3A_1168 = vector.shape_cast %mul3A_1163 : vector<16xf32> to vector<1x16xf32>
        tpu.vector_store %arg11[%swap3A_1164, %swap3A_1165], %swap3A_1168 {strides = array<i32>} : memref<128x128xf32, #tpu.memory_space<vmem>>, vector<1x16xf32>,
        %get3A_1169 = arith.index_cast %add3A_1118 : i32 to index
        %get3A_1170 = arith.constant 80 : index
        %get3A_1171 = tpu.vector_load %arg11[%get3A_1169, %get3A_1170] {strides = array<i32>} : memref<128x128xf32, #tpu.memory_space<vmem>>, vector<1x16xf32>,
        %get3A_1172 = vector.shape_cast %get3A_1171 : vector<1x16xf32> to vector<16xf32>
        %mul3A_1173 = arith.mulf %get3A_1172, %gather3A_1114 : vector<16xf32>
        %swap3A_1174 = arith.index_cast %add3A_1118 : i32 to index
        %swap3A_1175 = arith.constant 80 : index
        %swap3A_1176 = tpu.vector_load %arg11[%swap3A_1174, %swap3A_1175] {strides = array<i32>} : memref<128x128xf32, #tpu.memory_space<vmem>>, vector<1x16xf32>,
        %swap3A_1177 = vector.shape_cast %swap3A_1176 : vector<1x16xf32> to vector<16xf32>
        %swap3A_1178 = vector.shape_cast %mul3A_1173 : vector<16xf32> to vector<1x16xf32>
        tpu.vector_store %arg11[%swap3A_1174, %swap3A_1175], %swap3A_1178 {strides = array<i32>} : memref<128x128xf32, #tpu.memory_space<vmem>>, vector<1x16xf32>,
        %get3A_1179 = arith.index_cast %add3A_1118 : i32 to index
        %get3A_1180 = arith.constant 96 : index
        %get3A_1181 = tpu.vector_load %arg11[%get3A_1179, %get3A_1180] {strides = array<i32>} : memref<128x128xf32, #tpu.memory_space<vmem>>, vector<1x16xf32>,
        %get3A_1182 = vector.shape_cast %get3A_1181 : vector<1x16xf32> to vector<16xf32>
        %mul3A_1183 = arith.mulf %get3A_1182, %gather3A_1114 : vector<16xf32>
        %swap3A_1184 = arith.index_cast %add3A_1118 : i32 to index
        %swap3A_1185 = arith.constant 96 : index
        %swap3A_1186 = tpu.vector_load %arg11[%swap3A_1184, %swap3A_1185] {strides = array<i32>} : memref<128x128xf32, #tpu.memory_space<vmem>>, vector<1x16xf32>,
        %swap3A_1187 = vector.shape_cast %swap3A_1186 : vector<1x16xf32> to vector<16xf32>
        %swap3A_1188 = vector.shape_cast %mul3A_1183 : vector<16xf32> to vector<1x16xf32>
        tpu.vector_store %arg11[%swap3A_1184, %swap3A_1185], %swap3A_1188 {strides = array<i32>} : memref<128x128xf32, #tpu.memory_space<vmem>>, vector<1x16xf32>,
        %get3A_1189 = arith.index_cast %add3A_1118 : i32 to index
        %get3A_1190 = arith.constant 112 : index
        %get3A_1191 = tpu.vector_load %arg11[%get3A_1189, %get3A_1190] {strides = array<i32>} : memref<128x128xf32, #tpu.memory_space<vmem>>, vector<1x16xf32>,
        %get3A_1192 = vector.shape_cast %get3A_1191 : vector<1x16xf32> to vector<16xf32>
        %mul3A_1193 = arith.mulf %get3A_1192, %gather3A_1114 : vector<16xf32>
        %swap3A_1194 = arith.index_cast %add3A_1118 : i32 to index
        %swap3A_1195 = arith.constant 112 : index
        %swap3A_1196 = tpu.vector_load %arg11[%swap3A_1194, %swap3A_1195] {strides = array<i32>} : memref<128x128xf32, #tpu.memory_space<vmem>>, vector<1x16xf32>,
        %swap3A_1197 = vector.shape_cast %swap3A_1196 : vector<1x16xf32> to vector<16xf32>
        %swap3A_1198 = vector.shape_cast %mul3A_1193 : vector<16xf32> to vector<1x16xf32>
        tpu.vector_store %arg11[%swap3A_1194, %swap3A_1195], %swap3A_1198 {strides = array<i32>} : memref<128x128xf32, #tpu.memory_space<vmem>>, vector<1x16xf32>,
        %broadcast_in_dim3A_1199 = arith.constant 12 : i32
        %broadcast_in_dim3A_1200 = vector.broadcast %broadcast_in_dim3A_1199 : i32 to vector<16xi32>
        %lt3A_1201 = arith.constant 0 : i32
        %lt3A_1202 = vector.broadcast %lt3A_1201 : i32 to vector<16xi32>
        %lt3A_1203 = arith.cmpi slt, %broadcast_in_dim3A_1200, %lt3A_1202 : vector<16xi32>
        %add3A_1204 = arith.constant 16 : i32
        %add3A_1205 = vector.broadcast %add3A_1204 : i32 to vector<16xi32>
        %add3A_1206 = arith.addi %broadcast_in_dim3A_1200, %add3A_1205 : vector<16xi32>
        %select_n3A_1207 = arith.select %lt3A_1203, %add3A_1206, %broadcast_in_dim3A_1200 : vector<16xi1>, vector<16xi32>
        %broadcast_in_dim3A_1208 = vector.shape_cast %select_n3A_1207 : vector<16xi32> to vector<16x1xi32>
        %gather3A_1209 = vector.shape_cast %broadcast_in_dim3A_1208 : vector<16x1xi32> to vector<16xi32>
        %gather3A_1210 = tpu.dynamic_gather %get3A_50[%gather3A_1209] in [0] : vector<16xf32>, vector<16xi32> -> vector<16xf32>
        %mul3A_1211 = arith.constant 16 : i32
        %mul3A_1212 = arith.muli %scan3A_42, %mul3A_1211 : i32
        %add3A_1213 = arith.constant 12 : i32
        %add3A_1214 = arith.addi %mul3A_1212, %add3A_1213 : i32
        %get3A_1215 = arith.index_cast %add3A_1214 : i32 to index
        %get3A_1216 = arith.constant 0 : index
        %get3A_1217 = tpu.vector_load %arg11[%get3A_1215, %get3A_1216] {strides = array<i32>} : memref<128x128xf32, #tpu.memory_space<vmem>>, vector<1x16xf32>,
        %get3A_1218 = vector.shape_cast %get3A_1217 : vector<1x16xf32> to vector<16xf32>
        %mul3A_1219 = arith.mulf %get3A_1218, %gather3A_1210 : vector<16xf32>
        %swap3A_1220 = arith.index_cast %add3A_1214 : i32 to index
        %swap3A_1221 = arith.constant 0 : index
        %swap3A_1222 = tpu.vector_load %arg11[%swap3A_1220, %swap3A_1221] {strides = array<i32>} : memref<128x128xf32, #tpu.memory_space<vmem>>, vector<1x16xf32>,
        %swap3A_1223 = vector.shape_cast %swap3A_1222 : vector<1x16xf32> to vector<16xf32>
        %swap3A_1224 = vector.shape_cast %mul3A_1219 : vector<16xf32> to vector<1x16xf32>
        tpu.vector_store %arg11[%swap3A_1220, %swap3A_1221], %swap3A_1224 {strides = array<i32>} : memref<128x128xf32, #tpu.memory_space<vmem>>, vector<1x16xf32>,
        %get3A_1225 = arith.index_cast %add3A_1214 : i32 to index
        %get3A_1226 = arith.constant 16 : index
        %get3A_1227 = tpu.vector_load %arg11[%get3A_1225, %get3A_1226] {strides = array<i32>} : memref<128x128xf32, #tpu.memory_space<vmem>>, vector<1x16xf32>,
        %get3A_1228 = vector.shape_cast %get3A_1227 : vector<1x16xf32> to vector<16xf32>
        %mul3A_1229 = arith.mulf %get3A_1228, %gather3A_1210 : vector<16xf32>
        %swap3A_1230 = arith.index_cast %add3A_1214 : i32 to index
        %swap3A_1231 = arith.constant 16 : index
        %swap3A_1232 = tpu.vector_load %arg11[%swap3A_1230, %swap3A_1231] {strides = array<i32>} : memref<128x128xf32, #tpu.memory_space<vmem>>, vector<1x16xf32>,
        %swap3A_1233 = vector.shape_cast %swap3A_1232 : vector<1x16xf32> to vector<16xf32>
        %swap3A_1234 = vector.shape_cast %mul3A_1229 : vector<16xf32> to vector<1x16xf32>
        tpu.vector_store %arg11[%swap3A_1230, %swap3A_1231], %swap3A_1234 {strides = array<i32>} : memref<128x128xf32, #tpu.memory_space<vmem>>, vector<1x16xf32>,
        %get3A_1235 = arith.index_cast %add3A_1214 : i32 to index
        %get3A_1236 = arith.constant 32 : index
        %get3A_1237 = tpu.vector_load %arg11[%get3A_1235, %get3A_1236] {strides = array<i32>} : memref<128x128xf32, #tpu.memory_space<vmem>>, vector<1x16xf32>,
        %get3A_1238 = vector.shape_cast %get3A_1237 : vector<1x16xf32> to vector<16xf32>
        %mul3A_1239 = arith.mulf %get3A_1238, %gather3A_1210 : vector<16xf32>
        %swap3A_1240 = arith.index_cast %add3A_1214 : i32 to index
        %swap3A_1241 = arith.constant 32 : index
        %swap3A_1242 = tpu.vector_load %arg11[%swap3A_1240, %swap3A_1241] {strides = array<i32>} : memref<128x128xf32, #tpu.memory_space<vmem>>, vector<1x16xf32>,
        %swap3A_1243 = vector.shape_cast %swap3A_1242 : vector<1x16xf32> to vector<16xf32>
        %swap3A_1244 = vector.shape_cast %mul3A_1239 : vector<16xf32> to vector<1x16xf32>
        tpu.vector_store %arg11[%swap3A_1240, %swap3A_1241], %swap3A_1244 {strides = array<i32>} : memref<128x128xf32, #tpu.memory_space<vmem>>, vector<1x16xf32>,
        %get3A_1245 = arith.index_cast %add3A_1214 : i32 to index
        %get3A_1246 = arith.constant 48 : index
        %get3A_1247 = tpu.vector_load %arg11[%get3A_1245, %get3A_1246] {strides = array<i32>} : memref<128x128xf32, #tpu.memory_space<vmem>>, vector<1x16xf32>,
        %get3A_1248 = vector.shape_cast %get3A_1247 : vector<1x16xf32> to vector<16xf32>
        %mul3A_1249 = arith.mulf %get3A_1248, %gather3A_1210 : vector<16xf32>
        %swap3A_1250 = arith.index_cast %add3A_1214 : i32 to index
        %swap3A_1251 = arith.constant 48 : index
        %swap3A_1252 = tpu.vector_load %arg11[%swap3A_1250, %swap3A_1251] {strides = array<i32>} : memref<128x128xf32, #tpu.memory_space<vmem>>, vector<1x16xf32>,
        %swap3A_1253 = vector.shape_cast %swap3A_1252 : vector<1x16xf32> to vector<16xf32>
        %swap3A_1254 = vector.shape_cast %mul3A_1249 : vector<16xf32> to vector<1x16xf32>
        tpu.vector_store %arg11[%swap3A_1250, %swap3A_1251], %swap3A_1254 {strides = array<i32>} : memref<128x128xf32, #tpu.memory_space<vmem>>, vector<1x16xf32>,
        %get3A_1255 = arith.index_cast %add3A_1214 : i32 to index
        %get3A_1256 = arith.constant 64 : index
        %get3A_1257 = tpu.vector_load %arg11[%get3A_1255, %get3A_1256] {strides = array<i32>} : memref<128x128xf32, #tpu.memory_space<vmem>>, vector<1x16xf32>,
        %get3A_1258 = vector.shape_cast %get3A_1257 : vector<1x16xf32> to vector<16xf32>
        %mul3A_1259 = arith.mulf %get3A_1258, %gather3A_1210 : vector<16xf32>
        %swap3A_1260 = arith.index_cast %add3A_1214 : i32 to index
        %swap3A_1261 = arith.constant 64 : index
        %swap3A_1262 = tpu.vector_load %arg11[%swap3A_1260, %swap3A_1261] {strides = array<i32>} : memref<128x128xf32, #tpu.memory_space<vmem>>, vector<1x16xf32>,
        %swap3A_1263 = vector.shape_cast %swap3A_1262 : vector<1x16xf32> to vector<16xf32>
        %swap3A_1264 = vector.shape_cast %mul3A_1259 : vector<16xf32> to vector<1x16xf32>
        tpu.vector_store %arg11[%swap3A_1260, %swap3A_1261], %swap3A_1264 {strides = array<i32>} : memref<128x128xf32, #tpu.memory_space<vmem>>, vector<1x16xf32>,
        %get3A_1265 = arith.index_cast %add3A_1214 : i32 to index
        %get3A_1266 = arith.constant 80 : index
        %get3A_1267 = tpu.vector_load %arg11[%get3A_1265, %get3A_1266] {strides = array<i32>} : memref<128x128xf32, #tpu.memory_space<vmem>>, vector<1x16xf32>,
        %get3A_1268 = vector.shape_cast %get3A_1267 : vector<1x16xf32> to vector<16xf32>
        %mul3A_1269 = arith.mulf %get3A_1268, %gather3A_1210 : vector<16xf32>
        %swap3A_1270 = arith.index_cast %add3A_1214 : i32 to index
        %swap3A_1271 = arith.constant 80 : index
        %swap3A_1272 = tpu.vector_load %arg11[%swap3A_1270, %swap3A_1271] {strides = array<i32>} : memref<128x128xf32, #tpu.memory_space<vmem>>, vector<1x16xf32>,
        %swap3A_1273 = vector.shape_cast %swap3A_1272 : vector<1x16xf32> to vector<16xf32>
        %swap3A_1274 = vector.shape_cast %mul3A_1269 : vector<16xf32> to vector<1x16xf32>
        tpu.vector_store %arg11[%swap3A_1270, %swap3A_1271], %swap3A_1274 {strides = array<i32>} : memref<128x128xf32, #tpu.memory_space<vmem>>, vector<1x16xf32>,
        %get3A_1275 = arith.index_cast %add3A_1214 : i32 to index
        %get3A_1276 = arith.constant 96 : index
        %get3A_1277 = tpu.vector_load %arg11[%get3A_1275, %get3A_1276] {strides = array<i32>} : memref<128x128xf32, #tpu.memory_space<vmem>>, vector<1x16xf32>,
        %get3A_1278 = vector.shape_cast %get3A_1277 : vector<1x16xf32> to vector<16xf32>
        %mul3A_1279 = arith.mulf %get3A_1278, %gather3A_1210 : vector<16xf32>
        %swap3A_1280 = arith.index_cast %add3A_1214 : i32 to index
        %swap3A_1281 = arith.constant 96 : index
        %swap3A_1282 = tpu.vector_load %arg11[%swap3A_1280, %swap3A_1281] {strides = array<i32>} : memref<128x128xf32, #tpu.memory_space<vmem>>, vector<1x16xf32>,
        %swap3A_1283 = vector.shape_cast %swap3A_1282 : vector<1x16xf32> to vector<16xf32>
        %swap3A_1284 = vector.shape_cast %mul3A_1279 : vector<16xf32> to vector<1x16xf32>
        tpu.vector_store %arg11[%swap3A_1280, %swap3A_1281], %swap3A_1284 {strides = array<i32>} : memref<128x128xf32, #tpu.memory_space<vmem>>, vector<1x16xf32>,
        %get3A_1285 = arith.index_cast %add3A_1214 : i32 to index
        %get3A_1286 = arith.constant 112 : index
        %get3A_1287 = tpu.vector_load %arg11[%get3A_1285, %get3A_1286] {strides = array<i32>} : memref<128x128xf32, #tpu.memory_space<vmem>>, vector<1x16xf32>,
        %get3A_1288 = vector.shape_cast %get3A_1287 : vector<1x16xf32> to vector<16xf32>
        %mul3A_1289 = arith.mulf %get3A_1288, %gather3A_1210 : vector<16xf32>
        %swap3A_1290 = arith.index_cast %add3A_1214 : i32 to index
        %swap3A_1291 = arith.constant 112 : index
        %swap3A_1292 = tpu.vector_load %arg11[%swap3A_1290, %swap3A_1291] {strides = array<i32>} : memref<128x128xf32, #tpu.memory_space<vmem>>, vector<1x16xf32>,
        %swap3A_1293 = vector.shape_cast %swap3A_1292 : vector<1x16xf32> to vector<16xf32>
        %swap3A_1294 = vector.shape_cast %mul3A_1289 : vector<16xf32> to vector<1x16xf32>
        tpu.vector_store %arg11[%swap3A_1290, %swap3A_1291], %swap3A_1294 {strides = array<i32>} : memref<128x128xf32, #tpu.memory_space<vmem>>, vector<1x16xf32>,
        %broadcast_in_dim3A_1295 = arith.constant 13 : i32
        %broadcast_in_dim3A_1296 = vector.broadcast %broadcast_in_dim3A_1295 : i32 to vector<16xi32>
        %lt3A_1297 = arith.constant 0 : i32
        %lt3A_1298 = vector.broadcast %lt3A_1297 : i32 to vector<16xi32>
        %lt3A_1299 = arith.cmpi slt, %broadcast_in_dim3A_1296, %lt3A_1298 : vector<16xi32>
        %add3A_1300 = arith.constant 16 : i32
        %add3A_1301 = vector.broadcast %add3A_1300 : i32 to vector<16xi32>
        %add3A_1302 = arith.addi %broadcast_in_dim3A_1296, %add3A_1301 : vector<16xi32>
        %select_n3A_1303 = arith.select %lt3A_1299, %add3A_1302, %broadcast_in_dim3A_1296 : vector<16xi1>, vector<16xi32>
        %broadcast_in_dim3A_1304 = vector.shape_cast %select_n3A_1303 : vector<16xi32> to vector<16x1xi32>
        %gather3A_1305 = vector.shape_cast %broadcast_in_dim3A_1304 : vector<16x1xi32> to vector<16xi32>
        %gather3A_1306 = tpu.dynamic_gather %get3A_50[%gather3A_1305] in [0] : vector<16xf32>, vector<16xi32> -> vector<16xf32>
        %mul3A_1307 = arith.constant 16 : i32
        %mul3A_1308 = arith.muli %scan3A_42, %mul3A_1307 : i32
        %add3A_1309 = arith.constant 13 : i32
        %add3A_1310 = arith.addi %mul3A_1308, %add3A_1309 : i32
        %get3A_1311 = arith.index_cast %add3A_1310 : i32 to index
        %get3A_1312 = arith.constant 0 : index
        %get3A_1313 = tpu.vector_load %arg11[%get3A_1311, %get3A_1312] {strides = array<i32>} : memref<128x128xf32, #tpu.memory_space<vmem>>, vector<1x16xf32>,
        %get3A_1314 = vector.shape_cast %get3A_1313 : vector<1x16xf32> to vector<16xf32>
        %mul3A_1315 = arith.mulf %get3A_1314, %gather3A_1306 : vector<16xf32>
        %swap3A_1316 = arith.index_cast %add3A_1310 : i32 to index
        %swap3A_1317 = arith.constant 0 : index
        %swap3A_1318 = tpu.vector_load %arg11[%swap3A_1316, %swap3A_1317] {strides = array<i32>} : memref<128x128xf32, #tpu.memory_space<vmem>>, vector<1x16xf32>,
        %swap3A_1319 = vector.shape_cast %swap3A_1318 : vector<1x16xf32> to vector<16xf32>
        %swap3A_1320 = vector.shape_cast %mul3A_1315 : vector<16xf32> to vector<1x16xf32>
        tpu.vector_store %arg11[%swap3A_1316, %swap3A_1317], %swap3A_1320 {strides = array<i32>} : memref<128x128xf32, #tpu.memory_space<vmem>>, vector<1x16xf32>,
        %get3A_1321 = arith.index_cast %add3A_1310 : i32 to index
        %get3A_1322 = arith.constant 16 : index
        %get3A_1323 = tpu.vector_load %arg11[%get3A_1321, %get3A_1322] {strides = array<i32>} : memref<128x128xf32, #tpu.memory_space<vmem>>, vector<1x16xf32>,
        %get3A_1324 = vector.shape_cast %get3A_1323 : vector<1x16xf32> to vector<16xf32>
        %mul3A_1325 = arith.mulf %get3A_1324, %gather3A_1306 : vector<16xf32>
        %swap3A_1326 = arith.index_cast %add3A_1310 : i32 to index
        %swap3A_1327 = arith.constant 16 : index
        %swap3A_1328 = tpu.vector_load %arg11[%swap3A_1326, %swap3A_1327] {strides = array<i32>} : memref<128x128xf32, #tpu.memory_space<vmem>>, vector<1x16xf32>,
        %swap3A_1329 = vector.shape_cast %swap3A_1328 : vector<1x16xf32> to vector<16xf32>
        %swap3A_1330 = vector.shape_cast %mul3A_1325 : vector<16xf32> to vector<1x16xf32>
        tpu.vector_store %arg11[%swap3A_1326, %swap3A_1327], %swap3A_1330 {strides = array<i32>} : memref<128x128xf32, #tpu.memory_space<vmem>>, vector<1x16xf32>,
        %get3A_1331 = arith.index_cast %add3A_1310 : i32 to index
        %get3A_1332 = arith.constant 32 : index
        %get3A_1333 = tpu.vector_load %arg11[%get3A_1331, %get3A_1332] {strides = array<i32>} : memref<128x128xf32, #tpu.memory_space<vmem>>, vector<1x16xf32>,
        %get3A_1334 = vector.shape_cast %get3A_1333 : vector<1x16xf32> to vector<16xf32>
        %mul3A_1335 = arith.mulf %get3A_1334, %gather3A_1306 : vector<16xf32>
        %swap3A_1336 = arith.index_cast %add3A_1310 : i32 to index
        %swap3A_1337 = arith.constant 32 : index
        %swap3A_1338 = tpu.vector_load %arg11[%swap3A_1336, %swap3A_1337] {strides = array<i32>} : memref<128x128xf32, #tpu.memory_space<vmem>>, vector<1x16xf32>,
        %swap3A_1339 = vector.shape_cast %swap3A_1338 : vector<1x16xf32> to vector<16xf32>
        %swap3A_1340 = vector.shape_cast %mul3A_1335 : vector<16xf32> to vector<1x16xf32>
        tpu.vector_store %arg11[%swap3A_1336, %swap3A_1337], %swap3A_1340 {strides = array<i32>} : memref<128x128xf32, #tpu.memory_space<vmem>>, vector<1x16xf32>,
        %get3A_1341 = arith.index_cast %add3A_1310 : i32 to index
        %get3A_1342 = arith.constant 48 : index
        %get3A_1343 = tpu.vector_load %arg11[%get3A_1341, %get3A_1342] {strides = array<i32>} : memref<128x128xf32, #tpu.memory_space<vmem>>, vector<1x16xf32>,
        %get3A_1344 = vector.shape_cast %get3A_1343 : vector<1x16xf32> to vector<16xf32>
        %mul3A_1345 = arith.mulf %get3A_1344, %gather3A_1306 : vector<16xf32>
        %swap3A_1346 = arith.index_cast %add3A_1310 : i32 to index
        %swap3A_1347 = arith.constant 48 : index
        %swap3A_1348 = tpu.vector_load %arg11[%swap3A_1346, %swap3A_1347] {strides = array<i32>} : memref<128x128xf32, #tpu.memory_space<vmem>>, vector<1x16xf32>,
        %swap3A_1349 = vector.shape_cast %swap3A_1348 : vector<1x16xf32> to vector<16xf32>
        %swap3A_1350 = vector.shape_cast %mul3A_1345 : vector<16xf32> to vector<1x16xf32>
        tpu.vector_store %arg11[%swap3A_1346, %swap3A_1347], %swap3A_1350 {strides = array<i32>} : memref<128x128xf32, #tpu.memory_space<vmem>>, vector<1x16xf32>,
        %get3A_1351 = arith.index_cast %add3A_1310 : i32 to index
        %get3A_1352 = arith.constant 64 : index
        %get3A_1353 = tpu.vector_load %arg11[%get3A_1351, %get3A_1352] {strides = array<i32>} : memref<128x128xf32, #tpu.memory_space<vmem>>, vector<1x16xf32>,
        %get3A_1354 = vector.shape_cast %get3A_1353 : vector<1x16xf32> to vector<16xf32>
        %mul3A_1355 = arith.mulf %get3A_1354, %gather3A_1306 : vector<16xf32>
        %swap3A_1356 = arith.index_cast %add3A_1310 : i32 to index
        %swap3A_1357 = arith.constant 64 : index
        %swap3A_1358 = tpu.vector_load %arg11[%swap3A_1356, %swap3A_1357] {strides = array<i32>} : memref<128x128xf32, #tpu.memory_space<vmem>>, vector<1x16xf32>,
        %swap3A_1359 = vector.shape_cast %swap3A_1358 : vector<1x16xf32> to vector<16xf32>
        %swap3A_1360 = vector.shape_cast %mul3A_1355 : vector<16xf32> to vector<1x16xf32>
        tpu.vector_store %arg11[%swap3A_1356, %swap3A_1357], %swap3A_1360 {strides = array<i32>} : memref<128x128xf32, #tpu.memory_space<vmem>>, vector<1x16xf32>,
        %get3A_1361 = arith.index_cast %add3A_1310 : i32 to index
        %get3A_1362 = arith.constant 80 : index
        %get3A_1363 = tpu.vector_load %arg11[%get3A_1361, %get3A_1362] {strides = array<i32>} : memref<128x128xf32, #tpu.memory_space<vmem>>, vector<1x16xf32>,
        %get3A_1364 = vector.shape_cast %get3A_1363 : vector<1x16xf32> to vector<16xf32>
        %mul3A_1365 = arith.mulf %get3A_1364, %gather3A_1306 : vector<16xf32>
        %swap3A_1366 = arith.index_cast %add3A_1310 : i32 to index
        %swap3A_1367 = arith.constant 80 : index
        %swap3A_1368 = tpu.vector_load %arg11[%swap3A_1366, %swap3A_1367] {strides = array<i32>} : memref<128x128xf32, #tpu.memory_space<vmem>>, vector<1x16xf32>,
        %swap3A_1369 = vector.shape_cast %swap3A_1368 : vector<1x16xf32> to vector<16xf32>
        %swap3A_1370 = vector.shape_cast %mul3A_1365 : vector<16xf32> to vector<1x16xf32>
        tpu.vector_store %arg11[%swap3A_1366, %swap3A_1367], %swap3A_1370 {strides = array<i32>} : memref<128x128xf32, #tpu.memory_space<vmem>>, vector<1x16xf32>,
        %get3A_1371 = arith.index_cast %add3A_1310 : i32 to index
        %get3A_1372 = arith.constant 96 : index
        %get3A_1373 = tpu.vector_load %arg11[%get3A_1371, %get3A_1372] {strides = array<i32>} : memref<128x128xf32, #tpu.memory_space<vmem>>, vector<1x16xf32>,
        %get3A_1374 = vector.shape_cast %get3A_1373 : vector<1x16xf32> to vector<16xf32>
        %mul3A_1375 = arith.mulf %get3A_1374, %gather3A_1306 : vector<16xf32>
        %swap3A_1376 = arith.index_cast %add3A_1310 : i32 to index
        %swap3A_1377 = arith.constant 96 : index
        %swap3A_1378 = tpu.vector_load %arg11[%swap3A_1376, %swap3A_1377] {strides = array<i32>} : memref<128x128xf32, #tpu.memory_space<vmem>>, vector<1x16xf32>,
        %swap3A_1379 = vector.shape_cast %swap3A_1378 : vector<1x16xf32> to vector<16xf32>
        %swap3A_1380 = vector.shape_cast %mul3A_1375 : vector<16xf32> to vector<1x16xf32>
        tpu.vector_store %arg11[%swap3A_1376, %swap3A_1377], %swap3A_1380 {strides = array<i32>} : memref<128x128xf32, #tpu.memory_space<vmem>>, vector<1x16xf32>,
        %get3A_1381 = arith.index_cast %add3A_1310 : i32 to index
        %get3A_1382 = arith.constant 112 : index
        %get3A_1383 = tpu.vector_load %arg11[%get3A_1381, %get3A_1382] {strides = array<i32>} : memref<128x128xf32, #tpu.memory_space<vmem>>, vector<1x16xf32>,
        %get3A_1384 = vector.shape_cast %get3A_1383 : vector<1x16xf32> to vector<16xf32>
        %mul3A_1385 = arith.mulf %get3A_1384, %gather3A_1306 : vector<16xf32>
        %swap3A_1386 = arith.index_cast %add3A_1310 : i32 to index
        %swap3A_1387 = arith.constant 112 : index
        %swap3A_1388 = tpu.vector_load %arg11[%swap3A_1386, %swap3A_1387] {strides = array<i32>} : memref<128x128xf32, #tpu.memory_space<vmem>>, vector<1x16xf32>,
        %swap3A_1389 = vector.shape_cast %swap3A_1388 : vector<1x16xf32> to vector<16xf32>
        %swap3A_1390 = vector.shape_cast %mul3A_1385 : vector<16xf32> to vector<1x16xf32>
        tpu.vector_store %arg11[%swap3A_1386, %swap3A_1387], %swap3A_1390 {strides = array<i32>} : memref<128x128xf32, #tpu.memory_space<vmem>>, vector<1x16xf32>,
        %broadcast_in_dim3A_1391 = arith.constant 14 : i32
        %broadcast_in_dim3A_1392 = vector.broadcast %broadcast_in_dim3A_1391 : i32 to vector<16xi32>
        %lt3A_1393 = arith.constant 0 : i32
        %lt3A_1394 = vector.broadcast %lt3A_1393 : i32 to vector<16xi32>
        %lt3A_1395 = arith.cmpi slt, %broadcast_in_dim3A_1392, %lt3A_1394 : vector<16xi32>
        %add3A_1396 = arith.constant 16 : i32
        %add3A_1397 = vector.broadcast %add3A_1396 : i32 to vector<16xi32>
        %add3A_1398 = arith.addi %broadcast_in_dim3A_1392, %add3A_1397 : vector<16xi32>
        %select_n3A_1399 = arith.select %lt3A_1395, %add3A_1398, %broadcast_in_dim3A_1392 : vector<16xi1>, vector<16xi32>
        %broadcast_in_dim3A_1400 = vector.shape_cast %select_n3A_1399 : vector<16xi32> to vector<16x1xi32>
        %gather3A_1401 = vector.shape_cast %broadcast_in_dim3A_1400 : vector<16x1xi32> to vector<16xi32>
        %gather3A_1402 = tpu.dynamic_gather %get3A_50[%gather3A_1401] in [0] : vector<16xf32>, vector<16xi32> -> vector<16xf32>
        %mul3A_1403 = arith.constant 16 : i32
        %mul3A_1404 = arith.muli %scan3A_42, %mul3A_1403 : i32
        %add3A_1405 = arith.constant 14 : i32
        %add3A_1406 = arith.addi %mul3A_1404, %add3A_1405 : i32
        %get3A_1407 = arith.index_cast %add3A_1406 : i32 to index
        %get3A_1408 = arith.constant 0 : index
        %get3A_1409 = tpu.vector_load %arg11[%get3A_1407, %get3A_1408] {strides = array<i32>} : memref<128x128xf32, #tpu.memory_space<vmem>>, vector<1x16xf32>,
        %get3A_1410 = vector.shape_cast %get3A_1409 : vector<1x16xf32> to vector<16xf32>
        %mul3A_1411 = arith.mulf %get3A_1410, %gather3A_1402 : vector<16xf32>
        %swap3A_1412 = arith.index_cast %add3A_1406 : i32 to index
        %swap3A_1413 = arith.constant 0 : index
        %swap3A_1414 = tpu.vector_load %arg11[%swap3A_1412, %swap3A_1413] {strides = array<i32>} : memref<128x128xf32, #tpu.memory_space<vmem>>, vector<1x16xf32>,
        %swap3A_1415 = vector.shape_cast %swap3A_1414 : vector<1x16xf32> to vector<16xf32>
        %swap3A_1416 = vector.shape_cast %mul3A_1411 : vector<16xf32> to vector<1x16xf32>
        tpu.vector_store %arg11[%swap3A_1412, %swap3A_1413], %swap3A_1416 {strides = array<i32>} : memref<128x128xf32, #tpu.memory_space<vmem>>, vector<1x16xf32>,
        %get3A_1417 = arith.index_cast %add3A_1406 : i32 to index
        %get3A_1418 = arith.constant 16 : index
        %get3A_1419 = tpu.vector_load %arg11[%get3A_1417, %get3A_1418] {strides = array<i32>} : memref<128x128xf32, #tpu.memory_space<vmem>>, vector<1x16xf32>,
        %get3A_1420 = vector.shape_cast %get3A_1419 : vector<1x16xf32> to vector<16xf32>
        %mul3A_1421 = arith.mulf %get3A_1420, %gather3A_1402 : vector<16xf32>
        %swap3A_1422 = arith.index_cast %add3A_1406 : i32 to index
        %swap3A_1423 = arith.constant 16 : index
        %swap3A_1424 = tpu.vector_load %arg11[%swap3A_1422, %swap3A_1423] {strides = array<i32>} : memref<128x128xf32, #tpu.memory_space<vmem>>, vector<1x16xf32>,
        %swap3A_1425 = vector.shape_cast %swap3A_1424 : vector<1x16xf32> to vector<16xf32>
        %swap3A_1426 = vector.shape_cast %mul3A_1421 : vector<16xf32> to vector<1x16xf32>
        tpu.vector_store %arg11[%swap3A_1422, %swap3A_1423], %swap3A_1426 {strides = array<i32>} : memref<128x128xf32, #tpu.memory_space<vmem>>, vector<1x16xf32>,
        %get3A_1427 = arith.index_cast %add3A_1406 : i32 to index
        %get3A_1428 = arith.constant 32 : index
        %get3A_1429 = tpu.vector_load %arg11[%get3A_1427, %get3A_1428] {strides = array<i32>} : memref<128x128xf32, #tpu.memory_space<vmem>>, vector<1x16xf32>,
        %get3A_1430 = vector.shape_cast %get3A_1429 : vector<1x16xf32> to vector<16xf32>
        %mul3A_1431 = arith.mulf %get3A_1430, %gather3A_1402 : vector<16xf32>
        %swap3A_1432 = arith.index_cast %add3A_1406 : i32 to index
        %swap3A_1433 = arith.constant 32 : index
        %swap3A_1434 = tpu.vector_load %arg11[%swap3A_1432, %swap3A_1433] {strides = array<i32>} : memref<128x128xf32, #tpu.memory_space<vmem>>, vector<1x16xf32>,
        %swap3A_1435 = vector.shape_cast %swap3A_1434 : vector<1x16xf32> to vector<16xf32>
        %swap3A_1436 = vector.shape_cast %mul3A_1431 : vector<16xf32> to vector<1x16xf32>
        tpu.vector_store %arg11[%swap3A_1432, %swap3A_1433], %swap3A_1436 {strides = array<i32>} : memref<128x128xf32, #tpu.memory_space<vmem>>, vector<1x16xf32>,
        %get3A_1437 = arith.index_cast %add3A_1406 : i32 to index
        %get3A_1438 = arith.constant 48 : index
        %get3A_1439 = tpu.vector_load %arg11[%get3A_1437, %get3A_1438] {strides = array<i32>} : memref<128x128xf32, #tpu.memory_space<vmem>>, vector<1x16xf32>,
        %get3A_1440 = vector.shape_cast %get3A_1439 : vector<1x16xf32> to vector<16xf32>
        %mul3A_1441 = arith.mulf %get3A_1440, %gather3A_1402 : vector<16xf32>
        %swap3A_1442 = arith.index_cast %add3A_1406 : i32 to index
        %swap3A_1443 = arith.constant 48 : index
        %swap3A_1444 = tpu.vector_load %arg11[%swap3A_1442, %swap3A_1443] {strides = array<i32>} : memref<128x128xf32, #tpu.memory_space<vmem>>, vector<1x16xf32>,
        %swap3A_1445 = vector.shape_cast %swap3A_1444 : vector<1x16xf32> to vector<16xf32>
        %swap3A_1446 = vector.shape_cast %mul3A_1441 : vector<16xf32> to vector<1x16xf32>
        tpu.vector_store %arg11[%swap3A_1442, %swap3A_1443], %swap3A_1446 {strides = array<i32>} : memref<128x128xf32, #tpu.memory_space<vmem>>, vector<1x16xf32>,
        %get3A_1447 = arith.index_cast %add3A_1406 : i32 to index
        %get3A_1448 = arith.constant 64 : index
        %get3A_1449 = tpu.vector_load %arg11[%get3A_1447, %get3A_1448] {strides = array<i32>} : memref<128x128xf32, #tpu.memory_space<vmem>>, vector<1x16xf32>,
        %get3A_1450 = vector.shape_cast %get3A_1449 : vector<1x16xf32> to vector<16xf32>
        %mul3A_1451 = arith.mulf %get3A_1450, %gather3A_1402 : vector<16xf32>
        %swap3A_1452 = arith.index_cast %add3A_1406 : i32 to index
        %swap3A_1453 = arith.constant 64 : index
        %swap3A_1454 = tpu.vector_load %arg11[%swap3A_1452, %swap3A_1453] {strides = array<i32>} : memref<128x128xf32, #tpu.memory_space<vmem>>, vector<1x16xf32>,
        %swap3A_1455 = vector.shape_cast %swap3A_1454 : vector<1x16xf32> to vector<16xf32>
        %swap3A_1456 = vector.shape_cast %mul3A_1451 : vector<16xf32> to vector<1x16xf32>
        tpu.vector_store %arg11[%swap3A_1452, %swap3A_1453], %swap3A_1456 {strides = array<i32>} : memref<128x128xf32, #tpu.memory_space<vmem>>, vector<1x16xf32>,
        %get3A_1457 = arith.index_cast %add3A_1406 : i32 to index
        %get3A_1458 = arith.constant 80 : index
        %get3A_1459 = tpu.vector_load %arg11[%get3A_1457, %get3A_1458] {strides = array<i32>} : memref<128x128xf32, #tpu.memory_space<vmem>>, vector<1x16xf32>,
        %get3A_1460 = vector.shape_cast %get3A_1459 : vector<1x16xf32> to vector<16xf32>
        %mul3A_1461 = arith.mulf %get3A_1460, %gather3A_1402 : vector<16xf32>
        %swap3A_1462 = arith.index_cast %add3A_1406 : i32 to index
        %swap3A_1463 = arith.constant 80 : index
        %swap3A_1464 = tpu.vector_load %arg11[%swap3A_1462, %swap3A_1463] {strides = array<i32>} : memref<128x128xf32, #tpu.memory_space<vmem>>, vector<1x16xf32>,
        %swap3A_1465 = vector.shape_cast %swap3A_1464 : vector<1x16xf32> to vector<16xf32>
        %swap3A_1466 = vector.shape_cast %mul3A_1461 : vector<16xf32> to vector<1x16xf32>
        tpu.vector_store %arg11[%swap3A_1462, %swap3A_1463], %swap3A_1466 {strides = array<i32>} : memref<128x128xf32, #tpu.memory_space<vmem>>, vector<1x16xf32>,
        %get3A_1467 = arith.index_cast %add3A_1406 : i32 to index
        %get3A_1468 = arith.constant 96 : index
        %get3A_1469 = tpu.vector_load %arg11[%get3A_1467, %get3A_1468] {strides = array<i32>} : memref<128x128xf32, #tpu.memory_space<vmem>>, vector<1x16xf32>,
        %get3A_1470 = vector.shape_cast %get3A_1469 : vector<1x16xf32> to vector<16xf32>
        %mul3A_1471 = arith.mulf %get3A_1470, %gather3A_1402 : vector<16xf32>
        %swap3A_1472 = arith.index_cast %add3A_1406 : i32 to index
        %swap3A_1473 = arith.constant 96 : index
        %swap3A_1474 = tpu.vector_load %arg11[%swap3A_1472, %swap3A_1473] {strides = array<i32>} : memref<128x128xf32, #tpu.memory_space<vmem>>, vector<1x16xf32>,
        %swap3A_1475 = vector.shape_cast %swap3A_1474 : vector<1x16xf32> to vector<16xf32>
        %swap3A_1476 = vector.shape_cast %mul3A_1471 : vector<16xf32> to vector<1x16xf32>
        tpu.vector_store %arg11[%swap3A_1472, %swap3A_1473], %swap3A_1476 {strides = array<i32>} : memref<128x128xf32, #tpu.memory_space<vmem>>, vector<1x16xf32>,
        %get3A_1477 = arith.index_cast %add3A_1406 : i32 to index
        %get3A_1478 = arith.constant 112 : index
        %get3A_1479 = tpu.vector_load %arg11[%get3A_1477, %get3A_1478] {strides = array<i32>} : memref<128x128xf32, #tpu.memory_space<vmem>>, vector<1x16xf32>,
        %get3A_1480 = vector.shape_cast %get3A_1479 : vector<1x16xf32> to vector<16xf32>
        %mul3A_1481 = arith.mulf %get3A_1480, %gather3A_1402 : vector<16xf32>
        %swap3A_1482 = arith.index_cast %add3A_1406 : i32 to index
        %swap3A_1483 = arith.constant 112 : index
        %swap3A_1484 = tpu.vector_load %arg11[%swap3A_1482, %swap3A_1483] {strides = array<i32>} : memref<128x128xf32, #tpu.memory_space<vmem>>, vector<1x16xf32>,
        %swap3A_1485 = vector.shape_cast %swap3A_1484 : vector<1x16xf32> to vector<16xf32>
        %swap3A_1486 = vector.shape_cast %mul3A_1481 : vector<16xf32> to vector<1x16xf32>
        tpu.vector_store %arg11[%swap3A_1482, %swap3A_1483], %swap3A_1486 {strides = array<i32>} : memref<128x128xf32, #tpu.memory_space<vmem>>, vector<1x16xf32>,
        %broadcast_in_dim3A_1487 = arith.constant 15 : i32
        %broadcast_in_dim3A_1488 = vector.broadcast %broadcast_in_dim3A_1487 : i32 to vector<16xi32>
        %lt3A_1489 = arith.constant 0 : i32
        %lt3A_1490 = vector.broadcast %lt3A_1489 : i32 to vector<16xi32>
        %lt3A_1491 = arith.cmpi slt, %broadcast_in_dim3A_1488, %lt3A_1490 : vector<16xi32>
        %add3A_1492 = arith.constant 16 : i32
        %add3A_1493 = vector.broadcast %add3A_1492 : i32 to vector<16xi32>
        %add3A_1494 = arith.addi %broadcast_in_dim3A_1488, %add3A_1493 : vector<16xi32>
        %select_n3A_1495 = arith.select %lt3A_1491, %add3A_1494, %broadcast_in_dim3A_1488 : vector<16xi1>, vector<16xi32>
        %broadcast_in_dim3A_1496 = vector.shape_cast %select_n3A_1495 : vector<16xi32> to vector<16x1xi32>
        %gather3A_1497 = vector.shape_cast %broadcast_in_dim3A_1496 : vector<16x1xi32> to vector<16xi32>
        %gather3A_1498 = tpu.dynamic_gather %get3A_50[%gather3A_1497] in [0] : vector<16xf32>, vector<16xi32> -> vector<16xf32>
        %mul3A_1499 = arith.constant 16 : i32
        %mul3A_1500 = arith.muli %scan3A_42, %mul3A_1499 : i32
        %add3A_1501 = arith.constant 15 : i32
        %add3A_1502 = arith.addi %mul3A_1500, %add3A_1501 : i32
        %get3A_1503 = arith.index_cast %add3A_1502 : i32 to index
        %get3A_1504 = arith.constant 0 : index
        %get3A_1505 = tpu.vector_load %arg11[%get3A_1503, %get3A_1504] {strides = array<i32>} : memref<128x128xf32, #tpu.memory_space<vmem>>, vector<1x16xf32>,
        %get3A_1506 = vector.shape_cast %get3A_1505 : vector<1x16xf32> to vector<16xf32>
        %mul3A_1507 = arith.mulf %get3A_1506, %gather3A_1498 : vector<16xf32>
        %swap3A_1508 = arith.index_cast %add3A_1502 : i32 to index
        %swap3A_1509 = arith.constant 0 : index
        %swap3A_1510 = tpu.vector_load %arg11[%swap3A_1508, %swap3A_1509] {strides = array<i32>} : memref<128x128xf32, #tpu.memory_space<vmem>>, vector<1x16xf32>,
        %swap3A_1511 = vector.shape_cast %swap3A_1510 : vector<1x16xf32> to vector<16xf32>
        %swap3A_1512 = vector.shape_cast %mul3A_1507 : vector<16xf32> to vector<1x16xf32>
        tpu.vector_store %arg11[%swap3A_1508, %swap3A_1509], %swap3A_1512 {strides = array<i32>} : memref<128x128xf32, #tpu.memory_space<vmem>>, vector<1x16xf32>,
        %get3A_1513 = arith.index_cast %add3A_1502 : i32 to index
        %get3A_1514 = arith.constant 16 : index
        %get3A_1515 = tpu.vector_load %arg11[%get3A_1513, %get3A_1514] {strides = array<i32>} : memref<128x128xf32, #tpu.memory_space<vmem>>, vector<1x16xf32>,
        %get3A_1516 = vector.shape_cast %get3A_1515 : vector<1x16xf32> to vector<16xf32>
        %mul3A_1517 = arith.mulf %get3A_1516, %gather3A_1498 : vector<16xf32>
        %swap3A_1518 = arith.index_cast %add3A_1502 : i32 to index
        %swap3A_1519 = arith.constant 16 : index
        %swap3A_1520 = tpu.vector_load %arg11[%swap3A_1518, %swap3A_1519] {strides = array<i32>} : memref<128x128xf32, #tpu.memory_space<vmem>>, vector<1x16xf32>,
        %swap3A_1521 = vector.shape_cast %swap3A_1520 : vector<1x16xf32> to vector<16xf32>
        %swap3A_1522 = vector.shape_cast %mul3A_1517 : vector<16xf32> to vector<1x16xf32>
        tpu.vector_store %arg11[%swap3A_1518, %swap3A_1519], %swap3A_1522 {strides = array<i32>} : memref<128x128xf32, #tpu.memory_space<vmem>>, vector<1x16xf32>,
        %get3A_1523 = arith.index_cast %add3A_1502 : i32 to index
        %get3A_1524 = arith.constant 32 : index
        %get3A_1525 = tpu.vector_load %arg11[%get3A_1523, %get3A_1524] {strides = array<i32>} : memref<128x128xf32, #tpu.memory_space<vmem>>, vector<1x16xf32>,
        %get3A_1526 = vector.shape_cast %get3A_1525 : vector<1x16xf32> to vector<16xf32>
        %mul3A_1527 = arith.mulf %get3A_1526, %gather3A_1498 : vector<16xf32>
        %swap3A_1528 = arith.index_cast %add3A_1502 : i32 to index
        %swap3A_1529 = arith.constant 32 : index
        %swap3A_1530 = tpu.vector_load %arg11[%swap3A_1528, %swap3A_1529] {strides = array<i32>} : memref<128x128xf32, #tpu.memory_space<vmem>>, vector<1x16xf32>,
        %swap3A_1531 = vector.shape_cast %swap3A_1530 : vector<1x16xf32> to vector<16xf32>
        %swap3A_1532 = vector.shape_cast %mul3A_1527 : vector<16xf32> to vector<1x16xf32>
        tpu.vector_store %arg11[%swap3A_1528, %swap3A_1529], %swap3A_1532 {strides = array<i32>} : memref<128x128xf32, #tpu.memory_space<vmem>>, vector<1x16xf32>,
        %get3A_1533 = arith.index_cast %add3A_1502 : i32 to index
        %get3A_1534 = arith.constant 48 : index
        %get3A_1535 = tpu.vector_load %arg11[%get3A_1533, %get3A_1534] {strides = array<i32>} : memref<128x128xf32, #tpu.memory_space<vmem>>, vector<1x16xf32>,
        %get3A_1536 = vector.shape_cast %get3A_1535 : vector<1x16xf32> to vector<16xf32>
        %mul3A_1537 = arith.mulf %get3A_1536, %gather3A_1498 : vector<16xf32>
        %swap3A_1538 = arith.index_cast %add3A_1502 : i32 to index
        %swap3A_1539 = arith.constant 48 : index
        %swap3A_1540 = tpu.vector_load %arg11[%swap3A_1538, %swap3A_1539] {strides = array<i32>} : memref<128x128xf32, #tpu.memory_space<vmem>>, vector<1x16xf32>,
        %swap3A_1541 = vector.shape_cast %swap3A_1540 : vector<1x16xf32> to vector<16xf32>
        %swap3A_1542 = vector.shape_cast %mul3A_1537 : vector<16xf32> to vector<1x16xf32>
        tpu.vector_store %arg11[%swap3A_1538, %swap3A_1539], %swap3A_1542 {strides = array<i32>} : memref<128x128xf32, #tpu.memory_space<vmem>>, vector<1x16xf32>,
        %get3A_1543 = arith.index_cast %add3A_1502 : i32 to index
        %get3A_1544 = arith.constant 64 : index
        %get3A_1545 = tpu.vector_load %arg11[%get3A_1543, %get3A_1544] {strides = array<i32>} : memref<128x128xf32, #tpu.memory_space<vmem>>, vector<1x16xf32>,
        %get3A_1546 = vector.shape_cast %get3A_1545 : vector<1x16xf32> to vector<16xf32>
        %mul3A_1547 = arith.mulf %get3A_1546, %gather3A_1498 : vector<16xf32>
        %swap3A_1548 = arith.index_cast %add3A_1502 : i32 to index
        %swap3A_1549 = arith.constant 64 : index
        %swap3A_1550 = tpu.vector_load %arg11[%swap3A_1548, %swap3A_1549] {strides = array<i32>} : memref<128x128xf32, #tpu.memory_space<vmem>>, vector<1x16xf32>,
        %swap3A_1551 = vector.shape_cast %swap3A_1550 : vector<1x16xf32> to vector<16xf32>
        %swap3A_1552 = vector.shape_cast %mul3A_1547 : vector<16xf32> to vector<1x16xf32>
        tpu.vector_store %arg11[%swap3A_1548, %swap3A_1549], %swap3A_1552 {strides = array<i32>} : memref<128x128xf32, #tpu.memory_space<vmem>>, vector<1x16xf32>,
        %get3A_1553 = arith.index_cast %add3A_1502 : i32 to index
        %get3A_1554 = arith.constant 80 : index
        %get3A_1555 = tpu.vector_load %arg11[%get3A_1553, %get3A_1554] {strides = array<i32>} : memref<128x128xf32, #tpu.memory_space<vmem>>, vector<1x16xf32>,
        %get3A_1556 = vector.shape_cast %get3A_1555 : vector<1x16xf32> to vector<16xf32>
        %mul3A_1557 = arith.mulf %get3A_1556, %gather3A_1498 : vector<16xf32>
        %swap3A_1558 = arith.index_cast %add3A_1502 : i32 to index
        %swap3A_1559 = arith.constant 80 : index
        %swap3A_1560 = tpu.vector_load %arg11[%swap3A_1558, %swap3A_1559] {strides = array<i32>} : memref<128x128xf32, #tpu.memory_space<vmem>>, vector<1x16xf32>,
        %swap3A_1561 = vector.shape_cast %swap3A_1560 : vector<1x16xf32> to vector<16xf32>
        %swap3A_1562 = vector.shape_cast %mul3A_1557 : vector<16xf32> to vector<1x16xf32>
        tpu.vector_store %arg11[%swap3A_1558, %swap3A_1559], %swap3A_1562 {strides = array<i32>} : memref<128x128xf32, #tpu.memory_space<vmem>>, vector<1x16xf32>,
        %get3A_1563 = arith.index_cast %add3A_1502 : i32 to index
        %get3A_1564 = arith.constant 96 : index
        %get3A_1565 = tpu.vector_load %arg11[%get3A_1563, %get3A_1564] {strides = array<i32>} : memref<128x128xf32, #tpu.memory_space<vmem>>, vector<1x16xf32>,
        %get3A_1566 = vector.shape_cast %get3A_1565 : vector<1x16xf32> to vector<16xf32>
        %mul3A_1567 = arith.mulf %get3A_1566, %gather3A_1498 : vector<16xf32>
        %swap3A_1568 = arith.index_cast %add3A_1502 : i32 to index
        %swap3A_1569 = arith.constant 96 : index
        %swap3A_1570 = tpu.vector_load %arg11[%swap3A_1568, %swap3A_1569] {strides = array<i32>} : memref<128x128xf32, #tpu.memory_space<vmem>>, vector<1x16xf32>,
        %swap3A_1571 = vector.shape_cast %swap3A_1570 : vector<1x16xf32> to vector<16xf32>
        %swap3A_1572 = vector.shape_cast %mul3A_1567 : vector<16xf32> to vector<1x16xf32>
        tpu.vector_store %arg11[%swap3A_1568, %swap3A_1569], %swap3A_1572 {strides = array<i32>} : memref<128x128xf32, #tpu.memory_space<vmem>>, vector<1x16xf32>,
        %get3A_1573 = arith.index_cast %add3A_1502 : i32 to index
        %get3A_1574 = arith.constant 112 : index
        %get3A_1575 = tpu.vector_load %arg11[%get3A_1573, %get3A_1574] {strides = array<i32>} : memref<128x128xf32, #tpu.memory_space<vmem>>, vector<1x16xf32>,
        %get3A_1576 = vector.shape_cast %get3A_1575 : vector<1x16xf32> to vector<16xf32>
        %mul3A_1577 = arith.mulf %get3A_1576, %gather3A_1498 : vector<16xf32>
        %swap3A_1578 = arith.index_cast %add3A_1502 : i32 to index
        %swap3A_1579 = arith.constant 112 : index
        %swap3A_1580 = tpu.vector_load %arg11[%swap3A_1578, %swap3A_1579] {strides = array<i32>} : memref<128x128xf32, #tpu.memory_space<vmem>>, vector<1x16xf32>,
        %swap3A_1581 = vector.shape_cast %swap3A_1580 : vector<1x16xf32> to vector<16xf32>
        %swap3A_1582 = vector.shape_cast %mul3A_1577 : vector<16xf32> to vector<1x16xf32>
        tpu.vector_store %arg11[%swap3A_1578, %swap3A_1579], %swap3A_1582 {strides = array<i32>} : memref<128x128xf32, #tpu.memory_space<vmem>>, vector<1x16xf32>,
      }
      %scan3A_41 = arith.constant 8 : i32
      "tpu.region"() ({
        %run_scoped3A = tpu.sem_alloc : memref<!tpu.dma_semaphore, #tpu.memory_space<semaphore_mem>>
        %dma_start3A_42 = arith.constant 0 : i32
        %dma_start3A_43 = tpu.memref_slice %arg9[%scan3A_25, %dma_start3A_42] : memref<79x128xi32, #tpu.memory_space<vmem>> -> memref<1x128xi32, #tpu.memory_space<vmem>>
        %dma_start3A_44 = tpu.memref_squeeze %dma_start3A_43 : memref<1x128xi32, #tpu.memory_space<vmem>> -> memref<128xi32, #tpu.memory_space<vmem>>
        %dma_start3A_45 = arith.constant 0 : i32
        %dma_start3A_46 = arith.constant 0 : i32
        %dma_start3A_47 = tpu.memref_slice %arg12[%dma_start3A_45, %dma_start3A_46] : memref<10000x128xf32, #tpu.memory_space<vmem_shared>> -> memref<10000x128xf32, #tpu.memory_space<vmem_shared>>
        tpu.enqueue_indirect_dma source(%arg11 : memref<128x128xf32, #tpu.memory_space<vmem>>) target(%dma_start3A_47 : memref<10000x128xf32, #tpu.memory_space<vmem_shared>>) offsets(%dma_start3A_44 : memref<128xi32, #tpu.memory_space<vmem>>) semaphore(%run_scoped3A : memref<!tpu.dma_semaphore, #tpu.memory_space<semaphore_mem>>) {add = true}
        %dma_wait3A_48 = arith.constant 0 : i32
        %dma_wait3A_49 = tpu.memref_slice %arg9[%scan3A_25, %dma_wait3A_48] : memref<79x128xi32, #tpu.memory_space<vmem>> -> memref<1x128xi32, #tpu.memory_space<vmem>>
        %dma_wait3A_50 = tpu.memref_squeeze %dma_wait3A_49 : memref<1x128xi32, #tpu.memory_space<vmem>> -> memref<128xi32, #tpu.memory_space<vmem>>
        %dma_wait3A_51 = arith.constant 0 : i32
        %dma_wait3A_52 = arith.constant 0 : i32
        %dma_wait3A_53 = tpu.memref_slice %arg12[%dma_wait3A_51, %dma_wait3A_52] : memref<10000x128xf32, #tpu.memory_space<vmem_shared>> -> memref<10000x128xf32, #tpu.memory_space<vmem_shared>>
        tpu.wait_indirect_dma semaphore(%run_scoped3A : memref<!tpu.dma_semaphore, #tpu.memory_space<semaphore_mem>>) src(%arg11 : memref<128x128xf32, #tpu.memory_space<vmem>>) dst(%dma_wait3A_53 : memref<10000x128xf32, #tpu.memory_space<vmem_shared>>)
        tpu.yield
      }) : () -> ()
    }
    %scan3A_13 = arith.constant 79 : i32
    %barrier3A_14 = arith.constant 0 : index
    tpu.barrier barrier_id(%barrier3A_14)
    %lt3A_15 = arith.constant 15 : i32
    %lt3A_16 = arith.cmpi slt, %arg1, %lt3A_15 : i32
    %convert_element_type3A_17 = arith.extui %lt3A_16 : i1 to i32
    %cond3A_18 = arith.constant 0 : i32
    %cond3A_19 = arith.cmpi ne, %convert_element_type3A_17, %cond3A_18 : i32
    scf.if %cond3A_19 {
      "tpu.region"() ({
        %run_scoped3A = tpu.sem_alloc : memref<!tpu.dma_semaphore, #tpu.memory_space<semaphore_mem>>
        %dma_start3A = arith.constant 0 : i32
        %dma_start3A_25 = tpu.memref_slice %arg7[%arg0, %multiple_of3A, %dma_start3A] : memref<2x10000x128xf32, #tpu.memory_space<hbm>> -> memref<1x632x128xf32, #tpu.memory_space<hbm>>
        %dma_start3A_26 = tpu.memref_squeeze %dma_start3A_25 : memref<1x632x128xf32, #tpu.memory_space<hbm>> -> memref<632x128xf32, #tpu.memory_space<hbm>>
        %dma_start3A_27 = arith.constant 0 : i32
        %dma_start3A_28 = tpu.memref_slice %arg12[%multiple_of3A, %dma_start3A_27] : memref<10000x128xf32, #tpu.memory_space<vmem_shared>> -> memref<632x128xf32, #tpu.memory_space<vmem_shared>>
        tpu.enqueue_dma source(%dma_start3A_28 : memref<632x128xf32, #tpu.memory_space<vmem_shared>>) target(%dma_start3A_26 : memref<632x128xf32, #tpu.memory_space<hbm>>) target_semaphore(%run_scoped3A : memref<!tpu.dma_semaphore, #tpu.memory_space<semaphore_mem>>)
        %dma_wait3A = arith.constant 0 : i32
        %dma_wait3A_29 = tpu.memref_slice %arg7[%arg0, %multiple_of3A, %dma_wait3A] : memref<2x10000x128xf32, #tpu.memory_space<hbm>> -> memref<1x632x128xf32, #tpu.memory_space<hbm>>
        %dma_wait3A_30 = tpu.memref_squeeze %dma_wait3A_29 : memref<1x632x128xf32, #tpu.memory_space<hbm>> -> memref<632x128xf32, #tpu.memory_space<hbm>>
        %dma_wait3A_31 = arith.constant 0 : i32
        %dma_wait3A_32 = tpu.memref_slice %arg12[%multiple_of3A, %dma_wait3A_31] : memref<10000x128xf32, #tpu.memory_space<vmem_shared>> -> memref<632x128xf32, #tpu.memory_space<vmem_shared>>
        tpu.wait_dma2 semaphore(%run_scoped3A : memref<!tpu.dma_semaphore, #tpu.memory_space<semaphore_mem>>) src(%dma_wait3A_32 : memref<632x128xf32, #tpu.memory_space<vmem_shared>>) dst(%dma_wait3A_30 : memref<632x128xf32, #tpu.memory_space<hbm>>)
        tpu.yield
      }) : () -> ()
    } else {
    }
    %eq3A_20 = arith.constant 15 : i32
    %eq3A_21 = arith.cmpi eq, %arg1, %eq3A_20 : i32
    %convert_element_type3A_22 = arith.extui %eq3A_21 : i1 to i32
    %cond3A_23 = arith.constant 0 : i32
    %cond3A_24 = arith.cmpi ne, %convert_element_type3A_22, %cond3A_23 : i32
    scf.if %cond3A_24 {
      "tpu.region"() ({
        %run_scoped3A = tpu.sem_alloc : memref<!tpu.dma_semaphore, #tpu.memory_space<semaphore_mem>>
        %dma_start3A = arith.constant 9480 : i32
        %dma_start3A_25 = arith.constant 0 : i32
        %dma_start3A_26 = tpu.memref_slice %arg7[%arg0, %dma_start3A, %dma_start3A_25] : memref<2x10000x128xf32, #tpu.memory_space<hbm>> -> memref<1x520x128xf32, #tpu.memory_space<hbm>>
        %dma_start3A_27 = tpu.memref_squeeze %dma_start3A_26 : memref<1x520x128xf32, #tpu.memory_space<hbm>> -> memref<520x128xf32, #tpu.memory_space<hbm>>
        %dma_start3A_28 = arith.constant 9480 : i32
        %dma_start3A_29 = arith.constant 0 : i32
        %dma_start3A_30 = tpu.memref_slice %arg12[%dma_start3A_28, %dma_start3A_29] : memref<10000x128xf32, #tpu.memory_space<vmem_shared>> -> memref<520x128xf32, #tpu.memory_space<vmem_shared>>
        tpu.enqueue_dma source(%dma_start3A_30 : memref<520x128xf32, #tpu.memory_space<vmem_shared>>) target(%dma_start3A_27 : memref<520x128xf32, #tpu.memory_space<hbm>>) target_semaphore(%run_scoped3A : memref<!tpu.dma_semaphore, #tpu.memory_space<semaphore_mem>>)
        %dma_wait3A = arith.constant 9480 : i32
        %dma_wait3A_31 = arith.constant 0 : i32
        %dma_wait3A_32 = tpu.memref_slice %arg7[%arg0, %dma_wait3A, %dma_wait3A_31] : memref<2x10000x128xf32, #tpu.memory_space<hbm>> -> memref<1x520x128xf32, #tpu.memory_space<hbm>>
        %dma_wait3A_33 = tpu.memref_squeeze %dma_wait3A_32 : memref<1x520x128xf32, #tpu.memory_space<hbm>> -> memref<520x128xf32, #tpu.memory_space<hbm>>
        %dma_wait3A_34 = arith.constant 9480 : i32
        %dma_wait3A_35 = arith.constant 0 : i32
        %dma_wait3A_36 = tpu.memref_slice %arg12[%dma_wait3A_34, %dma_wait3A_35] : memref<10000x128xf32, #tpu.memory_space<vmem_shared>> -> memref<520x128xf32, #tpu.memory_space<vmem_shared>>
        tpu.wait_dma2 semaphore(%run_scoped3A : memref<!tpu.dma_semaphore, #tpu.memory_space<semaphore_mem>>) src(%dma_wait3A_36 : memref<520x128xf32, #tpu.memory_space<vmem_shared>>) dst(%dma_wait3A_33 : memref<520x128xf32, #tpu.memory_space<hbm>>)
        tpu.yield
      }) : () -> ()
    } else {
    }
    return
  }
}

#map = affine_map<(d0, d1) -> (0, 0)>
#map1 = affine_map<(d0, d1) -> (0, 0, 0)>
module attributes {stable_mosaic.version = 14 : i64} {
  func.func @spmm(%arg0: i32, %arg1: i32, %arg2: memref<10000x48xf32, #tpu.memory_space<hbm>>, %arg3: memref<32x79x128xi32, #tpu.memory_space<hbm>>, %arg4: memref<32x79x128xi32, #tpu.memory_space<hbm>>, %arg5: memref<32x10112xf32, #tpu.memory_space<hbm>>, %arg6: memref<10000x48xf32, #tpu.memory_space<hbm>>, %arg7: memref<2x10000x48xf32, #tpu.memory_space<hbm>>, %arg8: memref<79x128xi32, #tpu.memory_space<vmem>>, %arg9: memref<79x128xi32, #tpu.memory_space<vmem>>, %arg10: memref<10112xf32, #tpu.memory_space<vmem>>, %arg11: memref<128x48xf32, #tpu.memory_space<vmem>>, %arg12: memref<10000x48xf32, #tpu.memory_space<vmem_shared>>, %arg13: memref<!tpu.dma_semaphore, #tpu.memory_space<semaphore_mem>>) attributes {dimension_semantics = [#tpu.dimension_semantics<core_parallel>, #tpu.dimension_semantics<subcore_parallel>], iteration_bounds = array<i64: 2, 16>, scalar_prefetch = 0 : i64, scratch_operands = 6 : i64, tpu.core_type = #tpu.core_type<sc_vector_subcore>, window_params = [{transform_indices = #map}, {transform_indices = #map1}, {transform_indices = #map1}, {transform_indices = #map}, {transform_indices = #map}, {transform_indices = #map1}]} {
    %mul3A = arith.constant 16 : i32
    %mul3A_0 = arith.muli %arg0, %mul3A : i32
    %add3A = arith.addi %mul3A_0, %arg1 : i32
    %mul3A_1 = arith.constant 632 : i32
    %mul3A_2 = arith.muli %arg1, %mul3A_1 : i32
    %multiple_of3A = tpu.assume_multiple %mul3A_2, 8 : i32
    %lt3A = arith.constant 15 : i32
    %lt3A_3 = arith.cmpi slt, %arg1, %lt3A : i32
    %convert_element_type3A = arith.extui %lt3A_3 : i1 to i32
    %cond3A = arith.constant 0 : i32
    %cond3A_4 = arith.cmpi ne, %convert_element_type3A, %cond3A : i32
    scf.if %cond3A_4 {
      "tpu.region"() ({
        %run_scoped3A = tpu.sem_alloc : memref<!tpu.dma_semaphore, #tpu.memory_space<semaphore_mem>>
        %dma_start3A = arith.constant 0 : i32
        %dma_start3A_25 = tpu.memref_slice %arg12[%multiple_of3A, %dma_start3A] : memref<10000x48xf32, #tpu.memory_space<vmem_shared>> -> memref<632x48xf32, #tpu.memory_space<vmem_shared>>
        %dma_start3A_26 = arith.constant 0 : i32
        %dma_start3A_27 = tpu.memref_slice %arg6[%multiple_of3A, %dma_start3A_26] : memref<10000x48xf32, #tpu.memory_space<hbm>> -> memref<632x48xf32, #tpu.memory_space<hbm>>
        tpu.enqueue_dma source(%dma_start3A_27 : memref<632x48xf32, #tpu.memory_space<hbm>>) target(%dma_start3A_25 : memref<632x48xf32, #tpu.memory_space<vmem_shared>>) target_semaphore(%run_scoped3A : memref<!tpu.dma_semaphore, #tpu.memory_space<semaphore_mem>>)
        %dma_wait3A = arith.constant 0 : i32
        %dma_wait3A_28 = tpu.memref_slice %arg12[%multiple_of3A, %dma_wait3A] : memref<10000x48xf32, #tpu.memory_space<vmem_shared>> -> memref<632x48xf32, #tpu.memory_space<vmem_shared>>
        %dma_wait3A_29 = arith.constant 0 : i32
        %dma_wait3A_30 = tpu.memref_slice %arg6[%multiple_of3A, %dma_wait3A_29] : memref<10000x48xf32, #tpu.memory_space<hbm>> -> memref<632x48xf32, #tpu.memory_space<hbm>>
        tpu.wait_dma2 semaphore(%run_scoped3A : memref<!tpu.dma_semaphore, #tpu.memory_space<semaphore_mem>>) src(%dma_wait3A_30 : memref<632x48xf32, #tpu.memory_space<hbm>>) dst(%dma_wait3A_28 : memref<632x48xf32, #tpu.memory_space<vmem_shared>>)
        tpu.yield
      }) : () -> ()
    } else {
    }
    %eq3A = arith.constant 15 : i32
    %eq3A_5 = arith.cmpi eq, %arg1, %eq3A : i32
    %convert_element_type3A_6 = arith.extui %eq3A_5 : i1 to i32
    %cond3A_7 = arith.constant 0 : i32
    %cond3A_8 = arith.cmpi ne, %convert_element_type3A_6, %cond3A_7 : i32
    scf.if %cond3A_8 {
      "tpu.region"() ({
        %run_scoped3A = tpu.sem_alloc : memref<!tpu.dma_semaphore, #tpu.memory_space<semaphore_mem>>
        %dma_start3A = arith.constant 9480 : i32
        %dma_start3A_25 = arith.constant 0 : i32
        %dma_start3A_26 = tpu.memref_slice %arg12[%dma_start3A, %dma_start3A_25] : memref<10000x48xf32, #tpu.memory_space<vmem_shared>> -> memref<520x48xf32, #tpu.memory_space<vmem_shared>>
        %dma_start3A_27 = arith.constant 9480 : i32
        %dma_start3A_28 = arith.constant 0 : i32
        %dma_start3A_29 = tpu.memref_slice %arg6[%dma_start3A_27, %dma_start3A_28] : memref<10000x48xf32, #tpu.memory_space<hbm>> -> memref<520x48xf32, #tpu.memory_space<hbm>>
        tpu.enqueue_dma source(%dma_start3A_29 : memref<520x48xf32, #tpu.memory_space<hbm>>) target(%dma_start3A_26 : memref<520x48xf32, #tpu.memory_space<vmem_shared>>) target_semaphore(%run_scoped3A : memref<!tpu.dma_semaphore, #tpu.memory_space<semaphore_mem>>)
        %dma_wait3A = arith.constant 9480 : i32
        %dma_wait3A_30 = arith.constant 0 : i32
        %dma_wait3A_31 = tpu.memref_slice %arg12[%dma_wait3A, %dma_wait3A_30] : memref<10000x48xf32, #tpu.memory_space<vmem_shared>> -> memref<520x48xf32, #tpu.memory_space<vmem_shared>>
        %dma_wait3A_32 = arith.constant 9480 : i32
        %dma_wait3A_33 = arith.constant 0 : i32
        %dma_wait3A_34 = tpu.memref_slice %arg6[%dma_wait3A_32, %dma_wait3A_33] : memref<10000x48xf32, #tpu.memory_space<hbm>> -> memref<520x48xf32, #tpu.memory_space<hbm>>
        tpu.wait_dma2 semaphore(%run_scoped3A : memref<!tpu.dma_semaphore, #tpu.memory_space<semaphore_mem>>) src(%dma_wait3A_34 : memref<520x48xf32, #tpu.memory_space<hbm>>) dst(%dma_wait3A_31 : memref<520x48xf32, #tpu.memory_space<vmem_shared>>)
        tpu.yield
      }) : () -> ()
    } else {
    }
    "tpu.region"() ({
      %run_scoped3A = tpu.sem_alloc : memref<!tpu.dma_semaphore, #tpu.memory_space<semaphore_mem>>
      %dma_start3A = arith.constant 0 : i32
      %dma_start3A_25 = arith.constant 0 : i32
      %dma_start3A_26 = tpu.memref_slice %arg3[%add3A, %dma_start3A, %dma_start3A_25] : memref<32x79x128xi32, #tpu.memory_space<hbm>> -> memref<1x79x128xi32, #tpu.memory_space<hbm>>
      %dma_start3A_27 = tpu.memref_squeeze %dma_start3A_26 : memref<1x79x128xi32, #tpu.memory_space<hbm>> -> memref<79x128xi32, #tpu.memory_space<hbm>>
      %dma_start3A_28 = arith.constant 0 : i32
      %dma_start3A_29 = arith.constant 0 : i32
      %dma_start3A_30 = tpu.memref_slice %arg3[%add3A, %dma_start3A_28, %dma_start3A_29] : memref<32x79x128xi32, #tpu.memory_space<hbm>> -> memref<1x79x128xi32, #tpu.memory_space<hbm>>
      %dma_start3A_31 = tpu.memref_squeeze %dma_start3A_30 : memref<1x79x128xi32, #tpu.memory_space<hbm>> -> memref<79x128xi32, #tpu.memory_space<hbm>>
      tpu.enqueue_dma source(%dma_start3A_31 : memref<79x128xi32, #tpu.memory_space<hbm>>) target(%arg8 : memref<79x128xi32, #tpu.memory_space<vmem>>) target_semaphore(%run_scoped3A : memref<!tpu.dma_semaphore, #tpu.memory_space<semaphore_mem>>)
      %dma_wait3A = arith.constant 0 : i32
      %dma_wait3A_32 = arith.constant 0 : i32
      %dma_wait3A_33 = tpu.memref_slice %arg3[%add3A, %dma_wait3A, %dma_wait3A_32] : memref<32x79x128xi32, #tpu.memory_space<hbm>> -> memref<1x79x128xi32, #tpu.memory_space<hbm>>
      %dma_wait3A_34 = tpu.memref_squeeze %dma_wait3A_33 : memref<1x79x128xi32, #tpu.memory_space<hbm>> -> memref<79x128xi32, #tpu.memory_space<hbm>>
      %dma_wait3A_35 = arith.constant 0 : i32
      %dma_wait3A_36 = arith.constant 0 : i32
      %dma_wait3A_37 = tpu.memref_slice %arg3[%add3A, %dma_wait3A_35, %dma_wait3A_36] : memref<32x79x128xi32, #tpu.memory_space<hbm>> -> memref<1x79x128xi32, #tpu.memory_space<hbm>>
      %dma_wait3A_38 = tpu.memref_squeeze %dma_wait3A_37 : memref<1x79x128xi32, #tpu.memory_space<hbm>> -> memref<79x128xi32, #tpu.memory_space<hbm>>
      tpu.wait_dma2 semaphore(%run_scoped3A : memref<!tpu.dma_semaphore, #tpu.memory_space<semaphore_mem>>) src(%dma_wait3A_38 : memref<79x128xi32, #tpu.memory_space<hbm>>) dst(%arg8 : memref<79x128xi32, #tpu.memory_space<vmem>>)
      tpu.yield
    }) : () -> ()
    "tpu.region"() ({
      %run_scoped3A = tpu.sem_alloc : memref<!tpu.dma_semaphore, #tpu.memory_space<semaphore_mem>>
      %dma_start3A = arith.constant 0 : i32
      %dma_start3A_25 = arith.constant 0 : i32
      %dma_start3A_26 = tpu.memref_slice %arg4[%add3A, %dma_start3A, %dma_start3A_25] : memref<32x79x128xi32, #tpu.memory_space<hbm>> -> memref<1x79x128xi32, #tpu.memory_space<hbm>>
      %dma_start3A_27 = tpu.memref_squeeze %dma_start3A_26 : memref<1x79x128xi32, #tpu.memory_space<hbm>> -> memref<79x128xi32, #tpu.memory_space<hbm>>
      %dma_start3A_28 = arith.constant 0 : i32
      %dma_start3A_29 = arith.constant 0 : i32
      %dma_start3A_30 = tpu.memref_slice %arg4[%add3A, %dma_start3A_28, %dma_start3A_29] : memref<32x79x128xi32, #tpu.memory_space<hbm>> -> memref<1x79x128xi32, #tpu.memory_space<hbm>>
      %dma_start3A_31 = tpu.memref_squeeze %dma_start3A_30 : memref<1x79x128xi32, #tpu.memory_space<hbm>> -> memref<79x128xi32, #tpu.memory_space<hbm>>
      tpu.enqueue_dma source(%dma_start3A_31 : memref<79x128xi32, #tpu.memory_space<hbm>>) target(%arg9 : memref<79x128xi32, #tpu.memory_space<vmem>>) target_semaphore(%run_scoped3A : memref<!tpu.dma_semaphore, #tpu.memory_space<semaphore_mem>>)
      %dma_wait3A = arith.constant 0 : i32
      %dma_wait3A_32 = arith.constant 0 : i32
      %dma_wait3A_33 = tpu.memref_slice %arg4[%add3A, %dma_wait3A, %dma_wait3A_32] : memref<32x79x128xi32, #tpu.memory_space<hbm>> -> memref<1x79x128xi32, #tpu.memory_space<hbm>>
      %dma_wait3A_34 = tpu.memref_squeeze %dma_wait3A_33 : memref<1x79x128xi32, #tpu.memory_space<hbm>> -> memref<79x128xi32, #tpu.memory_space<hbm>>
      %dma_wait3A_35 = arith.constant 0 : i32
      %dma_wait3A_36 = arith.constant 0 : i32
      %dma_wait3A_37 = tpu.memref_slice %arg4[%add3A, %dma_wait3A_35, %dma_wait3A_36] : memref<32x79x128xi32, #tpu.memory_space<hbm>> -> memref<1x79x128xi32, #tpu.memory_space<hbm>>
      %dma_wait3A_38 = tpu.memref_squeeze %dma_wait3A_37 : memref<1x79x128xi32, #tpu.memory_space<hbm>> -> memref<79x128xi32, #tpu.memory_space<hbm>>
      tpu.wait_dma2 semaphore(%run_scoped3A : memref<!tpu.dma_semaphore, #tpu.memory_space<semaphore_mem>>) src(%dma_wait3A_38 : memref<79x128xi32, #tpu.memory_space<hbm>>) dst(%arg9 : memref<79x128xi32, #tpu.memory_space<vmem>>)
      tpu.yield
    }) : () -> ()
    "tpu.region"() ({
      %run_scoped3A = tpu.sem_alloc : memref<!tpu.dma_semaphore, #tpu.memory_space<semaphore_mem>>
      %dma_start3A = arith.constant 0 : i32
      %dma_start3A_25 = tpu.memref_slice %arg5[%add3A, %dma_start3A] : memref<32x10112xf32, #tpu.memory_space<hbm>> -> memref<1x10112xf32, #tpu.memory_space<hbm>>
      %dma_start3A_26 = tpu.memref_squeeze %dma_start3A_25 : memref<1x10112xf32, #tpu.memory_space<hbm>> -> memref<10112xf32, #tpu.memory_space<hbm>>
      %dma_start3A_27 = arith.constant 0 : i32
      %dma_start3A_28 = tpu.memref_slice %arg5[%add3A, %dma_start3A_27] : memref<32x10112xf32, #tpu.memory_space<hbm>> -> memref<1x10112xf32, #tpu.memory_space<hbm>>
      %dma_start3A_29 = tpu.memref_squeeze %dma_start3A_28 : memref<1x10112xf32, #tpu.memory_space<hbm>> -> memref<10112xf32, #tpu.memory_space<hbm>>
      tpu.enqueue_dma source(%dma_start3A_29 : memref<10112xf32, #tpu.memory_space<hbm>>) target(%arg10 : memref<10112xf32, #tpu.memory_space<vmem>>) target_semaphore(%run_scoped3A : memref<!tpu.dma_semaphore, #tpu.memory_space<semaphore_mem>>)
      %dma_wait3A = arith.constant 0 : i32
      %dma_wait3A_30 = tpu.memref_slice %arg5[%add3A, %dma_wait3A] : memref<32x10112xf32, #tpu.memory_space<hbm>> -> memref<1x10112xf32, #tpu.memory_space<hbm>>
      %dma_wait3A_31 = tpu.memref_squeeze %dma_wait3A_30 : memref<1x10112xf32, #tpu.memory_space<hbm>> -> memref<10112xf32, #tpu.memory_space<hbm>>
      %dma_wait3A_32 = arith.constant 0 : i32
      %dma_wait3A_33 = tpu.memref_slice %arg5[%add3A, %dma_wait3A_32] : memref<32x10112xf32, #tpu.memory_space<hbm>> -> memref<1x10112xf32, #tpu.memory_space<hbm>>
      %dma_wait3A_34 = tpu.memref_squeeze %dma_wait3A_33 : memref<1x10112xf32, #tpu.memory_space<hbm>> -> memref<10112xf32, #tpu.memory_space<hbm>>
      tpu.wait_dma2 semaphore(%run_scoped3A : memref<!tpu.dma_semaphore, #tpu.memory_space<semaphore_mem>>) src(%dma_wait3A_34 : memref<10112xf32, #tpu.memory_space<hbm>>) dst(%arg10 : memref<10112xf32, #tpu.memory_space<vmem>>)
      tpu.yield
    }) : () -> ()
    %barrier3A = arith.constant 0 : index
    tpu.barrier barrier_id(%barrier3A)
    %scan3A = arith.constant 0 : i32
    %scan3A_9 = arith.constant 0 : i32
    %scan3A_10 = arith.constant 79 : i32
    %scan3A_11 = arith.addi %scan3A_9, %scan3A_10 : i32
    %scan3A_12 = arith.constant 1 : i32
    scf.for %scan3A_25 = %scan3A_9 to %scan3A_11 step %scan3A_12  : i32 {
      %dma_start3A = arith.constant 0 : i32
      %dma_start3A_26 = tpu.memref_slice %arg8[%scan3A_25, %dma_start3A] : memref<79x128xi32, #tpu.memory_space<vmem>> -> memref<1x128xi32, #tpu.memory_space<vmem>>
      %dma_start3A_27 = tpu.memref_squeeze %dma_start3A_26 : memref<1x128xi32, #tpu.memory_space<vmem>> -> memref<128xi32, #tpu.memory_space<vmem>>
      %dma_start3A_28 = arith.constant 0 : i32
      %dma_start3A_29 = arith.constant 0 : i32
      %dma_start3A_30 = tpu.memref_slice %arg2[%dma_start3A_28, %dma_start3A_29] : memref<10000x48xf32, #tpu.memory_space<hbm>> -> memref<10000x48xf32, #tpu.memory_space<hbm>>
      tpu.enqueue_indirect_dma source(%dma_start3A_30 : memref<10000x48xf32, #tpu.memory_space<hbm>>) target(%arg11 : memref<128x48xf32, #tpu.memory_space<vmem>>) offsets(%dma_start3A_27 : memref<128xi32, #tpu.memory_space<vmem>>) semaphore(%arg13 : memref<!tpu.dma_semaphore, #tpu.memory_space<semaphore_mem>>)
      %dma_wait3A = arith.constant 0 : i32
      %dma_wait3A_31 = tpu.memref_slice %arg8[%scan3A_25, %dma_wait3A] : memref<79x128xi32, #tpu.memory_space<vmem>> -> memref<1x128xi32, #tpu.memory_space<vmem>>
      %dma_wait3A_32 = tpu.memref_squeeze %dma_wait3A_31 : memref<1x128xi32, #tpu.memory_space<vmem>> -> memref<128xi32, #tpu.memory_space<vmem>>
      %dma_wait3A_33 = arith.constant 0 : i32
      %dma_wait3A_34 = arith.constant 0 : i32
      %dma_wait3A_35 = tpu.memref_slice %arg2[%dma_wait3A_33, %dma_wait3A_34] : memref<10000x48xf32, #tpu.memory_space<hbm>> -> memref<10000x48xf32, #tpu.memory_space<hbm>>
      tpu.wait_indirect_dma semaphore(%arg13 : memref<!tpu.dma_semaphore, #tpu.memory_space<semaphore_mem>>) src(%dma_wait3A_35 : memref<10000x48xf32, #tpu.memory_space<hbm>>) dst(%arg11 : memref<128x48xf32, #tpu.memory_space<vmem>>)
      %scan3A_36 = arith.constant 0 : i32
      %scan3A_37 = arith.constant 0 : i32
      %scan3A_38 = arith.constant 8 : i32
      %scan3A_39 = arith.addi %scan3A_37, %scan3A_38 : i32
      %scan3A_40 = arith.constant 1 : i32
      scf.for %scan3A_42 = %scan3A_37 to %scan3A_39 step %scan3A_40  : i32 {
        %mul3A_43 = arith.constant 128 : i32
        %mul3A_44 = arith.muli %scan3A_25, %mul3A_43 : i32
        %mul3A_45 = arith.constant 16 : i32
        %mul3A_46 = arith.muli %scan3A_42, %mul3A_45 : i32
        %add3A_47 = arith.addi %mul3A_44, %mul3A_46 : i32
        %multiple_of3A_48 = tpu.assume_multiple %add3A_47, 16 : i32
        %get3A = arith.index_cast %multiple_of3A_48 : i32 to index
        %get3A_49 = tpu.vector_load %arg10[%get3A] {strides = array<i32>} : memref<10112xf32, #tpu.memory_space<vmem>>, vector<16xf32>,
        %get3A_50 = vector.shape_cast %get3A_49 : vector<16xf32> to vector<16xf32>
        %broadcast_in_dim3A = arith.constant 0 : i32
        %broadcast_in_dim3A_51 = vector.broadcast %broadcast_in_dim3A : i32 to vector<16xi32>
        %lt3A_52 = arith.constant 0 : i32
        %lt3A_53 = vector.broadcast %lt3A_52 : i32 to vector<16xi32>
        %lt3A_54 = arith.cmpi slt, %broadcast_in_dim3A_51, %lt3A_53 : vector<16xi32>
        %add3A_55 = arith.constant 16 : i32
        %add3A_56 = vector.broadcast %add3A_55 : i32 to vector<16xi32>
        %add3A_57 = arith.addi %broadcast_in_dim3A_51, %add3A_56 : vector<16xi32>
        %select_n3A = arith.select %lt3A_54, %add3A_57, %broadcast_in_dim3A_51 : vector<16xi1>, vector<16xi32>
        %broadcast_in_dim3A_58 = vector.shape_cast %select_n3A : vector<16xi32> to vector<16x1xi32>
        %gather3A = vector.shape_cast %broadcast_in_dim3A_58 : vector<16x1xi32> to vector<16xi32>
        %gather3A_59 = tpu.dynamic_gather %get3A_50[%gather3A] in [0] : vector<16xf32>, vector<16xi32> -> vector<16xf32>
        %mul3A_60 = arith.constant 16 : i32
        %mul3A_61 = arith.muli %scan3A_42, %mul3A_60 : i32
        %add3A_62 = arith.constant 0 : i32
        %add3A_63 = arith.addi %mul3A_61, %add3A_62 : i32
        %get3A_64 = arith.index_cast %add3A_63 : i32 to index
        %get3A_65 = arith.constant 0 : index
        %get3A_66 = tpu.vector_load %arg11[%get3A_64, %get3A_65] {strides = array<i32>} : memref<128x48xf32, #tpu.memory_space<vmem>>, vector<1x16xf32>,
        %get3A_67 = vector.shape_cast %get3A_66 : vector<1x16xf32> to vector<16xf32>
        %mul3A_68 = arith.mulf %get3A_67, %gather3A_59 : vector<16xf32>
        %swap3A = arith.index_cast %add3A_63 : i32 to index
        %swap3A_69 = arith.constant 0 : index
        %swap3A_70 = tpu.vector_load %arg11[%swap3A, %swap3A_69] {strides = array<i32>} : memref<128x48xf32, #tpu.memory_space<vmem>>, vector<1x16xf32>,
        %swap3A_71 = vector.shape_cast %swap3A_70 : vector<1x16xf32> to vector<16xf32>
        %swap3A_72 = vector.shape_cast %mul3A_68 : vector<16xf32> to vector<1x16xf32>
        tpu.vector_store %arg11[%swap3A, %swap3A_69], %swap3A_72 {strides = array<i32>} : memref<128x48xf32, #tpu.memory_space<vmem>>, vector<1x16xf32>,
        %get3A_73 = arith.index_cast %add3A_63 : i32 to index
        %get3A_74 = arith.constant 16 : index
        %get3A_75 = tpu.vector_load %arg11[%get3A_73, %get3A_74] {strides = array<i32>} : memref<128x48xf32, #tpu.memory_space<vmem>>, vector<1x16xf32>,
        %get3A_76 = vector.shape_cast %get3A_75 : vector<1x16xf32> to vector<16xf32>
        %mul3A_77 = arith.mulf %get3A_76, %gather3A_59 : vector<16xf32>
        %swap3A_78 = arith.index_cast %add3A_63 : i32 to index
        %swap3A_79 = arith.constant 16 : index
        %swap3A_80 = tpu.vector_load %arg11[%swap3A_78, %swap3A_79] {strides = array<i32>} : memref<128x48xf32, #tpu.memory_space<vmem>>, vector<1x16xf32>,
        %swap3A_81 = vector.shape_cast %swap3A_80 : vector<1x16xf32> to vector<16xf32>
        %swap3A_82 = vector.shape_cast %mul3A_77 : vector<16xf32> to vector<1x16xf32>
        tpu.vector_store %arg11[%swap3A_78, %swap3A_79], %swap3A_82 {strides = array<i32>} : memref<128x48xf32, #tpu.memory_space<vmem>>, vector<1x16xf32>,
        %get3A_83 = arith.index_cast %add3A_63 : i32 to index
        %get3A_84 = arith.constant 32 : index
        %get3A_85 = tpu.vector_load %arg11[%get3A_83, %get3A_84] {strides = array<i32>} : memref<128x48xf32, #tpu.memory_space<vmem>>, vector<1x16xf32>,
        %get3A_86 = vector.shape_cast %get3A_85 : vector<1x16xf32> to vector<16xf32>
        %mul3A_87 = arith.mulf %get3A_86, %gather3A_59 : vector<16xf32>
        %swap3A_88 = arith.index_cast %add3A_63 : i32 to index
        %swap3A_89 = arith.constant 32 : index
        %swap3A_90 = tpu.vector_load %arg11[%swap3A_88, %swap3A_89] {strides = array<i32>} : memref<128x48xf32, #tpu.memory_space<vmem>>, vector<1x16xf32>,
        %swap3A_91 = vector.shape_cast %swap3A_90 : vector<1x16xf32> to vector<16xf32>
        %swap3A_92 = vector.shape_cast %mul3A_87 : vector<16xf32> to vector<1x16xf32>
        tpu.vector_store %arg11[%swap3A_88, %swap3A_89], %swap3A_92 {strides = array<i32>} : memref<128x48xf32, #tpu.memory_space<vmem>>, vector<1x16xf32>,
        %broadcast_in_dim3A_93 = arith.constant 1 : i32
        %broadcast_in_dim3A_94 = vector.broadcast %broadcast_in_dim3A_93 : i32 to vector<16xi32>
        %lt3A_95 = arith.constant 0 : i32
        %lt3A_96 = vector.broadcast %lt3A_95 : i32 to vector<16xi32>
        %lt3A_97 = arith.cmpi slt, %broadcast_in_dim3A_94, %lt3A_96 : vector<16xi32>
        %add3A_98 = arith.constant 16 : i32
        %add3A_99 = vector.broadcast %add3A_98 : i32 to vector<16xi32>
        %add3A_100 = arith.addi %broadcast_in_dim3A_94, %add3A_99 : vector<16xi32>
        %select_n3A_101 = arith.select %lt3A_97, %add3A_100, %broadcast_in_dim3A_94 : vector<16xi1>, vector<16xi32>
        %broadcast_in_dim3A_102 = vector.shape_cast %select_n3A_101 : vector<16xi32> to vector<16x1xi32>
        %gather3A_103 = vector.shape_cast %broadcast_in_dim3A_102 : vector<16x1xi32> to vector<16xi32>
        %gather3A_104 = tpu.dynamic_gather %get3A_50[%gather3A_103] in [0] : vector<16xf32>, vector<16xi32> -> vector<16xf32>
        %mul3A_105 = arith.constant 16 : i32
        %mul3A_106 = arith.muli %scan3A_42, %mul3A_105 : i32
        %add3A_107 = arith.constant 1 : i32
        %add3A_108 = arith.addi %mul3A_106, %add3A_107 : i32
        %get3A_109 = arith.index_cast %add3A_108 : i32 to index
        %get3A_110 = arith.constant 0 : index
        %get3A_111 = tpu.vector_load %arg11[%get3A_109, %get3A_110] {strides = array<i32>} : memref<128x48xf32, #tpu.memory_space<vmem>>, vector<1x16xf32>,
        %get3A_112 = vector.shape_cast %get3A_111 : vector<1x16xf32> to vector<16xf32>
        %mul3A_113 = arith.mulf %get3A_112, %gather3A_104 : vector<16xf32>
        %swap3A_114 = arith.index_cast %add3A_108 : i32 to index
        %swap3A_115 = arith.constant 0 : index
        %swap3A_116 = tpu.vector_load %arg11[%swap3A_114, %swap3A_115] {strides = array<i32>} : memref<128x48xf32, #tpu.memory_space<vmem>>, vector<1x16xf32>,
        %swap3A_117 = vector.shape_cast %swap3A_116 : vector<1x16xf32> to vector<16xf32>
        %swap3A_118 = vector.shape_cast %mul3A_113 : vector<16xf32> to vector<1x16xf32>
        tpu.vector_store %arg11[%swap3A_114, %swap3A_115], %swap3A_118 {strides = array<i32>} : memref<128x48xf32, #tpu.memory_space<vmem>>, vector<1x16xf32>,
        %get3A_119 = arith.index_cast %add3A_108 : i32 to index
        %get3A_120 = arith.constant 16 : index
        %get3A_121 = tpu.vector_load %arg11[%get3A_119, %get3A_120] {strides = array<i32>} : memref<128x48xf32, #tpu.memory_space<vmem>>, vector<1x16xf32>,
        %get3A_122 = vector.shape_cast %get3A_121 : vector<1x16xf32> to vector<16xf32>
        %mul3A_123 = arith.mulf %get3A_122, %gather3A_104 : vector<16xf32>
        %swap3A_124 = arith.index_cast %add3A_108 : i32 to index
        %swap3A_125 = arith.constant 16 : index
        %swap3A_126 = tpu.vector_load %arg11[%swap3A_124, %swap3A_125] {strides = array<i32>} : memref<128x48xf32, #tpu.memory_space<vmem>>, vector<1x16xf32>,
        %swap3A_127 = vector.shape_cast %swap3A_126 : vector<1x16xf32> to vector<16xf32>
        %swap3A_128 = vector.shape_cast %mul3A_123 : vector<16xf32> to vector<1x16xf32>
        tpu.vector_store %arg11[%swap3A_124, %swap3A_125], %swap3A_128 {strides = array<i32>} : memref<128x48xf32, #tpu.memory_space<vmem>>, vector<1x16xf32>,
        %get3A_129 = arith.index_cast %add3A_108 : i32 to index
        %get3A_130 = arith.constant 32 : index
        %get3A_131 = tpu.vector_load %arg11[%get3A_129, %get3A_130] {strides = array<i32>} : memref<128x48xf32, #tpu.memory_space<vmem>>, vector<1x16xf32>,
        %get3A_132 = vector.shape_cast %get3A_131 : vector<1x16xf32> to vector<16xf32>
        %mul3A_133 = arith.mulf %get3A_132, %gather3A_104 : vector<16xf32>
        %swap3A_134 = arith.index_cast %add3A_108 : i32 to index
        %swap3A_135 = arith.constant 32 : index
        %swap3A_136 = tpu.vector_load %arg11[%swap3A_134, %swap3A_135] {strides = array<i32>} : memref<128x48xf32, #tpu.memory_space<vmem>>, vector<1x16xf32>,
        %swap3A_137 = vector.shape_cast %swap3A_136 : vector<1x16xf32> to vector<16xf32>
        %swap3A_138 = vector.shape_cast %mul3A_133 : vector<16xf32> to vector<1x16xf32>
        tpu.vector_store %arg11[%swap3A_134, %swap3A_135], %swap3A_138 {strides = array<i32>} : memref<128x48xf32, #tpu.memory_space<vmem>>, vector<1x16xf32>,
        %broadcast_in_dim3A_139 = arith.constant 2 : i32
        %broadcast_in_dim3A_140 = vector.broadcast %broadcast_in_dim3A_139 : i32 to vector<16xi32>
        %lt3A_141 = arith.constant 0 : i32
        %lt3A_142 = vector.broadcast %lt3A_141 : i32 to vector<16xi32>
        %lt3A_143 = arith.cmpi slt, %broadcast_in_dim3A_140, %lt3A_142 : vector<16xi32>
        %add3A_144 = arith.constant 16 : i32
        %add3A_145 = vector.broadcast %add3A_144 : i32 to vector<16xi32>
        %add3A_146 = arith.addi %broadcast_in_dim3A_140, %add3A_145 : vector<16xi32>
        %select_n3A_147 = arith.select %lt3A_143, %add3A_146, %broadcast_in_dim3A_140 : vector<16xi1>, vector<16xi32>
        %broadcast_in_dim3A_148 = vector.shape_cast %select_n3A_147 : vector<16xi32> to vector<16x1xi32>
        %gather3A_149 = vector.shape_cast %broadcast_in_dim3A_148 : vector<16x1xi32> to vector<16xi32>
        %gather3A_150 = tpu.dynamic_gather %get3A_50[%gather3A_149] in [0] : vector<16xf32>, vector<16xi32> -> vector<16xf32>
        %mul3A_151 = arith.constant 16 : i32
        %mul3A_152 = arith.muli %scan3A_42, %mul3A_151 : i32
        %add3A_153 = arith.constant 2 : i32
        %add3A_154 = arith.addi %mul3A_152, %add3A_153 : i32
        %get3A_155 = arith.index_cast %add3A_154 : i32 to index
        %get3A_156 = arith.constant 0 : index
        %get3A_157 = tpu.vector_load %arg11[%get3A_155, %get3A_156] {strides = array<i32>} : memref<128x48xf32, #tpu.memory_space<vmem>>, vector<1x16xf32>,
        %get3A_158 = vector.shape_cast %get3A_157 : vector<1x16xf32> to vector<16xf32>
        %mul3A_159 = arith.mulf %get3A_158, %gather3A_150 : vector<16xf32>
        %swap3A_160 = arith.index_cast %add3A_154 : i32 to index
        %swap3A_161 = arith.constant 0 : index
        %swap3A_162 = tpu.vector_load %arg11[%swap3A_160, %swap3A_161] {strides = array<i32>} : memref<128x48xf32, #tpu.memory_space<vmem>>, vector<1x16xf32>,
        %swap3A_163 = vector.shape_cast %swap3A_162 : vector<1x16xf32> to vector<16xf32>
        %swap3A_164 = vector.shape_cast %mul3A_159 : vector<16xf32> to vector<1x16xf32>
        tpu.vector_store %arg11[%swap3A_160, %swap3A_161], %swap3A_164 {strides = array<i32>} : memref<128x48xf32, #tpu.memory_space<vmem>>, vector<1x16xf32>,
        %get3A_165 = arith.index_cast %add3A_154 : i32 to index
        %get3A_166 = arith.constant 16 : index
        %get3A_167 = tpu.vector_load %arg11[%get3A_165, %get3A_166] {strides = array<i32>} : memref<128x48xf32, #tpu.memory_space<vmem>>, vector<1x16xf32>,
        %get3A_168 = vector.shape_cast %get3A_167 : vector<1x16xf32> to vector<16xf32>
        %mul3A_169 = arith.mulf %get3A_168, %gather3A_150 : vector<16xf32>
        %swap3A_170 = arith.index_cast %add3A_154 : i32 to index
        %swap3A_171 = arith.constant 16 : index
        %swap3A_172 = tpu.vector_load %arg11[%swap3A_170, %swap3A_171] {strides = array<i32>} : memref<128x48xf32, #tpu.memory_space<vmem>>, vector<1x16xf32>,
        %swap3A_173 = vector.shape_cast %swap3A_172 : vector<1x16xf32> to vector<16xf32>
        %swap3A_174 = vector.shape_cast %mul3A_169 : vector<16xf32> to vector<1x16xf32>
        tpu.vector_store %arg11[%swap3A_170, %swap3A_171], %swap3A_174 {strides = array<i32>} : memref<128x48xf32, #tpu.memory_space<vmem>>, vector<1x16xf32>,
        %get3A_175 = arith.index_cast %add3A_154 : i32 to index
        %get3A_176 = arith.constant 32 : index
        %get3A_177 = tpu.vector_load %arg11[%get3A_175, %get3A_176] {strides = array<i32>} : memref<128x48xf32, #tpu.memory_space<vmem>>, vector<1x16xf32>,
        %get3A_178 = vector.shape_cast %get3A_177 : vector<1x16xf32> to vector<16xf32>
        %mul3A_179 = arith.mulf %get3A_178, %gather3A_150 : vector<16xf32>
        %swap3A_180 = arith.index_cast %add3A_154 : i32 to index
        %swap3A_181 = arith.constant 32 : index
        %swap3A_182 = tpu.vector_load %arg11[%swap3A_180, %swap3A_181] {strides = array<i32>} : memref<128x48xf32, #tpu.memory_space<vmem>>, vector<1x16xf32>,
        %swap3A_183 = vector.shape_cast %swap3A_182 : vector<1x16xf32> to vector<16xf32>
        %swap3A_184 = vector.shape_cast %mul3A_179 : vector<16xf32> to vector<1x16xf32>
        tpu.vector_store %arg11[%swap3A_180, %swap3A_181], %swap3A_184 {strides = array<i32>} : memref<128x48xf32, #tpu.memory_space<vmem>>, vector<1x16xf32>,
        %broadcast_in_dim3A_185 = arith.constant 3 : i32
        %broadcast_in_dim3A_186 = vector.broadcast %broadcast_in_dim3A_185 : i32 to vector<16xi32>
        %lt3A_187 = arith.constant 0 : i32
        %lt3A_188 = vector.broadcast %lt3A_187 : i32 to vector<16xi32>
        %lt3A_189 = arith.cmpi slt, %broadcast_in_dim3A_186, %lt3A_188 : vector<16xi32>
        %add3A_190 = arith.constant 16 : i32
        %add3A_191 = vector.broadcast %add3A_190 : i32 to vector<16xi32>
        %add3A_192 = arith.addi %broadcast_in_dim3A_186, %add3A_191 : vector<16xi32>
        %select_n3A_193 = arith.select %lt3A_189, %add3A_192, %broadcast_in_dim3A_186 : vector<16xi1>, vector<16xi32>
        %broadcast_in_dim3A_194 = vector.shape_cast %select_n3A_193 : vector<16xi32> to vector<16x1xi32>
        %gather3A_195 = vector.shape_cast %broadcast_in_dim3A_194 : vector<16x1xi32> to vector<16xi32>
        %gather3A_196 = tpu.dynamic_gather %get3A_50[%gather3A_195] in [0] : vector<16xf32>, vector<16xi32> -> vector<16xf32>
        %mul3A_197 = arith.constant 16 : i32
        %mul3A_198 = arith.muli %scan3A_42, %mul3A_197 : i32
        %add3A_199 = arith.constant 3 : i32
        %add3A_200 = arith.addi %mul3A_198, %add3A_199 : i32
        %get3A_201 = arith.index_cast %add3A_200 : i32 to index
        %get3A_202 = arith.constant 0 : index
        %get3A_203 = tpu.vector_load %arg11[%get3A_201, %get3A_202] {strides = array<i32>} : memref<128x48xf32, #tpu.memory_space<vmem>>, vector<1x16xf32>,
        %get3A_204 = vector.shape_cast %get3A_203 : vector<1x16xf32> to vector<16xf32>
        %mul3A_205 = arith.mulf %get3A_204, %gather3A_196 : vector<16xf32>
        %swap3A_206 = arith.index_cast %add3A_200 : i32 to index
        %swap3A_207 = arith.constant 0 : index
        %swap3A_208 = tpu.vector_load %arg11[%swap3A_206, %swap3A_207] {strides = array<i32>} : memref<128x48xf32, #tpu.memory_space<vmem>>, vector<1x16xf32>,
        %swap3A_209 = vector.shape_cast %swap3A_208 : vector<1x16xf32> to vector<16xf32>
        %swap3A_210 = vector.shape_cast %mul3A_205 : vector<16xf32> to vector<1x16xf32>
        tpu.vector_store %arg11[%swap3A_206, %swap3A_207], %swap3A_210 {strides = array<i32>} : memref<128x48xf32, #tpu.memory_space<vmem>>, vector<1x16xf32>,
        %get3A_211 = arith.index_cast %add3A_200 : i32 to index
        %get3A_212 = arith.constant 16 : index
        %get3A_213 = tpu.vector_load %arg11[%get3A_211, %get3A_212] {strides = array<i32>} : memref<128x48xf32, #tpu.memory_space<vmem>>, vector<1x16xf32>,
        %get3A_214 = vector.shape_cast %get3A_213 : vector<1x16xf32> to vector<16xf32>
        %mul3A_215 = arith.mulf %get3A_214, %gather3A_196 : vector<16xf32>
        %swap3A_216 = arith.index_cast %add3A_200 : i32 to index
        %swap3A_217 = arith.constant 16 : index
        %swap3A_218 = tpu.vector_load %arg11[%swap3A_216, %swap3A_217] {strides = array<i32>} : memref<128x48xf32, #tpu.memory_space<vmem>>, vector<1x16xf32>,
        %swap3A_219 = vector.shape_cast %swap3A_218 : vector<1x16xf32> to vector<16xf32>
        %swap3A_220 = vector.shape_cast %mul3A_215 : vector<16xf32> to vector<1x16xf32>
        tpu.vector_store %arg11[%swap3A_216, %swap3A_217], %swap3A_220 {strides = array<i32>} : memref<128x48xf32, #tpu.memory_space<vmem>>, vector<1x16xf32>,
        %get3A_221 = arith.index_cast %add3A_200 : i32 to index
        %get3A_222 = arith.constant 32 : index
        %get3A_223 = tpu.vector_load %arg11[%get3A_221, %get3A_222] {strides = array<i32>} : memref<128x48xf32, #tpu.memory_space<vmem>>, vector<1x16xf32>,
        %get3A_224 = vector.shape_cast %get3A_223 : vector<1x16xf32> to vector<16xf32>
        %mul3A_225 = arith.mulf %get3A_224, %gather3A_196 : vector<16xf32>
        %swap3A_226 = arith.index_cast %add3A_200 : i32 to index
        %swap3A_227 = arith.constant 32 : index
        %swap3A_228 = tpu.vector_load %arg11[%swap3A_226, %swap3A_227] {strides = array<i32>} : memref<128x48xf32, #tpu.memory_space<vmem>>, vector<1x16xf32>,
        %swap3A_229 = vector.shape_cast %swap3A_228 : vector<1x16xf32> to vector<16xf32>
        %swap3A_230 = vector.shape_cast %mul3A_225 : vector<16xf32> to vector<1x16xf32>
        tpu.vector_store %arg11[%swap3A_226, %swap3A_227], %swap3A_230 {strides = array<i32>} : memref<128x48xf32, #tpu.memory_space<vmem>>, vector<1x16xf32>,
        %broadcast_in_dim3A_231 = arith.constant 4 : i32
        %broadcast_in_dim3A_232 = vector.broadcast %broadcast_in_dim3A_231 : i32 to vector<16xi32>
        %lt3A_233 = arith.constant 0 : i32
        %lt3A_234 = vector.broadcast %lt3A_233 : i32 to vector<16xi32>
        %lt3A_235 = arith.cmpi slt, %broadcast_in_dim3A_232, %lt3A_234 : vector<16xi32>
        %add3A_236 = arith.constant 16 : i32
        %add3A_237 = vector.broadcast %add3A_236 : i32 to vector<16xi32>
        %add3A_238 = arith.addi %broadcast_in_dim3A_232, %add3A_237 : vector<16xi32>
        %select_n3A_239 = arith.select %lt3A_235, %add3A_238, %broadcast_in_dim3A_232 : vector<16xi1>, vector<16xi32>
        %broadcast_in_dim3A_240 = vector.shape_cast %select_n3A_239 : vector<16xi32> to vector<16x1xi32>
        %gather3A_241 = vector.shape_cast %broadcast_in_dim3A_240 : vector<16x1xi32> to vector<16xi32>
        %gather3A_242 = tpu.dynamic_gather %get3A_50[%gather3A_241] in [0] : vector<16xf32>, vector<16xi32> -> vector<16xf32>
        %mul3A_243 = arith.constant 16 : i32
        %mul3A_244 = arith.muli %scan3A_42, %mul3A_243 : i32
        %add3A_245 = arith.constant 4 : i32
        %add3A_246 = arith.addi %mul3A_244, %add3A_245 : i32
        %get3A_247 = arith.index_cast %add3A_246 : i32 to index
        %get3A_248 = arith.constant 0 : index
        %get3A_249 = tpu.vector_load %arg11[%get3A_247, %get3A_248] {strides = array<i32>} : memref<128x48xf32, #tpu.memory_space<vmem>>, vector<1x16xf32>,
        %get3A_250 = vector.shape_cast %get3A_249 : vector<1x16xf32> to vector<16xf32>
        %mul3A_251 = arith.mulf %get3A_250, %gather3A_242 : vector<16xf32>
        %swap3A_252 = arith.index_cast %add3A_246 : i32 to index
        %swap3A_253 = arith.constant 0 : index
        %swap3A_254 = tpu.vector_load %arg11[%swap3A_252, %swap3A_253] {strides = array<i32>} : memref<128x48xf32, #tpu.memory_space<vmem>>, vector<1x16xf32>,
        %swap3A_255 = vector.shape_cast %swap3A_254 : vector<1x16xf32> to vector<16xf32>
        %swap3A_256 = vector.shape_cast %mul3A_251 : vector<16xf32> to vector<1x16xf32>
        tpu.vector_store %arg11[%swap3A_252, %swap3A_253], %swap3A_256 {strides = array<i32>} : memref<128x48xf32, #tpu.memory_space<vmem>>, vector<1x16xf32>,
        %get3A_257 = arith.index_cast %add3A_246 : i32 to index
        %get3A_258 = arith.constant 16 : index
        %get3A_259 = tpu.vector_load %arg11[%get3A_257, %get3A_258] {strides = array<i32>} : memref<128x48xf32, #tpu.memory_space<vmem>>, vector<1x16xf32>,
        %get3A_260 = vector.shape_cast %get3A_259 : vector<1x16xf32> to vector<16xf32>
        %mul3A_261 = arith.mulf %get3A_260, %gather3A_242 : vector<16xf32>
        %swap3A_262 = arith.index_cast %add3A_246 : i32 to index
        %swap3A_263 = arith.constant 16 : index
        %swap3A_264 = tpu.vector_load %arg11[%swap3A_262, %swap3A_263] {strides = array<i32>} : memref<128x48xf32, #tpu.memory_space<vmem>>, vector<1x16xf32>,
        %swap3A_265 = vector.shape_cast %swap3A_264 : vector<1x16xf32> to vector<16xf32>
        %swap3A_266 = vector.shape_cast %mul3A_261 : vector<16xf32> to vector<1x16xf32>
        tpu.vector_store %arg11[%swap3A_262, %swap3A_263], %swap3A_266 {strides = array<i32>} : memref<128x48xf32, #tpu.memory_space<vmem>>, vector<1x16xf32>,
        %get3A_267 = arith.index_cast %add3A_246 : i32 to index
        %get3A_268 = arith.constant 32 : index
        %get3A_269 = tpu.vector_load %arg11[%get3A_267, %get3A_268] {strides = array<i32>} : memref<128x48xf32, #tpu.memory_space<vmem>>, vector<1x16xf32>,
        %get3A_270 = vector.shape_cast %get3A_269 : vector<1x16xf32> to vector<16xf32>
        %mul3A_271 = arith.mulf %get3A_270, %gather3A_242 : vector<16xf32>
        %swap3A_272 = arith.index_cast %add3A_246 : i32 to index
        %swap3A_273 = arith.constant 32 : index
        %swap3A_274 = tpu.vector_load %arg11[%swap3A_272, %swap3A_273] {strides = array<i32>} : memref<128x48xf32, #tpu.memory_space<vmem>>, vector<1x16xf32>,
        %swap3A_275 = vector.shape_cast %swap3A_274 : vector<1x16xf32> to vector<16xf32>
        %swap3A_276 = vector.shape_cast %mul3A_271 : vector<16xf32> to vector<1x16xf32>
        tpu.vector_store %arg11[%swap3A_272, %swap3A_273], %swap3A_276 {strides = array<i32>} : memref<128x48xf32, #tpu.memory_space<vmem>>, vector<1x16xf32>,
        %broadcast_in_dim3A_277 = arith.constant 5 : i32
        %broadcast_in_dim3A_278 = vector.broadcast %broadcast_in_dim3A_277 : i32 to vector<16xi32>
        %lt3A_279 = arith.constant 0 : i32
        %lt3A_280 = vector.broadcast %lt3A_279 : i32 to vector<16xi32>
        %lt3A_281 = arith.cmpi slt, %broadcast_in_dim3A_278, %lt3A_280 : vector<16xi32>
        %add3A_282 = arith.constant 16 : i32
        %add3A_283 = vector.broadcast %add3A_282 : i32 to vector<16xi32>
        %add3A_284 = arith.addi %broadcast_in_dim3A_278, %add3A_283 : vector<16xi32>
        %select_n3A_285 = arith.select %lt3A_281, %add3A_284, %broadcast_in_dim3A_278 : vector<16xi1>, vector<16xi32>
        %broadcast_in_dim3A_286 = vector.shape_cast %select_n3A_285 : vector<16xi32> to vector<16x1xi32>
        %gather3A_287 = vector.shape_cast %broadcast_in_dim3A_286 : vector<16x1xi32> to vector<16xi32>
        %gather3A_288 = tpu.dynamic_gather %get3A_50[%gather3A_287] in [0] : vector<16xf32>, vector<16xi32> -> vector<16xf32>
        %mul3A_289 = arith.constant 16 : i32
        %mul3A_290 = arith.muli %scan3A_42, %mul3A_289 : i32
        %add3A_291 = arith.constant 5 : i32
        %add3A_292 = arith.addi %mul3A_290, %add3A_291 : i32
        %get3A_293 = arith.index_cast %add3A_292 : i32 to index
        %get3A_294 = arith.constant 0 : index
        %get3A_295 = tpu.vector_load %arg11[%get3A_293, %get3A_294] {strides = array<i32>} : memref<128x48xf32, #tpu.memory_space<vmem>>, vector<1x16xf32>,
        %get3A_296 = vector.shape_cast %get3A_295 : vector<1x16xf32> to vector<16xf32>
        %mul3A_297 = arith.mulf %get3A_296, %gather3A_288 : vector<16xf32>
        %swap3A_298 = arith.index_cast %add3A_292 : i32 to index
        %swap3A_299 = arith.constant 0 : index
        %swap3A_300 = tpu.vector_load %arg11[%swap3A_298, %swap3A_299] {strides = array<i32>} : memref<128x48xf32, #tpu.memory_space<vmem>>, vector<1x16xf32>,
        %swap3A_301 = vector.shape_cast %swap3A_300 : vector<1x16xf32> to vector<16xf32>
        %swap3A_302 = vector.shape_cast %mul3A_297 : vector<16xf32> to vector<1x16xf32>
        tpu.vector_store %arg11[%swap3A_298, %swap3A_299], %swap3A_302 {strides = array<i32>} : memref<128x48xf32, #tpu.memory_space<vmem>>, vector<1x16xf32>,
        %get3A_303 = arith.index_cast %add3A_292 : i32 to index
        %get3A_304 = arith.constant 16 : index
        %get3A_305 = tpu.vector_load %arg11[%get3A_303, %get3A_304] {strides = array<i32>} : memref<128x48xf32, #tpu.memory_space<vmem>>, vector<1x16xf32>,
        %get3A_306 = vector.shape_cast %get3A_305 : vector<1x16xf32> to vector<16xf32>
        %mul3A_307 = arith.mulf %get3A_306, %gather3A_288 : vector<16xf32>
        %swap3A_308 = arith.index_cast %add3A_292 : i32 to index
        %swap3A_309 = arith.constant 16 : index
        %swap3A_310 = tpu.vector_load %arg11[%swap3A_308, %swap3A_309] {strides = array<i32>} : memref<128x48xf32, #tpu.memory_space<vmem>>, vector<1x16xf32>,
        %swap3A_311 = vector.shape_cast %swap3A_310 : vector<1x16xf32> to vector<16xf32>
        %swap3A_312 = vector.shape_cast %mul3A_307 : vector<16xf32> to vector<1x16xf32>
        tpu.vector_store %arg11[%swap3A_308, %swap3A_309], %swap3A_312 {strides = array<i32>} : memref<128x48xf32, #tpu.memory_space<vmem>>, vector<1x16xf32>,
        %get3A_313 = arith.index_cast %add3A_292 : i32 to index
        %get3A_314 = arith.constant 32 : index
        %get3A_315 = tpu.vector_load %arg11[%get3A_313, %get3A_314] {strides = array<i32>} : memref<128x48xf32, #tpu.memory_space<vmem>>, vector<1x16xf32>,
        %get3A_316 = vector.shape_cast %get3A_315 : vector<1x16xf32> to vector<16xf32>
        %mul3A_317 = arith.mulf %get3A_316, %gather3A_288 : vector<16xf32>
        %swap3A_318 = arith.index_cast %add3A_292 : i32 to index
        %swap3A_319 = arith.constant 32 : index
        %swap3A_320 = tpu.vector_load %arg11[%swap3A_318, %swap3A_319] {strides = array<i32>} : memref<128x48xf32, #tpu.memory_space<vmem>>, vector<1x16xf32>,
        %swap3A_321 = vector.shape_cast %swap3A_320 : vector<1x16xf32> to vector<16xf32>
        %swap3A_322 = vector.shape_cast %mul3A_317 : vector<16xf32> to vector<1x16xf32>
        tpu.vector_store %arg11[%swap3A_318, %swap3A_319], %swap3A_322 {strides = array<i32>} : memref<128x48xf32, #tpu.memory_space<vmem>>, vector<1x16xf32>,
        %broadcast_in_dim3A_323 = arith.constant 6 : i32
        %broadcast_in_dim3A_324 = vector.broadcast %broadcast_in_dim3A_323 : i32 to vector<16xi32>
        %lt3A_325 = arith.constant 0 : i32
        %lt3A_326 = vector.broadcast %lt3A_325 : i32 to vector<16xi32>
        %lt3A_327 = arith.cmpi slt, %broadcast_in_dim3A_324, %lt3A_326 : vector<16xi32>
        %add3A_328 = arith.constant 16 : i32
        %add3A_329 = vector.broadcast %add3A_328 : i32 to vector<16xi32>
        %add3A_330 = arith.addi %broadcast_in_dim3A_324, %add3A_329 : vector<16xi32>
        %select_n3A_331 = arith.select %lt3A_327, %add3A_330, %broadcast_in_dim3A_324 : vector<16xi1>, vector<16xi32>
        %broadcast_in_dim3A_332 = vector.shape_cast %select_n3A_331 : vector<16xi32> to vector<16x1xi32>
        %gather3A_333 = vector.shape_cast %broadcast_in_dim3A_332 : vector<16x1xi32> to vector<16xi32>
        %gather3A_334 = tpu.dynamic_gather %get3A_50[%gather3A_333] in [0] : vector<16xf32>, vector<16xi32> -> vector<16xf32>
        %mul3A_335 = arith.constant 16 : i32
        %mul3A_336 = arith.muli %scan3A_42, %mul3A_335 : i32
        %add3A_337 = arith.constant 6 : i32
        %add3A_338 = arith.addi %mul3A_336, %add3A_337 : i32
        %get3A_339 = arith.index_cast %add3A_338 : i32 to index
        %get3A_340 = arith.constant 0 : index
        %get3A_341 = tpu.vector_load %arg11[%get3A_339, %get3A_340] {strides = array<i32>} : memref<128x48xf32, #tpu.memory_space<vmem>>, vector<1x16xf32>,
        %get3A_342 = vector.shape_cast %get3A_341 : vector<1x16xf32> to vector<16xf32>
        %mul3A_343 = arith.mulf %get3A_342, %gather3A_334 : vector<16xf32>
        %swap3A_344 = arith.index_cast %add3A_338 : i32 to index
        %swap3A_345 = arith.constant 0 : index
        %swap3A_346 = tpu.vector_load %arg11[%swap3A_344, %swap3A_345] {strides = array<i32>} : memref<128x48xf32, #tpu.memory_space<vmem>>, vector<1x16xf32>,
        %swap3A_347 = vector.shape_cast %swap3A_346 : vector<1x16xf32> to vector<16xf32>
        %swap3A_348 = vector.shape_cast %mul3A_343 : vector<16xf32> to vector<1x16xf32>
        tpu.vector_store %arg11[%swap3A_344, %swap3A_345], %swap3A_348 {strides = array<i32>} : memref<128x48xf32, #tpu.memory_space<vmem>>, vector<1x16xf32>,
        %get3A_349 = arith.index_cast %add3A_338 : i32 to index
        %get3A_350 = arith.constant 16 : index
        %get3A_351 = tpu.vector_load %arg11[%get3A_349, %get3A_350] {strides = array<i32>} : memref<128x48xf32, #tpu.memory_space<vmem>>, vector<1x16xf32>,
        %get3A_352 = vector.shape_cast %get3A_351 : vector<1x16xf32> to vector<16xf32>
        %mul3A_353 = arith.mulf %get3A_352, %gather3A_334 : vector<16xf32>
        %swap3A_354 = arith.index_cast %add3A_338 : i32 to index
        %swap3A_355 = arith.constant 16 : index
        %swap3A_356 = tpu.vector_load %arg11[%swap3A_354, %swap3A_355] {strides = array<i32>} : memref<128x48xf32, #tpu.memory_space<vmem>>, vector<1x16xf32>,
        %swap3A_357 = vector.shape_cast %swap3A_356 : vector<1x16xf32> to vector<16xf32>
        %swap3A_358 = vector.shape_cast %mul3A_353 : vector<16xf32> to vector<1x16xf32>
        tpu.vector_store %arg11[%swap3A_354, %swap3A_355], %swap3A_358 {strides = array<i32>} : memref<128x48xf32, #tpu.memory_space<vmem>>, vector<1x16xf32>,
        %get3A_359 = arith.index_cast %add3A_338 : i32 to index
        %get3A_360 = arith.constant 32 : index
        %get3A_361 = tpu.vector_load %arg11[%get3A_359, %get3A_360] {strides = array<i32>} : memref<128x48xf32, #tpu.memory_space<vmem>>, vector<1x16xf32>,
        %get3A_362 = vector.shape_cast %get3A_361 : vector<1x16xf32> to vector<16xf32>
        %mul3A_363 = arith.mulf %get3A_362, %gather3A_334 : vector<16xf32>
        %swap3A_364 = arith.index_cast %add3A_338 : i32 to index
        %swap3A_365 = arith.constant 32 : index
        %swap3A_366 = tpu.vector_load %arg11[%swap3A_364, %swap3A_365] {strides = array<i32>} : memref<128x48xf32, #tpu.memory_space<vmem>>, vector<1x16xf32>,
        %swap3A_367 = vector.shape_cast %swap3A_366 : vector<1x16xf32> to vector<16xf32>
        %swap3A_368 = vector.shape_cast %mul3A_363 : vector<16xf32> to vector<1x16xf32>
        tpu.vector_store %arg11[%swap3A_364, %swap3A_365], %swap3A_368 {strides = array<i32>} : memref<128x48xf32, #tpu.memory_space<vmem>>, vector<1x16xf32>,
        %broadcast_in_dim3A_369 = arith.constant 7 : i32
        %broadcast_in_dim3A_370 = vector.broadcast %broadcast_in_dim3A_369 : i32 to vector<16xi32>
        %lt3A_371 = arith.constant 0 : i32
        %lt3A_372 = vector.broadcast %lt3A_371 : i32 to vector<16xi32>
        %lt3A_373 = arith.cmpi slt, %broadcast_in_dim3A_370, %lt3A_372 : vector<16xi32>
        %add3A_374 = arith.constant 16 : i32
        %add3A_375 = vector.broadcast %add3A_374 : i32 to vector<16xi32>
        %add3A_376 = arith.addi %broadcast_in_dim3A_370, %add3A_375 : vector<16xi32>
        %select_n3A_377 = arith.select %lt3A_373, %add3A_376, %broadcast_in_dim3A_370 : vector<16xi1>, vector<16xi32>
        %broadcast_in_dim3A_378 = vector.shape_cast %select_n3A_377 : vector<16xi32> to vector<16x1xi32>
        %gather3A_379 = vector.shape_cast %broadcast_in_dim3A_378 : vector<16x1xi32> to vector<16xi32>
        %gather3A_380 = tpu.dynamic_gather %get3A_50[%gather3A_379] in [0] : vector<16xf32>, vector<16xi32> -> vector<16xf32>
        %mul3A_381 = arith.constant 16 : i32
        %mul3A_382 = arith.muli %scan3A_42, %mul3A_381 : i32
        %add3A_383 = arith.constant 7 : i32
        %add3A_384 = arith.addi %mul3A_382, %add3A_383 : i32
        %get3A_385 = arith.index_cast %add3A_384 : i32 to index
        %get3A_386 = arith.constant 0 : index
        %get3A_387 = tpu.vector_load %arg11[%get3A_385, %get3A_386] {strides = array<i32>} : memref<128x48xf32, #tpu.memory_space<vmem>>, vector<1x16xf32>,
        %get3A_388 = vector.shape_cast %get3A_387 : vector<1x16xf32> to vector<16xf32>
        %mul3A_389 = arith.mulf %get3A_388, %gather3A_380 : vector<16xf32>
        %swap3A_390 = arith.index_cast %add3A_384 : i32 to index
        %swap3A_391 = arith.constant 0 : index
        %swap3A_392 = tpu.vector_load %arg11[%swap3A_390, %swap3A_391] {strides = array<i32>} : memref<128x48xf32, #tpu.memory_space<vmem>>, vector<1x16xf32>,
        %swap3A_393 = vector.shape_cast %swap3A_392 : vector<1x16xf32> to vector<16xf32>
        %swap3A_394 = vector.shape_cast %mul3A_389 : vector<16xf32> to vector<1x16xf32>
        tpu.vector_store %arg11[%swap3A_390, %swap3A_391], %swap3A_394 {strides = array<i32>} : memref<128x48xf32, #tpu.memory_space<vmem>>, vector<1x16xf32>,
        %get3A_395 = arith.index_cast %add3A_384 : i32 to index
        %get3A_396 = arith.constant 16 : index
        %get3A_397 = tpu.vector_load %arg11[%get3A_395, %get3A_396] {strides = array<i32>} : memref<128x48xf32, #tpu.memory_space<vmem>>, vector<1x16xf32>,
        %get3A_398 = vector.shape_cast %get3A_397 : vector<1x16xf32> to vector<16xf32>
        %mul3A_399 = arith.mulf %get3A_398, %gather3A_380 : vector<16xf32>
        %swap3A_400 = arith.index_cast %add3A_384 : i32 to index
        %swap3A_401 = arith.constant 16 : index
        %swap3A_402 = tpu.vector_load %arg11[%swap3A_400, %swap3A_401] {strides = array<i32>} : memref<128x48xf32, #tpu.memory_space<vmem>>, vector<1x16xf32>,
        %swap3A_403 = vector.shape_cast %swap3A_402 : vector<1x16xf32> to vector<16xf32>
        %swap3A_404 = vector.shape_cast %mul3A_399 : vector<16xf32> to vector<1x16xf32>
        tpu.vector_store %arg11[%swap3A_400, %swap3A_401], %swap3A_404 {strides = array<i32>} : memref<128x48xf32, #tpu.memory_space<vmem>>, vector<1x16xf32>,
        %get3A_405 = arith.index_cast %add3A_384 : i32 to index
        %get3A_406 = arith.constant 32 : index
        %get3A_407 = tpu.vector_load %arg11[%get3A_405, %get3A_406] {strides = array<i32>} : memref<128x48xf32, #tpu.memory_space<vmem>>, vector<1x16xf32>,
        %get3A_408 = vector.shape_cast %get3A_407 : vector<1x16xf32> to vector<16xf32>
        %mul3A_409 = arith.mulf %get3A_408, %gather3A_380 : vector<16xf32>
        %swap3A_410 = arith.index_cast %add3A_384 : i32 to index
        %swap3A_411 = arith.constant 32 : index
        %swap3A_412 = tpu.vector_load %arg11[%swap3A_410, %swap3A_411] {strides = array<i32>} : memref<128x48xf32, #tpu.memory_space<vmem>>, vector<1x16xf32>,
        %swap3A_413 = vector.shape_cast %swap3A_412 : vector<1x16xf32> to vector<16xf32>
        %swap3A_414 = vector.shape_cast %mul3A_409 : vector<16xf32> to vector<1x16xf32>
        tpu.vector_store %arg11[%swap3A_410, %swap3A_411], %swap3A_414 {strides = array<i32>} : memref<128x48xf32, #tpu.memory_space<vmem>>, vector<1x16xf32>,
        %broadcast_in_dim3A_415 = arith.constant 8 : i32
        %broadcast_in_dim3A_416 = vector.broadcast %broadcast_in_dim3A_415 : i32 to vector<16xi32>
        %lt3A_417 = arith.constant 0 : i32
        %lt3A_418 = vector.broadcast %lt3A_417 : i32 to vector<16xi32>
        %lt3A_419 = arith.cmpi slt, %broadcast_in_dim3A_416, %lt3A_418 : vector<16xi32>
        %add3A_420 = arith.constant 16 : i32
        %add3A_421 = vector.broadcast %add3A_420 : i32 to vector<16xi32>
        %add3A_422 = arith.addi %broadcast_in_dim3A_416, %add3A_421 : vector<16xi32>
        %select_n3A_423 = arith.select %lt3A_419, %add3A_422, %broadcast_in_dim3A_416 : vector<16xi1>, vector<16xi32>
        %broadcast_in_dim3A_424 = vector.shape_cast %select_n3A_423 : vector<16xi32> to vector<16x1xi32>
        %gather3A_425 = vector.shape_cast %broadcast_in_dim3A_424 : vector<16x1xi32> to vector<16xi32>
        %gather3A_426 = tpu.dynamic_gather %get3A_50[%gather3A_425] in [0] : vector<16xf32>, vector<16xi32> -> vector<16xf32>
        %mul3A_427 = arith.constant 16 : i32
        %mul3A_428 = arith.muli %scan3A_42, %mul3A_427 : i32
        %add3A_429 = arith.constant 8 : i32
        %add3A_430 = arith.addi %mul3A_428, %add3A_429 : i32
        %get3A_431 = arith.index_cast %add3A_430 : i32 to index
        %get3A_432 = arith.constant 0 : index
        %get3A_433 = tpu.vector_load %arg11[%get3A_431, %get3A_432] {strides = array<i32>} : memref<128x48xf32, #tpu.memory_space<vmem>>, vector<1x16xf32>,
        %get3A_434 = vector.shape_cast %get3A_433 : vector<1x16xf32> to vector<16xf32>
        %mul3A_435 = arith.mulf %get3A_434, %gather3A_426 : vector<16xf32>
        %swap3A_436 = arith.index_cast %add3A_430 : i32 to index
        %swap3A_437 = arith.constant 0 : index
        %swap3A_438 = tpu.vector_load %arg11[%swap3A_436, %swap3A_437] {strides = array<i32>} : memref<128x48xf32, #tpu.memory_space<vmem>>, vector<1x16xf32>,
        %swap3A_439 = vector.shape_cast %swap3A_438 : vector<1x16xf32> to vector<16xf32>
        %swap3A_440 = vector.shape_cast %mul3A_435 : vector<16xf32> to vector<1x16xf32>
        tpu.vector_store %arg11[%swap3A_436, %swap3A_437], %swap3A_440 {strides = array<i32>} : memref<128x48xf32, #tpu.memory_space<vmem>>, vector<1x16xf32>,
        %get3A_441 = arith.index_cast %add3A_430 : i32 to index
        %get3A_442 = arith.constant 16 : index
        %get3A_443 = tpu.vector_load %arg11[%get3A_441, %get3A_442] {strides = array<i32>} : memref<128x48xf32, #tpu.memory_space<vmem>>, vector<1x16xf32>,
        %get3A_444 = vector.shape_cast %get3A_443 : vector<1x16xf32> to vector<16xf32>
        %mul3A_445 = arith.mulf %get3A_444, %gather3A_426 : vector<16xf32>
        %swap3A_446 = arith.index_cast %add3A_430 : i32 to index
        %swap3A_447 = arith.constant 16 : index
        %swap3A_448 = tpu.vector_load %arg11[%swap3A_446, %swap3A_447] {strides = array<i32>} : memref<128x48xf32, #tpu.memory_space<vmem>>, vector<1x16xf32>,
        %swap3A_449 = vector.shape_cast %swap3A_448 : vector<1x16xf32> to vector<16xf32>
        %swap3A_450 = vector.shape_cast %mul3A_445 : vector<16xf32> to vector<1x16xf32>
        tpu.vector_store %arg11[%swap3A_446, %swap3A_447], %swap3A_450 {strides = array<i32>} : memref<128x48xf32, #tpu.memory_space<vmem>>, vector<1x16xf32>,
        %get3A_451 = arith.index_cast %add3A_430 : i32 to index
        %get3A_452 = arith.constant 32 : index
        %get3A_453 = tpu.vector_load %arg11[%get3A_451, %get3A_452] {strides = array<i32>} : memref<128x48xf32, #tpu.memory_space<vmem>>, vector<1x16xf32>,
        %get3A_454 = vector.shape_cast %get3A_453 : vector<1x16xf32> to vector<16xf32>
        %mul3A_455 = arith.mulf %get3A_454, %gather3A_426 : vector<16xf32>
        %swap3A_456 = arith.index_cast %add3A_430 : i32 to index
        %swap3A_457 = arith.constant 32 : index
        %swap3A_458 = tpu.vector_load %arg11[%swap3A_456, %swap3A_457] {strides = array<i32>} : memref<128x48xf32, #tpu.memory_space<vmem>>, vector<1x16xf32>,
        %swap3A_459 = vector.shape_cast %swap3A_458 : vector<1x16xf32> to vector<16xf32>
        %swap3A_460 = vector.shape_cast %mul3A_455 : vector<16xf32> to vector<1x16xf32>
        tpu.vector_store %arg11[%swap3A_456, %swap3A_457], %swap3A_460 {strides = array<i32>} : memref<128x48xf32, #tpu.memory_space<vmem>>, vector<1x16xf32>,
        %broadcast_in_dim3A_461 = arith.constant 9 : i32
        %broadcast_in_dim3A_462 = vector.broadcast %broadcast_in_dim3A_461 : i32 to vector<16xi32>
        %lt3A_463 = arith.constant 0 : i32
        %lt3A_464 = vector.broadcast %lt3A_463 : i32 to vector<16xi32>
        %lt3A_465 = arith.cmpi slt, %broadcast_in_dim3A_462, %lt3A_464 : vector<16xi32>
        %add3A_466 = arith.constant 16 : i32
        %add3A_467 = vector.broadcast %add3A_466 : i32 to vector<16xi32>
        %add3A_468 = arith.addi %broadcast_in_dim3A_462, %add3A_467 : vector<16xi32>
        %select_n3A_469 = arith.select %lt3A_465, %add3A_468, %broadcast_in_dim3A_462 : vector<16xi1>, vector<16xi32>
        %broadcast_in_dim3A_470 = vector.shape_cast %select_n3A_469 : vector<16xi32> to vector<16x1xi32>
        %gather3A_471 = vector.shape_cast %broadcast_in_dim3A_470 : vector<16x1xi32> to vector<16xi32>
        %gather3A_472 = tpu.dynamic_gather %get3A_50[%gather3A_471] in [0] : vector<16xf32>, vector<16xi32> -> vector<16xf32>
        %mul3A_473 = arith.constant 16 : i32
        %mul3A_474 = arith.muli %scan3A_42, %mul3A_473 : i32
        %add3A_475 = arith.constant 9 : i32
        %add3A_476 = arith.addi %mul3A_474, %add3A_475 : i32
        %get3A_477 = arith.index_cast %add3A_476 : i32 to index
        %get3A_478 = arith.constant 0 : index
        %get3A_479 = tpu.vector_load %arg11[%get3A_477, %get3A_478] {strides = array<i32>} : memref<128x48xf32, #tpu.memory_space<vmem>>, vector<1x16xf32>,
        %get3A_480 = vector.shape_cast %get3A_479 : vector<1x16xf32> to vector<16xf32>
        %mul3A_481 = arith.mulf %get3A_480, %gather3A_472 : vector<16xf32>
        %swap3A_482 = arith.index_cast %add3A_476 : i32 to index
        %swap3A_483 = arith.constant 0 : index
        %swap3A_484 = tpu.vector_load %arg11[%swap3A_482, %swap3A_483] {strides = array<i32>} : memref<128x48xf32, #tpu.memory_space<vmem>>, vector<1x16xf32>,
        %swap3A_485 = vector.shape_cast %swap3A_484 : vector<1x16xf32> to vector<16xf32>
        %swap3A_486 = vector.shape_cast %mul3A_481 : vector<16xf32> to vector<1x16xf32>
        tpu.vector_store %arg11[%swap3A_482, %swap3A_483], %swap3A_486 {strides = array<i32>} : memref<128x48xf32, #tpu.memory_space<vmem>>, vector<1x16xf32>,
        %get3A_487 = arith.index_cast %add3A_476 : i32 to index
        %get3A_488 = arith.constant 16 : index
        %get3A_489 = tpu.vector_load %arg11[%get3A_487, %get3A_488] {strides = array<i32>} : memref<128x48xf32, #tpu.memory_space<vmem>>, vector<1x16xf32>,
        %get3A_490 = vector.shape_cast %get3A_489 : vector<1x16xf32> to vector<16xf32>
        %mul3A_491 = arith.mulf %get3A_490, %gather3A_472 : vector<16xf32>
        %swap3A_492 = arith.index_cast %add3A_476 : i32 to index
        %swap3A_493 = arith.constant 16 : index
        %swap3A_494 = tpu.vector_load %arg11[%swap3A_492, %swap3A_493] {strides = array<i32>} : memref<128x48xf32, #tpu.memory_space<vmem>>, vector<1x16xf32>,
        %swap3A_495 = vector.shape_cast %swap3A_494 : vector<1x16xf32> to vector<16xf32>
        %swap3A_496 = vector.shape_cast %mul3A_491 : vector<16xf32> to vector<1x16xf32>
        tpu.vector_store %arg11[%swap3A_492, %swap3A_493], %swap3A_496 {strides = array<i32>} : memref<128x48xf32, #tpu.memory_space<vmem>>, vector<1x16xf32>,
        %get3A_497 = arith.index_cast %add3A_476 : i32 to index
        %get3A_498 = arith.constant 32 : index
        %get3A_499 = tpu.vector_load %arg11[%get3A_497, %get3A_498] {strides = array<i32>} : memref<128x48xf32, #tpu.memory_space<vmem>>, vector<1x16xf32>,
        %get3A_500 = vector.shape_cast %get3A_499 : vector<1x16xf32> to vector<16xf32>
        %mul3A_501 = arith.mulf %get3A_500, %gather3A_472 : vector<16xf32>
        %swap3A_502 = arith.index_cast %add3A_476 : i32 to index
        %swap3A_503 = arith.constant 32 : index
        %swap3A_504 = tpu.vector_load %arg11[%swap3A_502, %swap3A_503] {strides = array<i32>} : memref<128x48xf32, #tpu.memory_space<vmem>>, vector<1x16xf32>,
        %swap3A_505 = vector.shape_cast %swap3A_504 : vector<1x16xf32> to vector<16xf32>
        %swap3A_506 = vector.shape_cast %mul3A_501 : vector<16xf32> to vector<1x16xf32>
        tpu.vector_store %arg11[%swap3A_502, %swap3A_503], %swap3A_506 {strides = array<i32>} : memref<128x48xf32, #tpu.memory_space<vmem>>, vector<1x16xf32>,
        %broadcast_in_dim3A_507 = arith.constant 10 : i32
        %broadcast_in_dim3A_508 = vector.broadcast %broadcast_in_dim3A_507 : i32 to vector<16xi32>
        %lt3A_509 = arith.constant 0 : i32
        %lt3A_510 = vector.broadcast %lt3A_509 : i32 to vector<16xi32>
        %lt3A_511 = arith.cmpi slt, %broadcast_in_dim3A_508, %lt3A_510 : vector<16xi32>
        %add3A_512 = arith.constant 16 : i32
        %add3A_513 = vector.broadcast %add3A_512 : i32 to vector<16xi32>
        %add3A_514 = arith.addi %broadcast_in_dim3A_508, %add3A_513 : vector<16xi32>
        %select_n3A_515 = arith.select %lt3A_511, %add3A_514, %broadcast_in_dim3A_508 : vector<16xi1>, vector<16xi32>
        %broadcast_in_dim3A_516 = vector.shape_cast %select_n3A_515 : vector<16xi32> to vector<16x1xi32>
        %gather3A_517 = vector.shape_cast %broadcast_in_dim3A_516 : vector<16x1xi32> to vector<16xi32>
        %gather3A_518 = tpu.dynamic_gather %get3A_50[%gather3A_517] in [0] : vector<16xf32>, vector<16xi32> -> vector<16xf32>
        %mul3A_519 = arith.constant 16 : i32
        %mul3A_520 = arith.muli %scan3A_42, %mul3A_519 : i32
        %add3A_521 = arith.constant 10 : i32
        %add3A_522 = arith.addi %mul3A_520, %add3A_521 : i32
        %get3A_523 = arith.index_cast %add3A_522 : i32 to index
        %get3A_524 = arith.constant 0 : index
        %get3A_525 = tpu.vector_load %arg11[%get3A_523, %get3A_524] {strides = array<i32>} : memref<128x48xf32, #tpu.memory_space<vmem>>, vector<1x16xf32>,
        %get3A_526 = vector.shape_cast %get3A_525 : vector<1x16xf32> to vector<16xf32>
        %mul3A_527 = arith.mulf %get3A_526, %gather3A_518 : vector<16xf32>
        %swap3A_528 = arith.index_cast %add3A_522 : i32 to index
        %swap3A_529 = arith.constant 0 : index
        %swap3A_530 = tpu.vector_load %arg11[%swap3A_528, %swap3A_529] {strides = array<i32>} : memref<128x48xf32, #tpu.memory_space<vmem>>, vector<1x16xf32>,
        %swap3A_531 = vector.shape_cast %swap3A_530 : vector<1x16xf32> to vector<16xf32>
        %swap3A_532 = vector.shape_cast %mul3A_527 : vector<16xf32> to vector<1x16xf32>
        tpu.vector_store %arg11[%swap3A_528, %swap3A_529], %swap3A_532 {strides = array<i32>} : memref<128x48xf32, #tpu.memory_space<vmem>>, vector<1x16xf32>,
        %get3A_533 = arith.index_cast %add3A_522 : i32 to index
        %get3A_534 = arith.constant 16 : index
        %get3A_535 = tpu.vector_load %arg11[%get3A_533, %get3A_534] {strides = array<i32>} : memref<128x48xf32, #tpu.memory_space<vmem>>, vector<1x16xf32>,
        %get3A_536 = vector.shape_cast %get3A_535 : vector<1x16xf32> to vector<16xf32>
        %mul3A_537 = arith.mulf %get3A_536, %gather3A_518 : vector<16xf32>
        %swap3A_538 = arith.index_cast %add3A_522 : i32 to index
        %swap3A_539 = arith.constant 16 : index
        %swap3A_540 = tpu.vector_load %arg11[%swap3A_538, %swap3A_539] {strides = array<i32>} : memref<128x48xf32, #tpu.memory_space<vmem>>, vector<1x16xf32>,
        %swap3A_541 = vector.shape_cast %swap3A_540 : vector<1x16xf32> to vector<16xf32>
        %swap3A_542 = vector.shape_cast %mul3A_537 : vector<16xf32> to vector<1x16xf32>
        tpu.vector_store %arg11[%swap3A_538, %swap3A_539], %swap3A_542 {strides = array<i32>} : memref<128x48xf32, #tpu.memory_space<vmem>>, vector<1x16xf32>,
        %get3A_543 = arith.index_cast %add3A_522 : i32 to index
        %get3A_544 = arith.constant 32 : index
        %get3A_545 = tpu.vector_load %arg11[%get3A_543, %get3A_544] {strides = array<i32>} : memref<128x48xf32, #tpu.memory_space<vmem>>, vector<1x16xf32>,
        %get3A_546 = vector.shape_cast %get3A_545 : vector<1x16xf32> to vector<16xf32>
        %mul3A_547 = arith.mulf %get3A_546, %gather3A_518 : vector<16xf32>
        %swap3A_548 = arith.index_cast %add3A_522 : i32 to index
        %swap3A_549 = arith.constant 32 : index
        %swap3A_550 = tpu.vector_load %arg11[%swap3A_548, %swap3A_549] {strides = array<i32>} : memref<128x48xf32, #tpu.memory_space<vmem>>, vector<1x16xf32>,
        %swap3A_551 = vector.shape_cast %swap3A_550 : vector<1x16xf32> to vector<16xf32>
        %swap3A_552 = vector.shape_cast %mul3A_547 : vector<16xf32> to vector<1x16xf32>
        tpu.vector_store %arg11[%swap3A_548, %swap3A_549], %swap3A_552 {strides = array<i32>} : memref<128x48xf32, #tpu.memory_space<vmem>>, vector<1x16xf32>,
        %broadcast_in_dim3A_553 = arith.constant 11 : i32
        %broadcast_in_dim3A_554 = vector.broadcast %broadcast_in_dim3A_553 : i32 to vector<16xi32>
        %lt3A_555 = arith.constant 0 : i32
        %lt3A_556 = vector.broadcast %lt3A_555 : i32 to vector<16xi32>
        %lt3A_557 = arith.cmpi slt, %broadcast_in_dim3A_554, %lt3A_556 : vector<16xi32>
        %add3A_558 = arith.constant 16 : i32
        %add3A_559 = vector.broadcast %add3A_558 : i32 to vector<16xi32>
        %add3A_560 = arith.addi %broadcast_in_dim3A_554, %add3A_559 : vector<16xi32>
        %select_n3A_561 = arith.select %lt3A_557, %add3A_560, %broadcast_in_dim3A_554 : vector<16xi1>, vector<16xi32>
        %broadcast_in_dim3A_562 = vector.shape_cast %select_n3A_561 : vector<16xi32> to vector<16x1xi32>
        %gather3A_563 = vector.shape_cast %broadcast_in_dim3A_562 : vector<16x1xi32> to vector<16xi32>
        %gather3A_564 = tpu.dynamic_gather %get3A_50[%gather3A_563] in [0] : vector<16xf32>, vector<16xi32> -> vector<16xf32>
        %mul3A_565 = arith.constant 16 : i32
        %mul3A_566 = arith.muli %scan3A_42, %mul3A_565 : i32
        %add3A_567 = arith.constant 11 : i32
        %add3A_568 = arith.addi %mul3A_566, %add3A_567 : i32
        %get3A_569 = arith.index_cast %add3A_568 : i32 to index
        %get3A_570 = arith.constant 0 : index
        %get3A_571 = tpu.vector_load %arg11[%get3A_569, %get3A_570] {strides = array<i32>} : memref<128x48xf32, #tpu.memory_space<vmem>>, vector<1x16xf32>,
        %get3A_572 = vector.shape_cast %get3A_571 : vector<1x16xf32> to vector<16xf32>
        %mul3A_573 = arith.mulf %get3A_572, %gather3A_564 : vector<16xf32>
        %swap3A_574 = arith.index_cast %add3A_568 : i32 to index
        %swap3A_575 = arith.constant 0 : index
        %swap3A_576 = tpu.vector_load %arg11[%swap3A_574, %swap3A_575] {strides = array<i32>} : memref<128x48xf32, #tpu.memory_space<vmem>>, vector<1x16xf32>,
        %swap3A_577 = vector.shape_cast %swap3A_576 : vector<1x16xf32> to vector<16xf32>
        %swap3A_578 = vector.shape_cast %mul3A_573 : vector<16xf32> to vector<1x16xf32>
        tpu.vector_store %arg11[%swap3A_574, %swap3A_575], %swap3A_578 {strides = array<i32>} : memref<128x48xf32, #tpu.memory_space<vmem>>, vector<1x16xf32>,
        %get3A_579 = arith.index_cast %add3A_568 : i32 to index
        %get3A_580 = arith.constant 16 : index
        %get3A_581 = tpu.vector_load %arg11[%get3A_579, %get3A_580] {strides = array<i32>} : memref<128x48xf32, #tpu.memory_space<vmem>>, vector<1x16xf32>,
        %get3A_582 = vector.shape_cast %get3A_581 : vector<1x16xf32> to vector<16xf32>
        %mul3A_583 = arith.mulf %get3A_582, %gather3A_564 : vector<16xf32>
        %swap3A_584 = arith.index_cast %add3A_568 : i32 to index
        %swap3A_585 = arith.constant 16 : index
        %swap3A_586 = tpu.vector_load %arg11[%swap3A_584, %swap3A_585] {strides = array<i32>} : memref<128x48xf32, #tpu.memory_space<vmem>>, vector<1x16xf32>,
        %swap3A_587 = vector.shape_cast %swap3A_586 : vector<1x16xf32> to vector<16xf32>
        %swap3A_588 = vector.shape_cast %mul3A_583 : vector<16xf32> to vector<1x16xf32>
        tpu.vector_store %arg11[%swap3A_584, %swap3A_585], %swap3A_588 {strides = array<i32>} : memref<128x48xf32, #tpu.memory_space<vmem>>, vector<1x16xf32>,
        %get3A_589 = arith.index_cast %add3A_568 : i32 to index
        %get3A_590 = arith.constant 32 : index
        %get3A_591 = tpu.vector_load %arg11[%get3A_589, %get3A_590] {strides = array<i32>} : memref<128x48xf32, #tpu.memory_space<vmem>>, vector<1x16xf32>,
        %get3A_592 = vector.shape_cast %get3A_591 : vector<1x16xf32> to vector<16xf32>
        %mul3A_593 = arith.mulf %get3A_592, %gather3A_564 : vector<16xf32>
        %swap3A_594 = arith.index_cast %add3A_568 : i32 to index
        %swap3A_595 = arith.constant 32 : index
        %swap3A_596 = tpu.vector_load %arg11[%swap3A_594, %swap3A_595] {strides = array<i32>} : memref<128x48xf32, #tpu.memory_space<vmem>>, vector<1x16xf32>,
        %swap3A_597 = vector.shape_cast %swap3A_596 : vector<1x16xf32> to vector<16xf32>
        %swap3A_598 = vector.shape_cast %mul3A_593 : vector<16xf32> to vector<1x16xf32>
        tpu.vector_store %arg11[%swap3A_594, %swap3A_595], %swap3A_598 {strides = array<i32>} : memref<128x48xf32, #tpu.memory_space<vmem>>, vector<1x16xf32>,
        %broadcast_in_dim3A_599 = arith.constant 12 : i32
        %broadcast_in_dim3A_600 = vector.broadcast %broadcast_in_dim3A_599 : i32 to vector<16xi32>
        %lt3A_601 = arith.constant 0 : i32
        %lt3A_602 = vector.broadcast %lt3A_601 : i32 to vector<16xi32>
        %lt3A_603 = arith.cmpi slt, %broadcast_in_dim3A_600, %lt3A_602 : vector<16xi32>
        %add3A_604 = arith.constant 16 : i32
        %add3A_605 = vector.broadcast %add3A_604 : i32 to vector<16xi32>
        %add3A_606 = arith.addi %broadcast_in_dim3A_600, %add3A_605 : vector<16xi32>
        %select_n3A_607 = arith.select %lt3A_603, %add3A_606, %broadcast_in_dim3A_600 : vector<16xi1>, vector<16xi32>
        %broadcast_in_dim3A_608 = vector.shape_cast %select_n3A_607 : vector<16xi32> to vector<16x1xi32>
        %gather3A_609 = vector.shape_cast %broadcast_in_dim3A_608 : vector<16x1xi32> to vector<16xi32>
        %gather3A_610 = tpu.dynamic_gather %get3A_50[%gather3A_609] in [0] : vector<16xf32>, vector<16xi32> -> vector<16xf32>
        %mul3A_611 = arith.constant 16 : i32
        %mul3A_612 = arith.muli %scan3A_42, %mul3A_611 : i32
        %add3A_613 = arith.constant 12 : i32
        %add3A_614 = arith.addi %mul3A_612, %add3A_613 : i32
        %get3A_615 = arith.index_cast %add3A_614 : i32 to index
        %get3A_616 = arith.constant 0 : index
        %get3A_617 = tpu.vector_load %arg11[%get3A_615, %get3A_616] {strides = array<i32>} : memref<128x48xf32, #tpu.memory_space<vmem>>, vector<1x16xf32>,
        %get3A_618 = vector.shape_cast %get3A_617 : vector<1x16xf32> to vector<16xf32>
        %mul3A_619 = arith.mulf %get3A_618, %gather3A_610 : vector<16xf32>
        %swap3A_620 = arith.index_cast %add3A_614 : i32 to index
        %swap3A_621 = arith.constant 0 : index
        %swap3A_622 = tpu.vector_load %arg11[%swap3A_620, %swap3A_621] {strides = array<i32>} : memref<128x48xf32, #tpu.memory_space<vmem>>, vector<1x16xf32>,
        %swap3A_623 = vector.shape_cast %swap3A_622 : vector<1x16xf32> to vector<16xf32>
        %swap3A_624 = vector.shape_cast %mul3A_619 : vector<16xf32> to vector<1x16xf32>
        tpu.vector_store %arg11[%swap3A_620, %swap3A_621], %swap3A_624 {strides = array<i32>} : memref<128x48xf32, #tpu.memory_space<vmem>>, vector<1x16xf32>,
        %get3A_625 = arith.index_cast %add3A_614 : i32 to index
        %get3A_626 = arith.constant 16 : index
        %get3A_627 = tpu.vector_load %arg11[%get3A_625, %get3A_626] {strides = array<i32>} : memref<128x48xf32, #tpu.memory_space<vmem>>, vector<1x16xf32>,
        %get3A_628 = vector.shape_cast %get3A_627 : vector<1x16xf32> to vector<16xf32>
        %mul3A_629 = arith.mulf %get3A_628, %gather3A_610 : vector<16xf32>
        %swap3A_630 = arith.index_cast %add3A_614 : i32 to index
        %swap3A_631 = arith.constant 16 : index
        %swap3A_632 = tpu.vector_load %arg11[%swap3A_630, %swap3A_631] {strides = array<i32>} : memref<128x48xf32, #tpu.memory_space<vmem>>, vector<1x16xf32>,
        %swap3A_633 = vector.shape_cast %swap3A_632 : vector<1x16xf32> to vector<16xf32>
        %swap3A_634 = vector.shape_cast %mul3A_629 : vector<16xf32> to vector<1x16xf32>
        tpu.vector_store %arg11[%swap3A_630, %swap3A_631], %swap3A_634 {strides = array<i32>} : memref<128x48xf32, #tpu.memory_space<vmem>>, vector<1x16xf32>,
        %get3A_635 = arith.index_cast %add3A_614 : i32 to index
        %get3A_636 = arith.constant 32 : index
        %get3A_637 = tpu.vector_load %arg11[%get3A_635, %get3A_636] {strides = array<i32>} : memref<128x48xf32, #tpu.memory_space<vmem>>, vector<1x16xf32>,
        %get3A_638 = vector.shape_cast %get3A_637 : vector<1x16xf32> to vector<16xf32>
        %mul3A_639 = arith.mulf %get3A_638, %gather3A_610 : vector<16xf32>
        %swap3A_640 = arith.index_cast %add3A_614 : i32 to index
        %swap3A_641 = arith.constant 32 : index
        %swap3A_642 = tpu.vector_load %arg11[%swap3A_640, %swap3A_641] {strides = array<i32>} : memref<128x48xf32, #tpu.memory_space<vmem>>, vector<1x16xf32>,
        %swap3A_643 = vector.shape_cast %swap3A_642 : vector<1x16xf32> to vector<16xf32>
        %swap3A_644 = vector.shape_cast %mul3A_639 : vector<16xf32> to vector<1x16xf32>
        tpu.vector_store %arg11[%swap3A_640, %swap3A_641], %swap3A_644 {strides = array<i32>} : memref<128x48xf32, #tpu.memory_space<vmem>>, vector<1x16xf32>,
        %broadcast_in_dim3A_645 = arith.constant 13 : i32
        %broadcast_in_dim3A_646 = vector.broadcast %broadcast_in_dim3A_645 : i32 to vector<16xi32>
        %lt3A_647 = arith.constant 0 : i32
        %lt3A_648 = vector.broadcast %lt3A_647 : i32 to vector<16xi32>
        %lt3A_649 = arith.cmpi slt, %broadcast_in_dim3A_646, %lt3A_648 : vector<16xi32>
        %add3A_650 = arith.constant 16 : i32
        %add3A_651 = vector.broadcast %add3A_650 : i32 to vector<16xi32>
        %add3A_652 = arith.addi %broadcast_in_dim3A_646, %add3A_651 : vector<16xi32>
        %select_n3A_653 = arith.select %lt3A_649, %add3A_652, %broadcast_in_dim3A_646 : vector<16xi1>, vector<16xi32>
        %broadcast_in_dim3A_654 = vector.shape_cast %select_n3A_653 : vector<16xi32> to vector<16x1xi32>
        %gather3A_655 = vector.shape_cast %broadcast_in_dim3A_654 : vector<16x1xi32> to vector<16xi32>
        %gather3A_656 = tpu.dynamic_gather %get3A_50[%gather3A_655] in [0] : vector<16xf32>, vector<16xi32> -> vector<16xf32>
        %mul3A_657 = arith.constant 16 : i32
        %mul3A_658 = arith.muli %scan3A_42, %mul3A_657 : i32
        %add3A_659 = arith.constant 13 : i32
        %add3A_660 = arith.addi %mul3A_658, %add3A_659 : i32
        %get3A_661 = arith.index_cast %add3A_660 : i32 to index
        %get3A_662 = arith.constant 0 : index
        %get3A_663 = tpu.vector_load %arg11[%get3A_661, %get3A_662] {strides = array<i32>} : memref<128x48xf32, #tpu.memory_space<vmem>>, vector<1x16xf32>,
        %get3A_664 = vector.shape_cast %get3A_663 : vector<1x16xf32> to vector<16xf32>
        %mul3A_665 = arith.mulf %get3A_664, %gather3A_656 : vector<16xf32>
        %swap3A_666 = arith.index_cast %add3A_660 : i32 to index
        %swap3A_667 = arith.constant 0 : index
        %swap3A_668 = tpu.vector_load %arg11[%swap3A_666, %swap3A_667] {strides = array<i32>} : memref<128x48xf32, #tpu.memory_space<vmem>>, vector<1x16xf32>,
        %swap3A_669 = vector.shape_cast %swap3A_668 : vector<1x16xf32> to vector<16xf32>
        %swap3A_670 = vector.shape_cast %mul3A_665 : vector<16xf32> to vector<1x16xf32>
        tpu.vector_store %arg11[%swap3A_666, %swap3A_667], %swap3A_670 {strides = array<i32>} : memref<128x48xf32, #tpu.memory_space<vmem>>, vector<1x16xf32>,
        %get3A_671 = arith.index_cast %add3A_660 : i32 to index
        %get3A_672 = arith.constant 16 : index
        %get3A_673 = tpu.vector_load %arg11[%get3A_671, %get3A_672] {strides = array<i32>} : memref<128x48xf32, #tpu.memory_space<vmem>>, vector<1x16xf32>,
        %get3A_674 = vector.shape_cast %get3A_673 : vector<1x16xf32> to vector<16xf32>
        %mul3A_675 = arith.mulf %get3A_674, %gather3A_656 : vector<16xf32>
        %swap3A_676 = arith.index_cast %add3A_660 : i32 to index
        %swap3A_677 = arith.constant 16 : index
        %swap3A_678 = tpu.vector_load %arg11[%swap3A_676, %swap3A_677] {strides = array<i32>} : memref<128x48xf32, #tpu.memory_space<vmem>>, vector<1x16xf32>,
        %swap3A_679 = vector.shape_cast %swap3A_678 : vector<1x16xf32> to vector<16xf32>
        %swap3A_680 = vector.shape_cast %mul3A_675 : vector<16xf32> to vector<1x16xf32>
        tpu.vector_store %arg11[%swap3A_676, %swap3A_677], %swap3A_680 {strides = array<i32>} : memref<128x48xf32, #tpu.memory_space<vmem>>, vector<1x16xf32>,
        %get3A_681 = arith.index_cast %add3A_660 : i32 to index
        %get3A_682 = arith.constant 32 : index
        %get3A_683 = tpu.vector_load %arg11[%get3A_681, %get3A_682] {strides = array<i32>} : memref<128x48xf32, #tpu.memory_space<vmem>>, vector<1x16xf32>,
        %get3A_684 = vector.shape_cast %get3A_683 : vector<1x16xf32> to vector<16xf32>
        %mul3A_685 = arith.mulf %get3A_684, %gather3A_656 : vector<16xf32>
        %swap3A_686 = arith.index_cast %add3A_660 : i32 to index
        %swap3A_687 = arith.constant 32 : index
        %swap3A_688 = tpu.vector_load %arg11[%swap3A_686, %swap3A_687] {strides = array<i32>} : memref<128x48xf32, #tpu.memory_space<vmem>>, vector<1x16xf32>,
        %swap3A_689 = vector.shape_cast %swap3A_688 : vector<1x16xf32> to vector<16xf32>
        %swap3A_690 = vector.shape_cast %mul3A_685 : vector<16xf32> to vector<1x16xf32>
        tpu.vector_store %arg11[%swap3A_686, %swap3A_687], %swap3A_690 {strides = array<i32>} : memref<128x48xf32, #tpu.memory_space<vmem>>, vector<1x16xf32>,
        %broadcast_in_dim3A_691 = arith.constant 14 : i32
        %broadcast_in_dim3A_692 = vector.broadcast %broadcast_in_dim3A_691 : i32 to vector<16xi32>
        %lt3A_693 = arith.constant 0 : i32
        %lt3A_694 = vector.broadcast %lt3A_693 : i32 to vector<16xi32>
        %lt3A_695 = arith.cmpi slt, %broadcast_in_dim3A_692, %lt3A_694 : vector<16xi32>
        %add3A_696 = arith.constant 16 : i32
        %add3A_697 = vector.broadcast %add3A_696 : i32 to vector<16xi32>
        %add3A_698 = arith.addi %broadcast_in_dim3A_692, %add3A_697 : vector<16xi32>
        %select_n3A_699 = arith.select %lt3A_695, %add3A_698, %broadcast_in_dim3A_692 : vector<16xi1>, vector<16xi32>
        %broadcast_in_dim3A_700 = vector.shape_cast %select_n3A_699 : vector<16xi32> to vector<16x1xi32>
        %gather3A_701 = vector.shape_cast %broadcast_in_dim3A_700 : vector<16x1xi32> to vector<16xi32>
        %gather3A_702 = tpu.dynamic_gather %get3A_50[%gather3A_701] in [0] : vector<16xf32>, vector<16xi32> -> vector<16xf32>
        %mul3A_703 = arith.constant 16 : i32
        %mul3A_704 = arith.muli %scan3A_42, %mul3A_703 : i32
        %add3A_705 = arith.constant 14 : i32
        %add3A_706 = arith.addi %mul3A_704, %add3A_705 : i32
        %get3A_707 = arith.index_cast %add3A_706 : i32 to index
        %get3A_708 = arith.constant 0 : index
        %get3A_709 = tpu.vector_load %arg11[%get3A_707, %get3A_708] {strides = array<i32>} : memref<128x48xf32, #tpu.memory_space<vmem>>, vector<1x16xf32>,
        %get3A_710 = vector.shape_cast %get3A_709 : vector<1x16xf32> to vector<16xf32>
        %mul3A_711 = arith.mulf %get3A_710, %gather3A_702 : vector<16xf32>
        %swap3A_712 = arith.index_cast %add3A_706 : i32 to index
        %swap3A_713 = arith.constant 0 : index
        %swap3A_714 = tpu.vector_load %arg11[%swap3A_712, %swap3A_713] {strides = array<i32>} : memref<128x48xf32, #tpu.memory_space<vmem>>, vector<1x16xf32>,
        %swap3A_715 = vector.shape_cast %swap3A_714 : vector<1x16xf32> to vector<16xf32>
        %swap3A_716 = vector.shape_cast %mul3A_711 : vector<16xf32> to vector<1x16xf32>
        tpu.vector_store %arg11[%swap3A_712, %swap3A_713], %swap3A_716 {strides = array<i32>} : memref<128x48xf32, #tpu.memory_space<vmem>>, vector<1x16xf32>,
        %get3A_717 = arith.index_cast %add3A_706 : i32 to index
        %get3A_718 = arith.constant 16 : index
        %get3A_719 = tpu.vector_load %arg11[%get3A_717, %get3A_718] {strides = array<i32>} : memref<128x48xf32, #tpu.memory_space<vmem>>, vector<1x16xf32>,
        %get3A_720 = vector.shape_cast %get3A_719 : vector<1x16xf32> to vector<16xf32>
        %mul3A_721 = arith.mulf %get3A_720, %gather3A_702 : vector<16xf32>
        %swap3A_722 = arith.index_cast %add3A_706 : i32 to index
        %swap3A_723 = arith.constant 16 : index
        %swap3A_724 = tpu.vector_load %arg11[%swap3A_722, %swap3A_723] {strides = array<i32>} : memref<128x48xf32, #tpu.memory_space<vmem>>, vector<1x16xf32>,
        %swap3A_725 = vector.shape_cast %swap3A_724 : vector<1x16xf32> to vector<16xf32>
        %swap3A_726 = vector.shape_cast %mul3A_721 : vector<16xf32> to vector<1x16xf32>
        tpu.vector_store %arg11[%swap3A_722, %swap3A_723], %swap3A_726 {strides = array<i32>} : memref<128x48xf32, #tpu.memory_space<vmem>>, vector<1x16xf32>,
        %get3A_727 = arith.index_cast %add3A_706 : i32 to index
        %get3A_728 = arith.constant 32 : index
        %get3A_729 = tpu.vector_load %arg11[%get3A_727, %get3A_728] {strides = array<i32>} : memref<128x48xf32, #tpu.memory_space<vmem>>, vector<1x16xf32>,
        %get3A_730 = vector.shape_cast %get3A_729 : vector<1x16xf32> to vector<16xf32>
        %mul3A_731 = arith.mulf %get3A_730, %gather3A_702 : vector<16xf32>
        %swap3A_732 = arith.index_cast %add3A_706 : i32 to index
        %swap3A_733 = arith.constant 32 : index
        %swap3A_734 = tpu.vector_load %arg11[%swap3A_732, %swap3A_733] {strides = array<i32>} : memref<128x48xf32, #tpu.memory_space<vmem>>, vector<1x16xf32>,
        %swap3A_735 = vector.shape_cast %swap3A_734 : vector<1x16xf32> to vector<16xf32>
        %swap3A_736 = vector.shape_cast %mul3A_731 : vector<16xf32> to vector<1x16xf32>
        tpu.vector_store %arg11[%swap3A_732, %swap3A_733], %swap3A_736 {strides = array<i32>} : memref<128x48xf32, #tpu.memory_space<vmem>>, vector<1x16xf32>,
        %broadcast_in_dim3A_737 = arith.constant 15 : i32
        %broadcast_in_dim3A_738 = vector.broadcast %broadcast_in_dim3A_737 : i32 to vector<16xi32>
        %lt3A_739 = arith.constant 0 : i32
        %lt3A_740 = vector.broadcast %lt3A_739 : i32 to vector<16xi32>
        %lt3A_741 = arith.cmpi slt, %broadcast_in_dim3A_738, %lt3A_740 : vector<16xi32>
        %add3A_742 = arith.constant 16 : i32
        %add3A_743 = vector.broadcast %add3A_742 : i32 to vector<16xi32>
        %add3A_744 = arith.addi %broadcast_in_dim3A_738, %add3A_743 : vector<16xi32>
        %select_n3A_745 = arith.select %lt3A_741, %add3A_744, %broadcast_in_dim3A_738 : vector<16xi1>, vector<16xi32>
        %broadcast_in_dim3A_746 = vector.shape_cast %select_n3A_745 : vector<16xi32> to vector<16x1xi32>
        %gather3A_747 = vector.shape_cast %broadcast_in_dim3A_746 : vector<16x1xi32> to vector<16xi32>
        %gather3A_748 = tpu.dynamic_gather %get3A_50[%gather3A_747] in [0] : vector<16xf32>, vector<16xi32> -> vector<16xf32>
        %mul3A_749 = arith.constant 16 : i32
        %mul3A_750 = arith.muli %scan3A_42, %mul3A_749 : i32
        %add3A_751 = arith.constant 15 : i32
        %add3A_752 = arith.addi %mul3A_750, %add3A_751 : i32
        %get3A_753 = arith.index_cast %add3A_752 : i32 to index
        %get3A_754 = arith.constant 0 : index
        %get3A_755 = tpu.vector_load %arg11[%get3A_753, %get3A_754] {strides = array<i32>} : memref<128x48xf32, #tpu.memory_space<vmem>>, vector<1x16xf32>,
        %get3A_756 = vector.shape_cast %get3A_755 : vector<1x16xf32> to vector<16xf32>
        %mul3A_757 = arith.mulf %get3A_756, %gather3A_748 : vector<16xf32>
        %swap3A_758 = arith.index_cast %add3A_752 : i32 to index
        %swap3A_759 = arith.constant 0 : index
        %swap3A_760 = tpu.vector_load %arg11[%swap3A_758, %swap3A_759] {strides = array<i32>} : memref<128x48xf32, #tpu.memory_space<vmem>>, vector<1x16xf32>,
        %swap3A_761 = vector.shape_cast %swap3A_760 : vector<1x16xf32> to vector<16xf32>
        %swap3A_762 = vector.shape_cast %mul3A_757 : vector<16xf32> to vector<1x16xf32>
        tpu.vector_store %arg11[%swap3A_758, %swap3A_759], %swap3A_762 {strides = array<i32>} : memref<128x48xf32, #tpu.memory_space<vmem>>, vector<1x16xf32>,
        %get3A_763 = arith.index_cast %add3A_752 : i32 to index
        %get3A_764 = arith.constant 16 : index
        %get3A_765 = tpu.vector_load %arg11[%get3A_763, %get3A_764] {strides = array<i32>} : memref<128x48xf32, #tpu.memory_space<vmem>>, vector<1x16xf32>,
        %get3A_766 = vector.shape_cast %get3A_765 : vector<1x16xf32> to vector<16xf32>
        %mul3A_767 = arith.mulf %get3A_766, %gather3A_748 : vector<16xf32>
        %swap3A_768 = arith.index_cast %add3A_752 : i32 to index
        %swap3A_769 = arith.constant 16 : index
        %swap3A_770 = tpu.vector_load %arg11[%swap3A_768, %swap3A_769] {strides = array<i32>} : memref<128x48xf32, #tpu.memory_space<vmem>>, vector<1x16xf32>,
        %swap3A_771 = vector.shape_cast %swap3A_770 : vector<1x16xf32> to vector<16xf32>
        %swap3A_772 = vector.shape_cast %mul3A_767 : vector<16xf32> to vector<1x16xf32>
        tpu.vector_store %arg11[%swap3A_768, %swap3A_769], %swap3A_772 {strides = array<i32>} : memref<128x48xf32, #tpu.memory_space<vmem>>, vector<1x16xf32>,
        %get3A_773 = arith.index_cast %add3A_752 : i32 to index
        %get3A_774 = arith.constant 32 : index
        %get3A_775 = tpu.vector_load %arg11[%get3A_773, %get3A_774] {strides = array<i32>} : memref<128x48xf32, #tpu.memory_space<vmem>>, vector<1x16xf32>,
        %get3A_776 = vector.shape_cast %get3A_775 : vector<1x16xf32> to vector<16xf32>
        %mul3A_777 = arith.mulf %get3A_776, %gather3A_748 : vector<16xf32>
        %swap3A_778 = arith.index_cast %add3A_752 : i32 to index
        %swap3A_779 = arith.constant 32 : index
        %swap3A_780 = tpu.vector_load %arg11[%swap3A_778, %swap3A_779] {strides = array<i32>} : memref<128x48xf32, #tpu.memory_space<vmem>>, vector<1x16xf32>,
        %swap3A_781 = vector.shape_cast %swap3A_780 : vector<1x16xf32> to vector<16xf32>
        %swap3A_782 = vector.shape_cast %mul3A_777 : vector<16xf32> to vector<1x16xf32>
        tpu.vector_store %arg11[%swap3A_778, %swap3A_779], %swap3A_782 {strides = array<i32>} : memref<128x48xf32, #tpu.memory_space<vmem>>, vector<1x16xf32>,
      }
      %scan3A_41 = arith.constant 8 : i32
      "tpu.region"() ({
        %run_scoped3A = tpu.sem_alloc : memref<!tpu.dma_semaphore, #tpu.memory_space<semaphore_mem>>
        %dma_start3A_42 = arith.constant 0 : i32
        %dma_start3A_43 = tpu.memref_slice %arg9[%scan3A_25, %dma_start3A_42] : memref<79x128xi32, #tpu.memory_space<vmem>> -> memref<1x128xi32, #tpu.memory_space<vmem>>
        %dma_start3A_44 = tpu.memref_squeeze %dma_start3A_43 : memref<1x128xi32, #tpu.memory_space<vmem>> -> memref<128xi32, #tpu.memory_space<vmem>>
        %dma_start3A_45 = arith.constant 0 : i32
        %dma_start3A_46 = arith.constant 0 : i32
        %dma_start3A_47 = tpu.memref_slice %arg12[%dma_start3A_45, %dma_start3A_46] : memref<10000x48xf32, #tpu.memory_space<vmem_shared>> -> memref<10000x48xf32, #tpu.memory_space<vmem_shared>>
        tpu.enqueue_indirect_dma source(%arg11 : memref<128x48xf32, #tpu.memory_space<vmem>>) target(%dma_start3A_47 : memref<10000x48xf32, #tpu.memory_space<vmem_shared>>) offsets(%dma_start3A_44 : memref<128xi32, #tpu.memory_space<vmem>>) semaphore(%run_scoped3A : memref<!tpu.dma_semaphore, #tpu.memory_space<semaphore_mem>>) {add = true}
        %dma_wait3A_48 = arith.constant 0 : i32
        %dma_wait3A_49 = tpu.memref_slice %arg9[%scan3A_25, %dma_wait3A_48] : memref<79x128xi32, #tpu.memory_space<vmem>> -> memref<1x128xi32, #tpu.memory_space<vmem>>
        %dma_wait3A_50 = tpu.memref_squeeze %dma_wait3A_49 : memref<1x128xi32, #tpu.memory_space<vmem>> -> memref<128xi32, #tpu.memory_space<vmem>>
        %dma_wait3A_51 = arith.constant 0 : i32
        %dma_wait3A_52 = arith.constant 0 : i32
        %dma_wait3A_53 = tpu.memref_slice %arg12[%dma_wait3A_51, %dma_wait3A_52] : memref<10000x48xf32, #tpu.memory_space<vmem_shared>> -> memref<10000x48xf32, #tpu.memory_space<vmem_shared>>
        tpu.wait_indirect_dma semaphore(%run_scoped3A : memref<!tpu.dma_semaphore, #tpu.memory_space<semaphore_mem>>) src(%arg11 : memref<128x48xf32, #tpu.memory_space<vmem>>) dst(%dma_wait3A_53 : memref<10000x48xf32, #tpu.memory_space<vmem_shared>>)
        tpu.yield
      }) : () -> ()
    }
    %scan3A_13 = arith.constant 79 : i32
    %barrier3A_14 = arith.constant 0 : index
    tpu.barrier barrier_id(%barrier3A_14)
    %lt3A_15 = arith.constant 15 : i32
    %lt3A_16 = arith.cmpi slt, %arg1, %lt3A_15 : i32
    %convert_element_type3A_17 = arith.extui %lt3A_16 : i1 to i32
    %cond3A_18 = arith.constant 0 : i32
    %cond3A_19 = arith.cmpi ne, %convert_element_type3A_17, %cond3A_18 : i32
    scf.if %cond3A_19 {
      "tpu.region"() ({
        %run_scoped3A = tpu.sem_alloc : memref<!tpu.dma_semaphore, #tpu.memory_space<semaphore_mem>>
        %dma_start3A = arith.constant 0 : i32
        %dma_start3A_25 = tpu.memref_slice %arg7[%arg0, %multiple_of3A, %dma_start3A] : memref<2x10000x48xf32, #tpu.memory_space<hbm>> -> memref<1x632x48xf32, #tpu.memory_space<hbm>>
        %dma_start3A_26 = tpu.memref_squeeze %dma_start3A_25 : memref<1x632x48xf32, #tpu.memory_space<hbm>> -> memref<632x48xf32, #tpu.memory_space<hbm>>
        %dma_start3A_27 = arith.constant 0 : i32
        %dma_start3A_28 = tpu.memref_slice %arg12[%multiple_of3A, %dma_start3A_27] : memref<10000x48xf32, #tpu.memory_space<vmem_shared>> -> memref<632x48xf32, #tpu.memory_space<vmem_shared>>
        tpu.enqueue_dma source(%dma_start3A_28 : memref<632x48xf32, #tpu.memory_space<vmem_shared>>) target(%dma_start3A_26 : memref<632x48xf32, #tpu.memory_space<hbm>>) target_semaphore(%run_scoped3A : memref<!tpu.dma_semaphore, #tpu.memory_space<semaphore_mem>>)
        %dma_wait3A = arith.constant 0 : i32
        %dma_wait3A_29 = tpu.memref_slice %arg7[%arg0, %multiple_of3A, %dma_wait3A] : memref<2x10000x48xf32, #tpu.memory_space<hbm>> -> memref<1x632x48xf32, #tpu.memory_space<hbm>>
        %dma_wait3A_30 = tpu.memref_squeeze %dma_wait3A_29 : memref<1x632x48xf32, #tpu.memory_space<hbm>> -> memref<632x48xf32, #tpu.memory_space<hbm>>
        %dma_wait3A_31 = arith.constant 0 : i32
        %dma_wait3A_32 = tpu.memref_slice %arg12[%multiple_of3A, %dma_wait3A_31] : memref<10000x48xf32, #tpu.memory_space<vmem_shared>> -> memref<632x48xf32, #tpu.memory_space<vmem_shared>>
        tpu.wait_dma2 semaphore(%run_scoped3A : memref<!tpu.dma_semaphore, #tpu.memory_space<semaphore_mem>>) src(%dma_wait3A_32 : memref<632x48xf32, #tpu.memory_space<vmem_shared>>) dst(%dma_wait3A_30 : memref<632x48xf32, #tpu.memory_space<hbm>>)
        tpu.yield
      }) : () -> ()
    } else {
    }
    %eq3A_20 = arith.constant 15 : i32
    %eq3A_21 = arith.cmpi eq, %arg1, %eq3A_20 : i32
    %convert_element_type3A_22 = arith.extui %eq3A_21 : i1 to i32
    %cond3A_23 = arith.constant 0 : i32
    %cond3A_24 = arith.cmpi ne, %convert_element_type3A_22, %cond3A_23 : i32
    scf.if %cond3A_24 {
      "tpu.region"() ({
        %run_scoped3A = tpu.sem_alloc : memref<!tpu.dma_semaphore, #tpu.memory_space<semaphore_mem>>
        %dma_start3A = arith.constant 9480 : i32
        %dma_start3A_25 = arith.constant 0 : i32
        %dma_start3A_26 = tpu.memref_slice %arg7[%arg0, %dma_start3A, %dma_start3A_25] : memref<2x10000x48xf32, #tpu.memory_space<hbm>> -> memref<1x520x48xf32, #tpu.memory_space<hbm>>
        %dma_start3A_27 = tpu.memref_squeeze %dma_start3A_26 : memref<1x520x48xf32, #tpu.memory_space<hbm>> -> memref<520x48xf32, #tpu.memory_space<hbm>>
        %dma_start3A_28 = arith.constant 9480 : i32
        %dma_start3A_29 = arith.constant 0 : i32
        %dma_start3A_30 = tpu.memref_slice %arg12[%dma_start3A_28, %dma_start3A_29] : memref<10000x48xf32, #tpu.memory_space<vmem_shared>> -> memref<520x48xf32, #tpu.memory_space<vmem_shared>>
        tpu.enqueue_dma source(%dma_start3A_30 : memref<520x48xf32, #tpu.memory_space<vmem_shared>>) target(%dma_start3A_27 : memref<520x48xf32, #tpu.memory_space<hbm>>) target_semaphore(%run_scoped3A : memref<!tpu.dma_semaphore, #tpu.memory_space<semaphore_mem>>)
        %dma_wait3A = arith.constant 9480 : i32
        %dma_wait3A_31 = arith.constant 0 : i32
        %dma_wait3A_32 = tpu.memref_slice %arg7[%arg0, %dma_wait3A, %dma_wait3A_31] : memref<2x10000x48xf32, #tpu.memory_space<hbm>> -> memref<1x520x48xf32, #tpu.memory_space<hbm>>
        %dma_wait3A_33 = tpu.memref_squeeze %dma_wait3A_32 : memref<1x520x48xf32, #tpu.memory_space<hbm>> -> memref<520x48xf32, #tpu.memory_space<hbm>>
        %dma_wait3A_34 = arith.constant 9480 : i32
        %dma_wait3A_35 = arith.constant 0 : i32
        %dma_wait3A_36 = tpu.memref_slice %arg12[%dma_wait3A_34, %dma_wait3A_35] : memref<10000x48xf32, #tpu.memory_space<vmem_shared>> -> memref<520x48xf32, #tpu.memory_space<vmem_shared>>
        tpu.wait_dma2 semaphore(%run_scoped3A : memref<!tpu.dma_semaphore, #tpu.memory_space<semaphore_mem>>) src(%dma_wait3A_36 : memref<520x48xf32, #tpu.memory_space<vmem_shared>>) dst(%dma_wait3A_33 : memref<520x48xf32, #tpu.memory_space<hbm>>)
        tpu.yield
      }) : () -> ()
    } else {
    }
    return
  }
}

module attributes {stable_mosaic.version = 14 : i64} {
  func.func @_mm1_body(%arg0: i32, %arg1: memref<1000x128xf32, #tpu.memory_space<vmem>>, %arg2: memref<128x128xf32, #tpu.memory_space<vmem>>, %arg3: memref<1x128xf32, #tpu.memory_space<vmem>>, %arg4: memref<1000x128xf32, #tpu.memory_space<vmem>>) attributes {dimension_semantics = [#tpu.dimension_semantics<arbitrary>], iteration_bounds = array<i64: 10>, scalar_prefetch = 0 : i64, scratch_operands = 0 : i64, tpu.core_type = #tpu.core_type<tc>, window_params = [{transform_indices = @transform_0, window_bounds = array<i64: 1000, 128>}, {pipeline_mode = #tpu.pipeline_mode<synchronous>, transform_indices = @transform_1, window_bounds = array<i64: 128, 128>}, {pipeline_mode = #tpu.pipeline_mode<synchronous>, transform_indices = @transform_2, window_bounds = array<i64: 1, 128>}, {transform_indices = @transform_3, window_bounds = array<i64: 1000, 128>}]} {
    %get3A = arith.constant 0 : index
    %get3A_0 = arith.constant 0 : index
    %get3A_1 = vector.load %arg1[%get3A, %get3A_0] : memref<1000x128xf32, #tpu.memory_space<vmem>>, vector<1000x128xf32>
    %get3A_2 = arith.constant 0 : index
    %get3A_3 = arith.constant 0 : index
    %get3A_4 = vector.load %arg2[%get3A_2, %get3A_3] : memref<128x128xf32, #tpu.memory_space<vmem>>, vector<128x128xf32>
    %dot_general3A = arith.constant dense<0.000000e+00> : vector<1000x128xf32>
    %dot_general3A_5 = tpu.matmul %get3A_1, %get3A_4, %dot_general3A {dimension_numbers = #tpu.dot_dimension_numbers<[1], [0], [0], [1], [0, 0, 1, 1], [], []>, transpose_lhs_hint = false} : vector<1000x128xf32>, vector<128x128xf32>, vector<1000x128xf32> -> vector<1000x128xf32>
    %get3A_6 = arith.constant 0 : index
    %get3A_7 = arith.constant 0 : index
    %get3A_8 = vector.load %arg3[%get3A_6, %get3A_7] : memref<1x128xf32, #tpu.memory_space<vmem>>, vector<1x128xf32>
    %add3A = vector.broadcast %get3A_8 : vector<1x128xf32> to vector<1000x128xf32>
    %add3A_9 = arith.addf %dot_general3A_5, %add3A : vector<1000x128xf32>
    %swap3A = arith.constant 0 : index
    %swap3A_10 = arith.constant 0 : index
    %swap3A_11 = vector.load %arg4[%swap3A, %swap3A_10] : memref<1000x128xf32, #tpu.memory_space<vmem>>, vector<1000x128xf32>
    tpu.vector_store %arg4[%swap3A, %swap3A_10], %add3A_9 {strides = array<i32>} : memref<1000x128xf32, #tpu.memory_space<vmem>>, vector<1000x128xf32>,
    return
  }
  func.func @transform_0(%arg0: i32) -> (i32, i32) {
    %c0_i32 = arith.constant 0 : i32
    %c0_i32_0 = arith.constant 0 : i32
    return %arg0, %c0_i32 : i32, i32
  }
  func.func @transform_1(%arg0: i32) -> (i32, i32) {
    %c0_i32 = arith.constant 0 : i32
    %c0_i32_0 = arith.constant 0 : i32
    %c0_i32_1 = arith.constant 0 : i32
    return %c0_i32, %c0_i32_0 : i32, i32
  }
  func.func @transform_2(%arg0: i32) -> (i32, i32) {
    %c0_i32 = arith.constant 0 : i32
    %c0_i32_0 = arith.constant 0 : i32
    %c0_i32_1 = arith.constant 0 : i32
    return %c0_i32, %c0_i32_0 : i32, i32
  }
  func.func @transform_3(%arg0: i32) -> (i32, i32) {
    %c0_i32 = arith.constant 0 : i32
    %c0_i32_0 = arith.constant 0 : i32
    return %arg0, %c0_i32 : i32, i32
  }
}

module attributes {stable_mosaic.version = 14 : i64} {
  func.func @_mm2_body(%arg0: i32, %arg1: memref<1000x128xf32, #tpu.memory_space<vmem>>, %arg2: memref<2x1000x128xf32, #tpu.memory_space<vmem>>, %arg3: memref<128x48xf32, #tpu.memory_space<vmem>>, %arg4: memref<1x48xf32, #tpu.memory_space<vmem>>, %arg5: memref<1000x48xf32, #tpu.memory_space<vmem>>) attributes {dimension_semantics = [#tpu.dimension_semantics<arbitrary>], iteration_bounds = array<i64: 10>, scalar_prefetch = 0 : i64, scratch_operands = 0 : i64, tpu.core_type = #tpu.core_type<tc>, window_params = [{transform_indices = @transform_0, window_bounds = array<i64: 1000, 128>}, {transform_indices = @transform_1, window_bounds = array<i64: 2, 1000, 128>}, {pipeline_mode = #tpu.pipeline_mode<synchronous>, transform_indices = @transform_2, window_bounds = array<i64: 128, 48>}, {pipeline_mode = #tpu.pipeline_mode<synchronous>, transform_indices = @transform_3, window_bounds = array<i64: 1, 48>}, {transform_indices = @transform_4, window_bounds = array<i64: 1000, 48>}]} {
    %get3A = arith.constant 0 : index
    %get3A_0 = arith.constant 0 : index
    %get3A_1 = vector.load %arg1[%get3A, %get3A_0] : memref<1000x128xf32, #tpu.memory_space<vmem>>, vector<1000x128xf32>
    %get3A_2 = arith.constant 0 : index
    %get3A_3 = arith.constant 0 : index
    %get3A_4 = arith.constant 0 : index
    %get3A_5 = vector.load %arg2[%get3A_2, %get3A_3, %get3A_4] : memref<2x1000x128xf32, #tpu.memory_space<vmem>>, vector<1x1000x128xf32>
    %get3A_6 = vector.shape_cast %get3A_5 : vector<1x1000x128xf32> to vector<1000x128xf32>
    %add3A = arith.addf %get3A_1, %get3A_6 : vector<1000x128xf32>
    %get3A_7 = arith.constant 1 : index
    %get3A_8 = arith.constant 0 : index
    %get3A_9 = arith.constant 0 : index
    %get3A_10 = vector.load %arg2[%get3A_7, %get3A_8, %get3A_9] : memref<2x1000x128xf32, #tpu.memory_space<vmem>>, vector<1x1000x128xf32>
    %get3A_11 = vector.shape_cast %get3A_10 : vector<1x1000x128xf32> to vector<1000x128xf32>
    %add3A_12 = arith.addf %add3A, %get3A_11 : vector<1000x128xf32>
    %max3A = arith.constant 0.000000e+00 : f32
    %max3A_13 = vector.broadcast %max3A : f32 to vector<1000x128xf32>
    %max3A_14 = arith.maximumf %add3A_12, %max3A_13 : vector<1000x128xf32>
    %get3A_15 = arith.constant 0 : index
    %get3A_16 = arith.constant 0 : index
    %get3A_17 = vector.load %arg3[%get3A_15, %get3A_16] : memref<128x48xf32, #tpu.memory_space<vmem>>, vector<128x48xf32>
    %dot_general3A = arith.constant dense<0.000000e+00> : vector<1000x48xf32>
    %dot_general3A_18 = tpu.matmul %max3A_14, %get3A_17, %dot_general3A {dimension_numbers = #tpu.dot_dimension_numbers<[1], [0], [0], [1], [0, 0, 1, 1], [], []>, transpose_lhs_hint = false} : vector<1000x128xf32>, vector<128x48xf32>, vector<1000x48xf32> -> vector<1000x48xf32>
    %get3A_19 = arith.constant 0 : index
    %get3A_20 = arith.constant 0 : index
    %get3A_21 = vector.load %arg4[%get3A_19, %get3A_20] : memref<1x48xf32, #tpu.memory_space<vmem>>, vector<1x48xf32>
    %add3A_22 = vector.broadcast %get3A_21 : vector<1x48xf32> to vector<1000x48xf32>
    %add3A_23 = arith.addf %dot_general3A_18, %add3A_22 : vector<1000x48xf32>
    %swap3A = arith.constant 0 : index
    %swap3A_24 = arith.constant 0 : index
    %swap3A_25 = vector.load %arg5[%swap3A, %swap3A_24] : memref<1000x48xf32, #tpu.memory_space<vmem>>, vector<1000x48xf32>
    tpu.vector_store %arg5[%swap3A, %swap3A_24], %add3A_23 {strides = array<i32>} : memref<1000x48xf32, #tpu.memory_space<vmem>>, vector<1000x48xf32>,
    return
  }
  func.func @transform_0(%arg0: i32) -> (i32, i32) {
    %c0_i32 = arith.constant 0 : i32
    %c0_i32_0 = arith.constant 0 : i32
    return %arg0, %c0_i32 : i32, i32
  }
  func.func @transform_1(%arg0: i32) -> (i32, i32, i32) {
    %c0_i32 = arith.constant 0 : i32
    %c0_i32_0 = arith.constant 0 : i32
    %c0_i32_1 = arith.constant 0 : i32
    return %c0_i32, %arg0, %c0_i32_0 : i32, i32, i32
  }
  func.func @transform_2(%arg0: i32) -> (i32, i32) {
    %c0_i32 = arith.constant 0 : i32
    %c0_i32_0 = arith.constant 0 : i32
    %c0_i32_1 = arith.constant 0 : i32
    return %c0_i32, %c0_i32_0 : i32, i32
  }
  func.func @transform_3(%arg0: i32) -> (i32, i32) {
    %c0_i32 = arith.constant 0 : i32
    %c0_i32_0 = arith.constant 0 : i32
    %c0_i32_1 = arith.constant 0 : i32
    return %c0_i32, %c0_i32_0 : i32, i32
  }
  func.func @transform_4(%arg0: i32) -> (i32, i32) {
    %c0_i32 = arith.constant 0 : i32
    %c0_i32_0 = arith.constant 0 : i32
    return %arg0, %c0_i32 : i32, i32
  }
}

module attributes {stable_mosaic.version = 14 : i64} {
  func.func @body(%arg0: i32, %arg1: memref<1000x48xf32, #tpu.memory_space<vmem>>, %arg2: memref<2x1000x48xf32, #tpu.memory_space<vmem>>, %arg3: memref<1000x40xf32, #tpu.memory_space<vmem>>) attributes {dimension_semantics = [#tpu.dimension_semantics<arbitrary>], iteration_bounds = array<i64: 10>, scalar_prefetch = 0 : i64, scratch_operands = 0 : i64, tpu.core_type = #tpu.core_type<tc>, window_params = [{transform_indices = @transform_0, window_bounds = array<i64: 1000, 48>}, {transform_indices = @transform_1, window_bounds = array<i64: 2, 1000, 48>}, {transform_indices = @transform_2, window_bounds = array<i64: 1000, 40>}]} {
    %get3A = arith.constant 0 : index
    %get3A_0 = arith.constant 0 : index
    %get3A_1 = vector.load %arg1[%get3A, %get3A_0] : memref<1000x48xf32, #tpu.memory_space<vmem>>, vector<1000x48xf32>
    %get3A_2 = arith.constant 0 : index
    %get3A_3 = arith.constant 0 : index
    %get3A_4 = arith.constant 0 : index
    %get3A_5 = vector.load %arg2[%get3A_2, %get3A_3, %get3A_4] : memref<2x1000x48xf32, #tpu.memory_space<vmem>>, vector<1x1000x48xf32>
    %get3A_6 = vector.shape_cast %get3A_5 : vector<1x1000x48xf32> to vector<1000x48xf32>
    %add3A = arith.addf %get3A_1, %get3A_6 : vector<1000x48xf32>
    %get3A_7 = arith.constant 1 : index
    %get3A_8 = arith.constant 0 : index
    %get3A_9 = arith.constant 0 : index
    %get3A_10 = vector.load %arg2[%get3A_7, %get3A_8, %get3A_9] : memref<2x1000x48xf32, #tpu.memory_space<vmem>>, vector<1x1000x48xf32>
    %get3A_11 = vector.shape_cast %get3A_10 : vector<1x1000x48xf32> to vector<1000x48xf32>
    %add3A_12 = arith.addf %add3A, %get3A_11 : vector<1000x48xf32>
    %iota3A = tpu.iota {dimensions = array<i32: 1>} : vector<1000x48xi32>
    %lt3A = arith.constant 40 : i32
    %lt3A_13 = vector.broadcast %lt3A : i32 to vector<1000x48xi32>
    %lt3A_14 = arith.cmpi slt, %iota3A, %lt3A_13 : vector<1000x48xi32>
    %jit3A = arith.constant -1.000000e+30 : f32
    %broadcast_in_dim3A = vector.broadcast %jit3A : f32 to vector<1000x48xf32>
    %select_n3A = arith.select %lt3A_14, %add3A_12, %broadcast_in_dim3A : vector<1000x48xi1>, vector<1000x48xf32>
    %reduce_max3A = arith.constant dense<0xFF800000> : vector<1000xf32>
    %reduce_max3A_15 = vector.multi_reduction <maximumf>, %select_n3A, %reduce_max3A [1] : vector<1000x48xf32> to vector<1000xf32>
    %broadcast_in_dim3A_16 = vector.shape_cast %reduce_max3A_15 : vector<1000xf32> to vector<1000x1xf32>
    %sub3A = vector.broadcast %broadcast_in_dim3A_16 : vector<1000x1xf32> to vector<1000x48xf32>
    %sub3A_17 = arith.subf %select_n3A, %sub3A : vector<1000x48xf32>
    %exp3A = math.exp %sub3A_17 : vector<1000x48xf32>
    %reduce_sum3A = arith.constant dense<0.000000e+00> : vector<1000xf32>
    %reduce_sum3A_18 = vector.multi_reduction <add>, %exp3A, %reduce_sum3A [1] : vector<1000x48xf32> to vector<1000xf32>
    %broadcast_in_dim3A_19 = vector.shape_cast %reduce_sum3A_18 : vector<1000xf32> to vector<1000x1xf32>
    %sub3A_20 = vector.broadcast %broadcast_in_dim3A_16 : vector<1000x1xf32> to vector<1000x48xf32>
    %sub3A_21 = arith.subf %select_n3A, %sub3A_20 : vector<1000x48xf32>
    %log3A = math.log %broadcast_in_dim3A_19 : vector<1000x1xf32>
    %sub3A_22 = vector.broadcast %log3A : vector<1000x1xf32> to vector<1000x48xf32>
    %sub3A_23 = arith.subf %sub3A_21, %sub3A_22 : vector<1000x48xf32>
    %slice3A = vector.extract_strided_slice %sub3A_23 {offsets = [0, 0], sizes = [1000, 40], strides = [1, 1]} : vector<1000x48xf32> to vector<1000x40xf32>
    %swap3A = arith.constant 0 : index
    %swap3A_24 = arith.constant 0 : index
    %swap3A_25 = vector.load %arg3[%swap3A, %swap3A_24] : memref<1000x40xf32, #tpu.memory_space<vmem>>, vector<1000x40xf32>
    tpu.vector_store %arg3[%swap3A, %swap3A_24], %slice3A {strides = array<i32>} : memref<1000x40xf32, #tpu.memory_space<vmem>>, vector<1000x40xf32>,
    return
  }
  func.func @transform_0(%arg0: i32) -> (i32, i32) {
    %c0_i32 = arith.constant 0 : i32
    %c0_i32_0 = arith.constant 0 : i32
    return %arg0, %c0_i32 : i32, i32
  }
  func.func @transform_1(%arg0: i32) -> (i32, i32, i32) {
    %c0_i32 = arith.constant 0 : i32
    %c0_i32_0 = arith.constant 0 : i32
    %c0_i32_1 = arith.constant 0 : i32
    return %c0_i32, %arg0, %c0_i32_0 : i32, i32, i32
  }
  func.func @transform_2(%arg0: i32) -> (i32, i32) {
    %c0_i32 = arith.constant 0 : i32
    %c0_i32_0 = arith.constant 0 : i32
    return %arg0, %c0_i32 : i32, i32
  }
}

</mosaic_0001>

<sc_bundles>
// kernel: kernel.10.cloned.1.call-start
scs
__scs_entry_jumppad:
0x0: {  	(pc) =	sbr.rel $0x88, $3  }
0x1: {  	(tag) =	ssettag $0x0;
	lr =	simm.s32 $0x1  }
0x2: {  	[smem:$0x3F9A] =	sst lr;
	_ =	strace $0xD0000000  }
0x3: {  	_ = 	snop  }
0x4: {  	_ = 	snop  }
0x5: {  	_ = 	snop  }
0x6: {  	_ = 	snop  }
0x7: {  	_ = 	snop  }
__scs_overlays_trampoline_lowered:
0x8: {  	[smem:$0x3FA9] =	sst s0  }
0x9: {  	[smem:$0x3FAA] =	sst s1  }
0xa: {  	[smem:$0x3FAB] =	sst s2  }
0xb: {  	[smem:$0x3FAC] =	sst s3  }
0xc: {  	[smem:$0x3FAD] =	sst s4  }
0xd: {  	[smem:$0x3FAE] =	sst s5  }
0xe: {  	[smem:$0x3FAF] =	sst s6  }
0xf: {  	[smem:$0x3FB0] =	sst s7  }
0x10: {  	[smem:$0x3FB1] =	sst s8  }
0x11: {  	[smem:$0x3FB2] =	sst s9;
	s0 =	simm.s32 @!p0 $0x0  }
0x12: {  	s1 =	sld [smem:$0x3F98];
	s0 =	simm.s32 @p0 $0x1  }
0x13: {  	[smem:$0x3FB3] =	sst s0;
	s0 =	simm.s32 @!p1 $0x0  }
0x14: {  	s2 =	sld [smem:$0x3F97];
	s0 =	simm.s32 @p1 $0x1  }
0x15: {  	[smem:$0x3FB4] =	sst s0;
	s0 =	simm.s32 @!p2 $0x0  }
0x16: {  	s3 =	sld [smem:$0x3FDB];
	s0 =	simm.s32 @p2 $0x1  }
0x17: {  	s4 =	simm.s32 $0x1BF5;
	[smem:$0x3FB6] =	sst s0  }
0x18: {  	s0 =	sld [smem:$0x3F99];
	_ =	swait.ge [sflag:s4], $0x0  }
0x19: {  	s7 =	sld [smem:$0x3F9A]  }
0x1a: {  	s8 =	sadd.s32 $0xFFFFE003, lr  }
0x1b: {  	s9 =	sadd.s32 $0xFFFFFEF7, lr;
	s5 =	simm.s32 $0xFFFFFFFF;
	p2 =	slt.u32 s8, $0xFFFFF086  }
0x1c: {  	p1 =	slt.u32 s9, $0xF7A;
	s5 =	simm.s32 @!p2 $0x0  }
0x1d: {  	s5 =	simm.s32 @p1 $0x1;
	p0 =	seq.s32 s7, s2  }
0x1e: {  	s7 =	smul.u32 @!p0 $0xF7A, s2;
	p2 =	seq.s32 @!p0 s5, $0x0  }
0x1f: {  	s9 =	smul.u32 $0xF7A, s1;
	s8 =	simm.s32 @!p0 $0x1BF5;
	p2 =	por !p2, p0  }
0x20: {  	[sflag:s8] =	ssyncset.s32 @!p0 $0xFFFFF086;
	s6 =	sadd.s32 @!p0 s3, s7;
	s7 =	simm.s32 @!p0 $0x108  }
0x21: {  	s3 =	sadd.s32 s3, s9;
	s6 =	sadd.s32 @!p0 $0x88, s6;
	s7 =	simm.s32 @p2 $0x1082  }
0x22: {  	[simem:s7], [sflag:s8] =	dma.local @!p0 [hbm:s6], $0xF7A  }
0x23: {  	s9 =	sor.u32 $0xD0000000, s2;
	s6 =	simm.s32 $0x108;
	_ =	swait.ge @!p0 [sflag:s8], $0x0  }
0x24: {  	s3 =	sadd.s32 $0x88, s3;
	s6 =	simm.s32 @!p1 $0x1082;
	[sflag:s4] =	ssyncset.s32 $0xFFFFF086  }
0x25: {  	[simem:s6], [sflag:s4] =	dma.local [hbm:s3], $0xF7A  }
0x26: {  	[smem:$0x3F9A] =	sst s1;
	(tag) =	ssettag s2;
	_ =	strace s9  }
0x27: {  	s1 =	sld [smem:$0x3FAA]  }
0x28: {  	s2 =	sld [smem:$0x3FAB]  }
0x29: {  	s4 =	sld [smem:$0x3FAD]  }
0x2a: {  	p0 =	seq.s32 s5, $0x0;
	s5 =	sld [smem:$0x3FAE]  }
0x2b: {  	s6 =	sld [smem:$0x3FAF]  }
0x2c: {  	s7 =	sld [smem:$0x3FB0]  }
0x2d: {  	s3 =	simm.s32 $0x108;
	s8 =	sld [smem:$0x3FB1]  }
0x2e: {  	s3 =	simm.s32 @!p0 $0x1082;
	s9 =	sld [smem:$0x3FB2]  }
0x2f: {  	lr =	sadd.s32 s0, s3;
	s0 =	sld [smem:$0x3FA9]  }
0x30: {  	s3 =	sld [smem:$0x3FAC]  }
0x31: {  	[smem:$0x3FB5] =	sst s10  }
0x32: {  	s10 =	sld [smem:$0x3FB3];
	_ =	sdelay $0x3  }
0x33: {  	p0 =	seq.s32 s10, $0x1;
	s10 =	sld [smem:$0x3FB5];
	_ =	sdelay $0x3  }
0x34: {  	[smem:$0x3FB5] =	sst s10  }
0x35: {  	s10 =	sld [smem:$0x3FB4];
	_ =	sdelay $0x3  }
0x36: {  	p1 =	seq.s32 s10, $0x1;
	s10 =	sld [smem:$0x3FB5];
	_ =	sdelay $0x3  }
0x37: {  	[smem:$0x3FB5] =	sst s10  }
0x38: {  	s10 =	sld [smem:$0x3FB6]  }
0x39: {  	_ = 	snop;
	(pc) =	sbr.ind lr, $3  }
0x3a: {  	_ = 	snop  }
0x3b: {  	_ = 	snop  }
0x3c: {  	p2 =	seq.s32 s10, $0x1;
	s10 =	sld [smem:$0x3FB5]  }
0x3d: {  	_ =	shalt  }
0x3e: {  	_ =	shalt  }
0x3f: {  	_ =	shalt  }
0x40: {  	_ =	shalt  }
0x41: {  	_ =	shalt  }
0x42: {  	_ =	shalt  }
0x43: {  	_ =	shalt  }
0x44: {  	_ =	shalt  }
0x45: {  	_ =	shalt  }
0x46: {  	_ =	shalt  }
0x47: {  	_ =	shalt  }
0x48: {  	_ =	shalt  }
0x49: {  	_ =	shalt  }
0x4a: {  	_ =	shalt  }
0x4b: {  	_ =	shalt  }
0x4c: {  	_ =	shalt  }
0x4d: {  	_ =	shalt  }
0x4e: {  	_ =	shalt  }
0x4f: {  	_ =	shalt  }
0x50: {  	_ =	shalt  }
0x51: {  	_ =	shalt  }
0x52: {  	_ =	shalt  }
0x53: {  	_ =	shalt  }
0x54: {  	_ =	shalt  }
0x55: {  	_ =	shalt  }
0x56: {  	_ =	shalt  }
0x57: {  	_ =	shalt  }
0x58: {  	_ =	shalt  }
0x59: {  	_ =	shalt  }
0x5a: {  	_ =	shalt  }
0x5b: {  	_ =	shalt  }
0x5c: {  	_ =	shalt  }
0x5d: {  	_ =	shalt  }
0x5e: {  	_ =	shalt  }
0x5f: {  	_ =	shalt  }
0x60: {  	_ =	shalt  }
0x61: {  	_ =	shalt  }
0x62: {  	_ =	shalt  }
0x63: {  	_ =	shalt  }
0x64: {  	_ =	shalt  }
0x65: {  	_ =	shalt  }
0x66: {  	_ =	shalt  }
0x67: {  	_ =	shalt  }
0x68: {  	_ =	shalt  }
0x69: {  	_ =	shalt  }
0x6a: {  	_ =	shalt  }
0x6b: {  	_ =	shalt  }
0x6c: {  	_ =	shalt  }
0x6d: {  	_ =	shalt  }
0x6e: {  	_ =	shalt  }
0x6f: {  	_ =	shalt  }
0x70: {  	_ =	shalt  }
0x71: {  	_ =	shalt  }
0x72: {  	_ =	shalt  }
0x73: {  	_ =	shalt  }
0x74: {  	_ =	shalt  }
0x75: {  	_ =	shalt  }
0x76: {  	_ =	shalt  }
0x77: {  	_ =	shalt  }
0x78: {  	_ =	shalt  }
0x79: {  	_ =	shalt  }
0x7a: {  	_ =	shalt  }
0x7b: {  	_ =	shalt  }
0x7c: {  	_ =	shalt  }
0x7d: {  	_ =	shalt  }
0x7e: {  	_ =	shalt  }
0x7f: {  	_ =	shalt  }
0x80: {  	_ =	shalt  }
0x81: {  	_ =	shalt  }
0x82: {  	_ =	shalt  }
0x83: {  	_ =	shalt  }
0x84: {  	_ =	shalt  }
0x85: {  	_ =	shalt  }
0x86: {  	_ =	shalt  }
0x87: {  	_ =	shalt  }
.Lfunc_end0:
.L_simem_size_0:
called_computation.1_lowered:
.L_overlay_start_0:
0x88: {  	s2 =	sld [smem:$0x3FD9]  }
0x89: {  	s3 =	sld [smem:$0x3FFE];
	_ =	sdelay $0x1  }
0x8a: {  	s1 =	srdreg.scid  }
0x8b: {  	s0 =	sand.u32 $0x1, s1  }
0x8c: {  	s16 =	sshll.u32 s0, $0xA;
	s2 =	sadd.s32 s3, s2  }
0x8d: {  	s2 =	sadd.s32 s2, s16  }
0x8e: {  	[smem:$0x3FC1] =	sst s2  }
0x8f: {  	_ = 	snop  }
0x90: {  	(tm) =	ssettm $0x1  }
0x91: {  	s17 =	sld [smem:$0x3FFB];
	_ =	sdelay $0x3  }
0x92: {  	_ =	strace s17  }
0x93: {  	s2 =	sld [smem:$0x3FFC];
	_ =	sdelay $0x3  }
0x94: {  	_ =	strace s2  }
0x95: {  	s2 =	sld [smem:$0x3FFD];
	_ =	sdelay $0x3  }
0x96: {  	_ =	strace s2  }
0x97: {  	_ =	strace $0x8FFFFFFF  }
0x98: {  	s18 =	sld [smem:$0x3FDB];
	_ =	sdelay $0x1  }
0x99: {  	s19 =	simm.s32 $_scs_section_size  }
0x9a: {  	s4 =	simm.s32 $_size__tile_overlayer_lowered;
	s5 =	simm.s32 $_tile_overlayer_lowered  }
0x9b: {  	s22 =	simm.s32 $0x1BFF;
	s21 =	sshll.u32 s5, $0x1;
	s2 =	sadd.s32 s19, s18  }
0x9c: {  	s6 =	simm.s32 $0x0;
	s20 =	sshll.u32 s4, $0x1;
	s4 =	sadd.s32 s21, s2  }
0x9d: {  	[timem:s6], [sflag:s22] =	dma.local [hbm:s4], s20  }
0x9e: {  	_ =	swait.ge [sflag:s22], s20  }
0x9f: {  	s3 =	ssub.s32 $0x0, s20;
	[sflag:s22] =	ssyncset.done $0x0  }
0xa0: {  	[sflag:s22] =	ssyncadd.s32 s3;
	_ =	sdelay $0x1  }
0xa1: {  	s23 =	simm.s32 $0x1B8B  }
0xa2: {  	_ =	swait.ge [sflag:s23], $0x1  }
0xa3: {  	[sflag:s23] =	ssyncset.done $0x0  }
0xa4: {  	s25 =	simm.s32 $0x1B8E;
	s24 =	sld [smem:$0x3FFE];
	[sflag:s23] =	ssyncadd.s32 $0xFFFFFFFF  }
0xa5: {  	s26 =	simm.s32 $execute0_lowered;
	[smem:$0x3FD2] =	sst s25  }
0xa6: {  	s4 =	sshll.u32 s26, $0x1;
	_ =	strace $0x80000049;
	[dreg:$0x1] =	wrdreg $0xFFFFFFFF  }
0xa7: {  	s28 =	simm.s32 $_size_execute0_lowered;
	s2 =	sadd.s32 s2, s4;
	[dreg:$0x0] =	wrdreg $0x0  }
0xa8: {  	s4 =	sshll.u32 s28, $0x1;
	[dreg:$0x2] =	wrdreg s2  }
0xa9: {  	[dreg:$0x3] =	wrdreg s4  }
0xaa: {  	[dreg:$0x4] =	wrdreg $0xC0  }
0xab: {  	_ =	task [dreg:s6], $0x5FFFF  }
0xac: {  	[dreg:$0x1] =	wrdreg $0xFFFFFFFF  }
0xad: {  	[dreg:$0x0] =	wrdreg $0x60  }
0xae: {  	[dreg:$0x2] =	wrdreg s24  }
0xaf: {  	[dreg:$0x3] =	wrdreg $0x8E800  }
0xb0: {  	[dreg:$0x4] =	wrdreg $0x9  }
0xb1: {  	_ =	task.clear_ibuf [dreg:s6], $0x5FFFF;
	_ =	strace $0x90000049  }
0xb2: {  	s29 =	simm.s32 $0x9;
	_ =	strace $0x8000004B  }
0xb3: {  	_ =	swait.ge [sflag:s29], $0x1  }
0xb4: {  	[sflag:s29] =	ssyncadd.s32 $0xFFFFFFFF  }
0xb5: {  	_ =	strace $0x9000004B  }
0xb6: {  	_ =	sfence  }
0xb7: {  	s30 =	sld [smem:$0x0];
	_ =	sdelay $0x2  }
0xb8: {  	s31 =	sshll.u32 s1, $0xD;
	s1 =	sshrl.u32 s1, $0x2  }
0xb9: {  	s3 =	sand.u32 $0x4000, s31;
	s1 =	sadd.s32 s1, s30  }
0xba: {  	s0 =	sor.u32 s3, s0;
	s1 =	sshll.u32 s1, $0x11  }
0xbb: {  	s0 =	sor.u32 s1, s0  }
0xbc: {  	s0 =	sadd.s32 $0x8F2B, s0  }
0xbd: {  	[sflag:s0] =	ssyncadd.remote.s32 $0x1  }
0xbe: {  	_ =	sfence.sel $0xFFFF  }
0xbf: {  	[dreg:$0x0] =	wrdreg $0xFFFFFFFF;
	(pc) =	sbr.abs _section_cstart, $3  }
0xc0: {  	[dreg:$0x1] =	wrdreg $0xFFFFFFFF  }
0xc1: {  	_ =	task.clear_ibuf [dreg:s6], $0x2FFFF;
	_ =	strace $0x9FFFFFFF  }
0xc2: {  	(tm) =	ssettm $0x7FFFFFFF  }
0xc3: {  	_ =	shalt  }
tec
execute0_lowered:
.L_overlay_start_1:
0x0: {  	(tag) =	ssettag $0x1  }
0x1: {  	s0 =	srdreg.scid;
	s6 =	rddreg [dreg:$0x0]  }
0x2: {  	s2 =	rddreg [dreg:$0x1];
	s3 =	simm.s32 $0x0;
	s17 =	simm.s32 $0x2780  }
0x3: {  	s18 =	simm.s32 $0x80;
	s19 =	simm.s32 $0x7680;
	s20 =	simm.s32 $0x1  }
0x4: {  	s21 =	simm.s32 $0x0;
	s5 =	sand.u32 $0x1, s0;
	s0 =	stileid.u32  }
0x5: {  	[smem:$0x7FF] =	sst s3;
	s11 =	sadd.s32 $0x47000, s6;
	s14 =	sadd.s32 $0x6F180, s2  }
0x6: {  	s1 =	sshll.u32 s5, $0x4;
	s9 =	smul.u32 $0x7680, s0;
	s8 =	ssub.s32 $0x2, s5  }
0x7: {  	s13 =	smul.u32 $0x75300, s5;
	p0 =	seq.s32 s0, $0xF;
	s4 =	sor.u32 s0, s1  }
0x8: {  	s1 =	rddreg [dreg:$0x2];
	_ =	strace $0x8000004A;
	s12 =	sshrl.u32 s8, $0x1  }
0x9: {  	s7 =	smul.u32 $0x4F0, s4;
	s4 =	sadd.s32 $0x29800, s6;
	s30 =	sshrl.u32 s9, $0x3  }
0xa: {  	s12 =	ssub.s32 s8, s12;
	s15 =	sadd.s32 s9, s2;
	s16 =	sadd.s32 s9, s13  }
0xb: {  	v0 =	vimm.s32 $0x0;
	s13 =	sshrl.u32 s13, $0x3;
	s31 =	sshrl.u32 s16, $0x3;
	s12 =	smax.u32 s12, $0x1  }
0xc: {  	v1 =	vimm.s32 $0x1;
	v2 =	vimm.s32 $0x2;
	v3 =	vimm.s32 $0x3;
	s16 =	sshll.u32 @!p0 s0, $0x6;
	s10 =	sadd.s32 s7, s6;
	s7 =	sadd.s32 s30, s6  }
0xd: {  	v4 =	vimm.s32 $0x4;
	v5 =	vimm.s32 $0x5;
	v6 =	vimm.s32 $0x6;
	s15 =	sshrl.u32 @!p0 s15, $0x3;
	s6 =	sadd.s32 $0x46230, s6;
	s5 =	sadd.s32 $0x38400, s7  }
0xe: {  	v7 =	vimm.s32 $0x7;
	v8 =	vimm.s32 $0x8;
	v9 =	vimm.s32 $0x9;
	s7 =	sadd.s32 $0x1E00, s10;
	s8 =	sadd.s32 $0xBC00, s10;
	s9 =	sadd.s32 $0x1FA00, s10  }
0xf: {  	v10 =	vimm.s32 $0xA;
	v11 =	vimm.s32 $0xB;
	v12 =	vimm.s32 $0xC;
	s10 =	sadd.s32 s11, s31;
	s11 =	sadd.s32 s11, s13;
	s13 =	sshrl.u32 @p0 s14, $0x3  }
0x10: {  	v13 =	vimm.s32 $0xD;
	v14 =	vimm.s32 $0xE;
	v15 =	vimm.s32 $0xF;
	s14 =	sor.u32 @!p0 $0x1C02, s16;
	s16 =	simm.s32 $0x2;
	s11 =	sadd.s32 $0xDE30, s11  }
.LBB2_1:
0x11: {  	s22 =	simm.s32 @p0 $0x1FC2  }
0x12: {  	[spmem:s13], [sflag:s22] =	dma.local @p0 [hbm:s6], $0xC30  }
0x13: {  	s22 =	simm.s32 @p0 $0x2  }
0x14: {  	_ =	swait.ge @p0 [sflag:s22], $0xC30  }
0x15: {  	[sflag:s22] =	ssyncset.done @p0 $0x0  }
0x16: {  	[sflag:s22] =	ssyncadd.s32 @p0 $0xFFFFF3D0;
	s22 =	simm.s32 @!p0 $0x2  }
0x17: {  	[spmem:s15], [sflag:s14] =	dma.local @!p0 [hbm:s5], $0xED0  }
0x18: {  	_ =	swait.ge @!p0 [sflag:s22], $0xED0  }
0x19: {  	[sflag:s22] =	ssyncset.done @!p0 $0x0  }
0x1a: {  	[sflag:s22] =	ssyncadd.s32 @!p0 $0xFFFFF130  }
0x1b: {  	[tilespmem:s3], [sflag:$0x2] =	stream.linear.gather [hbm4b:s7+s3], $0x2780, $0x38;
	[tilespmem:$0x103B0] =	vst v63  }
0x1c: {  	_ =	swait.ge [sflag:s16], $0x2780  }
0x1d: {  	[sflag:s16] =	ssyncset.done $0x0  }
0x1e: {  	[sflag:s16] =	ssyncadd.s32 $0xFFFFD880  }
0x1f: {  	[tilespmem:s17], [sflag:$0x2] =	stream.linear.gather [hbm4b:s8+s3], $0x2780, $0x38;
	[tilespmem:$0x103B0] =	vst v63  }
0x20: {  	_ =	swait.ge [sflag:s16], $0x2780  }
0x21: {  	[sflag:s16] =	ssyncset.done $0x0  }
0x22: {  	s22 =	simm.s32 $0x4F00;
	[sflag:s16] =	ssyncadd.s32 $0xFFFFD880  }
0x23: {  	[tilespmem:s22], [sflag:$0x2] =	stream.linear.gather [hbm4b:s9+s3], $0x2780, $0x38;
	[tilespmem:$0x103B0] =	vst v63  }
0x24: {  	_ =	swait.ge [sflag:s16], $0x2780  }
0x25: {  	[sflag:s16] =	ssyncset.done $0x0  }
0x26: {  	[sflag:s16] =	ssyncadd.s32 $0xFFFFD880  }
0x27: {  	s23 =	simm.s32 $0x0;
	[bflag:$0x0] =	sbarrier.arrive $0xFFFF  }
.LBB2_2:
0x28: {  	s24 =	sshll.u32 s23, $0x7  }
0x29: {  	[tilespmem:s19], [sflag:$0x1] =	stream.indirect.gather [hbm4b:s4+s18], $0x30, s24, s18, $0xb8;
	[tilespmem:$0x103B0] =	vst v63  }
0x2a: {  	_ =	swait.ge [sflag:s20], $0x1800  }
0x2b: {  	[sflag:s20] =	ssyncset.done $0x0  }
0x2c: {  	s25 =	simm.s32 $0x7800;
	[sflag:s20] =	ssyncadd.s32 $0xFFFFE800  }
0x2d: {  	v27 =	vld [tilespmem:s25+$0x160]  }
0x2e: {  	v16 =	vld [tilespmem:s25+$0xFFFFFFF0]  }
0x2f: {  	v17 =	vld [tilespmem:s25+$0xFFFFFEA0]  }
0x30: {  	v18 =	vld [tilespmem:s25+$0xFFFFFFA0]  }
0x31: {  	v31 =	vld [tilespmem:s25+$0xFFFFFE90]  }
0x32: {  	v35 =	vld [tilespmem:s25+$0x90]  }
0x33: {  	v33 =	vld [tilespmem:s25+$0xFFFFFEE0]  }
0x34: {  	v42 =	vld [tilespmem:s25+$0x150]  }
0x35: {  	v20 =	vld [tilespmem:s25+$0x0]  }
0x36: {  	v28 =	vld [tilespmem:s25+$0xB0]  }
0x37: {  	v32 =	vld [tilespmem:s25+$0xFFFFFFB0]  }
0x38: {  	v36 =	vld [tilespmem:s25+$0xFFFFFEF0]  }
0x39: {  	v22 =	vmov s22;
	v37 =	vld [tilespmem:s25+$0x120]  }
0x3a: {  	v41 =	vld [tilespmem:s25+$0x170]  }
0x3b: {  	v34 =	vld [tilespmem:s25+$0x70]  }
0x3c: {  	v43 =	vld [tilespmem:s25+$0xFFFFFF00]  }
0x3d: {  	s26 =	simm.s32 $0x0;
	v23 =	vld [tilespmem:s25+$0xFFFFFFC0]  }
0x3e: {  	v29 =	vld.idx.msk [tilespmem:v22+s26+$0x0 ss:$0x1], $0xffff  }
0x3f: {  	v39 =	vld [tilespmem:s25+$0x140]  }
0x40: {  	v19 =	vld [tilespmem:s25+$0x60]  }
0x41: {  	v25 =	vld [tilespmem:s25+$0xFFFFFE80]  }
0x42: {  	v26 =	vld [tilespmem:s25+$0x10]  }
0x43: {  	v30 =	vld [tilespmem:s25+$0xFFFFFF90]  }
0x44: {  	v45 =	vld [tilespmem:s25+$0x100];
	v21 =	vperm.xlane v29, v0;
	v38 =	vperm.xlane v29, v15  }
0x45: {  	v44 =	vld [tilespmem:s25+$0x110];
	v40 =	vperm.xlane v29, v2;
	v24 =	vperm.xlane v29, v14  }
0x46: {  	v48 =	vmul.f32 v25, v21;
	v25 =	vld [tilespmem:s25+$0xFFFFFF20];
	v47 =	vmul.f32 v42, v38  }
0x47: {  	s28 =	simm.s32 $0x7800;
	s26 =	simm.s32 $0x40;
	v46 =	vmul.f32 v33, v40;
	v33 =	vld [tilespmem:s25+$0xFFFFFF40];
	v42 =	vperm.xlane v29, v13  }
.LBB2_3:
0x48: {  	p1 =	sne.s32 s26, $0x1C0  }
0x49: {  	[tilespmem:s25+$0xFFFFFE80] =	vst v48;
	v43 =	vmul.f32 v43, v40;
	v48 =	vld [tilespmem:s25+$0xFFFFFF50];
	v41 =	vmul.f32 v41, v38;
	s28 =	sadd.s32 $0x300, s28;
	s29 =	smov.u32 s26;
	s26 =	sadd.s32 $0x40, s26  }
0x4a: {  	v49 =	vperm.xlane v29, v11;
	v50 =	vld [tilespmem:s25+$0xF0];
	v45 =	vmul.f32 v45, v42;
	[tilespmem:s25+$0x150] =	vst v47  }
0x4b: {  	v47 =	vld [tilespmem:s25+$0xFFFFFEC0];
	[tilespmem:s25+$0xFFFFFEE0] =	vst v46;
	v46 =	vperm.xlane v29, v6;
	v44 =	vmul.f32 v44, v42  }
0x4c: {  	v37 =	vmul.f32 v37, v24;
	v39 =	vmul.f32 v39, v24;
	v51 =	vld [tilespmem:s25+$0x80];
	[tilespmem:s25+$0x100] =	vst v45  }
0x4d: {  	v52 =	vperm.xlane v29, v10;
	v35 =	vmul.f32 v35, v49;
	v45 =	vld [tilespmem:s25+$0xFFFFFED0];
	[tilespmem:s25+$0x170] =	vst v41  }
0x4e: {  	v27 =	vmul.f32 v27, v38;
	v41 =	vperm.xlane v29, v1;
	[tilespmem:s25+$0xFFFFFF00] =	vst v43;
	v43 =	vld [tilespmem:s25+$0xC0]  }
0x4f: {  	v36 =	vmul.f32 v36, v40;
	[tilespmem:s25+$0x90] =	vst v35;
	v35 =	vmul.f32 v50, v42;
	v38 =	vld [tilespmem:s25+$0x130]  }
0x50: {  	v42 =	vperm.xlane v29, v5;
	v40 =	vmul.f32 v47, v41;
	v47 =	vld [tilespmem:s25+$0xD0];
	[tilespmem:s25+$0x120] =	vst v37  }
0x51: {  	v31 =	vmul.f32 v31, v21;
	v37 =	vld [tilespmem:s25+$0x30];
	v50 =	vmul.f32 v51, v52;
	[tilespmem:s25+$0x110] =	vst v44  }
0x52: {  	v44 =	vmul.f32 v45, v41;
	v45 =	vperm.xlane v29, v3;
	v51 =	vld [tilespmem:s25+$0xE0];
	[tilespmem:s25+$0x140] =	vst v39  }
0x53: {  	v34 =	vmul.f32 v34, v52;
	v39 =	vperm.xlane v29, v12;
	[tilespmem:s25+$0xFFFFFEF0] =	vst v36;
	v36 =	vld [tilespmem:s25+$0xFFFFFF70]  }
0x54: {  	v53 =	vperm.xlane v29, v8;
	v32 =	vmul.f32 v32, v46;
	[tilespmem:s25+$0xFFFFFE90] =	vst v31;
	v31 =	vld [tilespmem:s25+$0xFFFFFF60]  }
0x55: {  	v55 =	vperm.xlane v29, v7;
	v54 =	vld [tilespmem:s25+$0xFFFFFEB0];
	[tilespmem:s25+$0x70] =	vst v34;
	v34 =	vmul.f32 v43, v39  }
0x56: {  	v43 =	vperm.xlane v29, v9;
	v47 =	vmul.f32 v47, v39;
	[tilespmem:s25+$0xFFFFFFB0] =	vst v32;
	v32 =	vld [tilespmem:s25+$0xFFFFFFD0]  }
0x57: {  	v29 =	vperm.xlane v29, v4;
	v56 =	vld [tilespmem:s25+$0xFFFFFF80];
	v39 =	vmul.f32 v51, v39;
	[tilespmem:s25+$0xF0] =	vst v35  }
0x58: {  	v28 =	vmul.f32 v28, v49;
	v35 =	vmul.f32 v37, v43;
	v37 =	vld [tilespmem:s25+$0xA0];
	[tilespmem:s25+$0x160] =	vst v27  }
0x59: {  	v33 =	vmul.f32 v33, v29;
	v27 =	vmul.f32 v48, v29;
	v48 =	vld [tilespmem:s25+$0x50];
	[tilespmem:s25+$0xC0] =	vst v34  }
0x5a: {  	v29 =	vmul.f32 v31, v29;
	v51 =	vmul.f32 v54, v41;
	[tilespmem:s25+$0x30] =	vst v35;
	v31 =	vld [tilespmem:s25+$0x40]  }
0x5b: {  	v34 =	vmul.f32 v36, v42;
	v32 =	vmul.f32 v32, v55;
	v35 =	vld [tilespmem:s25+$0x20];
	[tilespmem:s25+$0x80] =	vst v50  }
0x5c: {  	v30 =	vmul.f32 v30, v42;
	v36 =	vld [tilespmem:s25+$0xFFFFFF10];
	v50 =	vmul.f32 v56, v42;
	[tilespmem:s25+$0xB0] =	vst v28  }
0x5d: {  	v20 =	vmul.f32 v20, v53;
	[tilespmem:s25+$0xFFFFFF50] =	vst v27;
	v28 =	vld [tilespmem:s25+$0xFFFFFFE0];
	v37 =	vmul.f32 v37, v49  }
0x5e: {  	v26 =	vmul.f32 v26, v53;
	v23 =	vmul.f32 v23, v46;
	v27 =	vld [tilespmem:s28+$0x160];
	[tilespmem:s25+$0xFFFFFEC0] =	vst v40  }
0x5f: {  	v42 =	vmul.f32 v48, v43;
	v40 =	vld [tilespmem:s25+$0xFFFFFF30];
	[tilespmem:s25+$0xFFFFFF40] =	vst v33;
	v33 =	vmul.f32 v31, v43  }
0x60: {  	v24 =	vmul.f32 v38, v24;
	[tilespmem:s25+$0xFFFFFED0] =	vst v44;
	v41 =	vmul.f32 v35, v53  }
0x61: {  	v25 =	vmul.f32 v25, v45;
	v36 =	vmul.f32 v36, v45;
	[tilespmem:s25+$0x0] =	vst v20  }
0x62: {  	v20 =	vmul.f32 v16, v55;
	v38 =	vmul.f32 v28, v55;
	[tilespmem:s25+$0xD0] =	vst v47  }
0x63: {  	v16 =	vmul.f32 v18, v46;
	v18 =	vmul.f32 v19, v52;
	[tilespmem:s25+$0xFFFFFF90] =	vst v30  }
0x64: {  	v17 =	vmul.f32 v17, v21;
	v19 =	vmul.f32 v40, v45;
	[tilespmem:s25+$0xFFFFFFC0] =	vst v23  }
0x65: {  	[tilespmem:s25+$0x10] =	vst v26  }
0x66: {  	[tilespmem:s25+$0xFFFFFFA0] =	vst v16  }
0x67: {  	[tilespmem:s25+$0xFFFFFEA0] =	vst v17  }
0x68: {  	[tilespmem:s25+$0xFFFFFF30] =	vst v19  }
0x69: {  	v16 =	vld [tilespmem:s28+$0xFFFFFFF0];
	[tilespmem:s25+$0xFFFFFF20] =	vst v25  }
0x6a: {  	v17 =	vld [tilespmem:s28+$0xFFFFFEA0];
	[tilespmem:s25+$0x60] =	vst v18  }
0x6b: {  	v18 =	vld [tilespmem:s28+$0xFFFFFFA0];
	[tilespmem:s25+$0xFFFFFFF0] =	vst v20  }
0x6c: {  	v31 =	vld [tilespmem:s28+$0xFFFFFE90];
	[tilespmem:s25+$0x130] =	vst v24  }
0x6d: {  	v35 =	vld [tilespmem:s28+$0x90];
	[tilespmem:s25+$0xA0] =	vst v37  }
0x6e: {  	v46 =	vld [tilespmem:s28+$0xFFFFFEE0];
	[tilespmem:s25+$0xFFFFFF70] =	vst v34  }
0x6f: {  	v47 =	vld [tilespmem:s28+$0x150];
	[tilespmem:s25+$0xE0] =	vst v39  }
0x70: {  	v20 =	vld [tilespmem:s28+$0x0];
	[tilespmem:s25+$0xFFFFFF10] =	vst v36  }
0x71: {  	v28 =	vld [tilespmem:s28+$0xB0];
	[tilespmem:s25+$0xFFFFFFD0] =	vst v32  }
0x72: {  	v32 =	vld [tilespmem:s28+$0xFFFFFFB0];
	[tilespmem:s25+$0xFFFFFFE0] =	vst v38  }
0x73: {  	v36 =	vld [tilespmem:s28+$0xFFFFFEF0];
	[tilespmem:s25+$0x20] =	vst v41  }
0x74: {  	v37 =	vld [tilespmem:s28+$0x120];
	[tilespmem:s25+$0xFFFFFF60] =	vst v29  }
0x75: {  	v41 =	vld [tilespmem:s28+$0x170];
	[tilespmem:s25+$0x50] =	vst v42  }
0x76: {  	v34 =	vld [tilespmem:s28+$0x70];
	[tilespmem:s25+$0xFFFFFEB0] =	vst v51  }
0x77: {  	v43 =	vld [tilespmem:s28+$0xFFFFFF00];
	[tilespmem:s25+$0xFFFFFF80] =	vst v50  }
0x78: {  	s29 =	sshra.s32 s29, $0x2;
	v23 =	vld [tilespmem:s28+$0xFFFFFFC0];
	[tilespmem:s25+$0x40] =	vst v33;
	s25 =	smov.u32 s28  }
0x79: {  	v29 =	vld.idx.msk [tilespmem:v22+s29+$0x0 ss:$0x1], $0xffff  }
0x7a: {  	v39 =	vld [tilespmem:s28+$0x140]  }
0x7b: {  	v19 =	vld [tilespmem:s28+$0x60]  }
0x7c: {  	v25 =	vld [tilespmem:s28+$0xFFFFFE80]  }
0x7d: {  	v26 =	vld [tilespmem:s28+$0x10]  }
.Ltmp0:
0x7e: {  	v30 =	vld [tilespmem:s28+$0xFFFFFF90];
	(pc) =	sbr.rel @p1 .LBB2_3-.Ltmp0, $4  }
0x7f: {  	v21 =	vperm.xlane v29, v0;
	v38 =	vperm.xlane v29, v15;
	v45 =	vld [tilespmem:s28+$0x100]  }
0x80: {  	v40 =	vperm.xlane v29, v2;
	v24 =	vperm.xlane v29, v14;
	v44 =	vld [tilespmem:s28+$0x110]  }
0x81: {  	v47 =	vmul.f32 v47, v38;
	v48 =	vmul.f32 v25, v21;
	v25 =	vld [tilespmem:s28+$0xFFFFFF20]  }
0x82: {  	v42 =	vperm.xlane v29, v13;
	v46 =	vmul.f32 v46, v40;
	v33 =	vld [tilespmem:s28+$0xFFFFFF40]  }
0x83: {  	[tilespmem:s25+$0xFFFFFE80] =	vst v48  }
0x84: {  	[tilespmem:s25+$0x150] =	vst v47;
	v41 =	vmul.f32 v41, v38  }
0x85: {  	v43 =	vmul.f32 v43, v40;
	[tilespmem:s25+$0xFFFFFEE0] =	vst v46  }
0x86: {  	v37 =	vmul.f32 v37, v24;
	[tilespmem:s25+$0x170] =	vst v41  }
0x87: {  	v39 =	vmul.f32 v39, v24;
	[tilespmem:s25+$0xFFFFFF00] =	vst v43  }
0x88: {  	v36 =	vmul.f32 v36, v40;
	[tilespmem:s25+$0x120] =	vst v37  }
0x89: {  	v31 =	vmul.f32 v31, v21;
	[tilespmem:s25+$0x140] =	vst v39  }
0x8a: {  	v27 =	vmul.f32 v27, v38;
	[tilespmem:s25+$0xFFFFFEF0] =	vst v36  }
0x8b: {  	v47 =	vperm.xlane v29, v11;
	v17 =	vmul.f32 v17, v21;
	[tilespmem:s25+$0xFFFFFE90] =	vst v31  }
0x8c: {  	v22 =	vmul.f32 v45, v42;
	[tilespmem:s25+$0x160] =	vst v27  }
0x8d: {  	v35 =	vmul.f32 v35, v47;
	[tilespmem:s25+$0xFFFFFEA0] =	vst v17  }
0x8e: {  	v52 =	vmul.f32 v44, v42;
	v37 =	vperm.xlane v29, v10;
	[tilespmem:s25+$0x100] =	vst v22  }
0x8f: {  	v43 =	vperm.xlane v29, v6;
	v28 =	vmul.f32 v28, v47;
	[tilespmem:s25+$0x90] =	vst v35  }
0x90: {  	v61 =	vld [tilespmem:s25+$0xF0];
	v46 =	vperm.xlane v29, v4;
	[tilespmem:s25+$0x110] =	vst v52;
	v34 =	vmul.f32 v34, v37  }
0x91: {  	v51 =	vld [tilespmem:s25+$0xC0];
	v56 =	vmul.f32 v32, v43;
	[tilespmem:s25+$0xB0] =	vst v28  }
0x92: {  	v54 =	vld [tilespmem:s25+$0x30];
	v33 =	vmul.f32 v33, v46;
	[tilespmem:s25+$0x70] =	vst v34  }
0x93: {  	v62 =	vld [tilespmem:s25+$0x80];
	v18 =	vmul.f32 v18, v43;
	[tilespmem:s25+$0xFFFFFFB0] =	vst v56  }
0x94: {  	v53 =	vld [tilespmem:s25+$0xFFFFFF50];
	v44 =	vperm.xlane v29, v12;
	v17 =	vmul.f32 v19, v37;
	[tilespmem:s25+$0xFFFFFF40] =	vst v33  }
0x95: {  	v55 =	vld [tilespmem:s25+$0xD0];
	v31 =	vperm.xlane v29, v9;
	v57 =	vmul.f32 v61, v42;
	[tilespmem:s25+$0xFFFFFFA0] =	vst v18  }
0x96: {  	v41 =	vmul.f32 v51, v44;
	[tilespmem:s25+$0x60] =	vst v17  }
0x97: {  	v58 =	vmul.f32 v54, v31;
	[tilespmem:s25+$0xF0] =	vst v57  }
0x98: {  	v59 =	vmul.f32 v62, v37;
	[tilespmem:s25+$0xC0] =	vst v41  }
0x99: {  	v40 =	vmul.f32 v53, v46;
	[tilespmem:s25+$0x30] =	vst v58  }
0x9a: {  	v39 =	vld [tilespmem:s25+$0xA0];
	v28 =	vperm.xlane v29, v8;
	v62 =	vmul.f32 v55, v44;
	[tilespmem:s25+$0x80] =	vst v59  }
0x9b: {  	v48 =	vld [tilespmem:s25+$0x50];
	v53 =	vmul.f32 v23, v43;
	[tilespmem:s25+$0xFFFFFF50] =	vst v40  }
0x9c: {  	v60 =	vld [tilespmem:s25+$0xFFFFFEC0];
	v55 =	vperm.xlane v29, v3;
	v20 =	vmul.f32 v20, v28;
	[tilespmem:s25+$0xD0] =	vst v62  }
0x9d: {  	v63 =	vld [tilespmem:s25+$0xFFFFFED0];
	v54 =	vmul.f32 v26, v28;
	[tilespmem:s25+$0xFFFFFFC0] =	vst v53  }
0x9e: {  	v59 =	vmul.f32 v25, v55;
	[tilespmem:s25+$0x0] =	vst v20  }
0x9f: {  	v41 =	vperm.xlane v29, v1;
	v17 =	vmul.f32 v39, v47;
	[tilespmem:s25+$0x10] =	vst v54  }
0xa0: {  	v50 =	vld [tilespmem:s25+$0xFFFFFF10];
	v62 =	vmul.f32 v48, v31;
	[tilespmem:s25+$0xFFFFFF20] =	vst v59  }
0xa1: {  	v61 =	vld [tilespmem:s25+$0xFFFFFF30];
	v40 =	vperm.xlane v29, v5;
	v60 =	vmul.f32 v60, v41;
	[tilespmem:s25+$0xA0] =	vst v17  }
0xa2: {  	v42 =	vld [tilespmem:s25+$0xE0];
	v58 =	vperm.xlane v29, v7;
	v22 =	vmul.f32 v63, v41;
	[tilespmem:s25+$0x50] =	vst v62  }
0xa3: {  	v35 =	vld [tilespmem:s25+$0x130];
	v52 =	vmul.f32 v30, v40;
	[tilespmem:s25+$0xFFFFFEC0] =	vst v60  }
0xa4: {  	v34 =	vld [tilespmem:s25+$0xFFFFFF70];
	v16 =	vmul.f32 v16, v58;
	[tilespmem:s25+$0xFFFFFED0] =	vst v22  }
0xa5: {  	v51 =	vld [tilespmem:s25+$0x20];
	v17 =	vmul.f32 v50, v55;
	[tilespmem:s25+$0xFFFFFF90] =	vst v52  }
0xa6: {  	v32 =	vld [tilespmem:s25+$0xFFFFFFD0];
	v57 =	vmul.f32 v61, v55;
	[tilespmem:s25+$0xFFFFFFF0] =	vst v16  }
0xa7: {  	v49 =	vld [tilespmem:s25+$0xFFFFFEB0];
	v61 =	vmul.f32 v42, v44;
	[tilespmem:s25+$0xFFFFFF10] =	vst v17  }
0xa8: {  	v63 =	vld [tilespmem:s25+$0xFFFFFFE0];
	v60 =	vmul.f32 v35, v24;
	[tilespmem:s25+$0xFFFFFF30] =	vst v57  }
0xa9: {  	v38 =	vld [tilespmem:s25+$0xFFFFFF60];
	v16 =	vmul.f32 v34, v40;
	[tilespmem:s25+$0xE0] =	vst v61  }
0xaa: {  	v56 =	vld [tilespmem:s25+$0x40];
	v17 =	vmul.f32 v51, v28;
	[tilespmem:s25+$0x130] =	vst v60  }
0xab: {  	v45 =	vld [tilespmem:s25+$0xFFFFFF80];
	[tilespmem:s25+$0xFFFFFF70] =	vst v16;
	v16 =	vmul.f32 v32, v58  }
0xac: {  	[tilespmem:s25+$0x20] =	vst v17;
	v17 =	vmul.f32 v49, v41  }
0xad: {  	v18 =	vmul.f32 v63, v58;
	[tilespmem:s25+$0xFFFFFFD0] =	vst v16  }
0xae: {  	v16 =	vmul.f32 v38, v46;
	[tilespmem:s25+$0xFFFFFEB0] =	vst v17  }
0xaf: {  	v63 =	vmul.f32 v56, v31;
	[tilespmem:s25+$0xFFFFFFE0] =	vst v18  }
0xb0: {  	s23 =	sadd.s32 $0x1, s23;
	[tilespmem:s25+$0xFFFFFF60] =	vst v16;
	v16 =	vmul.f32 v45, v40  }
0xb1: {  	p1 =	sne.s32 s23, $0x4F;
	[tilespmem:s25+$0x40] =	vst v63  }
.Ltmp1:
0xb2: {  	s24 =	sadd.s32 $0x2780, s24;
	[tilespmem:s25+$0xFFFFFF80] =	vst v16;
	(pc) =	sbr.rel @p1 .LBB2_2-.Ltmp1, $4  }
0xb3: {  	[spmem:s2] =	stream.indirect.scatter.add.f32 [tilespmem:s19], [sflag:$0x2], $0x30, s24, s18, $0xb8;
	[tilespmem:$0x103B0] =	vst v63  }
0xb4: {  	_ =	swait.ge [sflag:s16], $0x1800  }
0xb5: {  	[sflag:s16] =	ssyncset.done $0x0  }
0xb6: {  	s22 =	sadd.s32 $0x80, s22;
	[sflag:s16] =	ssyncadd.s32 $0xFFFFE800  }
0xb7: {  	[bflag:$0x0] =	sbarrier.arrive $0xFFFF;
	s22 =	simm.s32 @p0 $0x1FC2  }
0xb8: {  	[hbm:s11], [sflag:s22] =	dma.local @p0 [spmem:s13], $0xC30  }
0xb9: {  	s22 =	simm.s32 @p0 $0x2  }
0xba: {  	s21 =	sadd.s32 $0x1, s21;
	_ =	swait.ge @p0 [sflag:s22], $0xC30  }
0xbb: {  	p1 =	sne.s32 s21, s12;
	[sflag:s22] =	ssyncset.done @p0 $0x0  }
.Ltmp2:
0xbc: {  	[sflag:s22] =	ssyncadd.s32 @p0 $0xFFFFF3D0;
	s22 =	simm.s32 @!p0 $0x2;
	(pc) =	sbr.rel @p1 .LBB2_1-.Ltmp2, $4  }
0xbd: {  	[hbm:s10], [sflag:s14] =	dma.local @!p0 [spmem:s15], $0xED0  }
0xbe: {  	_ =	swait.ge @!p0 [sflag:s22], $0xED0  }
0xbf: {  	[sflag:s22] =	ssyncset.done @!p0 $0x0  }
0xc0: {  	[sflag:s22] =	ssyncadd.s32 @!p0 $0xFFFFF130  }
0xc1: {  	_ =	sfence.sel $0x180000  }
0xc2: {  	[bflag:$0x0] =	sbarrier.arrive $0xFFFF  }
0xc3: {  	p0 =	sne.s32 s0, $0x0;
	_ =	strace $0x9000004A  }
0xc4: {  	s0 =	sadd.s32 @!p0 $0x100000, s1;
	[bflag:$0x2] =	sbarrier.arrive $0xFFFF  }
0xc5: {  	[sflag:s0] =	ssyncadd.tile.s32 @!p0 $0x1;
	_ =	shalt  }
.Lfunc_end2:
_tile_overlayer_lowered:
.L_overlay_start_2:
0xc6: {  	(tag) =	ssettag $0x2  }
0xc7: {  	s0 =	rddreg [dreg:$0x0];
	s2 =	stileid.u32  }
0xc8: {  	s1 =	rddreg [dreg:$0x1];
	p0 =	sne.s32 s2, $0x0  }
0xc9: {  	s3 =	rddreg [dreg:$0x2];
	[bflag:$0x3] =	sbarrier.arrive $0xFFFF;
	s2 =	simm.s32 @!p0 $0x1C02  }
0xca: {  	[timem:s3], [sflag:s2] =	dma.local @!p0 [hbm:s0], s1  }
0xcb: {  	s0 =	simm.s32 @!p0 $0x2  }
0xcc: {  	_ =	swait.ge @!p0 [sflag:s0], s1  }
0xcd: {  	s1 =	ssub.s32 @!p0 $0x0, s1;
	[sflag:s0] =	ssyncset.done @!p0 $0x0  }
0xce: {  	[sflag:s0] =	ssyncadd.s32 @!p0 s1  }
0xcf: {  	[bflag:$0x3] =	sbarrier.arrive $0xFFFF  }
0xd0: {  	_ =	shalt  }

// kernel: kernel.7.cloned.1.call-start
scs
__scs_entry_jumppad:
0x0: {  	(pc) =	sbr.rel $0x88, $3  }
0x1: {  	(tag) =	ssettag $0x0;
	lr =	simm.s32 $0x1  }
0x2: {  	[smem:$0x3F9A] =	sst lr;
	_ =	strace $0xD0000000  }
0x3: {  	_ = 	snop  }
0x4: {  	_ = 	snop  }
0x5: {  	_ = 	snop  }
0x6: {  	_ = 	snop  }
0x7: {  	_ = 	snop  }
__scs_overlays_trampoline_lowered:
0x8: {  	[smem:$0x3FA9] =	sst s0  }
0x9: {  	[smem:$0x3FAA] =	sst s1  }
0xa: {  	[smem:$0x3FAB] =	sst s2  }
0xb: {  	[smem:$0x3FAC] =	sst s3  }
0xc: {  	[smem:$0x3FAD] =	sst s4  }
0xd: {  	[smem:$0x3FAE] =	sst s5  }
0xe: {  	[smem:$0x3FAF] =	sst s6  }
0xf: {  	[smem:$0x3FB0] =	sst s7  }
0x10: {  	[smem:$0x3FB1] =	sst s8  }
0x11: {  	[smem:$0x3FB2] =	sst s9;
	s0 =	simm.s32 @!p0 $0x0  }
0x12: {  	s1 =	sld [smem:$0x3F98];
	s0 =	simm.s32 @p0 $0x1  }
0x13: {  	[smem:$0x3FB3] =	sst s0;
	s0 =	simm.s32 @!p1 $0x0  }
0x14: {  	s2 =	sld [smem:$0x3F97];
	s0 =	simm.s32 @p1 $0x1  }
0x15: {  	[smem:$0x3FB4] =	sst s0;
	s0 =	simm.s32 @!p2 $0x0  }
0x16: {  	s3 =	sld [smem:$0x3FDB];
	s0 =	simm.s32 @p2 $0x1  }
0x17: {  	s4 =	simm.s32 $0x1BF5;
	[smem:$0x3FB6] =	sst s0  }
0x18: {  	s0 =	sld [smem:$0x3F99];
	_ =	swait.ge [sflag:s4], $0x0  }
0x19: {  	s7 =	sld [smem:$0x3F9A]  }
0x1a: {  	s8 =	sadd.s32 $0xFFFFE003, lr  }
0x1b: {  	s9 =	sadd.s32 $0xFFFFFEF7, lr;
	s5 =	simm.s32 $0xFFFFFFFF;
	p2 =	slt.u32 s8, $0xFFFFF086  }
0x1c: {  	p1 =	slt.u32 s9, $0xF7A;
	s5 =	simm.s32 @!p2 $0x0  }
0x1d: {  	s5 =	simm.s32 @p1 $0x1;
	p0 =	seq.s32 s7, s2  }
0x1e: {  	s7 =	smul.u32 @!p0 $0xF7A, s2;
	p2 =	seq.s32 @!p0 s5, $0x0  }
0x1f: {  	s9 =	smul.u32 $0xF7A, s1;
	s8 =	simm.s32 @!p0 $0x1BF5;
	p2 =	por !p2, p0  }
0x20: {  	[sflag:s8] =	ssyncset.s32 @!p0 $0xFFFFF086;
	s6 =	sadd.s32 @!p0 s3, s7;
	s7 =	simm.s32 @!p0 $0x108  }
0x21: {  	s3 =	sadd.s32 s3, s9;
	s6 =	sadd.s32 @!p0 $0x88, s6;
	s7 =	simm.s32 @p2 $0x1082  }
0x22: {  	[simem:s7], [sflag:s8] =	dma.local @!p0 [hbm:s6], $0xF7A  }
0x23: {  	s9 =	sor.u32 $0xD0000000, s2;
	s6 =	simm.s32 $0x108;
	_ =	swait.ge @!p0 [sflag:s8], $0x0  }
0x24: {  	s3 =	sadd.s32 $0x88, s3;
	s6 =	simm.s32 @!p1 $0x1082;
	[sflag:s4] =	ssyncset.s32 $0xFFFFF086  }
0x25: {  	[simem:s6], [sflag:s4] =	dma.local [hbm:s3], $0xF7A  }
0x26: {  	[smem:$0x3F9A] =	sst s1;
	(tag) =	ssettag s2;
	_ =	strace s9  }
0x27: {  	s1 =	sld [smem:$0x3FAA]  }
0x28: {  	s2 =	sld [smem:$0x3FAB]  }
0x29: {  	s4 =	sld [smem:$0x3FAD]  }
0x2a: {  	p0 =	seq.s32 s5, $0x0;
	s5 =	sld [smem:$0x3FAE]  }
0x2b: {  	s6 =	sld [smem:$0x3FAF]  }
0x2c: {  	s7 =	sld [smem:$0x3FB0]  }
0x2d: {  	s3 =	simm.s32 $0x108;
	s8 =	sld [smem:$0x3FB1]  }
0x2e: {  	s3 =	simm.s32 @!p0 $0x1082;
	s9 =	sld [smem:$0x3FB2]  }
0x2f: {  	lr =	sadd.s32 s0, s3;
	s0 =	sld [smem:$0x3FA9]  }
0x30: {  	s3 =	sld [smem:$0x3FAC]  }
0x31: {  	[smem:$0x3FB5] =	sst s10  }
0x32: {  	s10 =	sld [smem:$0x3FB3];
	_ =	sdelay $0x3  }
0x33: {  	p0 =	seq.s32 s10, $0x1;
	s10 =	sld [smem:$0x3FB5];
	_ =	sdelay $0x3  }
0x34: {  	[smem:$0x3FB5] =	sst s10  }
0x35: {  	s10 =	sld [smem:$0x3FB4];
	_ =	sdelay $0x3  }
0x36: {  	p1 =	seq.s32 s10, $0x1;
	s10 =	sld [smem:$0x3FB5];
	_ =	sdelay $0x3  }
0x37: {  	[smem:$0x3FB5] =	sst s10  }
0x38: {  	s10 =	sld [smem:$0x3FB6]  }
0x39: {  	_ = 	snop;
	(pc) =	sbr.ind lr, $3  }
0x3a: {  	_ = 	snop  }
0x3b: {  	_ = 	snop  }
0x3c: {  	p2 =	seq.s32 s10, $0x1;
	s10 =	sld [smem:$0x3FB5]  }
0x3d: {  	_ =	shalt  }
0x3e: {  	_ =	shalt  }
0x3f: {  	_ =	shalt  }
0x40: {  	_ =	shalt  }
0x41: {  	_ =	shalt  }
0x42: {  	_ =	shalt  }
0x43: {  	_ =	shalt  }
0x44: {  	_ =	shalt  }
0x45: {  	_ =	shalt  }
0x46: {  	_ =	shalt  }
0x47: {  	_ =	shalt  }
0x48: {  	_ =	shalt  }
0x49: {  	_ =	shalt  }
0x4a: {  	_ =	shalt  }
0x4b: {  	_ =	shalt  }
0x4c: {  	_ =	shalt  }
0x4d: {  	_ =	shalt  }
0x4e: {  	_ =	shalt  }
0x4f: {  	_ =	shalt  }
0x50: {  	_ =	shalt  }
0x51: {  	_ =	shalt  }
0x52: {  	_ =	shalt  }
0x53: {  	_ =	shalt  }
0x54: {  	_ =	shalt  }
0x55: {  	_ =	shalt  }
0x56: {  	_ =	shalt  }
0x57: {  	_ =	shalt  }
0x58: {  	_ =	shalt  }
0x59: {  	_ =	shalt  }
0x5a: {  	_ =	shalt  }
0x5b: {  	_ =	shalt  }
0x5c: {  	_ =	shalt  }
0x5d: {  	_ =	shalt  }
0x5e: {  	_ =	shalt  }
0x5f: {  	_ =	shalt  }
0x60: {  	_ =	shalt  }
0x61: {  	_ =	shalt  }
0x62: {  	_ =	shalt  }
0x63: {  	_ =	shalt  }
0x64: {  	_ =	shalt  }
0x65: {  	_ =	shalt  }
0x66: {  	_ =	shalt  }
0x67: {  	_ =	shalt  }
0x68: {  	_ =	shalt  }
0x69: {  	_ =	shalt  }
0x6a: {  	_ =	shalt  }
0x6b: {  	_ =	shalt  }
0x6c: {  	_ =	shalt  }
0x6d: {  	_ =	shalt  }
0x6e: {  	_ =	shalt  }
0x6f: {  	_ =	shalt  }
0x70: {  	_ =	shalt  }
0x71: {  	_ =	shalt  }
0x72: {  	_ =	shalt  }
0x73: {  	_ =	shalt  }
0x74: {  	_ =	shalt  }
0x75: {  	_ =	shalt  }
0x76: {  	_ =	shalt  }
0x77: {  	_ =	shalt  }
0x78: {  	_ =	shalt  }
0x79: {  	_ =	shalt  }
0x7a: {  	_ =	shalt  }
0x7b: {  	_ =	shalt  }
0x7c: {  	_ =	shalt  }
0x7d: {  	_ =	shalt  }
0x7e: {  	_ =	shalt  }
0x7f: {  	_ =	shalt  }
0x80: {  	_ =	shalt  }
0x81: {  	_ =	shalt  }
0x82: {  	_ =	shalt  }
0x83: {  	_ =	shalt  }
0x84: {  	_ =	shalt  }
0x85: {  	_ =	shalt  }
0x86: {  	_ =	shalt  }
0x87: {  	_ =	shalt  }
.Lfunc_end0:
.L_simem_size_0:
called_computation_lowered:
.L_overlay_start_0:
0x88: {  	s2 =	sld [smem:$0x3FD9]  }
0x89: {  	s3 =	sld [smem:$0x3FFE];
	_ =	sdelay $0x1  }
0x8a: {  	s1 =	srdreg.scid  }
0x8b: {  	s0 =	sand.u32 $0x1, s1  }
0x8c: {  	s17 =	sshll.u32 s0, $0xA;
	s2 =	sadd.s32 s3, s2  }
0x8d: {  	s2 =	sadd.s32 s2, s17  }
0x8e: {  	[smem:$0x3FC1] =	sst s2  }
0x8f: {  	_ = 	snop  }
0x90: {  	s2 =	sld [smem:$0x3FD0];
	(tm) =	ssettm $0x1  }
0x91: {  	s18 =	sld [smem:$0x3FFB];
	_ =	sdelay $0x3  }
0x92: {  	_ =	strace s18  }
0x93: {  	s3 =	sld [smem:$0x3FFC];
	_ =	sdelay $0x3  }
0x94: {  	_ =	strace s3  }
0x95: {  	s3 =	sld [smem:$0x3FFD];
	_ =	sdelay $0x3  }
0x96: {  	_ =	strace s3  }
0x97: {  	_ =	strace $0x8FFFFFFF  }
0x98: {  	s19 =	sld [smem:$0x3FDB];
	_ =	sdelay $0x1  }
0x99: {  	s4 =	simm.s32 $_scs_section_size  }
0x9a: {  	s5 =	simm.s32 $_size__tile_overlayer_lowered;
	s6 =	simm.s32 $_tile_overlayer_lowered  }
0x9b: {  	s22 =	simm.s32 $0x1BFF;
	s21 =	sshll.u32 s6, $0x1;
	s3 =	sadd.s32 s4, s19  }
0x9c: {  	s7 =	simm.s32 $0x0;
	s20 =	sshll.u32 s5, $0x1;
	s5 =	sadd.s32 s21, s3  }
0x9d: {  	[timem:s7], [sflag:s22] =	dma.local [hbm:s5], s20  }
0x9e: {  	_ =	swait.ge [sflag:s22], s20  }
0x9f: {  	s4 =	ssub.s32 $0x0, s20;
	[sflag:s22] =	ssyncset.done $0x0  }
0xa0: {  	[sflag:s22] =	ssyncadd.s32 s4;
	_ =	sdelay $0x1  }
0xa1: {  	s23 =	simm.s32 $0x1B8B  }
0xa2: {  	_ =	swait.ge [sflag:s23], $0x1  }
0xa3: {  	[sflag:s23] =	ssyncset.done $0x0  }
0xa4: {  	s25 =	simm.s32 $0x1B8E;
	s24 =	sld [smem:$0x3FFE];
	[sflag:s23] =	ssyncadd.s32 $0xFFFFFFFF  }
0xa5: {  	s26 =	simm.s32 $execute0_lowered;
	[smem:$0x3FD2] =	sst s25  }
0xa6: {  	s5 =	sshll.u32 s26, $0x1;
	_ =	strace $0x80000046;
	[dreg:$0x1] =	wrdreg $0xFFFFFFFF  }
0xa7: {  	s28 =	simm.s32 $_size_execute0_lowered;
	s3 =	sadd.s32 s3, s5;
	[dreg:$0x0] =	wrdreg $0x0  }
0xa8: {  	s5 =	sshll.u32 s28, $0x1;
	[dreg:$0x2] =	wrdreg s3  }
0xa9: {  	[dreg:$0x3] =	wrdreg s5  }
0xaa: {  	[dreg:$0x4] =	wrdreg $0xC0  }
0xab: {  	_ =	task [dreg:s7], $0x5FFFF  }
0xac: {  	[dreg:$0x1] =	wrdreg $0xFFFFFFFF  }
0xad: {  	[dreg:$0x0] =	wrdreg $0x60  }
0xae: {  	[dreg:$0x2] =	wrdreg s24  }
0xaf: {  	[dreg:$0x3] =	wrdreg s2  }
0xb0: {  	[dreg:$0x4] =	wrdreg $0xB7800  }
0xb1: {  	[dreg:$0x5] =	wrdreg $0x9  }
0xb2: {  	_ =	task.clear_ibuf [dreg:s7], $0x6FFFF;
	_ =	strace $0x90000046  }
0xb3: {  	s29 =	simm.s32 $0x9;
	_ =	strace $0x80000048  }
0xb4: {  	_ =	swait.ge [sflag:s29], $0x1  }
0xb5: {  	[sflag:s29] =	ssyncadd.s32 $0xFFFFFFFF  }
0xb6: {  	_ =	strace $0x90000048  }
0xb7: {  	_ =	sfence  }
0xb8: {  	s30 =	sld [smem:$0x0];
	_ =	sdelay $0x2  }
0xb9: {  	s31 =	sshll.u32 s1, $0xD;
	s1 =	sshrl.u32 s1, $0x2  }
0xba: {  	s3 =	sand.u32 $0x4000, s31;
	s1 =	sadd.s32 s1, s30  }
0xbb: {  	s0 =	sor.u32 s3, s0;
	s1 =	sshll.u32 s1, $0x11  }
0xbc: {  	s0 =	sor.u32 s1, s0  }
0xbd: {  	s0 =	sadd.s32 $0x8F2B, s0  }
0xbe: {  	[sflag:s0] =	ssyncadd.remote.s32 $0x1  }
0xbf: {  	_ =	sfence.sel $0xFFFF  }
0xc0: {  	[dreg:$0x0] =	wrdreg $0xFFFFFFFF;
	(pc) =	sbr.abs _section_cstart, $3  }
0xc1: {  	[dreg:$0x1] =	wrdreg $0xFFFFFFFF  }
0xc2: {  	_ =	task.clear_ibuf [dreg:s7], $0x2FFFF;
	_ =	strace $0x9FFFFFFF  }
0xc3: {  	(tm) =	ssettm $0x7FFFFFFF  }
tec
execute0_lowered:
.L_overlay_start_1:
0x0: {  	(tag) =	ssettag $0x1  }
0x1: {  	s6 =	rddreg [dreg:$0x0]  }
0x2: {  	s7 =	rddreg [dreg:$0x1]  }
0x3: {  	s0 =	srdreg.scid;
	s2 =	rddreg [dreg:$0x2];
	s3 =	simm.s32 $0x0  }
0x4: {  	s19 =	simm.s32 $0x400;
	s20 =	simm.s32 $0x5000;
	s21 =	simm.s32 $0x7780  }
0x5: {  	s22 =	simm.s32 $0x1;
	s5 =	sand.u32 $0x1, s0;
	s0 =	stileid.u32  }
0x6: {  	s23 =	simm.s32 $0x0;
	[smem:$0x7FF] =	sst s3;
	s25 =	smul.u32 $0x2780, s0  }
0x7: {  	s14 =	sadd.s32 $0x81A00, s6;
	s17 =	sadd.s32 $0x128400, s2;
	s12 =	smul.u32 $0x4F000, s0  }
0x8: {  	s1 =	sshll.u32 s5, $0x4;
	s9 =	sshll.u32 s0, $0x7;
	s29 =	smul.u32 $0x138800, s5  }
0x9: {  	s28 =	ssub.s32 $0x2, s5;
	s18 =	smul.u32 $0x13C00, s0;
	p0 =	seq.s32 s0, $0xF  }
0xa: {  	s4 =	sor.u32 s0, s1;
	s1 =	rddreg [dreg:$0x3];
	_ =	strace $0x80000047  }
0xb: {  	s9 =	sand.u32 $0x380, s9;
	s15 =	sshrl.u32 s28, $0x1;
	s8 =	sshrl.u32 s4, $0x3  }
0xc: {  	s10 =	smul.u32 $0x500, s4;
	s4 =	sadd.s32 $0x33600, s6;
	s26 =	sadd.s32 s25, s6  }
0xd: {  	s12 =	sshrl.u32 s12, $0x2;
	s15 =	ssub.s32 s28, s15;
	s30 =	sadd.s32 s18, s29  }
0xe: {  	s31 =	sshrl.u32 s29, $0x3;
	s18 =	simm.s32 $0x80;
	s8 =	smul.u32 $0x13C00, s8  }
0xf: {  	s16 =	sadd.s32 s12, s2;
	s5 =	sadd.s32 $0x5A800, s26;
	s12 =	smax.u32 s15, $0x1  }
0x10: {  	v0 =	vimm.s32 $0x0;
	s11 =	sadd.s32 s10, s6;
	s7 =	sadd.s32 s7, s10;
	s8 =	sor.u32 s9, s8  }
0x11: {  	v1 =	vimm.s32 $0x1;
	v2 =	vimm.s32 $0x2;
	v3 =	vimm.s32 $0x3;
	s10 =	sshrl.u32 s30, $0x3;
	s15 =	sshrl.u32 @!p0 s16, $0x3;
	s8 =	sshrl.u32 s8, $0x3  }
0x12: {  	v4 =	vimm.s32 $0x4;
	v5 =	vimm.s32 $0x5;
	v6 =	vimm.s32 $0x6;
	s16 =	simm.s32 $0x2;
	s10 =	sadd.s32 s14, s10;
	s13 =	sadd.s32 s8, s6  }
0x13: {  	v7 =	vimm.s32 $0x7;
	v8 =	vimm.s32 $0x8;
	v9 =	vimm.s32 $0x9;
	s6 =	sadd.s32 $0x7F880, s6;
	s8 =	sadd.s32 $0x15A00, s11;
	s11 =	sadd.s32 s14, s31  }
0x14: {  	v10 =	vimm.s32 $0xA;
	v11 =	vimm.s32 $0xB;
	v12 =	vimm.s32 $0xC;
	s14 =	sshll.u32 @!p0 s0, $0x6;
	s9 =	sadd.s32 $0x29800, s13;
	s11 =	sadd.s32 $0x25080, s11  }
0x15: {  	v13 =	vimm.s32 $0xD;
	v14 =	vimm.s32 $0xE;
	v15 =	vimm.s32 $0xF;
	s13 =	sshrl.u32 @p0 s17, $0x3;
	s14 =	sor.u32 @!p0 $0x1C02, s14;
	s17 =	simm.s32 $0x2800  }
.LBB2_1:
0x16: {  	s24 =	simm.s32 @p0 $0x1FC2  }
0x17: {  	[spmem:s13], [sflag:s24] =	dma.local @p0 [hbm:s6], $0x2080  }
0x18: {  	s24 =	simm.s32 @p0 $0x2  }
0x19: {  	_ =	swait.ge @p0 [sflag:s24], $0x2080  }
0x1a: {  	[sflag:s24] =	ssyncset.done @p0 $0x0  }
0x1b: {  	[sflag:s24] =	ssyncadd.s32 @p0 $0xFFFFDF80;
	s24 =	simm.s32 @!p0 $0x2  }
0x1c: {  	[spmem:s15], [sflag:s14] =	dma.local @!p0 [hbm:s5], $0x2780  }
0x1d: {  	_ =	swait.ge @!p0 [sflag:s24], $0x2780  }
0x1e: {  	[sflag:s24] =	ssyncset.done @!p0 $0x0  }
0x1f: {  	[sflag:s24] =	ssyncadd.s32 @!p0 $0xFFFFD880  }
0x20: {  	[tilespmem:s3], [sflag:$0x2] =	stream.linear.gather [hbm4b:s7+s3], $0x2780, $0x38;
	[tilespmem:$0x1F000] =	vst v63  }
0x21: {  	_ =	swait.ge [sflag:s16], $0x2780  }
0x22: {  	[sflag:s16] =	ssyncset.done $0x0  }
0x23: {  	[sflag:s16] =	ssyncadd.s32 $0xFFFFD880  }
0x24: {  	[tilespmem:s17], [sflag:$0x2] =	stream.linear.gather [hbm4b:s8+s3], $0x2780, $0x38;
	[tilespmem:$0x1F000] =	vst v63  }
0x25: {  	_ =	swait.ge [sflag:s16], $0x2780  }
0x26: {  	[sflag:s16] =	ssyncset.done $0x0  }
0x27: {  	[sflag:s16] =	ssyncadd.s32 $0xFFFFD880  }
0x28: {  	[tilespmem:s20], [sflag:$0x2] =	stream.strided.gather [hbm4b:s9+s18], $0x2780, s19, s18, $0x38;
	[tilespmem:$0x1F000] =	vst v63  }
0x29: {  	_ =	swait.ge [sflag:s16], $0x2780  }
0x2a: {  	[sflag:s16] =	ssyncset.done $0x0  }
0x2b: {  	[sflag:s16] =	ssyncadd.s32 $0xFFFFD880  }
0x2c: {  	s24 =	simm.s32 $0x0;
	[bflag:$0x0] =	sbarrier.arrive $0xFFFF  }
.LBB2_2:
0x2d: {  	s25 =	sshll.u32 s24, $0x7  }
0x2e: {  	[tilespmem:s21], [sflag:$0x1] =	stream.indirect.gather [hbm4b:s4+s18], $0x80, s25, s18, $0xb8;
	[tilespmem:$0x1F000] =	vst v63  }
0x2f: {  	s28 =	sadd.s32 $0x5000, s25  }
0x30: {  	_ =	swait.ge [sflag:s22], $0x4000;
	v16 =	vmov s28  }
0x31: {  	[sflag:s22] =	ssyncset.done $0x0  }
0x32: {  	s26 =	simm.s32 $0x0;
	[sflag:s22] =	ssyncadd.s32 $0xFFFFC000  }
.LBB2_3:
0x33: {  	s28 =	sshll.u32 s26, $0x4  }
0x34: {  	s28 =	sand.u32 $0x3FFFFFF0, s28  }
0x35: {  	s31 =	sshll.u32 s26, $0xB;
	v17 =	vld.idx.msk [tilespmem:v16+s28+$0x0 ss:$0x1], $0xffff  }
0x36: {  	s28 =	sand.u32 $0x3FFFF800, s31  }
0x37: {  	v18 =	vld [tilespmem:s28+$0x7780]  }
0x38: {  	v19 =	vld [tilespmem:s28+$0x7790]  }
0x39: {  	v20 =	vld [tilespmem:s28+$0x77A0]  }
0x3a: {  	v22 =	vld [tilespmem:s28+$0x77B0];
	v21 =	vperm.xlane v17, v0  }
0x3b: {  	v23 =	vld [tilespmem:s28+$0x77C0]  }
0x3c: {  	v24 =	vld [tilespmem:s28+$0x77D0];
	v18 =	vmul.f32 v18, v21  }
0x3d: {  	v25 =	vld [tilespmem:s28+$0x77E0];
	v19 =	vmul.f32 v19, v21  }
0x3e: {  	v38 =	vld [tilespmem:s28+$0x77F0];
	[tilespmem:s28+$0x7780] =	vst v18;
	v18 =	vmul.f32 v20, v21  }
0x3f: {  	v39 =	vld [tilespmem:s28+$0x7800];
	[tilespmem:s28+$0x7790] =	vst v19;
	v19 =	vmul.f32 v22, v21  }
0x40: {  	v40 =	vld [tilespmem:s28+$0x7810];
	[tilespmem:s28+$0x77A0] =	vst v18;
	v18 =	vmul.f32 v23, v21  }
0x41: {  	v41 =	vld [tilespmem:s28+$0x7820];
	[tilespmem:s28+$0x77B0] =	vst v19;
	v19 =	vmul.f32 v24, v21  }
0x42: {  	v26 =	vld [tilespmem:s28+$0x7830];
	v42 =	vperm.xlane v17, v1;
	[tilespmem:s28+$0x77C0] =	vst v18;
	v18 =	vmul.f32 v25, v21  }
0x43: {  	v43 =	vld [tilespmem:s28+$0x7840];
	[tilespmem:s28+$0x77D0] =	vst v19;
	v19 =	vmul.f32 v38, v21  }
0x44: {  	v44 =	vld [tilespmem:s28+$0x7850];
	[tilespmem:s28+$0x77E0] =	vst v18;
	v18 =	vmul.f32 v39, v42  }
0x45: {  	v45 =	vld [tilespmem:s28+$0x7860];
	[tilespmem:s28+$0x77F0] =	vst v19;
	v19 =	vmul.f32 v40, v42  }
0x46: {  	v46 =	vld [tilespmem:s28+$0x7870];
	[tilespmem:s28+$0x7800] =	vst v18;
	v18 =	vmul.f32 v41, v42  }
0x47: {  	v47 =	vld [tilespmem:s28+$0x7880];
	[tilespmem:s28+$0x7810] =	vst v19;
	v19 =	vmul.f32 v26, v42  }
0x48: {  	v48 =	vld [tilespmem:s28+$0x7890];
	[tilespmem:s28+$0x7820] =	vst v18;
	v18 =	vmul.f32 v43, v42  }
0x49: {  	v49 =	vld [tilespmem:s28+$0x78A0];
	[tilespmem:s28+$0x7830] =	vst v19;
	v19 =	vmul.f32 v44, v42  }
0x4a: {  	v51 =	vld [tilespmem:s28+$0x78B0];
	v50 =	vperm.xlane v17, v2;
	[tilespmem:s28+$0x7840] =	vst v18;
	v18 =	vmul.f32 v45, v42  }
0x4b: {  	v52 =	vld [tilespmem:s28+$0x78C0];
	[tilespmem:s28+$0x7850] =	vst v19;
	v19 =	vmul.f32 v46, v42  }
0x4c: {  	v53 =	vld [tilespmem:s28+$0x78D0];
	[tilespmem:s28+$0x7860] =	vst v18;
	v18 =	vmul.f32 v47, v50  }
0x4d: {  	v54 =	vld [tilespmem:s28+$0x78E0];
	[tilespmem:s28+$0x7870] =	vst v19;
	v19 =	vmul.f32 v48, v50  }
0x4e: {  	v55 =	vld [tilespmem:s28+$0x78F0];
	[tilespmem:s28+$0x7880] =	vst v18;
	v18 =	vmul.f32 v49, v50  }
0x4f: {  	v56 =	vld [tilespmem:s28+$0x7900];
	[tilespmem:s28+$0x7890] =	vst v19;
	v19 =	vmul.f32 v51, v50  }
0x50: {  	v57 =	vld [tilespmem:s28+$0x7910];
	[tilespmem:s28+$0x78A0] =	vst v18;
	v18 =	vmul.f32 v52, v50  }
0x51: {  	v58 =	vld [tilespmem:s28+$0x7920];
	[tilespmem:s28+$0x78B0] =	vst v19;
	v19 =	vmul.f32 v53, v50  }
0x52: {  	v60 =	vld [tilespmem:s28+$0x7930];
	v59 =	vperm.xlane v17, v3;
	[tilespmem:s28+$0x78C0] =	vst v18;
	v18 =	vmul.f32 v54, v50  }
0x53: {  	v61 =	vld [tilespmem:s28+$0x7940];
	[tilespmem:s28+$0x78D0] =	vst v19;
	v19 =	vmul.f32 v55, v50  }
0x54: {  	v62 =	vld [tilespmem:s28+$0x7950];
	[tilespmem:s28+$0x78E0] =	vst v18;
	v18 =	vmul.f32 v56, v59  }
0x55: {  	v63 =	vld [tilespmem:s28+$0x7960];
	[tilespmem:s28+$0x78F0] =	vst v19;
	v19 =	vmul.f32 v57, v59  }
0x56: {  	v28 =	vld [tilespmem:s28+$0x7970];
	[tilespmem:s28+$0x7900] =	vst v18;
	v18 =	vmul.f32 v58, v59  }
0x57: {  	v29 =	vld [tilespmem:s28+$0x7980];
	[tilespmem:s28+$0x7910] =	vst v19;
	v19 =	vmul.f32 v60, v59  }
0x58: {  	v30 =	vld [tilespmem:s28+$0x7990];
	[tilespmem:s28+$0x7920] =	vst v18;
	v18 =	vmul.f32 v61, v59  }
0x59: {  	v31 =	vld [tilespmem:s28+$0x79A0];
	[tilespmem:s28+$0x7930] =	vst v19;
	v19 =	vmul.f32 v62, v59  }
0x5a: {  	v33 =	vld [tilespmem:s28+$0x79B0];
	v32 =	vperm.xlane v17, v4;
	[tilespmem:s28+$0x7940] =	vst v18;
	v18 =	vmul.f32 v63, v59  }
0x5b: {  	v34 =	vld [tilespmem:s28+$0x79C0];
	[tilespmem:s28+$0x7950] =	vst v19;
	v19 =	vmul.f32 v28, v59  }
0x5c: {  	v35 =	vld [tilespmem:s28+$0x79D0];
	[tilespmem:s28+$0x7960] =	vst v18;
	v18 =	vmul.f32 v29, v32  }
0x5d: {  	v36 =	vld [tilespmem:s28+$0x79E0];
	[tilespmem:s28+$0x7970] =	vst v19;
	v19 =	vmul.f32 v30, v32  }
0x5e: {  	v37 =	vld [tilespmem:s28+$0x79F0];
	[tilespmem:s28+$0x7980] =	vst v18;
	v18 =	vmul.f32 v31, v32  }
0x5f: {  	v38 =	vld [tilespmem:s28+$0x7A00];
	[tilespmem:s28+$0x7990] =	vst v19;
	v19 =	vmul.f32 v33, v32  }
0x60: {  	v39 =	vld [tilespmem:s28+$0x7A10];
	[tilespmem:s28+$0x79A0] =	vst v18;
	v18 =	vmul.f32 v34, v32  }
0x61: {  	v40 =	vld [tilespmem:s28+$0x7A20];
	[tilespmem:s28+$0x79B0] =	vst v19;
	v19 =	vmul.f32 v35, v32  }
0x62: {  	v41 =	vperm.xlane v17, v5;
	v42 =	vld [tilespmem:s28+$0x7A30];
	[tilespmem:s28+$0x79C0] =	vst v18;
	v18 =	vmul.f32 v36, v32  }
0x63: {  	v43 =	vld [tilespmem:s28+$0x7A40];
	[tilespmem:s28+$0x79D0] =	vst v19;
	v19 =	vmul.f32 v37, v32  }
0x64: {  	v44 =	vld [tilespmem:s28+$0x7A50];
	[tilespmem:s28+$0x79E0] =	vst v18;
	v18 =	vmul.f32 v38, v41  }
0x65: {  	v45 =	vld [tilespmem:s28+$0x7A60];
	[tilespmem:s28+$0x79F0] =	vst v19;
	v19 =	vmul.f32 v39, v41  }
0x66: {  	v46 =	vld [tilespmem:s28+$0x7A70];
	[tilespmem:s28+$0x7A00] =	vst v18;
	v18 =	vmul.f32 v40, v41  }
0x67: {  	v47 =	vld [tilespmem:s28+$0x7A80];
	[tilespmem:s28+$0x7A10] =	vst v19;
	v19 =	vmul.f32 v42, v41  }
0x68: {  	v48 =	vld [tilespmem:s28+$0x7A90];
	[tilespmem:s28+$0x7A20] =	vst v18;
	v18 =	vmul.f32 v43, v41  }
0x69: {  	v49 =	vld [tilespmem:s28+$0x7AA0];
	[tilespmem:s28+$0x7A30] =	vst v19;
	v19 =	vmul.f32 v44, v41  }
0x6a: {  	v51 =	vld [tilespmem:s28+$0x7AB0];
	v50 =	vperm.xlane v17, v6;
	[tilespmem:s28+$0x7A40] =	vst v18;
	v18 =	vmul.f32 v45, v41  }
0x6b: {  	v52 =	vld [tilespmem:s28+$0x7AC0];
	[tilespmem:s28+$0x7A50] =	vst v19;
	v19 =	vmul.f32 v46, v41  }
0x6c: {  	v53 =	vld [tilespmem:s28+$0x7AD0];
	[tilespmem:s28+$0x7A60] =	vst v18;
	v18 =	vmul.f32 v47, v50  }
0x6d: {  	v54 =	vld [tilespmem:s28+$0x7AE0];
	[tilespmem:s28+$0x7A70] =	vst v19;
	v19 =	vmul.f32 v48, v50  }
0x6e: {  	v55 =	vld [tilespmem:s28+$0x7AF0];
	[tilespmem:s28+$0x7A80] =	vst v18;
	v18 =	vmul.f32 v49, v50  }
0x6f: {  	v56 =	vld [tilespmem:s28+$0x7B00];
	[tilespmem:s28+$0x7A90] =	vst v19;
	v19 =	vmul.f32 v51, v50  }
0x70: {  	v57 =	vld [tilespmem:s28+$0x7B10];
	[tilespmem:s28+$0x7AA0] =	vst v18;
	v18 =	vmul.f32 v52, v50  }
0x71: {  	v58 =	vld [tilespmem:s28+$0x7B20];
	[tilespmem:s28+$0x7AB0] =	vst v19;
	v19 =	vmul.f32 v53, v50  }
0x72: {  	v60 =	vld [tilespmem:s28+$0x7B30];
	v59 =	vperm.xlane v17, v7;
	[tilespmem:s28+$0x7AC0] =	vst v18;
	v18 =	vmul.f32 v54, v50  }
0x73: {  	v61 =	vld [tilespmem:s28+$0x7B40];
	[tilespmem:s28+$0x7AD0] =	vst v19;
	v19 =	vmul.f32 v55, v50  }
0x74: {  	v62 =	vld [tilespmem:s28+$0x7B50];
	[tilespmem:s28+$0x7AE0] =	vst v18;
	v18 =	vmul.f32 v56, v59  }
0x75: {  	v63 =	vld [tilespmem:s28+$0x7B60];
	[tilespmem:s28+$0x7AF0] =	vst v19;
	v19 =	vmul.f32 v57, v59  }
0x76: {  	v28 =	vld [tilespmem:s28+$0x7B70];
	[tilespmem:s28+$0x7B00] =	vst v18;
	v18 =	vmul.f32 v58, v59  }
0x77: {  	v29 =	vld [tilespmem:s28+$0x7B80];
	[tilespmem:s28+$0x7B10] =	vst v19;
	v19 =	vmul.f32 v60, v59  }
0x78: {  	v30 =	vld [tilespmem:s28+$0x7B90];
	[tilespmem:s28+$0x7B20] =	vst v18;
	v18 =	vmul.f32 v61, v59  }
0x79: {  	v31 =	vld [tilespmem:s28+$0x7BA0];
	[tilespmem:s28+$0x7B30] =	vst v19;
	v19 =	vmul.f32 v62, v59  }
0x7a: {  	v33 =	vld [tilespmem:s28+$0x7BB0];
	v32 =	vperm.xlane v17, v8;
	[tilespmem:s28+$0x7B40] =	vst v18;
	v18 =	vmul.f32 v63, v59  }
0x7b: {  	v34 =	vld [tilespmem:s28+$0x7BC0];
	[tilespmem:s28+$0x7B50] =	vst v19;
	v19 =	vmul.f32 v28, v59  }
0x7c: {  	v35 =	vld [tilespmem:s28+$0x7BD0];
	[tilespmem:s28+$0x7B60] =	vst v18;
	v18 =	vmul.f32 v29, v32  }
0x7d: {  	v36 =	vld [tilespmem:s28+$0x7BE0];
	[tilespmem:s28+$0x7B70] =	vst v19;
	v19 =	vmul.f32 v30, v32  }
0x7e: {  	v37 =	vld [tilespmem:s28+$0x7BF0];
	[tilespmem:s28+$0x7B80] =	vst v18;
	v18 =	vmul.f32 v31, v32  }
0x7f: {  	v38 =	vld [tilespmem:s28+$0x7C00];
	[tilespmem:s28+$0x7B90] =	vst v19;
	v19 =	vmul.f32 v33, v32  }
0x80: {  	v39 =	vld [tilespmem:s28+$0x7C10];
	[tilespmem:s28+$0x7BA0] =	vst v18;
	v18 =	vmul.f32 v34, v32  }
0x81: {  	v40 =	vld [tilespmem:s28+$0x7C20];
	[tilespmem:s28+$0x7BB0] =	vst v19;
	v19 =	vmul.f32 v35, v32  }
0x82: {  	v42 =	vld [tilespmem:s28+$0x7C30];
	v41 =	vperm.xlane v17, v9;
	[tilespmem:s28+$0x7BC0] =	vst v18;
	v18 =	vmul.f32 v36, v32  }
0x83: {  	v43 =	vld [tilespmem:s28+$0x7C40];
	[tilespmem:s28+$0x7BD0] =	vst v19;
	v19 =	vmul.f32 v37, v32  }
0x84: {  	v44 =	vld [tilespmem:s28+$0x7C50];
	[tilespmem:s28+$0x7BE0] =	vst v18;
	v18 =	vmul.f32 v38, v41  }
0x85: {  	v45 =	vld [tilespmem:s28+$0x7C60];
	[tilespmem:s28+$0x7BF0] =	vst v19;
	v19 =	vmul.f32 v39, v41  }
0x86: {  	v46 =	vld [tilespmem:s28+$0x7C70];
	[tilespmem:s28+$0x7C00] =	vst v18;
	v18 =	vmul.f32 v40, v41  }
0x87: {  	v47 =	vld [tilespmem:s28+$0x7C80];
	[tilespmem:s28+$0x7C10] =	vst v19;
	v19 =	vmul.f32 v42, v41  }
0x88: {  	v48 =	vld [tilespmem:s28+$0x7C90];
	[tilespmem:s28+$0x7C20] =	vst v18;
	v18 =	vmul.f32 v43, v41  }
0x89: {  	v49 =	vld [tilespmem:s28+$0x7CA0];
	[tilespmem:s28+$0x7C30] =	vst v19;
	v19 =	vmul.f32 v44, v41  }
0x8a: {  	v51 =	vld [tilespmem:s28+$0x7CB0];
	v50 =	vperm.xlane v17, v10;
	[tilespmem:s28+$0x7C40] =	vst v18;
	v18 =	vmul.f32 v45, v41  }
0x8b: {  	v52 =	vld [tilespmem:s28+$0x7CC0];
	[tilespmem:s28+$0x7C50] =	vst v19;
	v19 =	vmul.f32 v46, v41  }
0x8c: {  	v53 =	vld [tilespmem:s28+$0x7CD0];
	[tilespmem:s28+$0x7C60] =	vst v18;
	v18 =	vmul.f32 v47, v50  }
0x8d: {  	v54 =	vld [tilespmem:s28+$0x7CE0];
	[tilespmem:s28+$0x7C70] =	vst v19;
	v19 =	vmul.f32 v48, v50  }
0x8e: {  	v55 =	vld [tilespmem:s28+$0x7CF0];
	[tilespmem:s28+$0x7C80] =	vst v18;
	v18 =	vmul.f32 v49, v50  }
0x8f: {  	v56 =	vld [tilespmem:s28+$0x7D00];
	[tilespmem:s28+$0x7C90] =	vst v19;
	v19 =	vmul.f32 v51, v50  }
0x90: {  	v57 =	vld [tilespmem:s28+$0x7D10];
	[tilespmem:s28+$0x7CA0] =	vst v18;
	v18 =	vmul.f32 v52, v50  }
0x91: {  	v58 =	vld [tilespmem:s28+$0x7D20];
	[tilespmem:s28+$0x7CB0] =	vst v19;
	v19 =	vmul.f32 v53, v50  }
0x92: {  	v60 =	vld [tilespmem:s28+$0x7D30];
	v59 =	vperm.xlane v17, v11;
	[tilespmem:s28+$0x7CC0] =	vst v18;
	v18 =	vmul.f32 v54, v50  }
0x93: {  	v61 =	vld [tilespmem:s28+$0x7D40];
	[tilespmem:s28+$0x7CD0] =	vst v19;
	v19 =	vmul.f32 v55, v50  }
0x94: {  	v62 =	vld [tilespmem:s28+$0x7D50];
	[tilespmem:s28+$0x7CE0] =	vst v18;
	v18 =	vmul.f32 v56, v59  }
0x95: {  	v63 =	vld [tilespmem:s28+$0x7D60];
	[tilespmem:s28+$0x7CF0] =	vst v19;
	v19 =	vmul.f32 v57, v59  }
0x96: {  	v28 =	vld [tilespmem:s28+$0x7D70];
	[tilespmem:s28+$0x7D00] =	vst v18;
	v18 =	vmul.f32 v58, v59  }
0x97: {  	v29 =	vld [tilespmem:s28+$0x7D80];
	[tilespmem:s28+$0x7D10] =	vst v19;
	v19 =	vmul.f32 v60, v59  }
0x98: {  	v30 =	vld [tilespmem:s28+$0x7D90];
	[tilespmem:s28+$0x7D20] =	vst v18;
	v18 =	vmul.f32 v61, v59  }
0x99: {  	v31 =	vld [tilespmem:s28+$0x7DA0];
	[tilespmem:s28+$0x7D30] =	vst v19;
	v19 =	vmul.f32 v62, v59  }
0x9a: {  	v33 =	vld [tilespmem:s28+$0x7DB0];
	v32 =	vperm.xlane v17, v12;
	[tilespmem:s28+$0x7D40] =	vst v18;
	v18 =	vmul.f32 v63, v59  }
0x9b: {  	v34 =	vld [tilespmem:s28+$0x7DC0];
	[tilespmem:s28+$0x7D50] =	vst v19;
	v19 =	vmul.f32 v28, v59  }
0x9c: {  	v35 =	vld [tilespmem:s28+$0x7DD0];
	[tilespmem:s28+$0x7D60] =	vst v18;
	v18 =	vmul.f32 v29, v32  }
0x9d: {  	v36 =	vld [tilespmem:s28+$0x7DE0];
	[tilespmem:s28+$0x7D70] =	vst v19;
	v19 =	vmul.f32 v30, v32  }
0x9e: {  	v37 =	vld [tilespmem:s28+$0x7DF0];
	[tilespmem:s28+$0x7D80] =	vst v18;
	v18 =	vmul.f32 v31, v32  }
0x9f: {  	v38 =	vld [tilespmem:s28+$0x7E00];
	[tilespmem:s28+$0x7D90] =	vst v19;
	v19 =	vmul.f32 v33, v32  }
0xa0: {  	v39 =	vld [tilespmem:s28+$0x7E10];
	[tilespmem:s28+$0x7DA0] =	vst v18;
	v18 =	vmul.f32 v34, v32  }
0xa1: {  	v40 =	vld [tilespmem:s28+$0x7E20];
	[tilespmem:s28+$0x7DB0] =	vst v19;
	v19 =	vmul.f32 v35, v32  }
0xa2: {  	v42 =	vld [tilespmem:s28+$0x7E30];
	v41 =	vperm.xlane v17, v13;
	[tilespmem:s28+$0x7DC0] =	vst v18;
	v18 =	vmul.f32 v36, v32  }
0xa3: {  	v43 =	vld [tilespmem:s28+$0x7E40];
	[tilespmem:s28+$0x7DD0] =	vst v19;
	v19 =	vmul.f32 v37, v32  }
0xa4: {  	v44 =	vld [tilespmem:s28+$0x7E50];
	[tilespmem:s28+$0x7DE0] =	vst v18;
	v18 =	vmul.f32 v38, v41  }
0xa5: {  	v45 =	vld [tilespmem:s28+$0x7E60];
	[tilespmem:s28+$0x7DF0] =	vst v19;
	v19 =	vmul.f32 v39, v41  }
0xa6: {  	v46 =	vld [tilespmem:s28+$0x7E70];
	[tilespmem:s28+$0x7E00] =	vst v18;
	v18 =	vmul.f32 v40, v41  }
0xa7: {  	v47 =	vld [tilespmem:s28+$0x7E80];
	[tilespmem:s28+$0x7E10] =	vst v19;
	v19 =	vmul.f32 v42, v41  }
0xa8: {  	v48 =	vld [tilespmem:s28+$0x7E90];
	[tilespmem:s28+$0x7E20] =	vst v18;
	v18 =	vmul.f32 v43, v41  }
0xa9: {  	v49 =	vld [tilespmem:s28+$0x7EA0];
	[tilespmem:s28+$0x7E30] =	vst v19;
	v19 =	vmul.f32 v44, v41  }
0xaa: {  	v51 =	vld [tilespmem:s28+$0x7EB0];
	v50 =	vperm.xlane v17, v14;
	[tilespmem:s28+$0x7E40] =	vst v18;
	v18 =	vmul.f32 v45, v41  }
0xab: {  	v52 =	vld [tilespmem:s28+$0x7EC0];
	[tilespmem:s28+$0x7E50] =	vst v19;
	v19 =	vmul.f32 v46, v41  }
0xac: {  	v53 =	vld [tilespmem:s28+$0x7ED0];
	[tilespmem:s28+$0x7E60] =	vst v18;
	v18 =	vmul.f32 v47, v50  }
0xad: {  	v54 =	vld [tilespmem:s28+$0x7EE0];
	[tilespmem:s28+$0x7E70] =	vst v19;
	v19 =	vmul.f32 v48, v50  }
0xae: {  	v55 =	vld [tilespmem:s28+$0x7EF0];
	[tilespmem:s28+$0x7E80] =	vst v18;
	v18 =	vmul.f32 v49, v50  }
0xaf: {  	v56 =	vld [tilespmem:s28+$0x7F00];
	[tilespmem:s28+$0x7E90] =	vst v19;
	v19 =	vmul.f32 v51, v50  }
0xb0: {  	v57 =	vld [tilespmem:s28+$0x7F10];
	[tilespmem:s28+$0x7EA0] =	vst v18;
	v18 =	vmul.f32 v52, v50  }
0xb1: {  	v58 =	vld [tilespmem:s28+$0x7F20];
	[tilespmem:s28+$0x7EB0] =	vst v19;
	v19 =	vmul.f32 v53, v50  }
0xb2: {  	v17 =	vperm.xlane v17, v15;
	v59 =	vld [tilespmem:s28+$0x7F30];
	[tilespmem:s28+$0x7EC0] =	vst v18;
	v18 =	vmul.f32 v54, v50  }
0xb3: {  	v60 =	vld [tilespmem:s28+$0x7F40];
	[tilespmem:s28+$0x7ED0] =	vst v19;
	v19 =	vmul.f32 v55, v50  }
0xb4: {  	v61 =	vld [tilespmem:s28+$0x7F50];
	[tilespmem:s28+$0x7EE0] =	vst v18;
	v18 =	vmul.f32 v56, v17  }
0xb5: {  	v62 =	vld [tilespmem:s28+$0x7F60];
	[tilespmem:s28+$0x7EF0] =	vst v19;
	v19 =	vmul.f32 v57, v17  }
0xb6: {  	v63 =	vld [tilespmem:s28+$0x7F70];
	[tilespmem:s28+$0x7F00] =	vst v18;
	v18 =	vmul.f32 v58, v17  }
0xb7: {  	[tilespmem:s28+$0x7F10] =	vst v19;
	v19 =	vmul.f32 v59, v17  }
0xb8: {  	p1 =	sne.s32 s26, $0x7;
	[tilespmem:s28+$0x7F20] =	vst v18;
	v18 =	vmul.f32 v60, v17  }
.Ltmp0:
0xb9: {  	[tilespmem:s28+$0x7F30] =	vst v19;
	v19 =	vmul.f32 v61, v17;
	(pc) =	sbr.rel @p1 .LBB2_3-.Ltmp0, $4  }
0xba: {  	[tilespmem:s28+$0x7F40] =	vst v18;
	v18 =	vmul.f32 v62, v17  }
0xbb: {  	[tilespmem:s28+$0x7F50] =	vst v19;
	v17 =	vmul.f32 v63, v17  }
0xbc: {  	[tilespmem:s28+$0x7F60] =	vst v18  }
0xbd: {  	s26 =	sadd.s32 $0x1, s26;
	[tilespmem:s28+$0x7F70] =	vst v17  }
0xbe: {  	s24 =	sadd.s32 $0x1, s24  }
0xbf: {  	p1 =	sne.s32 s24, $0x4F  }
.Ltmp1:
0xc0: {  	s25 =	sadd.s32 $0x2800, s25;
	(pc) =	sbr.rel @p1 .LBB2_2-.Ltmp1, $4  }
0xc1: {  	[spmem:s2] =	stream.indirect.scatter.add.f32 [tilespmem:s21], [sflag:$0x2], $0x80, s25, s18, $0xb8;
	[tilespmem:$0x1F000] =	vst v63  }
0xc2: {  	_ =	swait.ge [sflag:s16], $0x4000  }
0xc3: {  	[sflag:s16] =	ssyncset.done $0x0  }
0xc4: {  	[sflag:s16] =	ssyncadd.s32 $0xFFFFC000  }
0xc5: {  	[bflag:$0x0] =	sbarrier.arrive $0xFFFF;
	s24 =	simm.s32 @p0 $0x1FC2  }
0xc6: {  	[hbm:s11], [sflag:s24] =	dma.local @p0 [spmem:s13], $0x2080  }
0xc7: {  	s24 =	simm.s32 @p0 $0x2  }
0xc8: {  	s23 =	sadd.s32 $0x1, s23;
	_ =	swait.ge @p0 [sflag:s24], $0x2080  }
0xc9: {  	p1 =	sne.s32 s23, s12;
	[sflag:s24] =	ssyncset.done @p0 $0x0  }
.Ltmp2:
0xca: {  	[sflag:s24] =	ssyncadd.s32 @p0 $0xFFFFDF80;
	s24 =	simm.s32 @!p0 $0x2;
	(pc) =	sbr.rel @p1 .LBB2_1-.Ltmp2, $4  }
0xcb: {  	[hbm:s10], [sflag:s14] =	dma.local @!p0 [spmem:s15], $0x2780  }
0xcc: {  	_ =	swait.ge @!p0 [sflag:s24], $0x2780  }
0xcd: {  	[sflag:s24] =	ssyncset.done @!p0 $0x0  }
0xce: {  	[sflag:s24] =	ssyncadd.s32 @!p0 $0xFFFFD880  }
0xcf: {  	_ =	sfence.sel $0x180000  }
0xd0: {  	[bflag:$0x0] =	sbarrier.arrive $0xFFFF  }
0xd1: {  	p0 =	sne.s32 s0, $0x0;
	_ =	strace $0x90000047  }
0xd2: {  	s0 =	sadd.s32 @!p0 $0x100000, s1;
	[bflag:$0x2] =	sbarrier.arrive $0xFFFF  }
0xd3: {  	[sflag:s0] =	ssyncadd.tile.s32 @!p0 $0x1;
	_ =	shalt  }
.Lfunc_end2:
_tile_overlayer_lowered:
.L_overlay_start_2:
0xd4: {  	(tag) =	ssettag $0x2  }
0xd5: {  	s0 =	rddreg [dreg:$0x0];
	s2 =	stileid.u32  }
0xd6: {  	s1 =	rddreg [dreg:$0x1];
	p0 =	sne.s32 s2, $0x0  }
0xd7: {  	s3 =	rddreg [dreg:$0x2];
	[bflag:$0x3] =	sbarrier.arrive $0xFFFF;
	s2 =	simm.s32 @!p0 $0x1C02  }
0xd8: {  	[timem:s3], [sflag:s2] =	dma.local @!p0 [hbm:s0], s1  }
0xd9: {  	s0 =	simm.s32 @!p0 $0x2  }
0xda: {  	_ =	swait.ge @!p0 [sflag:s0], s1  }
0xdb: {  	s1 =	ssub.s32 @!p0 $0x0, s1;
	[sflag:s0] =	ssyncset.done @!p0 $0x0  }
0xdc: {  	[sflag:s0] =	ssyncadd.s32 @!p0 s1  }
0xdd: {  	[bflag:$0x3] =	sbarrier.arrive $0xFFFF  }
0xde: {  	_ =	shalt  }

</sc_bundles>
